<compile_context>
chip_gen: v7x
topology: tpu7x:2x2x1
jax: 0.10.2.dev20260603
libtpu: 0.0.44.dev20260713+nightly
codegen_flags: <defaults>
</compile_context>

<pallas_src>
import functools

import jax
import jax.numpy as jnp
from jax import lax
from jax.experimental import pallas as pl
from jax.experimental.pallas import tpu as pltpu
from jax.experimental.pallas import tpu_sc as plsc

L = 16
C = 16
LN_EPS_ = 1e-5


def _emb_ln_sc(ids1d, pids1d, embed_tokens, embed_positions, ln_weight, ln_bias):
    N, = ids1d.shape
    V, D = embed_tokens.shape
    c = C
    info = plsc.get_sparse_core_info()
    NW = info.num_cores * info.num_subcores
    tok_per_w = N // NW
    nchunk = -(-tok_per_w // c)
    nchunk += nchunk % 2
    last_off = tok_per_w - c
    ngrp = D // L

    mesh = plsc.VectorSubcoreMesh(core_axis_name="c", subcore_axis_name="s")

    @functools.partial(
        pl.kernel,
        mesh=mesh,
        compiler_params=pltpu.CompilerParams(needs_layout_passes=False),
        out_type=jax.ShapeDtypeStruct((N, D), jnp.float32),
        scratch_types=[
            pltpu.VMEM((tok_per_w,), jnp.int32),
            pltpu.VMEM((tok_per_w,), jnp.int32),
            pltpu.VMEM((2, c, D), jnp.float32),
            pltpu.VMEM((2, c, D // 2), jnp.float32),
            pltpu.VMEM((2, c, D), jnp.float32),
            pltpu.VMEM((D,), jnp.float32),
            pltpu.VMEM((D,), jnp.float32),
            pltpu.SMEM((2, c), jnp.float32),
            pltpu.SemaphoreType.DMA,
            pltpu.SemaphoreType.DMA,
            pltpu.SemaphoreType.DMA,
            pltpu.SemaphoreType.DMA,
        ],
    )
    def k(ids_hbm, pids_hbm, tok_hbm, pos_hbm, w_hbm, b_hbm, out_hbm,
          idx_t, idx_p, tok, pos, obuf, w_v, b_v, stats_s,
          gsem0, gsem1, osem0, osem1):
        wid = lax.axis_index("s") * info.num_cores + lax.axis_index("c")
        tok0 = wid * tok_per_w
        pltpu.sync_copy(ids_hbm.at[pl.ds(tok0, tok_per_w)], idx_t)
        pltpu.sync_copy(pids_hbm.at[pl.ds(tok0, tok_per_w)], idx_p)
        pltpu.sync_copy(w_hbm, w_v)
        pltpu.sync_copy(b_hbm, b_v)

        gsems = (gsem0, gsem1)
        osems = (osem0, osem1)

        def off_of(j):
            return lax.min(j * c, last_off)

        def issue_gather(b, j):
            off = off_of(j)
            pltpu.async_copy(tok_hbm.at[idx_t.at[pl.ds(off, c)]],
                             tok.at[b], gsems[b])
            pltpu.async_copy(pos_hbm.at[idx_p.at[pl.ds(off, c)]],
                             pos.at[b], gsems[b])

        issue_gather(0, 0)
        issue_gather(1, 1)

        def do_chunk(b, j):
            off = off_of(j)
            tok_b = tok.at[b]
            pos_b = pos.at[b]
            obuf_b = obuf.at[b]
            pltpu.make_async_copy(tok_hbm.at[idx_t.at[pl.ds(off, c)]],
                                  tok_b, gsems[b]).wait()
            pltpu.make_async_copy(pos_hbm.at[idx_p.at[pl.ds(off, c)]],
                                  pos_b, gsems[b]).wait()

            @plsc.parallel_loop(0, c, 1, unroll=4)
            def token(t):
                zero = jnp.zeros((L,), jnp.float32)
                half = ngrp // 2

                @plsc.parallel_loop(0, half, 1, unroll=8,
                                    carry=(zero, zero, zero, zero))
                def acc(i, carry):
                    s0, q0, s1, q1 = carry
                    pw = lax.bitcast_convert_type(pos_b[t, pl.ds(i * L, L)],
                                                  jnp.int32)
                    plo = lax.bitcast_convert_type(pw << 16, jnp.float32)
                    phi = lax.bitcast_convert_type(
                        pw & jnp.int32(-65536), jnp.float32)
                    sl = pl.ds(i * L, L)
                    v = tok_b[t, sl] + plo
                    tok_b[t, sl] = v
                    s0 = s0 + v
                    q0 = q0 + v * v
                    sl = pl.ds((i + half) * L, L)
                    v = tok_b[t, sl] + phi
                    tok_b[t, sl] = v
                    s1 = s1 + v
                    q1 = q1 + v * v
                    return (s0, q0, s1, q1)

                s0, q0, s1, q1 = acc
                mu = jnp.sum(s0 + s1) * (1.0 / D)
                var = jnp.sum(q0 + q1) * (1.0 / D) - mu * mu
                x = var + LN_EPS_
                ib = lax.bitcast_convert_type(x, jnp.int32)
                y = lax.bitcast_convert_type(
                    jnp.int32(0x5F3759DF) - (ib >> 1), jnp.float32)
                for _ in range(2):
                    y = y * (1.5 - 0.5 * x * y * y)
                stats_s[0, t] = y
                stats_s[1, t] = -mu * y

            @pl.when(j >= 2)
            def _():
                pltpu.make_async_copy(obuf_b, out_hbm.at[pl.ds(tok0, c)],
                                      osems[b]).wait()

            @plsc.parallel_loop(0, ngrp, 1, unroll=8)
            def colgrp(g):
                sl = pl.ds(g * L, L)
                wg = w_v[sl]
                bg = b_v[sl]
                for t in range(c):
                    y_t = stats_s[0, t]
                    c1_t = stats_s[1, t]
                    t1 = tok_b[t, sl] * y_t + c1_t
                    obuf_b[t, sl] = t1 * wg + bg
            pltpu.async_copy(obuf_b, out_hbm.at[pl.ds(tok0 + off, c)], osems[b])

            @pl.when(j + 2 < nchunk)
            def _():
                issue_gather(b, j + 2)

        def body(jj, _):
            do_chunk(0, 2 * jj)
            do_chunk(1, 2 * jj + 1)
            return 0

        lax.fori_loop(0, nchunk // 2, body, 0)
        pltpu.make_async_copy(obuf.at[0], out_hbm.at[pl.ds(tok0, c)],
                              osem0).wait()
        pltpu.make_async_copy(obuf.at[1], out_hbm.at[pl.ds(tok0, c)],
                              osem1).wait()

    return k(ids1d, pids1d, embed_tokens, embed_positions, ln_weight, ln_bias)


def kernel(input_ids, position_ids, embed_tokens, embed_positions, ln_weight, ln_bias):
    B, S = input_ids.shape
    V, D = embed_tokens.shape
    N = B * S
    ids1d = input_ids.T.reshape(N).astype(jnp.int32)
    pids1d = position_ids.T.reshape(N).astype(jnp.int32)
    pb = embed_positions.astype(jnp.bfloat16)
    pos_packed = jax.lax.bitcast_convert_type(
        jnp.stack([pb[:, :D // 2], pb[:, D // 2:]], axis=-1), jnp.float32)
    out = _emb_ln_sc(ids1d, pids1d, embed_tokens, pos_packed,
                     ln_weight, ln_bias)
    return out.reshape(S, B, D).transpose(1, 0, 2)

# --- scband reference (transcript-rebuilt; emitter-appended) ---
"""Pipeline reference for scband-whisper-audio-embeddings-10187662426840 (READ-ONLY COPY).

The authoritative reference and input builder live on the scoring server;
editing this copy changes nothing except your own understanding.
"""

import jax, jax.numpy as jnp
import numpy as np

B, S, D, V, P = 64, 1500, 1024, 51865, 1500
LN_EPS = 1e-5


def setup_inputs(seed: int = 0) -> dict:
    key = jax.random.key(seed)
    k1, k2, k3, k4 = jax.random.split(key, 4)
    input_ids = jax.random.randint(k1, (B, S), 0, V, dtype=jnp.int64) if jax.config.jax_enable_x64 else jax.random.randint(k1, (B, S), 0, V, dtype=jnp.int32)
    position_ids = jax.random.randint(k2, (B, S), 0, P, dtype=jnp.int32)
    embed_tokens = jax.random.normal(k3, (V, D), dtype=jnp.float32) * 0.02
    embed_positions = jax.random.normal(k4, (P, D), dtype=jnp.float32) * 0.02
    ln_weight = jnp.ones((D,), dtype=jnp.float32)
    ln_bias = jnp.zeros((D,), dtype=jnp.float32)
    return {
        "input_ids": input_ids,
        "position_ids": position_ids,
        "embed_tokens": embed_tokens,
        "embed_positions": embed_positions,
        "ln_weight": ln_weight,
        "ln_bias": ln_bias,
    }


def reference(input_ids, position_ids, embed_tokens, embed_positions, ln_weight, ln_bias):
    # embedding lookups (gather)
    hidden_states = jnp.take(embed_tokens, input_ids, axis=0)
    position_embeddings = jnp.take(embed_positions, position_ids, axis=0)
    hidden_states = hidden_states + position_embeddings
    # LayerNorm over last dim
    mu = jnp.mean(hidden_states, axis=-1, keepdims=True)
    var = jnp.var(hidden_states, axis=-1, keepdims=True)
    hidden_states = (hidden_states - mu) * jax.lax.rsqrt(var + LN_EPS)
    hidden_states = hidden_states * ln_weight + ln_bias
    # dropout p=0.0 -> identity
    return hidden_states

if __name__ == "__main__":
    import jax
    _d = setup_inputs()
    print(jax.jit(kernel)(*tuple(_d.values())))

</pallas_src>

<mosaic_0001>
#map = affine_map<(d0, d1) -> (0)>
#map1 = affine_map<(d0, d1) -> (0, 0)>
module attributes {stable_mosaic.version = 14 : i64} {
  func.func @k(%arg0: i32, %arg1: i32, %arg2: memref<96000xi32, #tpu.memory_space<hbm>>, %arg3: memref<96000xi32, #tpu.memory_space<hbm>>, %arg4: memref<51865x1024xf32, #tpu.memory_space<hbm>>, %arg5: memref<1500x512xf32, #tpu.memory_space<hbm>>, %arg6: memref<1024xf32, #tpu.memory_space<hbm>>, %arg7: memref<1024xf32, #tpu.memory_space<hbm>>, %arg8: memref<96000x1024xf32, #tpu.memory_space<hbm>>, %arg9: memref<3000xi32, #tpu.memory_space<vmem>>, %arg10: memref<3000xi32, #tpu.memory_space<vmem>>, %arg11: memref<2x16x1024xf32, #tpu.memory_space<vmem>>, %arg12: memref<2x16x512xf32, #tpu.memory_space<vmem>>, %arg13: memref<2x16x1024xf32, #tpu.memory_space<vmem>>, %arg14: memref<1024xf32, #tpu.memory_space<vmem>>, %arg15: memref<1024xf32, #tpu.memory_space<vmem>>, %arg16: memref<2x16xf32, #tpu.memory_space<smem>>, %arg17: memref<!tpu.dma_semaphore, #tpu.memory_space<semaphore_mem>>, %arg18: memref<!tpu.dma_semaphore, #tpu.memory_space<semaphore_mem>>, %arg19: memref<!tpu.dma_semaphore, #tpu.memory_space<semaphore_mem>>, %arg20: memref<!tpu.dma_semaphore, #tpu.memory_space<semaphore_mem>>) attributes {dimension_semantics = [#tpu.dimension_semantics<core_parallel>, #tpu.dimension_semantics<subcore_parallel>], iteration_bounds = array<i64: 2, 16>, scalar_prefetch = 0 : i64, scratch_operands = 12 : i64, tpu.core_type = #tpu.core_type<sc_vector_subcore>, window_params = [{transform_indices = #map}, {transform_indices = #map}, {transform_indices = #map1}, {transform_indices = #map1}, {transform_indices = #map}, {transform_indices = #map}, {transform_indices = #map1}]} {
    %mul3A = arith.constant 2 : i32
    %mul3A_0 = arith.muli %arg1, %mul3A : i32
    %add3A = arith.addi %mul3A_0, %arg0 : i32
    %mul3A_1 = arith.constant 3000 : i32
    %mul3A_2 = arith.muli %add3A, %mul3A_1 : i32
    "tpu.region"() ({
      %run_scoped3A = tpu.sem_alloc : memref<!tpu.dma_semaphore, #tpu.memory_space<semaphore_mem>>
      %dma_start3A_74 = tpu.memref_slice %arg2[%mul3A_2] : memref<96000xi32, #tpu.memory_space<hbm>> -> memref<3000xi32, #tpu.memory_space<hbm>>
      %dma_start3A_75 = tpu.memref_slice %arg2[%mul3A_2] : memref<96000xi32, #tpu.memory_space<hbm>> -> memref<3000xi32, #tpu.memory_space<hbm>>
      tpu.enqueue_dma source(%dma_start3A_75 : memref<3000xi32, #tpu.memory_space<hbm>>) target(%arg9 : memref<3000xi32, #tpu.memory_space<vmem>>) target_semaphore(%run_scoped3A : memref<!tpu.dma_semaphore, #tpu.memory_space<semaphore_mem>>)
      %dma_wait3A_76 = tpu.memref_slice %arg2[%mul3A_2] : memref<96000xi32, #tpu.memory_space<hbm>> -> memref<3000xi32, #tpu.memory_space<hbm>>
      %dma_wait3A_77 = tpu.memref_slice %arg2[%mul3A_2] : memref<96000xi32, #tpu.memory_space<hbm>> -> memref<3000xi32, #tpu.memory_space<hbm>>
      tpu.wait_dma2 semaphore(%run_scoped3A : memref<!tpu.dma_semaphore, #tpu.memory_space<semaphore_mem>>) src(%dma_wait3A_77 : memref<3000xi32, #tpu.memory_space<hbm>>) dst(%arg9 : memref<3000xi32, #tpu.memory_space<vmem>>)
      tpu.yield
    }) : () -> ()
    "tpu.region"() ({
      %run_scoped3A = tpu.sem_alloc : memref<!tpu.dma_semaphore, #tpu.memory_space<semaphore_mem>>
      %dma_start3A_74 = tpu.memref_slice %arg3[%mul3A_2] : memref<96000xi32, #tpu.memory_space<hbm>> -> memref<3000xi32, #tpu.memory_space<hbm>>
      %dma_start3A_75 = tpu.memref_slice %arg3[%mul3A_2] : memref<96000xi32, #tpu.memory_space<hbm>> -> memref<3000xi32, #tpu.memory_space<hbm>>
      tpu.enqueue_dma source(%dma_start3A_75 : memref<3000xi32, #tpu.memory_space<hbm>>) target(%arg10 : memref<3000xi32, #tpu.memory_space<vmem>>) target_semaphore(%run_scoped3A : memref<!tpu.dma_semaphore, #tpu.memory_space<semaphore_mem>>)
      %dma_wait3A_76 = tpu.memref_slice %arg3[%mul3A_2] : memref<96000xi32, #tpu.memory_space<hbm>> -> memref<3000xi32, #tpu.memory_space<hbm>>
      %dma_wait3A_77 = tpu.memref_slice %arg3[%mul3A_2] : memref<96000xi32, #tpu.memory_space<hbm>> -> memref<3000xi32, #tpu.memory_space<hbm>>
      tpu.wait_dma2 semaphore(%run_scoped3A : memref<!tpu.dma_semaphore, #tpu.memory_space<semaphore_mem>>) src(%dma_wait3A_77 : memref<3000xi32, #tpu.memory_space<hbm>>) dst(%arg10 : memref<3000xi32, #tpu.memory_space<vmem>>)
      tpu.yield
    }) : () -> ()
    "tpu.region"() ({
      %run_scoped3A = tpu.sem_alloc : memref<!tpu.dma_semaphore, #tpu.memory_space<semaphore_mem>>
      tpu.enqueue_dma source(%arg6 : memref<1024xf32, #tpu.memory_space<hbm>>) target(%arg14 : memref<1024xf32, #tpu.memory_space<vmem>>) target_semaphore(%run_scoped3A : memref<!tpu.dma_semaphore, #tpu.memory_space<semaphore_mem>>)
      tpu.wait_dma2 semaphore(%run_scoped3A : memref<!tpu.dma_semaphore, #tpu.memory_space<semaphore_mem>>) src(%arg6 : memref<1024xf32, #tpu.memory_space<hbm>>) dst(%arg14 : memref<1024xf32, #tpu.memory_space<vmem>>)
      tpu.yield
    }) : () -> ()
    "tpu.region"() ({
      %run_scoped3A = tpu.sem_alloc : memref<!tpu.dma_semaphore, #tpu.memory_space<semaphore_mem>>
      tpu.enqueue_dma source(%arg7 : memref<1024xf32, #tpu.memory_space<hbm>>) target(%arg15 : memref<1024xf32, #tpu.memory_space<vmem>>) target_semaphore(%run_scoped3A : memref<!tpu.dma_semaphore, #tpu.memory_space<semaphore_mem>>)
      tpu.wait_dma2 semaphore(%run_scoped3A : memref<!tpu.dma_semaphore, #tpu.memory_space<semaphore_mem>>) src(%arg7 : memref<1024xf32, #tpu.memory_space<hbm>>) dst(%arg15 : memref<1024xf32, #tpu.memory_space<vmem>>)
      tpu.yield
    }) : () -> ()
    %min3A = arith.constant 0 : i32
    %min3A_3 = arith.constant 2984 : i32
    %min3A_4 = arith.minsi %min3A, %min3A_3 : i32
    %dma_start3A = arith.constant 0 : i32
    %dma_start3A_5 = arith.constant 0 : i32
    %dma_start3A_6 = arith.constant 0 : i32
    %dma_start3A_7 = tpu.memref_slice %arg11[%dma_start3A, %dma_start3A_5, %dma_start3A_6] : memref<2x16x1024xf32, #tpu.memory_space<vmem>> -> memref<1x16x1024xf32, #tpu.memory_space<vmem>>
    %dma_start3A_8 = tpu.memref_squeeze %dma_start3A_7 : memref<1x16x1024xf32, #tpu.memory_space<vmem>> -> memref<16x1024xf32, #tpu.memory_space<vmem>>
    %dma_start3A_9 = tpu.memref_slice %arg9[%min3A_4] : memref<3000xi32, #tpu.memory_space<vmem>> -> memref<16xi32, #tpu.memory_space<vmem>>
    %dma_start3A_10 = arith.constant 0 : i32
    %dma_start3A_11 = arith.constant 0 : i32
    %dma_start3A_12 = tpu.memref_slice %arg4[%dma_start3A_10, %dma_start3A_11] : memref<51865x1024xf32, #tpu.memory_space<hbm>> -> memref<51865x1024xf32, #tpu.memory_space<hbm>>
    tpu.enqueue_indirect_dma source(%dma_start3A_12 : memref<51865x1024xf32, #tpu.memory_space<hbm>>) target(%dma_start3A_8 : memref<16x1024xf32, #tpu.memory_space<vmem>>) offsets(%dma_start3A_9 : memref<16xi32, #tpu.memory_space<vmem>>) semaphore(%arg17 : memref<!tpu.dma_semaphore, #tpu.memory_space<semaphore_mem>>)
    %dma_start3A_13 = arith.constant 0 : i32
    %dma_start3A_14 = arith.constant 0 : i32
    %dma_start3A_15 = arith.constant 0 : i32
    %dma_start3A_16 = tpu.memref_slice %arg12[%dma_start3A_13, %dma_start3A_14, %dma_start3A_15] : memref<2x16x512xf32, #tpu.memory_space<vmem>> -> memref<1x16x512xf32, #tpu.memory_space<vmem>>
    %dma_start3A_17 = tpu.memref_squeeze %dma_start3A_16 : memref<1x16x512xf32, #tpu.memory_space<vmem>> -> memref<16x512xf32, #tpu.memory_space<vmem>>
    %dma_start3A_18 = tpu.memref_slice %arg10[%min3A_4] : memref<3000xi32, #tpu.memory_space<vmem>> -> memref<16xi32, #tpu.memory_space<vmem>>
    %dma_start3A_19 = arith.constant 0 : i32
    %dma_start3A_20 = arith.constant 0 : i32
    %dma_start3A_21 = tpu.memref_slice %arg5[%dma_start3A_19, %dma_start3A_20] : memref<1500x512xf32, #tpu.memory_space<hbm>> -> memref<1500x512xf32, #tpu.memory_space<hbm>>
    tpu.enqueue_indirect_dma source(%dma_start3A_21 : memref<1500x512xf32, #tpu.memory_space<hbm>>) target(%dma_start3A_17 : memref<16x512xf32, #tpu.memory_space<vmem>>) offsets(%dma_start3A_18 : memref<16xi32, #tpu.memory_space<vmem>>) semaphore(%arg17 : memref<!tpu.dma_semaphore, #tpu.memory_space<semaphore_mem>>)
    %min3A_22 = arith.constant 16 : i32
    %min3A_23 = arith.constant 2984 : i32
    %min3A_24 = arith.minsi %min3A_22, %min3A_23 : i32
    %dma_start3A_25 = arith.constant 1 : i32
    %dma_start3A_26 = arith.constant 0 : i32
    %dma_start3A_27 = arith.constant 0 : i32
    %dma_start3A_28 = tpu.memref_slice %arg11[%dma_start3A_25, %dma_start3A_26, %dma_start3A_27] : memref<2x16x1024xf32, #tpu.memory_space<vmem>> -> memref<1x16x1024xf32, #tpu.memory_space<vmem>>
    %dma_start3A_29 = tpu.memref_squeeze %dma_start3A_28 : memref<1x16x1024xf32, #tpu.memory_space<vmem>> -> memref<16x1024xf32, #tpu.memory_space<vmem>>
    %dma_start3A_30 = tpu.memref_slice %arg9[%min3A_24] : memref<3000xi32, #tpu.memory_space<vmem>> -> memref<16xi32, #tpu.memory_space<vmem>>
    %dma_start3A_31 = arith.constant 0 : i32
    %dma_start3A_32 = arith.constant 0 : i32
    %dma_start3A_33 = tpu.memref_slice %arg4[%dma_start3A_31, %dma_start3A_32] : memref<51865x1024xf32, #tpu.memory_space<hbm>> -> memref<51865x1024xf32, #tpu.memory_space<hbm>>
    tpu.enqueue_indirect_dma source(%dma_start3A_33 : memref<51865x1024xf32, #tpu.memory_space<hbm>>) target(%dma_start3A_29 : memref<16x1024xf32, #tpu.memory_space<vmem>>) offsets(%dma_start3A_30 : memref<16xi32, #tpu.memory_space<vmem>>) semaphore(%arg18 : memref<!tpu.dma_semaphore, #tpu.memory_space<semaphore_mem>>)
    %dma_start3A_34 = arith.constant 1 : i32
    %dma_start3A_35 = arith.constant 0 : i32
    %dma_start3A_36 = arith.constant 0 : i32
    %dma_start3A_37 = tpu.memref_slice %arg12[%dma_start3A_34, %dma_start3A_35, %dma_start3A_36] : memref<2x16x512xf32, #tpu.memory_space<vmem>> -> memref<1x16x512xf32, #tpu.memory_space<vmem>>
    %dma_start3A_38 = tpu.memref_squeeze %dma_start3A_37 : memref<1x16x512xf32, #tpu.memory_space<vmem>> -> memref<16x512xf32, #tpu.memory_space<vmem>>
    %dma_start3A_39 = tpu.memref_slice %arg10[%min3A_24] : memref<3000xi32, #tpu.memory_space<vmem>> -> memref<16xi32, #tpu.memory_space<vmem>>
    %dma_start3A_40 = arith.constant 0 : i32
    %dma_start3A_41 = arith.constant 0 : i32
    %dma_start3A_42 = tpu.memref_slice %arg5[%dma_start3A_40, %dma_start3A_41] : memref<1500x512xf32, #tpu.memory_space<hbm>> -> memref<1500x512xf32, #tpu.memory_space<hbm>>
    tpu.enqueue_indirect_dma source(%dma_start3A_42 : memref<1500x512xf32, #tpu.memory_space<hbm>>) target(%dma_start3A_38 : memref<16x512xf32, #tpu.memory_space<vmem>>) offsets(%dma_start3A_39 : memref<16xi32, #tpu.memory_space<vmem>>) semaphore(%arg18 : memref<!tpu.dma_semaphore, #tpu.memory_space<semaphore_mem>>)
    %scan3A = arith.constant 0 : i32
    %scan3A_43 = arith.constant 0 : i32
    %scan3A_44 = arith.constant 94 : i32
    %scan3A_45 = arith.addi %scan3A_43, %scan3A_44 : i32
    %scan3A_46 = arith.constant 1 : i32
    %scan3A_47 = scf.for %scan3A_74 = %scan3A_43 to %scan3A_45 step %scan3A_46 iter_args(%scan3A_75 = %scan3A) -> (i32)  : i32 {
      %mul3A_76 = arith.constant 2 : i32
      %mul3A_77 = arith.muli %mul3A_76, %scan3A_74 : i32
      %mul3A_78 = arith.constant 16 : i32
      %mul3A_79 = arith.muli %mul3A_77, %mul3A_78 : i32
      %min3A_80 = arith.constant 2984 : i32
      %min3A_81 = arith.minsi %mul3A_79, %min3A_80 : i32
      %dma_wait3A_82 = arith.constant 0 : i32
      %dma_wait3A_83 = arith.constant 0 : i32
      %dma_wait3A_84 = arith.constant 0 : i32
      %dma_wait3A_85 = tpu.memref_slice %arg11[%dma_wait3A_82, %dma_wait3A_83, %dma_wait3A_84] : memref<2x16x1024xf32, #tpu.memory_space<vmem>> -> memref<1x16x1024xf32, #tpu.memory_space<vmem>>
      %dma_wait3A_86 = tpu.memref_squeeze %dma_wait3A_85 : memref<1x16x1024xf32, #tpu.memory_space<vmem>> -> memref<16x1024xf32, #tpu.memory_space<vmem>>
      %dma_wait3A_87 = tpu.memref_slice %arg9[%min3A_81] : memref<3000xi32, #tpu.memory_space<vmem>> -> memref<16xi32, #tpu.memory_space<vmem>>
      %dma_wait3A_88 = arith.constant 0 : i32
      %dma_wait3A_89 = arith.constant 0 : i32
      %dma_wait3A_90 = tpu.memref_slice %arg4[%dma_wait3A_88, %dma_wait3A_89] : memref<51865x1024xf32, #tpu.memory_space<hbm>> -> memref<51865x1024xf32, #tpu.memory_space<hbm>>
      tpu.wait_indirect_dma semaphore(%arg17 : memref<!tpu.dma_semaphore, #tpu.memory_space<semaphore_mem>>) src(%dma_wait3A_90 : memref<51865x1024xf32, #tpu.memory_space<hbm>>) dst(%dma_wait3A_86 : memref<16x1024xf32, #tpu.memory_space<vmem>>)
      %dma_wait3A_91 = arith.constant 0 : i32
      %dma_wait3A_92 = arith.constant 0 : i32
      %dma_wait3A_93 = arith.constant 0 : i32
      %dma_wait3A_94 = tpu.memref_slice %arg12[%dma_wait3A_91, %dma_wait3A_92, %dma_wait3A_93] : memref<2x16x512xf32, #tpu.memory_space<vmem>> -> memref<1x16x512xf32, #tpu.memory_space<vmem>>
      %dma_wait3A_95 = tpu.memref_squeeze %dma_wait3A_94 : memref<1x16x512xf32, #tpu.memory_space<vmem>> -> memref<16x512xf32, #tpu.memory_space<vmem>>
      %dma_wait3A_96 = tpu.memref_slice %arg10[%min3A_81] : memref<3000xi32, #tpu.memory_space<vmem>> -> memref<16xi32, #tpu.memory_space<vmem>>
      %dma_wait3A_97 = arith.constant 0 : i32
      %dma_wait3A_98 = arith.constant 0 : i32
      %dma_wait3A_99 = tpu.memref_slice %arg5[%dma_wait3A_97, %dma_wait3A_98] : memref<1500x512xf32, #tpu.memory_space<hbm>> -> memref<1500x512xf32, #tpu.memory_space<hbm>>
      tpu.wait_indirect_dma semaphore(%arg17 : memref<!tpu.dma_semaphore, #tpu.memory_space<semaphore_mem>>) src(%dma_wait3A_99 : memref<1500x512xf32, #tpu.memory_space<hbm>>) dst(%dma_wait3A_95 : memref<16x512xf32, #tpu.memory_space<vmem>>)
      %parallel_loop3A = arith.constant 0 : i32
      %parallel_loop3A_100 = arith.constant 16 : i32
      %parallel_loop3A_101 = arith.constant 1 : i32
      %parallel_loop3A_102 = arith.constant 0 : i32
      %parallel_loop3A_103 = arith.constant 0 : i32
      scf.for %parallel_loop3A_196 = %parallel_loop3A to %parallel_loop3A_100 step %parallel_loop3A_101  : i32 {
        %parallel_loop3A_197 = arith.constant 0.000000e+00 : f32
        %parallel_loop3A_198 = vector.broadcast %parallel_loop3A_197 : f32 to vector<16xf32>
        %parallel_loop3A_199 = arith.constant 0 : i32
        %parallel_loop3A_200 = arith.constant 32 : i32
        %parallel_loop3A_201 = arith.constant 1 : i32
        %parallel_loop3A_202:4 = scf.for %parallel_loop3A_252 = %parallel_loop3A_199 to %parallel_loop3A_200 step %parallel_loop3A_201 iter_args(%parallel_loop3A_253 = %parallel_loop3A_198, %parallel_loop3A_254 = %parallel_loop3A_198, %parallel_loop3A_255 = %parallel_loop3A_198, %parallel_loop3A_256 = %parallel_loop3A_198) -> (vector<16xf32>, vector<16xf32>, vector<16xf32>, vector<16xf32>)  : i32 {
          %parallel_loop3A_257 = arith.constant 16 : i32
          %parallel_loop3A_258 = arith.muli %parallel_loop3A_252, %parallel_loop3A_257 : i32
          %parallel_loop3A_259 = arith.constant 0 : i32
          %parallel_loop3A_260 = arith.constant 0 : i32
          %parallel_loop3A_261 = tpu.memref_slice %arg12[%parallel_loop3A_102, %parallel_loop3A_259, %parallel_loop3A_260] : memref<2x16x512xf32, #tpu.memory_space<vmem>> -> memref<1x16x512xf32, #tpu.memory_space<vmem>>
          %parallel_loop3A_262 = tpu.memref_squeeze %parallel_loop3A_261 : memref<1x16x512xf32, #tpu.memory_space<vmem>> -> memref<16x512xf32, #tpu.memory_space<vmem>>
          %parallel_loop3A_263 = arith.index_cast %parallel_loop3A_196 : i32 to index
          %parallel_loop3A_264 = arith.index_cast %parallel_loop3A_258 : i32 to index
          %parallel_loop3A_265 = tpu.vector_load %parallel_loop3A_262[%parallel_loop3A_263, %parallel_loop3A_264] {strides = array<i32>} : memref<16x512xf32, #tpu.memory_space<vmem>>, vector<16xf32>,
          %parallel_loop3A_266 = tpu.bitcast %parallel_loop3A_265 : vector<16xf32> -> vector<16xi32>
          %parallel_loop3A_267 = arith.constant 16 : i32
          %parallel_loop3A_268 = vector.broadcast %parallel_loop3A_267 : i32 to vector<16xi32>
          %parallel_loop3A_269 = arith.shli %parallel_loop3A_266, %parallel_loop3A_268 : vector<16xi32>
          %parallel_loop3A_270 = tpu.bitcast %parallel_loop3A_269 : vector<16xi32> -> vector<16xf32>
          %parallel_loop3A_271 = arith.constant -65536 : i32
          %parallel_loop3A_272 = vector.broadcast %parallel_loop3A_271 : i32 to vector<16xi32>
          %parallel_loop3A_273 = arith.andi %parallel_loop3A_266, %parallel_loop3A_272 : vector<16xi32>
          %parallel_loop3A_274 = tpu.bitcast %parallel_loop3A_273 : vector<16xi32> -> vector<16xf32>
          %parallel_loop3A_275 = arith.constant 16 : i32
          %parallel_loop3A_276 = arith.muli %parallel_loop3A_252, %parallel_loop3A_275 : i32
          %parallel_loop3A_277 = arith.constant 0 : i32
          %parallel_loop3A_278 = arith.constant 0 : i32
          %parallel_loop3A_279 = tpu.memref_slice %arg11[%parallel_loop3A_103, %parallel_loop3A_277, %parallel_loop3A_278] : memref<2x16x1024xf32, #tpu.memory_space<vmem>> -> memref<1x16x1024xf32, #tpu.memory_space<vmem>>
          %parallel_loop3A_280 = tpu.memref_squeeze %parallel_loop3A_279 : memref<1x16x1024xf32, #tpu.memory_space<vmem>> -> memref<16x1024xf32, #tpu.memory_space<vmem>>
          %parallel_loop3A_281 = arith.index_cast %parallel_loop3A_196 : i32 to index
          %parallel_loop3A_282 = arith.index_cast %parallel_loop3A_276 : i32 to index
          %parallel_loop3A_283 = tpu.vector_load %parallel_loop3A_280[%parallel_loop3A_281, %parallel_loop3A_282] {strides = array<i32>} : memref<16x1024xf32, #tpu.memory_space<vmem>>, vector<16xf32>,
          %parallel_loop3A_284 = arith.addf %parallel_loop3A_283, %parallel_loop3A_270 : vector<16xf32>
          %parallel_loop3A_285 = arith.constant 0 : i32
          %parallel_loop3A_286 = arith.constant 0 : i32
          %parallel_loop3A_287 = tpu.memref_slice %arg11[%parallel_loop3A_103, %parallel_loop3A_285, %parallel_loop3A_286] : memref<2x16x1024xf32, #tpu.memory_space<vmem>> -> memref<1x16x1024xf32, #tpu.memory_space<vmem>>
          %parallel_loop3A_288 = tpu.memref_squeeze %parallel_loop3A_287 : memref<1x16x1024xf32, #tpu.memory_space<vmem>> -> memref<16x1024xf32, #tpu.memory_space<vmem>>
          %parallel_loop3A_289 = arith.index_cast %parallel_loop3A_196 : i32 to index
          %parallel_loop3A_290 = arith.index_cast %parallel_loop3A_276 : i32 to index
          %parallel_loop3A_291 = tpu.vector_load %parallel_loop3A_288[%parallel_loop3A_289, %parallel_loop3A_290] {strides = array<i32>} : memref<16x1024xf32, #tpu.memory_space<vmem>>, vector<16xf32>,
          tpu.vector_store %parallel_loop3A_288[%parallel_loop3A_289, %parallel_loop3A_290], %parallel_loop3A_284 {strides = array<i32>} : memref<16x1024xf32, #tpu.memory_space<vmem>>, vector<16xf32>,
          %parallel_loop3A_292 = arith.addf %parallel_loop3A_253, %parallel_loop3A_284 : vector<16xf32>
          %parallel_loop3A_293 = arith.mulf %parallel_loop3A_284, %parallel_loop3A_284 : vector<16xf32>
          %parallel_loop3A_294 = arith.addf %parallel_loop3A_254, %parallel_loop3A_293 : vector<16xf32>
          %parallel_loop3A_295 = arith.constant 32 : i32
          %parallel_loop3A_296 = arith.addi %parallel_loop3A_252, %parallel_loop3A_295 : i32
          %parallel_loop3A_297 = arith.constant 16 : i32
          %parallel_loop3A_298 = arith.muli %parallel_loop3A_296, %parallel_loop3A_297 : i32
          %parallel_loop3A_299 = arith.constant 0 : i32
          %parallel_loop3A_300 = arith.constant 0 : i32
          %parallel_loop3A_301 = tpu.memref_slice %arg11[%parallel_loop3A_103, %parallel_loop3A_299, %parallel_loop3A_300] : memref<2x16x1024xf32, #tpu.memory_space<vmem>> -> memref<1x16x1024xf32, #tpu.memory_space<vmem>>
          %parallel_loop3A_302 = tpu.memref_squeeze %parallel_loop3A_301 : memref<1x16x1024xf32, #tpu.memory_space<vmem>> -> memref<16x1024xf32, #tpu.memory_space<vmem>>
          %parallel_loop3A_303 = arith.index_cast %parallel_loop3A_196 : i32 to index
          %parallel_loop3A_304 = arith.index_cast %parallel_loop3A_298 : i32 to index
          %parallel_loop3A_305 = tpu.vector_load %parallel_loop3A_302[%parallel_loop3A_303, %parallel_loop3A_304] {strides = array<i32>} : memref<16x1024xf32, #tpu.memory_space<vmem>>, vector<16xf32>,
          %parallel_loop3A_306 = arith.addf %parallel_loop3A_305, %parallel_loop3A_274 : vector<16xf32>
          %parallel_loop3A_307 = arith.constant 0 : i32
          %parallel_loop3A_308 = arith.constant 0 : i32
          %parallel_loop3A_309 = tpu.memref_slice %arg11[%parallel_loop3A_103, %parallel_loop3A_307, %parallel_loop3A_308] : memref<2x16x1024xf32, #tpu.memory_space<vmem>> -> memref<1x16x1024xf32, #tpu.memory_space<vmem>>
          %parallel_loop3A_310 = tpu.memref_squeeze %parallel_loop3A_309 : memref<1x16x1024xf32, #tpu.memory_space<vmem>> -> memref<16x1024xf32, #tpu.memory_space<vmem>>
          %parallel_loop3A_311 = arith.index_cast %parallel_loop3A_196 : i32 to index
          %parallel_loop3A_312 = arith.index_cast %parallel_loop3A_298 : i32 to index
          %parallel_loop3A_313 = tpu.vector_load %parallel_loop3A_310[%parallel_loop3A_311, %parallel_loop3A_312] {strides = array<i32>} : memref<16x1024xf32, #tpu.memory_space<vmem>>, vector<16xf32>,
          tpu.vector_store %parallel_loop3A_310[%parallel_loop3A_311, %parallel_loop3A_312], %parallel_loop3A_306 {strides = array<i32>} : memref<16x1024xf32, #tpu.memory_space<vmem>>, vector<16xf32>,
          %parallel_loop3A_314 = arith.addf %parallel_loop3A_255, %parallel_loop3A_306 : vector<16xf32>
          %parallel_loop3A_315 = arith.mulf %parallel_loop3A_306, %parallel_loop3A_306 : vector<16xf32>
          %parallel_loop3A_316 = arith.addf %parallel_loop3A_256, %parallel_loop3A_315 : vector<16xf32>
          scf.yield %parallel_loop3A_292, %parallel_loop3A_294, %parallel_loop3A_314, %parallel_loop3A_316 : vector<16xf32>, vector<16xf32>, vector<16xf32>, vector<16xf32>
        } {sc.loop_unroll_factor = 8 : i64, sc.parallel_access}
        %parallel_loop3A_203 = arith.addf %parallel_loop3A_202#0, %parallel_loop3A_202#2 : vector<16xf32>
        %parallel_loop3A_204 = arith.constant true
        %parallel_loop3A_205 = vector.broadcast %parallel_loop3A_204 : i1 to vector<16xi1>
        %parallel_loop3A_206 = tpu.scan <sum>, %parallel_loop3A_203 masked %parallel_loop3A_205 : vector<16xf32>, vector<16xi1> -> vector<16xf32>
        %parallel_loop3A_207 = vector.extract %parallel_loop3A_206[15] : f32 from vector<16xf32>
        %parallel_loop3A_208 = arith.constant 9.765625E-4 : f32
        %parallel_loop3A_209 = arith.mulf %parallel_loop3A_207, %parallel_loop3A_208 : f32
        %parallel_loop3A_210 = arith.addf %parallel_loop3A_202#1, %parallel_loop3A_202#3 : vector<16xf32>
        %parallel_loop3A_211 = arith.constant true
        %parallel_loop3A_212 = vector.broadcast %parallel_loop3A_211 : i1 to vector<16xi1>
        %parallel_loop3A_213 = tpu.scan <sum>, %parallel_loop3A_210 masked %parallel_loop3A_212 : vector<16xf32>, vector<16xi1> -> vector<16xf32>
        %parallel_loop3A_214 = vector.extract %parallel_loop3A_213[15] : f32 from vector<16xf32>
        %parallel_loop3A_215 = arith.constant 9.765625E-4 : f32
        %parallel_loop3A_216 = arith.mulf %parallel_loop3A_214, %parallel_loop3A_215 : f32
        %parallel_loop3A_217 = arith.mulf %parallel_loop3A_209, %parallel_loop3A_209 : f32
        %parallel_loop3A_218 = arith.subf %parallel_loop3A_216, %parallel_loop3A_217 : f32
        %parallel_loop3A_219 = arith.constant 9.99999974E-6 : f32
        %parallel_loop3A_220 = arith.addf %parallel_loop3A_218, %parallel_loop3A_219 : f32
        %parallel_loop3A_221 = arith.bitcast %parallel_loop3A_220 : f32 to i32
        %parallel_loop3A_222 = arith.constant 1 : i32
        %parallel_loop3A_223 = arith.shrsi %parallel_loop3A_221, %parallel_loop3A_222 : i32
        %parallel_loop3A_224 = arith.constant 1597463007 : i32
        %parallel_loop3A_225 = arith.subi %parallel_loop3A_224, %parallel_loop3A_223 : i32
        %parallel_loop3A_226 = arith.bitcast %parallel_loop3A_225 : i32 to f32
        %parallel_loop3A_227 = arith.constant 5.000000e-01 : f32
        %parallel_loop3A_228 = arith.mulf %parallel_loop3A_227, %parallel_loop3A_220 : f32
        %parallel_loop3A_229 = arith.mulf %parallel_loop3A_228, %parallel_loop3A_226 : f32
        %parallel_loop3A_230 = arith.mulf %parallel_loop3A_229, %parallel_loop3A_226 : f32
        %parallel_loop3A_231 = arith.constant 1.500000e+00 : f32
        %parallel_loop3A_232 = arith.subf %parallel_loop3A_231, %parallel_loop3A_230 : f32
        %parallel_loop3A_233 = arith.mulf %parallel_loop3A_226, %parallel_loop3A_232 : f32
        %parallel_loop3A_234 = arith.constant 5.000000e-01 : f32
        %parallel_loop3A_235 = arith.mulf %parallel_loop3A_234, %parallel_loop3A_220 : f32
        %parallel_loop3A_236 = arith.mulf %parallel_loop3A_235, %parallel_loop3A_233 : f32
        %parallel_loop3A_237 = arith.mulf %parallel_loop3A_236, %parallel_loop3A_233 : f32
        %parallel_loop3A_238 = arith.constant 1.500000e+00 : f32
        %parallel_loop3A_239 = arith.subf %parallel_loop3A_238, %parallel_loop3A_237 : f32
        %parallel_loop3A_240 = arith.mulf %parallel_loop3A_233, %parallel_loop3A_239 : f32
        %parallel_loop3A_241 = arith.constant 0 : i32
        %parallel_loop3A_242 = arith.index_cast %parallel_loop3A_241 : i32 to index
        %parallel_loop3A_243 = arith.index_cast %parallel_loop3A_196 : i32 to index
        %parallel_loop3A_244 = memref.load %arg16[%parallel_loop3A_242, %parallel_loop3A_243] : memref<2x16xf32, #tpu.memory_space<smem>>
        memref.store %parallel_loop3A_240, %arg16[%parallel_loop3A_242, %parallel_loop3A_243] : memref<2x16xf32, #tpu.memory_space<smem>>
        %parallel_loop3A_245 = arith.constant 0.000000e+00 : f32
        %parallel_loop3A_246 = arith.subf %parallel_loop3A_245, %parallel_loop3A_209 : f32
        %parallel_loop3A_247 = arith.mulf %parallel_loop3A_246, %parallel_loop3A_240 : f32
        %parallel_loop3A_248 = arith.constant 1 : i32
        %parallel_loop3A_249 = arith.index_cast %parallel_loop3A_248 : i32 to index
        %parallel_loop3A_250 = arith.index_cast %parallel_loop3A_196 : i32 to index
        %parallel_loop3A_251 = memref.load %arg16[%parallel_loop3A_249, %parallel_loop3A_250] : memref<2x16xf32, #tpu.memory_space<smem>>
        memref.store %parallel_loop3A_247, %arg16[%parallel_loop3A_249, %parallel_loop3A_250] : memref<2x16xf32, #tpu.memory_space<smem>>
      } {sc.loop_unroll_factor = 4 : i64, sc.parallel_access}
      %ge3A = arith.constant 2 : i32
      %ge3A_104 = arith.cmpi sge, %mul3A_77, %ge3A : i32
      %convert_element_type3A = arith.extui %ge3A_104 : i1 to i32
      %cond3A = arith.constant 0 : i32
      %cond3A_105 = arith.constant 0 : i32
      %cond3A_106 = arith.cmpi ne, %convert_element_type3A, %cond3A_105 : i32
      scf.if %cond3A_106 {
        %dma_wait3A_196 = arith.constant 0 : i32
        %dma_wait3A_197 = arith.constant 0 : i32
        %dma_wait3A_198 = tpu.memref_slice %arg13[%cond3A, %dma_wait3A_196, %dma_wait3A_197] : memref<2x16x1024xf32, #tpu.memory_space<vmem>> -> memref<1x16x1024xf32, #tpu.memory_space<vmem>>
        %dma_wait3A_199 = tpu.memref_squeeze %dma_wait3A_198 : memref<1x16x1024xf32, #tpu.memory_space<vmem>> -> memref<16x1024xf32, #tpu.memory_space<vmem>>
        %dma_wait3A_200 = arith.constant 0 : i32
        %dma_wait3A_201 = tpu.memref_slice %arg8[%mul3A_2, %dma_wait3A_200] : memref<96000x1024xf32, #tpu.memory_space<hbm>> -> memref<16x1024xf32, #tpu.memory_space<hbm>>
        %dma_wait3A_202 = arith.constant 0 : i32
        %dma_wait3A_203 = tpu.memref_slice %arg8[%mul3A_2, %dma_wait3A_202] : memref<96000x1024xf32, #tpu.memory_space<hbm>> -> memref<16x1024xf32, #tpu.memory_space<hbm>>
        %dma_wait3A_204 = arith.constant 0 : i32
        %dma_wait3A_205 = arith.constant 0 : i32
        %dma_wait3A_206 = tpu.memref_slice %arg13[%cond3A, %dma_wait3A_204, %dma_wait3A_205] : memref<2x16x1024xf32, #tpu.memory_space<vmem>> -> memref<1x16x1024xf32, #tpu.memory_space<vmem>>
        %dma_wait3A_207 = tpu.memref_squeeze %dma_wait3A_206 : memref<1x16x1024xf32, #tpu.memory_space<vmem>> -> memref<16x1024xf32, #tpu.memory_space<vmem>>
        tpu.wait_dma2 semaphore(%arg19 : memref<!tpu.dma_semaphore, #tpu.memory_space<semaphore_mem>>) src(%dma_wait3A_207 : memref<16x1024xf32, #tpu.memory_space<vmem>>) dst(%dma_wait3A_203 : memref<16x1024xf32, #tpu.memory_space<hbm>>)
      } else {
      }
      %parallel_loop3A_107 = arith.constant 0 : i32
      %parallel_loop3A_108 = arith.constant 64 : i32
      %parallel_loop3A_109 = arith.constant 1 : i32
      %parallel_loop3A_110 = arith.constant 0 : i32
      %parallel_loop3A_111 = arith.constant 0 : i32
      scf.for %parallel_loop3A_196 = %parallel_loop3A_107 to %parallel_loop3A_108 step %parallel_loop3A_109  : i32 {
        %parallel_loop3A_197 = arith.constant 16 : i32
        %parallel_loop3A_198 = arith.muli %parallel_loop3A_196, %parallel_loop3A_197 : i32
        %parallel_loop3A_199 = arith.index_cast %parallel_loop3A_198 : i32 to index
        %parallel_loop3A_200 = tpu.vector_load %arg14[%parallel_loop3A_199] {strides = array<i32>} : memref<1024xf32, #tpu.memory_space<vmem>>, vector<16xf32>,
        %parallel_loop3A_201 = arith.index_cast %parallel_loop3A_198 : i32 to index
        %parallel_loop3A_202 = tpu.vector_load %arg15[%parallel_loop3A_201] {strides = array<i32>} : memref<1024xf32, #tpu.memory_space<vmem>>, vector<16xf32>,
        %parallel_loop3A_203 = arith.constant 0 : i32
        %parallel_loop3A_204 = arith.constant 0 : i32
        %parallel_loop3A_205 = arith.index_cast %parallel_loop3A_203 : i32 to index
        %parallel_loop3A_206 = arith.index_cast %parallel_loop3A_204 : i32 to index
        %parallel_loop3A_207 = memref.load %arg16[%parallel_loop3A_205, %parallel_loop3A_206] : memref<2x16xf32, #tpu.memory_space<smem>>
        %parallel_loop3A_208 = arith.constant 1 : i32
        %parallel_loop3A_209 = arith.constant 0 : i32
        %parallel_loop3A_210 = arith.index_cast %parallel_loop3A_208 : i32 to index
        %parallel_loop3A_211 = arith.index_cast %parallel_loop3A_209 : i32 to index
        %parallel_loop3A_212 = memref.load %arg16[%parallel_loop3A_210, %parallel_loop3A_211] : memref<2x16xf32, #tpu.memory_space<smem>>
        %parallel_loop3A_213 = arith.constant 0 : i32
        %parallel_loop3A_214 = arith.constant 0 : i32
        %parallel_loop3A_215 = arith.constant 0 : i32
        %parallel_loop3A_216 = tpu.memref_slice %arg11[%parallel_loop3A_110, %parallel_loop3A_214, %parallel_loop3A_215] : memref<2x16x1024xf32, #tpu.memory_space<vmem>> -> memref<1x16x1024xf32, #tpu.memory_space<vmem>>
        %parallel_loop3A_217 = tpu.memref_squeeze %parallel_loop3A_216 : memref<1x16x1024xf32, #tpu.memory_space<vmem>> -> memref<16x1024xf32, #tpu.memory_space<vmem>>
        %parallel_loop3A_218 = arith.index_cast %parallel_loop3A_213 : i32 to index
        %parallel_loop3A_219 = arith.index_cast %parallel_loop3A_198 : i32 to index
        %parallel_loop3A_220 = tpu.vector_load %parallel_loop3A_217[%parallel_loop3A_218, %parallel_loop3A_219] {strides = array<i32>} : memref<16x1024xf32, #tpu.memory_space<vmem>>, vector<16xf32>,
        %parallel_loop3A_221 = vector.broadcast %parallel_loop3A_207 : f32 to vector<16xf32>
        %parallel_loop3A_222 = arith.mulf %parallel_loop3A_220, %parallel_loop3A_221 : vector<16xf32>
        %parallel_loop3A_223 = vector.broadcast %parallel_loop3A_212 : f32 to vector<16xf32>
        %parallel_loop3A_224 = arith.addf %parallel_loop3A_222, %parallel_loop3A_223 : vector<16xf32>
        %parallel_loop3A_225 = arith.mulf %parallel_loop3A_224, %parallel_loop3A_200 : vector<16xf32>
        %parallel_loop3A_226 = arith.addf %parallel_loop3A_225, %parallel_loop3A_202 : vector<16xf32>
        %parallel_loop3A_227 = arith.constant 0 : i32
        %parallel_loop3A_228 = arith.constant 0 : i32
        %parallel_loop3A_229 = arith.constant 0 : i32
        %parallel_loop3A_230 = tpu.memref_slice %arg13[%parallel_loop3A_111, %parallel_loop3A_228, %parallel_loop3A_229] : memref<2x16x1024xf32, #tpu.memory_space<vmem>> -> memref<1x16x1024xf32, #tpu.memory_space<vmem>>
        %parallel_loop3A_231 = tpu.memref_squeeze %parallel_loop3A_230 : memref<1x16x1024xf32, #tpu.memory_space<vmem>> -> memref<16x1024xf32, #tpu.memory_space<vmem>>
        %parallel_loop3A_232 = arith.index_cast %parallel_loop3A_227 : i32 to index
        %parallel_loop3A_233 = arith.index_cast %parallel_loop3A_198 : i32 to index
        %parallel_loop3A_234 = tpu.vector_load %parallel_loop3A_231[%parallel_loop3A_232, %parallel_loop3A_233] {strides = array<i32>} : memref<16x1024xf32, #tpu.memory_space<vmem>>, vector<16xf32>,
        tpu.vector_store %parallel_loop3A_231[%parallel_loop3A_232, %parallel_loop3A_233], %parallel_loop3A_226 {strides = array<i32>} : memref<16x1024xf32, #tpu.memory_space<vmem>>, vector<16xf32>,
        %parallel_loop3A_235 = arith.constant 0 : i32
        %parallel_loop3A_236 = arith.constant 1 : i32
        %parallel_loop3A_237 = arith.index_cast %parallel_loop3A_235 : i32 to index
        %parallel_loop3A_238 = arith.index_cast %parallel_loop3A_236 : i32 to index
        %parallel_loop3A_239 = memref.load %arg16[%parallel_loop3A_237, %parallel_loop3A_238] : memref<2x16xf32, #tpu.memory_space<smem>>
        %parallel_loop3A_240 = arith.constant 1 : i32
        %parallel_loop3A_241 = arith.constant 1 : i32
        %parallel_loop3A_242 = arith.index_cast %parallel_loop3A_240 : i32 to index
        %parallel_loop3A_243 = arith.index_cast %parallel_loop3A_241 : i32 to index
        %parallel_loop3A_244 = memref.load %arg16[%parallel_loop3A_242, %parallel_loop3A_243] : memref<2x16xf32, #tpu.memory_space<smem>>
        %parallel_loop3A_245 = arith.constant 1 : i32
        %parallel_loop3A_246 = arith.constant 0 : i32
        %parallel_loop3A_247 = arith.constant 0 : i32
        %parallel_loop3A_248 = tpu.memref_slice %arg11[%parallel_loop3A_110, %parallel_loop3A_246, %parallel_loop3A_247] : memref<2x16x1024xf32, #tpu.memory_space<vmem>> -> memref<1x16x1024xf32, #tpu.memory_space<vmem>>
        %parallel_loop3A_249 = tpu.memref_squeeze %parallel_loop3A_248 : memref<1x16x1024xf32, #tpu.memory_space<vmem>> -> memref<16x1024xf32, #tpu.memory_space<vmem>>
        %parallel_loop3A_250 = arith.index_cast %parallel_loop3A_245 : i32 to index
        %parallel_loop3A_251 = arith.index_cast %parallel_loop3A_198 : i32 to index
        %parallel_loop3A_252 = tpu.vector_load %parallel_loop3A_249[%parallel_loop3A_250, %parallel_loop3A_251] {strides = array<i32>} : memref<16x1024xf32, #tpu.memory_space<vmem>>, vector<16xf32>,
        %parallel_loop3A_253 = vector.broadcast %parallel_loop3A_239 : f32 to vector<16xf32>
        %parallel_loop3A_254 = arith.mulf %parallel_loop3A_252, %parallel_loop3A_253 : vector<16xf32>
        %parallel_loop3A_255 = vector.broadcast %parallel_loop3A_244 : f32 to vector<16xf32>
        %parallel_loop3A_256 = arith.addf %parallel_loop3A_254, %parallel_loop3A_255 : vector<16xf32>
        %parallel_loop3A_257 = arith.mulf %parallel_loop3A_256, %parallel_loop3A_200 : vector<16xf32>
        %parallel_loop3A_258 = arith.addf %parallel_loop3A_257, %parallel_loop3A_202 : vector<16xf32>
        %parallel_loop3A_259 = arith.constant 1 : i32
        %parallel_loop3A_260 = arith.constant 0 : i32
        %parallel_loop3A_261 = arith.constant 0 : i32
        %parallel_loop3A_262 = tpu.memref_slice %arg13[%parallel_loop3A_111, %parallel_loop3A_260, %parallel_loop3A_261] : memref<2x16x1024xf32, #tpu.memory_space<vmem>> -> memref<1x16x1024xf32, #tpu.memory_space<vmem>>
        %parallel_loop3A_263 = tpu.memref_squeeze %parallel_loop3A_262 : memref<1x16x1024xf32, #tpu.memory_space<vmem>> -> memref<16x1024xf32, #tpu.memory_space<vmem>>
        %parallel_loop3A_264 = arith.index_cast %parallel_loop3A_259 : i32 to index
        %parallel_loop3A_265 = arith.index_cast %parallel_loop3A_198 : i32 to index
        %parallel_loop3A_266 = tpu.vector_load %parallel_loop3A_263[%parallel_loop3A_264, %parallel_loop3A_265] {strides = array<i32>} : memref<16x1024xf32, #tpu.memory_space<vmem>>, vector<16xf32>,
        tpu.vector_store %parallel_loop3A_263[%parallel_loop3A_264, %parallel_loop3A_265], %parallel_loop3A_258 {strides = array<i32>} : memref<16x1024xf32, #tpu.memory_space<vmem>>, vector<16xf32>,
        %parallel_loop3A_267 = arith.constant 0 : i32
        %parallel_loop3A_268 = arith.constant 2 : i32
        %parallel_loop3A_269 = arith.index_cast %parallel_loop3A_267 : i32 to index
        %parallel_loop3A_270 = arith.index_cast %parallel_loop3A_268 : i32 to index
        %parallel_loop3A_271 = memref.load %arg16[%parallel_loop3A_269, %parallel_loop3A_270] : memref<2x16xf32, #tpu.memory_space<smem>>
        %parallel_loop3A_272 = arith.constant 1 : i32
        %parallel_loop3A_273 = arith.constant 2 : i32
        %parallel_loop3A_274 = arith.index_cast %parallel_loop3A_272 : i32 to index
        %parallel_loop3A_275 = arith.index_cast %parallel_loop3A_273 : i32 to index
        %parallel_loop3A_276 = memref.load %arg16[%parallel_loop3A_274, %parallel_loop3A_275] : memref<2x16xf32, #tpu.memory_space<smem>>
        %parallel_loop3A_277 = arith.constant 2 : i32
        %parallel_loop3A_278 = arith.constant 0 : i32
        %parallel_loop3A_279 = arith.constant 0 : i32
        %parallel_loop3A_280 = tpu.memref_slice %arg11[%parallel_loop3A_110, %parallel_loop3A_278, %parallel_loop3A_279] : memref<2x16x1024xf32, #tpu.memory_space<vmem>> -> memref<1x16x1024xf32, #tpu.memory_space<vmem>>
        %parallel_loop3A_281 = tpu.memref_squeeze %parallel_loop3A_280 : memref<1x16x1024xf32, #tpu.memory_space<vmem>> -> memref<16x1024xf32, #tpu.memory_space<vmem>>
        %parallel_loop3A_282 = arith.index_cast %parallel_loop3A_277 : i32 to index
        %parallel_loop3A_283 = arith.index_cast %parallel_loop3A_198 : i32 to index
        %parallel_loop3A_284 = tpu.vector_load %parallel_loop3A_281[%parallel_loop3A_282, %parallel_loop3A_283] {strides = array<i32>} : memref<16x1024xf32, #tpu.memory_space<vmem>>, vector<16xf32>,
        %parallel_loop3A_285 = vector.broadcast %parallel_loop3A_271 : f32 to vector<16xf32>
        %parallel_loop3A_286 = arith.mulf %parallel_loop3A_284, %parallel_loop3A_285 : vector<16xf32>
        %parallel_loop3A_287 = vector.broadcast %parallel_loop3A_276 : f32 to vector<16xf32>
        %parallel_loop3A_288 = arith.addf %parallel_loop3A_286, %parallel_loop3A_287 : vector<16xf32>
        %parallel_loop3A_289 = arith.mulf %parallel_loop3A_288, %parallel_loop3A_200 : vector<16xf32>
        %parallel_loop3A_290 = arith.addf %parallel_loop3A_289, %parallel_loop3A_202 : vector<16xf32>
        %parallel_loop3A_291 = arith.constant 2 : i32
        %parallel_loop3A_292 = arith.constant 0 : i32
        %parallel_loop3A_293 = arith.constant 0 : i32
        %parallel_loop3A_294 = tpu.memref_slice %arg13[%parallel_loop3A_111, %parallel_loop3A_292, %parallel_loop3A_293] : memref<2x16x1024xf32, #tpu.memory_space<vmem>> -> memref<1x16x1024xf32, #tpu.memory_space<vmem>>
        %parallel_loop3A_295 = tpu.memref_squeeze %parallel_loop3A_294 : memref<1x16x1024xf32, #tpu.memory_space<vmem>> -> memref<16x1024xf32, #tpu.memory_space<vmem>>
        %parallel_loop3A_296 = arith.index_cast %parallel_loop3A_291 : i32 to index
        %parallel_loop3A_297 = arith.index_cast %parallel_loop3A_198 : i32 to index
        %parallel_loop3A_298 = tpu.vector_load %parallel_loop3A_295[%parallel_loop3A_296, %parallel_loop3A_297] {strides = array<i32>} : memref<16x1024xf32, #tpu.memory_space<vmem>>, vector<16xf32>,
        tpu.vector_store %parallel_loop3A_295[%parallel_loop3A_296, %parallel_loop3A_297], %parallel_loop3A_290 {strides = array<i32>} : memref<16x1024xf32, #tpu.memory_space<vmem>>, vector<16xf32>,
        %parallel_loop3A_299 = arith.constant 0 : i32
        %parallel_loop3A_300 = arith.constant 3 : i32
        %parallel_loop3A_301 = arith.index_cast %parallel_loop3A_299 : i32 to index
        %parallel_loop3A_302 = arith.index_cast %parallel_loop3A_300 : i32 to index
        %parallel_loop3A_303 = memref.load %arg16[%parallel_loop3A_301, %parallel_loop3A_302] : memref<2x16xf32, #tpu.memory_space<smem>>
        %parallel_loop3A_304 = arith.constant 1 : i32
        %parallel_loop3A_305 = arith.constant 3 : i32
        %parallel_loop3A_306 = arith.index_cast %parallel_loop3A_304 : i32 to index
        %parallel_loop3A_307 = arith.index_cast %parallel_loop3A_305 : i32 to index
        %parallel_loop3A_308 = memref.load %arg16[%parallel_loop3A_306, %parallel_loop3A_307] : memref<2x16xf32, #tpu.memory_space<smem>>
        %parallel_loop3A_309 = arith.constant 3 : i32
        %parallel_loop3A_310 = arith.constant 0 : i32
        %parallel_loop3A_311 = arith.constant 0 : i32
        %parallel_loop3A_312 = tpu.memref_slice %arg11[%parallel_loop3A_110, %parallel_loop3A_310, %parallel_loop3A_311] : memref<2x16x1024xf32, #tpu.memory_space<vmem>> -> memref<1x16x1024xf32, #tpu.memory_space<vmem>>
        %parallel_loop3A_313 = tpu.memref_squeeze %parallel_loop3A_312 : memref<1x16x1024xf32, #tpu.memory_space<vmem>> -> memref<16x1024xf32, #tpu.memory_space<vmem>>
        %parallel_loop3A_314 = arith.index_cast %parallel_loop3A_309 : i32 to index
        %parallel_loop3A_315 = arith.index_cast %parallel_loop3A_198 : i32 to index
        %parallel_loop3A_316 = tpu.vector_load %parallel_loop3A_313[%parallel_loop3A_314, %parallel_loop3A_315] {strides = array<i32>} : memref<16x1024xf32, #tpu.memory_space<vmem>>, vector<16xf32>,
        %parallel_loop3A_317 = vector.broadcast %parallel_loop3A_303 : f32 to vector<16xf32>
        %parallel_loop3A_318 = arith.mulf %parallel_loop3A_316, %parallel_loop3A_317 : vector<16xf32>
        %parallel_loop3A_319 = vector.broadcast %parallel_loop3A_308 : f32 to vector<16xf32>
        %parallel_loop3A_320 = arith.addf %parallel_loop3A_318, %parallel_loop3A_319 : vector<16xf32>
        %parallel_loop3A_321 = arith.mulf %parallel_loop3A_320, %parallel_loop3A_200 : vector<16xf32>
        %parallel_loop3A_322 = arith.addf %parallel_loop3A_321, %parallel_loop3A_202 : vector<16xf32>
        %parallel_loop3A_323 = arith.constant 3 : i32
        %parallel_loop3A_324 = arith.constant 0 : i32
        %parallel_loop3A_325 = arith.constant 0 : i32
        %parallel_loop3A_326 = tpu.memref_slice %arg13[%parallel_loop3A_111, %parallel_loop3A_324, %parallel_loop3A_325] : memref<2x16x1024xf32, #tpu.memory_space<vmem>> -> memref<1x16x1024xf32, #tpu.memory_space<vmem>>
        %parallel_loop3A_327 = tpu.memref_squeeze %parallel_loop3A_326 : memref<1x16x1024xf32, #tpu.memory_space<vmem>> -> memref<16x1024xf32, #tpu.memory_space<vmem>>
        %parallel_loop3A_328 = arith.index_cast %parallel_loop3A_323 : i32 to index
        %parallel_loop3A_329 = arith.index_cast %parallel_loop3A_198 : i32 to index
        %parallel_loop3A_330 = tpu.vector_load %parallel_loop3A_327[%parallel_loop3A_328, %parallel_loop3A_329] {strides = array<i32>} : memref<16x1024xf32, #tpu.memory_space<vmem>>, vector<16xf32>,
        tpu.vector_store %parallel_loop3A_327[%parallel_loop3A_328, %parallel_loop3A_329], %parallel_loop3A_322 {strides = array<i32>} : memref<16x1024xf32, #tpu.memory_space<vmem>>, vector<16xf32>,
        %parallel_loop3A_331 = arith.constant 0 : i32
        %parallel_loop3A_332 = arith.constant 4 : i32
        %parallel_loop3A_333 = arith.index_cast %parallel_loop3A_331 : i32 to index
        %parallel_loop3A_334 = arith.index_cast %parallel_loop3A_332 : i32 to index
        %parallel_loop3A_335 = memref.load %arg16[%parallel_loop3A_333, %parallel_loop3A_334] : memref<2x16xf32, #tpu.memory_space<smem>>
        %parallel_loop3A_336 = arith.constant 1 : i32
        %parallel_loop3A_337 = arith.constant 4 : i32
        %parallel_loop3A_338 = arith.index_cast %parallel_loop3A_336 : i32 to index
        %parallel_loop3A_339 = arith.index_cast %parallel_loop3A_337 : i32 to index
        %parallel_loop3A_340 = memref.load %arg16[%parallel_loop3A_338, %parallel_loop3A_339] : memref<2x16xf32, #tpu.memory_space<smem>>
        %parallel_loop3A_341 = arith.constant 4 : i32
        %parallel_loop3A_342 = arith.constant 0 : i32
        %parallel_loop3A_343 = arith.constant 0 : i32
        %parallel_loop3A_344 = tpu.memref_slice %arg11[%parallel_loop3A_110, %parallel_loop3A_342, %parallel_loop3A_343] : memref<2x16x1024xf32, #tpu.memory_space<vmem>> -> memref<1x16x1024xf32, #tpu.memory_space<vmem>>
        %parallel_loop3A_345 = tpu.memref_squeeze %parallel_loop3A_344 : memref<1x16x1024xf32, #tpu.memory_space<vmem>> -> memref<16x1024xf32, #tpu.memory_space<vmem>>
        %parallel_loop3A_346 = arith.index_cast %parallel_loop3A_341 : i32 to index
        %parallel_loop3A_347 = arith.index_cast %parallel_loop3A_198 : i32 to index
        %parallel_loop3A_348 = tpu.vector_load %parallel_loop3A_345[%parallel_loop3A_346, %parallel_loop3A_347] {strides = array<i32>} : memref<16x1024xf32, #tpu.memory_space<vmem>>, vector<16xf32>,
        %parallel_loop3A_349 = vector.broadcast %parallel_loop3A_335 : f32 to vector<16xf32>
        %parallel_loop3A_350 = arith.mulf %parallel_loop3A_348, %parallel_loop3A_349 : vector<16xf32>
        %parallel_loop3A_351 = vector.broadcast %parallel_loop3A_340 : f32 to vector<16xf32>
        %parallel_loop3A_352 = arith.addf %parallel_loop3A_350, %parallel_loop3A_351 : vector<16xf32>
        %parallel_loop3A_353 = arith.mulf %parallel_loop3A_352, %parallel_loop3A_200 : vector<16xf32>
        %parallel_loop3A_354 = arith.addf %parallel_loop3A_353, %parallel_loop3A_202 : vector<16xf32>
        %parallel_loop3A_355 = arith.constant 4 : i32
        %parallel_loop3A_356 = arith.constant 0 : i32
        %parallel_loop3A_357 = arith.constant 0 : i32
        %parallel_loop3A_358 = tpu.memref_slice %arg13[%parallel_loop3A_111, %parallel_loop3A_356, %parallel_loop3A_357] : memref<2x16x1024xf32, #tpu.memory_space<vmem>> -> memref<1x16x1024xf32, #tpu.memory_space<vmem>>
        %parallel_loop3A_359 = tpu.memref_squeeze %parallel_loop3A_358 : memref<1x16x1024xf32, #tpu.memory_space<vmem>> -> memref<16x1024xf32, #tpu.memory_space<vmem>>
        %parallel_loop3A_360 = arith.index_cast %parallel_loop3A_355 : i32 to index
        %parallel_loop3A_361 = arith.index_cast %parallel_loop3A_198 : i32 to index
        %parallel_loop3A_362 = tpu.vector_load %parallel_loop3A_359[%parallel_loop3A_360, %parallel_loop3A_361] {strides = array<i32>} : memref<16x1024xf32, #tpu.memory_space<vmem>>, vector<16xf32>,
        tpu.vector_store %parallel_loop3A_359[%parallel_loop3A_360, %parallel_loop3A_361], %parallel_loop3A_354 {strides = array<i32>} : memref<16x1024xf32, #tpu.memory_space<vmem>>, vector<16xf32>,
        %parallel_loop3A_363 = arith.constant 0 : i32
        %parallel_loop3A_364 = arith.constant 5 : i32
        %parallel_loop3A_365 = arith.index_cast %parallel_loop3A_363 : i32 to index
        %parallel_loop3A_366 = arith.index_cast %parallel_loop3A_364 : i32 to index
        %parallel_loop3A_367 = memref.load %arg16[%parallel_loop3A_365, %parallel_loop3A_366] : memref<2x16xf32, #tpu.memory_space<smem>>
        %parallel_loop3A_368 = arith.constant 1 : i32
        %parallel_loop3A_369 = arith.constant 5 : i32
        %parallel_loop3A_370 = arith.index_cast %parallel_loop3A_368 : i32 to index
        %parallel_loop3A_371 = arith.index_cast %parallel_loop3A_369 : i32 to index
        %parallel_loop3A_372 = memref.load %arg16[%parallel_loop3A_370, %parallel_loop3A_371] : memref<2x16xf32, #tpu.memory_space<smem>>
        %parallel_loop3A_373 = arith.constant 5 : i32
        %parallel_loop3A_374 = arith.constant 0 : i32
        %parallel_loop3A_375 = arith.constant 0 : i32
        %parallel_loop3A_376 = tpu.memref_slice %arg11[%parallel_loop3A_110, %parallel_loop3A_374, %parallel_loop3A_375] : memref<2x16x1024xf32, #tpu.memory_space<vmem>> -> memref<1x16x1024xf32, #tpu.memory_space<vmem>>
        %parallel_loop3A_377 = tpu.memref_squeeze %parallel_loop3A_376 : memref<1x16x1024xf32, #tpu.memory_space<vmem>> -> memref<16x1024xf32, #tpu.memory_space<vmem>>
        %parallel_loop3A_378 = arith.index_cast %parallel_loop3A_373 : i32 to index
        %parallel_loop3A_379 = arith.index_cast %parallel_loop3A_198 : i32 to index
        %parallel_loop3A_380 = tpu.vector_load %parallel_loop3A_377[%parallel_loop3A_378, %parallel_loop3A_379] {strides = array<i32>} : memref<16x1024xf32, #tpu.memory_space<vmem>>, vector<16xf32>,
        %parallel_loop3A_381 = vector.broadcast %parallel_loop3A_367 : f32 to vector<16xf32>
        %parallel_loop3A_382 = arith.mulf %parallel_loop3A_380, %parallel_loop3A_381 : vector<16xf32>
        %parallel_loop3A_383 = vector.broadcast %parallel_loop3A_372 : f32 to vector<16xf32>
        %parallel_loop3A_384 = arith.addf %parallel_loop3A_382, %parallel_loop3A_383 : vector<16xf32>
        %parallel_loop3A_385 = arith.mulf %parallel_loop3A_384, %parallel_loop3A_200 : vector<16xf32>
        %parallel_loop3A_386 = arith.addf %parallel_loop3A_385, %parallel_loop3A_202 : vector<16xf32>
        %parallel_loop3A_387 = arith.constant 5 : i32
        %parallel_loop3A_388 = arith.constant 0 : i32
        %parallel_loop3A_389 = arith.constant 0 : i32
        %parallel_loop3A_390 = tpu.memref_slice %arg13[%parallel_loop3A_111, %parallel_loop3A_388, %parallel_loop3A_389] : memref<2x16x1024xf32, #tpu.memory_space<vmem>> -> memref<1x16x1024xf32, #tpu.memory_space<vmem>>
        %parallel_loop3A_391 = tpu.memref_squeeze %parallel_loop3A_390 : memref<1x16x1024xf32, #tpu.memory_space<vmem>> -> memref<16x1024xf32, #tpu.memory_space<vmem>>
        %parallel_loop3A_392 = arith.index_cast %parallel_loop3A_387 : i32 to index
        %parallel_loop3A_393 = arith.index_cast %parallel_loop3A_198 : i32 to index
        %parallel_loop3A_394 = tpu.vector_load %parallel_loop3A_391[%parallel_loop3A_392, %parallel_loop3A_393] {strides = array<i32>} : memref<16x1024xf32, #tpu.memory_space<vmem>>, vector<16xf32>,
        tpu.vector_store %parallel_loop3A_391[%parallel_loop3A_392, %parallel_loop3A_393], %parallel_loop3A_386 {strides = array<i32>} : memref<16x1024xf32, #tpu.memory_space<vmem>>, vector<16xf32>,
        %parallel_loop3A_395 = arith.constant 0 : i32
        %parallel_loop3A_396 = arith.constant 6 : i32
        %parallel_loop3A_397 = arith.index_cast %parallel_loop3A_395 : i32 to index
        %parallel_loop3A_398 = arith.index_cast %parallel_loop3A_396 : i32 to index
        %parallel_loop3A_399 = memref.load %arg16[%parallel_loop3A_397, %parallel_loop3A_398] : memref<2x16xf32, #tpu.memory_space<smem>>
        %parallel_loop3A_400 = arith.constant 1 : i32
        %parallel_loop3A_401 = arith.constant 6 : i32
        %parallel_loop3A_402 = arith.index_cast %parallel_loop3A_400 : i32 to index
        %parallel_loop3A_403 = arith.index_cast %parallel_loop3A_401 : i32 to index
        %parallel_loop3A_404 = memref.load %arg16[%parallel_loop3A_402, %parallel_loop3A_403] : memref<2x16xf32, #tpu.memory_space<smem>>
        %parallel_loop3A_405 = arith.constant 6 : i32
        %parallel_loop3A_406 = arith.constant 0 : i32
        %parallel_loop3A_407 = arith.constant 0 : i32
        %parallel_loop3A_408 = tpu.memref_slice %arg11[%parallel_loop3A_110, %parallel_loop3A_406, %parallel_loop3A_407] : memref<2x16x1024xf32, #tpu.memory_space<vmem>> -> memref<1x16x1024xf32, #tpu.memory_space<vmem>>
        %parallel_loop3A_409 = tpu.memref_squeeze %parallel_loop3A_408 : memref<1x16x1024xf32, #tpu.memory_space<vmem>> -> memref<16x1024xf32, #tpu.memory_space<vmem>>
        %parallel_loop3A_410 = arith.index_cast %parallel_loop3A_405 : i32 to index
        %parallel_loop3A_411 = arith.index_cast %parallel_loop3A_198 : i32 to index
        %parallel_loop3A_412 = tpu.vector_load %parallel_loop3A_409[%parallel_loop3A_410, %parallel_loop3A_411] {strides = array<i32>} : memref<16x1024xf32, #tpu.memory_space<vmem>>, vector<16xf32>,
        %parallel_loop3A_413 = vector.broadcast %parallel_loop3A_399 : f32 to vector<16xf32>
        %parallel_loop3A_414 = arith.mulf %parallel_loop3A_412, %parallel_loop3A_413 : vector<16xf32>
        %parallel_loop3A_415 = vector.broadcast %parallel_loop3A_404 : f32 to vector<16xf32>
        %parallel_loop3A_416 = arith.addf %parallel_loop3A_414, %parallel_loop3A_415 : vector<16xf32>
        %parallel_loop3A_417 = arith.mulf %parallel_loop3A_416, %parallel_loop3A_200 : vector<16xf32>
        %parallel_loop3A_418 = arith.addf %parallel_loop3A_417, %parallel_loop3A_202 : vector<16xf32>
        %parallel_loop3A_419 = arith.constant 6 : i32
        %parallel_loop3A_420 = arith.constant 0 : i32
        %parallel_loop3A_421 = arith.constant 0 : i32
        %parallel_loop3A_422 = tpu.memref_slice %arg13[%parallel_loop3A_111, %parallel_loop3A_420, %parallel_loop3A_421] : memref<2x16x1024xf32, #tpu.memory_space<vmem>> -> memref<1x16x1024xf32, #tpu.memory_space<vmem>>
        %parallel_loop3A_423 = tpu.memref_squeeze %parallel_loop3A_422 : memref<1x16x1024xf32, #tpu.memory_space<vmem>> -> memref<16x1024xf32, #tpu.memory_space<vmem>>
        %parallel_loop3A_424 = arith.index_cast %parallel_loop3A_419 : i32 to index
        %parallel_loop3A_425 = arith.index_cast %parallel_loop3A_198 : i32 to index
        %parallel_loop3A_426 = tpu.vector_load %parallel_loop3A_423[%parallel_loop3A_424, %parallel_loop3A_425] {strides = array<i32>} : memref<16x1024xf32, #tpu.memory_space<vmem>>, vector<16xf32>,
        tpu.vector_store %parallel_loop3A_423[%parallel_loop3A_424, %parallel_loop3A_425], %parallel_loop3A_418 {strides = array<i32>} : memref<16x1024xf32, #tpu.memory_space<vmem>>, vector<16xf32>,
        %parallel_loop3A_427 = arith.constant 0 : i32
        %parallel_loop3A_428 = arith.constant 7 : i32
        %parallel_loop3A_429 = arith.index_cast %parallel_loop3A_427 : i32 to index
        %parallel_loop3A_430 = arith.index_cast %parallel_loop3A_428 : i32 to index
        %parallel_loop3A_431 = memref.load %arg16[%parallel_loop3A_429, %parallel_loop3A_430] : memref<2x16xf32, #tpu.memory_space<smem>>
        %parallel_loop3A_432 = arith.constant 1 : i32
        %parallel_loop3A_433 = arith.constant 7 : i32
        %parallel_loop3A_434 = arith.index_cast %parallel_loop3A_432 : i32 to index
        %parallel_loop3A_435 = arith.index_cast %parallel_loop3A_433 : i32 to index
        %parallel_loop3A_436 = memref.load %arg16[%parallel_loop3A_434, %parallel_loop3A_435] : memref<2x16xf32, #tpu.memory_space<smem>>
        %parallel_loop3A_437 = arith.constant 7 : i32
        %parallel_loop3A_438 = arith.constant 0 : i32
        %parallel_loop3A_439 = arith.constant 0 : i32
        %parallel_loop3A_440 = tpu.memref_slice %arg11[%parallel_loop3A_110, %parallel_loop3A_438, %parallel_loop3A_439] : memref<2x16x1024xf32, #tpu.memory_space<vmem>> -> memref<1x16x1024xf32, #tpu.memory_space<vmem>>
        %parallel_loop3A_441 = tpu.memref_squeeze %parallel_loop3A_440 : memref<1x16x1024xf32, #tpu.memory_space<vmem>> -> memref<16x1024xf32, #tpu.memory_space<vmem>>
        %parallel_loop3A_442 = arith.index_cast %parallel_loop3A_437 : i32 to index
        %parallel_loop3A_443 = arith.index_cast %parallel_loop3A_198 : i32 to index
        %parallel_loop3A_444 = tpu.vector_load %parallel_loop3A_441[%parallel_loop3A_442, %parallel_loop3A_443] {strides = array<i32>} : memref<16x1024xf32, #tpu.memory_space<vmem>>, vector<16xf32>,
        %parallel_loop3A_445 = vector.broadcast %parallel_loop3A_431 : f32 to vector<16xf32>
        %parallel_loop3A_446 = arith.mulf %parallel_loop3A_444, %parallel_loop3A_445 : vector<16xf32>
        %parallel_loop3A_447 = vector.broadcast %parallel_loop3A_436 : f32 to vector<16xf32>
        %parallel_loop3A_448 = arith.addf %parallel_loop3A_446, %parallel_loop3A_447 : vector<16xf32>
        %parallel_loop3A_449 = arith.mulf %parallel_loop3A_448, %parallel_loop3A_200 : vector<16xf32>
        %parallel_loop3A_450 = arith.addf %parallel_loop3A_449, %parallel_loop3A_202 : vector<16xf32>
        %parallel_loop3A_451 = arith.constant 7 : i32
        %parallel_loop3A_452 = arith.constant 0 : i32
        %parallel_loop3A_453 = arith.constant 0 : i32
        %parallel_loop3A_454 = tpu.memref_slice %arg13[%parallel_loop3A_111, %parallel_loop3A_452, %parallel_loop3A_453] : memref<2x16x1024xf32, #tpu.memory_space<vmem>> -> memref<1x16x1024xf32, #tpu.memory_space<vmem>>
        %parallel_loop3A_455 = tpu.memref_squeeze %parallel_loop3A_454 : memref<1x16x1024xf32, #tpu.memory_space<vmem>> -> memref<16x1024xf32, #tpu.memory_space<vmem>>
        %parallel_loop3A_456 = arith.index_cast %parallel_loop3A_451 : i32 to index
        %parallel_loop3A_457 = arith.index_cast %parallel_loop3A_198 : i32 to index
        %parallel_loop3A_458 = tpu.vector_load %parallel_loop3A_455[%parallel_loop3A_456, %parallel_loop3A_457] {strides = array<i32>} : memref<16x1024xf32, #tpu.memory_space<vmem>>, vector<16xf32>,
        tpu.vector_store %parallel_loop3A_455[%parallel_loop3A_456, %parallel_loop3A_457], %parallel_loop3A_450 {strides = array<i32>} : memref<16x1024xf32, #tpu.memory_space<vmem>>, vector<16xf32>,
        %parallel_loop3A_459 = arith.constant 0 : i32
        %parallel_loop3A_460 = arith.constant 8 : i32
        %parallel_loop3A_461 = arith.index_cast %parallel_loop3A_459 : i32 to index
        %parallel_loop3A_462 = arith.index_cast %parallel_loop3A_460 : i32 to index
        %parallel_loop3A_463 = memref.load %arg16[%parallel_loop3A_461, %parallel_loop3A_462] : memref<2x16xf32, #tpu.memory_space<smem>>
        %parallel_loop3A_464 = arith.constant 1 : i32
        %parallel_loop3A_465 = arith.constant 8 : i32
        %parallel_loop3A_466 = arith.index_cast %parallel_loop3A_464 : i32 to index
        %parallel_loop3A_467 = arith.index_cast %parallel_loop3A_465 : i32 to index
        %parallel_loop3A_468 = memref.load %arg16[%parallel_loop3A_466, %parallel_loop3A_467] : memref<2x16xf32, #tpu.memory_space<smem>>
        %parallel_loop3A_469 = arith.constant 8 : i32
        %parallel_loop3A_470 = arith.constant 0 : i32
        %parallel_loop3A_471 = arith.constant 0 : i32
        %parallel_loop3A_472 = tpu.memref_slice %arg11[%parallel_loop3A_110, %parallel_loop3A_470, %parallel_loop3A_471] : memref<2x16x1024xf32, #tpu.memory_space<vmem>> -> memref<1x16x1024xf32, #tpu.memory_space<vmem>>
        %parallel_loop3A_473 = tpu.memref_squeeze %parallel_loop3A_472 : memref<1x16x1024xf32, #tpu.memory_space<vmem>> -> memref<16x1024xf32, #tpu.memory_space<vmem>>
        %parallel_loop3A_474 = arith.index_cast %parallel_loop3A_469 : i32 to index
        %parallel_loop3A_475 = arith.index_cast %parallel_loop3A_198 : i32 to index
        %parallel_loop3A_476 = tpu.vector_load %parallel_loop3A_473[%parallel_loop3A_474, %parallel_loop3A_475] {strides = array<i32>} : memref<16x1024xf32, #tpu.memory_space<vmem>>, vector<16xf32>,
        %parallel_loop3A_477 = vector.broadcast %parallel_loop3A_463 : f32 to vector<16xf32>
        %parallel_loop3A_478 = arith.mulf %parallel_loop3A_476, %parallel_loop3A_477 : vector<16xf32>
        %parallel_loop3A_479 = vector.broadcast %parallel_loop3A_468 : f32 to vector<16xf32>
        %parallel_loop3A_480 = arith.addf %parallel_loop3A_478, %parallel_loop3A_479 : vector<16xf32>
        %parallel_loop3A_481 = arith.mulf %parallel_loop3A_480, %parallel_loop3A_200 : vector<16xf32>
        %parallel_loop3A_482 = arith.addf %parallel_loop3A_481, %parallel_loop3A_202 : vector<16xf32>
        %parallel_loop3A_483 = arith.constant 8 : i32
        %parallel_loop3A_484 = arith.constant 0 : i32
        %parallel_loop3A_485 = arith.constant 0 : i32
        %parallel_loop3A_486 = tpu.memref_slice %arg13[%parallel_loop3A_111, %parallel_loop3A_484, %parallel_loop3A_485] : memref<2x16x1024xf32, #tpu.memory_space<vmem>> -> memref<1x16x1024xf32, #tpu.memory_space<vmem>>
        %parallel_loop3A_487 = tpu.memref_squeeze %parallel_loop3A_486 : memref<1x16x1024xf32, #tpu.memory_space<vmem>> -> memref<16x1024xf32, #tpu.memory_space<vmem>>
        %parallel_loop3A_488 = arith.index_cast %parallel_loop3A_483 : i32 to index
        %parallel_loop3A_489 = arith.index_cast %parallel_loop3A_198 : i32 to index
        %parallel_loop3A_490 = tpu.vector_load %parallel_loop3A_487[%parallel_loop3A_488, %parallel_loop3A_489] {strides = array<i32>} : memref<16x1024xf32, #tpu.memory_space<vmem>>, vector<16xf32>,
        tpu.vector_store %parallel_loop3A_487[%parallel_loop3A_488, %parallel_loop3A_489], %parallel_loop3A_482 {strides = array<i32>} : memref<16x1024xf32, #tpu.memory_space<vmem>>, vector<16xf32>,
        %parallel_loop3A_491 = arith.constant 0 : i32
        %parallel_loop3A_492 = arith.constant 9 : i32
        %parallel_loop3A_493 = arith.index_cast %parallel_loop3A_491 : i32 to index
        %parallel_loop3A_494 = arith.index_cast %parallel_loop3A_492 : i32 to index
        %parallel_loop3A_495 = memref.load %arg16[%parallel_loop3A_493, %parallel_loop3A_494] : memref<2x16xf32, #tpu.memory_space<smem>>
        %parallel_loop3A_496 = arith.constant 1 : i32
        %parallel_loop3A_497 = arith.constant 9 : i32
        %parallel_loop3A_498 = arith.index_cast %parallel_loop3A_496 : i32 to index
        %parallel_loop3A_499 = arith.index_cast %parallel_loop3A_497 : i32 to index
        %parallel_loop3A_500 = memref.load %arg16[%parallel_loop3A_498, %parallel_loop3A_499] : memref<2x16xf32, #tpu.memory_space<smem>>
        %parallel_loop3A_501 = arith.constant 9 : i32
        %parallel_loop3A_502 = arith.constant 0 : i32
        %parallel_loop3A_503 = arith.constant 0 : i32
        %parallel_loop3A_504 = tpu.memref_slice %arg11[%parallel_loop3A_110, %parallel_loop3A_502, %parallel_loop3A_503] : memref<2x16x1024xf32, #tpu.memory_space<vmem>> -> memref<1x16x1024xf32, #tpu.memory_space<vmem>>
        %parallel_loop3A_505 = tpu.memref_squeeze %parallel_loop3A_504 : memref<1x16x1024xf32, #tpu.memory_space<vmem>> -> memref<16x1024xf32, #tpu.memory_space<vmem>>
        %parallel_loop3A_506 = arith.index_cast %parallel_loop3A_501 : i32 to index
        %parallel_loop3A_507 = arith.index_cast %parallel_loop3A_198 : i32 to index
        %parallel_loop3A_508 = tpu.vector_load %parallel_loop3A_505[%parallel_loop3A_506, %parallel_loop3A_507] {strides = array<i32>} : memref<16x1024xf32, #tpu.memory_space<vmem>>, vector<16xf32>,
        %parallel_loop3A_509 = vector.broadcast %parallel_loop3A_495 : f32 to vector<16xf32>
        %parallel_loop3A_510 = arith.mulf %parallel_loop3A_508, %parallel_loop3A_509 : vector<16xf32>
        %parallel_loop3A_511 = vector.broadcast %parallel_loop3A_500 : f32 to vector<16xf32>
        %parallel_loop3A_512 = arith.addf %parallel_loop3A_510, %parallel_loop3A_511 : vector<16xf32>
        %parallel_loop3A_513 = arith.mulf %parallel_loop3A_512, %parallel_loop3A_200 : vector<16xf32>
        %parallel_loop3A_514 = arith.addf %parallel_loop3A_513, %parallel_loop3A_202 : vector<16xf32>
        %parallel_loop3A_515 = arith.constant 9 : i32
        %parallel_loop3A_516 = arith.constant 0 : i32
        %parallel_loop3A_517 = arith.constant 0 : i32
        %parallel_loop3A_518 = tpu.memref_slice %arg13[%parallel_loop3A_111, %parallel_loop3A_516, %parallel_loop3A_517] : memref<2x16x1024xf32, #tpu.memory_space<vmem>> -> memref<1x16x1024xf32, #tpu.memory_space<vmem>>
        %parallel_loop3A_519 = tpu.memref_squeeze %parallel_loop3A_518 : memref<1x16x1024xf32, #tpu.memory_space<vmem>> -> memref<16x1024xf32, #tpu.memory_space<vmem>>
        %parallel_loop3A_520 = arith.index_cast %parallel_loop3A_515 : i32 to index
        %parallel_loop3A_521 = arith.index_cast %parallel_loop3A_198 : i32 to index
        %parallel_loop3A_522 = tpu.vector_load %parallel_loop3A_519[%parallel_loop3A_520, %parallel_loop3A_521] {strides = array<i32>} : memref<16x1024xf32, #tpu.memory_space<vmem>>, vector<16xf32>,
        tpu.vector_store %parallel_loop3A_519[%parallel_loop3A_520, %parallel_loop3A_521], %parallel_loop3A_514 {strides = array<i32>} : memref<16x1024xf32, #tpu.memory_space<vmem>>, vector<16xf32>,
        %parallel_loop3A_523 = arith.constant 0 : i32
        %parallel_loop3A_524 = arith.constant 10 : i32
        %parallel_loop3A_525 = arith.index_cast %parallel_loop3A_523 : i32 to index
        %parallel_loop3A_526 = arith.index_cast %parallel_loop3A_524 : i32 to index
        %parallel_loop3A_527 = memref.load %arg16[%parallel_loop3A_525, %parallel_loop3A_526] : memref<2x16xf32, #tpu.memory_space<smem>>
        %parallel_loop3A_528 = arith.constant 1 : i32
        %parallel_loop3A_529 = arith.constant 10 : i32
        %parallel_loop3A_530 = arith.index_cast %parallel_loop3A_528 : i32 to index
        %parallel_loop3A_531 = arith.index_cast %parallel_loop3A_529 : i32 to index
        %parallel_loop3A_532 = memref.load %arg16[%parallel_loop3A_530, %parallel_loop3A_531] : memref<2x16xf32, #tpu.memory_space<smem>>
        %parallel_loop3A_533 = arith.constant 10 : i32
        %parallel_loop3A_534 = arith.constant 0 : i32
        %parallel_loop3A_535 = arith.constant 0 : i32
        %parallel_loop3A_536 = tpu.memref_slice %arg11[%parallel_loop3A_110, %parallel_loop3A_534, %parallel_loop3A_535] : memref<2x16x1024xf32, #tpu.memory_space<vmem>> -> memref<1x16x1024xf32, #tpu.memory_space<vmem>>
        %parallel_loop3A_537 = tpu.memref_squeeze %parallel_loop3A_536 : memref<1x16x1024xf32, #tpu.memory_space<vmem>> -> memref<16x1024xf32, #tpu.memory_space<vmem>>
        %parallel_loop3A_538 = arith.index_cast %parallel_loop3A_533 : i32 to index
        %parallel_loop3A_539 = arith.index_cast %parallel_loop3A_198 : i32 to index
        %parallel_loop3A_540 = tpu.vector_load %parallel_loop3A_537[%parallel_loop3A_538, %parallel_loop3A_539] {strides = array<i32>} : memref<16x1024xf32, #tpu.memory_space<vmem>>, vector<16xf32>,
        %parallel_loop3A_541 = vector.broadcast %parallel_loop3A_527 : f32 to vector<16xf32>
        %parallel_loop3A_542 = arith.mulf %parallel_loop3A_540, %parallel_loop3A_541 : vector<16xf32>
        %parallel_loop3A_543 = vector.broadcast %parallel_loop3A_532 : f32 to vector<16xf32>
        %parallel_loop3A_544 = arith.addf %parallel_loop3A_542, %parallel_loop3A_543 : vector<16xf32>
        %parallel_loop3A_545 = arith.mulf %parallel_loop3A_544, %parallel_loop3A_200 : vector<16xf32>
        %parallel_loop3A_546 = arith.addf %parallel_loop3A_545, %parallel_loop3A_202 : vector<16xf32>
        %parallel_loop3A_547 = arith.constant 10 : i32
        %parallel_loop3A_548 = arith.constant 0 : i32
        %parallel_loop3A_549 = arith.constant 0 : i32
        %parallel_loop3A_550 = tpu.memref_slice %arg13[%parallel_loop3A_111, %parallel_loop3A_548, %parallel_loop3A_549] : memref<2x16x1024xf32, #tpu.memory_space<vmem>> -> memref<1x16x1024xf32, #tpu.memory_space<vmem>>
        %parallel_loop3A_551 = tpu.memref_squeeze %parallel_loop3A_550 : memref<1x16x1024xf32, #tpu.memory_space<vmem>> -> memref<16x1024xf32, #tpu.memory_space<vmem>>
        %parallel_loop3A_552 = arith.index_cast %parallel_loop3A_547 : i32 to index
        %parallel_loop3A_553 = arith.index_cast %parallel_loop3A_198 : i32 to index
        %parallel_loop3A_554 = tpu.vector_load %parallel_loop3A_551[%parallel_loop3A_552, %parallel_loop3A_553] {strides = array<i32>} : memref<16x1024xf32, #tpu.memory_space<vmem>>, vector<16xf32>,
        tpu.vector_store %parallel_loop3A_551[%parallel_loop3A_552, %parallel_loop3A_553], %parallel_loop3A_546 {strides = array<i32>} : memref<16x1024xf32, #tpu.memory_space<vmem>>, vector<16xf32>,
        %parallel_loop3A_555 = arith.constant 0 : i32
        %parallel_loop3A_556 = arith.constant 11 : i32
        %parallel_loop3A_557 = arith.index_cast %parallel_loop3A_555 : i32 to index
        %parallel_loop3A_558 = arith.index_cast %parallel_loop3A_556 : i32 to index
        %parallel_loop3A_559 = memref.load %arg16[%parallel_loop3A_557, %parallel_loop3A_558] : memref<2x16xf32, #tpu.memory_space<smem>>
        %parallel_loop3A_560 = arith.constant 1 : i32
        %parallel_loop3A_561 = arith.constant 11 : i32
        %parallel_loop3A_562 = arith.index_cast %parallel_loop3A_560 : i32 to index
        %parallel_loop3A_563 = arith.index_cast %parallel_loop3A_561 : i32 to index
        %parallel_loop3A_564 = memref.load %arg16[%parallel_loop3A_562, %parallel_loop3A_563] : memref<2x16xf32, #tpu.memory_space<smem>>
        %parallel_loop3A_565 = arith.constant 11 : i32
        %parallel_loop3A_566 = arith.constant 0 : i32
        %parallel_loop3A_567 = arith.constant 0 : i32
        %parallel_loop3A_568 = tpu.memref_slice %arg11[%parallel_loop3A_110, %parallel_loop3A_566, %parallel_loop3A_567] : memref<2x16x1024xf32, #tpu.memory_space<vmem>> -> memref<1x16x1024xf32, #tpu.memory_space<vmem>>
        %parallel_loop3A_569 = tpu.memref_squeeze %parallel_loop3A_568 : memref<1x16x1024xf32, #tpu.memory_space<vmem>> -> memref<16x1024xf32, #tpu.memory_space<vmem>>
        %parallel_loop3A_570 = arith.index_cast %parallel_loop3A_565 : i32 to index
        %parallel_loop3A_571 = arith.index_cast %parallel_loop3A_198 : i32 to index
        %parallel_loop3A_572 = tpu.vector_load %parallel_loop3A_569[%parallel_loop3A_570, %parallel_loop3A_571] {strides = array<i32>} : memref<16x1024xf32, #tpu.memory_space<vmem>>, vector<16xf32>,
        %parallel_loop3A_573 = vector.broadcast %parallel_loop3A_559 : f32 to vector<16xf32>
        %parallel_loop3A_574 = arith.mulf %parallel_loop3A_572, %parallel_loop3A_573 : vector<16xf32>
        %parallel_loop3A_575 = vector.broadcast %parallel_loop3A_564 : f32 to vector<16xf32>
        %parallel_loop3A_576 = arith.addf %parallel_loop3A_574, %parallel_loop3A_575 : vector<16xf32>
        %parallel_loop3A_577 = arith.mulf %parallel_loop3A_576, %parallel_loop3A_200 : vector<16xf32>
        %parallel_loop3A_578 = arith.addf %parallel_loop3A_577, %parallel_loop3A_202 : vector<16xf32>
        %parallel_loop3A_579 = arith.constant 11 : i32
        %parallel_loop3A_580 = arith.constant 0 : i32
        %parallel_loop3A_581 = arith.constant 0 : i32
        %parallel_loop3A_582 = tpu.memref_slice %arg13[%parallel_loop3A_111, %parallel_loop3A_580, %parallel_loop3A_581] : memref<2x16x1024xf32, #tpu.memory_space<vmem>> -> memref<1x16x1024xf32, #tpu.memory_space<vmem>>
        %parallel_loop3A_583 = tpu.memref_squeeze %parallel_loop3A_582 : memref<1x16x1024xf32, #tpu.memory_space<vmem>> -> memref<16x1024xf32, #tpu.memory_space<vmem>>
        %parallel_loop3A_584 = arith.index_cast %parallel_loop3A_579 : i32 to index
        %parallel_loop3A_585 = arith.index_cast %parallel_loop3A_198 : i32 to index
        %parallel_loop3A_586 = tpu.vector_load %parallel_loop3A_583[%parallel_loop3A_584, %parallel_loop3A_585] {strides = array<i32>} : memref<16x1024xf32, #tpu.memory_space<vmem>>, vector<16xf32>,
        tpu.vector_store %parallel_loop3A_583[%parallel_loop3A_584, %parallel_loop3A_585], %parallel_loop3A_578 {strides = array<i32>} : memref<16x1024xf32, #tpu.memory_space<vmem>>, vector<16xf32>,
        %parallel_loop3A_587 = arith.constant 0 : i32
        %parallel_loop3A_588 = arith.constant 12 : i32
        %parallel_loop3A_589 = arith.index_cast %parallel_loop3A_587 : i32 to index
        %parallel_loop3A_590 = arith.index_cast %parallel_loop3A_588 : i32 to index
        %parallel_loop3A_591 = memref.load %arg16[%parallel_loop3A_589, %parallel_loop3A_590] : memref<2x16xf32, #tpu.memory_space<smem>>
        %parallel_loop3A_592 = arith.constant 1 : i32
        %parallel_loop3A_593 = arith.constant 12 : i32
        %parallel_loop3A_594 = arith.index_cast %parallel_loop3A_592 : i32 to index
        %parallel_loop3A_595 = arith.index_cast %parallel_loop3A_593 : i32 to index
        %parallel_loop3A_596 = memref.load %arg16[%parallel_loop3A_594, %parallel_loop3A_595] : memref<2x16xf32, #tpu.memory_space<smem>>
        %parallel_loop3A_597 = arith.constant 12 : i32
        %parallel_loop3A_598 = arith.constant 0 : i32
        %parallel_loop3A_599 = arith.constant 0 : i32
        %parallel_loop3A_600 = tpu.memref_slice %arg11[%parallel_loop3A_110, %parallel_loop3A_598, %parallel_loop3A_599] : memref<2x16x1024xf32, #tpu.memory_space<vmem>> -> memref<1x16x1024xf32, #tpu.memory_space<vmem>>
        %parallel_loop3A_601 = tpu.memref_squeeze %parallel_loop3A_600 : memref<1x16x1024xf32, #tpu.memory_space<vmem>> -> memref<16x1024xf32, #tpu.memory_space<vmem>>
        %parallel_loop3A_602 = arith.index_cast %parallel_loop3A_597 : i32 to index
        %parallel_loop3A_603 = arith.index_cast %parallel_loop3A_198 : i32 to index
        %parallel_loop3A_604 = tpu.vector_load %parallel_loop3A_601[%parallel_loop3A_602, %parallel_loop3A_603] {strides = array<i32>} : memref<16x1024xf32, #tpu.memory_space<vmem>>, vector<16xf32>,
        %parallel_loop3A_605 = vector.broadcast %parallel_loop3A_591 : f32 to vector<16xf32>
        %parallel_loop3A_606 = arith.mulf %parallel_loop3A_604, %parallel_loop3A_605 : vector<16xf32>
        %parallel_loop3A_607 = vector.broadcast %parallel_loop3A_596 : f32 to vector<16xf32>
        %parallel_loop3A_608 = arith.addf %parallel_loop3A_606, %parallel_loop3A_607 : vector<16xf32>
        %parallel_loop3A_609 = arith.mulf %parallel_loop3A_608, %parallel_loop3A_200 : vector<16xf32>
        %parallel_loop3A_610 = arith.addf %parallel_loop3A_609, %parallel_loop3A_202 : vector<16xf32>
        %parallel_loop3A_611 = arith.constant 12 : i32
        %parallel_loop3A_612 = arith.constant 0 : i32
        %parallel_loop3A_613 = arith.constant 0 : i32
        %parallel_loop3A_614 = tpu.memref_slice %arg13[%parallel_loop3A_111, %parallel_loop3A_612, %parallel_loop3A_613] : memref<2x16x1024xf32, #tpu.memory_space<vmem>> -> memref<1x16x1024xf32, #tpu.memory_space<vmem>>
        %parallel_loop3A_615 = tpu.memref_squeeze %parallel_loop3A_614 : memref<1x16x1024xf32, #tpu.memory_space<vmem>> -> memref<16x1024xf32, #tpu.memory_space<vmem>>
        %parallel_loop3A_616 = arith.index_cast %parallel_loop3A_611 : i32 to index
        %parallel_loop3A_617 = arith.index_cast %parallel_loop3A_198 : i32 to index
        %parallel_loop3A_618 = tpu.vector_load %parallel_loop3A_615[%parallel_loop3A_616, %parallel_loop3A_617] {strides = array<i32>} : memref<16x1024xf32, #tpu.memory_space<vmem>>, vector<16xf32>,
        tpu.vector_store %parallel_loop3A_615[%parallel_loop3A_616, %parallel_loop3A_617], %parallel_loop3A_610 {strides = array<i32>} : memref<16x1024xf32, #tpu.memory_space<vmem>>, vector<16xf32>,
        %parallel_loop3A_619 = arith.constant 0 : i32
        %parallel_loop3A_620 = arith.constant 13 : i32
        %parallel_loop3A_621 = arith.index_cast %parallel_loop3A_619 : i32 to index
        %parallel_loop3A_622 = arith.index_cast %parallel_loop3A_620 : i32 to index
        %parallel_loop3A_623 = memref.load %arg16[%parallel_loop3A_621, %parallel_loop3A_622] : memref<2x16xf32, #tpu.memory_space<smem>>
        %parallel_loop3A_624 = arith.constant 1 : i32
        %parallel_loop3A_625 = arith.constant 13 : i32
        %parallel_loop3A_626 = arith.index_cast %parallel_loop3A_624 : i32 to index
        %parallel_loop3A_627 = arith.index_cast %parallel_loop3A_625 : i32 to index
        %parallel_loop3A_628 = memref.load %arg16[%parallel_loop3A_626, %parallel_loop3A_627] : memref<2x16xf32, #tpu.memory_space<smem>>
        %parallel_loop3A_629 = arith.constant 13 : i32
        %parallel_loop3A_630 = arith.constant 0 : i32
        %parallel_loop3A_631 = arith.constant 0 : i32
        %parallel_loop3A_632 = tpu.memref_slice %arg11[%parallel_loop3A_110, %parallel_loop3A_630, %parallel_loop3A_631] : memref<2x16x1024xf32, #tpu.memory_space<vmem>> -> memref<1x16x1024xf32, #tpu.memory_space<vmem>>
        %parallel_loop3A_633 = tpu.memref_squeeze %parallel_loop3A_632 : memref<1x16x1024xf32, #tpu.memory_space<vmem>> -> memref<16x1024xf32, #tpu.memory_space<vmem>>
        %parallel_loop3A_634 = arith.index_cast %parallel_loop3A_629 : i32 to index
        %parallel_loop3A_635 = arith.index_cast %parallel_loop3A_198 : i32 to index
        %parallel_loop3A_636 = tpu.vector_load %parallel_loop3A_633[%parallel_loop3A_634, %parallel_loop3A_635] {strides = array<i32>} : memref<16x1024xf32, #tpu.memory_space<vmem>>, vector<16xf32>,
        %parallel_loop3A_637 = vector.broadcast %parallel_loop3A_623 : f32 to vector<16xf32>
        %parallel_loop3A_638 = arith.mulf %parallel_loop3A_636, %parallel_loop3A_637 : vector<16xf32>
        %parallel_loop3A_639 = vector.broadcast %parallel_loop3A_628 : f32 to vector<16xf32>
        %parallel_loop3A_640 = arith.addf %parallel_loop3A_638, %parallel_loop3A_639 : vector<16xf32>
        %parallel_loop3A_641 = arith.mulf %parallel_loop3A_640, %parallel_loop3A_200 : vector<16xf32>
        %parallel_loop3A_642 = arith.addf %parallel_loop3A_641, %parallel_loop3A_202 : vector<16xf32>
        %parallel_loop3A_643 = arith.constant 13 : i32
        %parallel_loop3A_644 = arith.constant 0 : i32
        %parallel_loop3A_645 = arith.constant 0 : i32
        %parallel_loop3A_646 = tpu.memref_slice %arg13[%parallel_loop3A_111, %parallel_loop3A_644, %parallel_loop3A_645] : memref<2x16x1024xf32, #tpu.memory_space<vmem>> -> memref<1x16x1024xf32, #tpu.memory_space<vmem>>
        %parallel_loop3A_647 = tpu.memref_squeeze %parallel_loop3A_646 : memref<1x16x1024xf32, #tpu.memory_space<vmem>> -> memref<16x1024xf32, #tpu.memory_space<vmem>>
        %parallel_loop3A_648 = arith.index_cast %parallel_loop3A_643 : i32 to index
        %parallel_loop3A_649 = arith.index_cast %parallel_loop3A_198 : i32 to index
        %parallel_loop3A_650 = tpu.vector_load %parallel_loop3A_647[%parallel_loop3A_648, %parallel_loop3A_649] {strides = array<i32>} : memref<16x1024xf32, #tpu.memory_space<vmem>>, vector<16xf32>,
        tpu.vector_store %parallel_loop3A_647[%parallel_loop3A_648, %parallel_loop3A_649], %parallel_loop3A_642 {strides = array<i32>} : memref<16x1024xf32, #tpu.memory_space<vmem>>, vector<16xf32>,
        %parallel_loop3A_651 = arith.constant 0 : i32
        %parallel_loop3A_652 = arith.constant 14 : i32
        %parallel_loop3A_653 = arith.index_cast %parallel_loop3A_651 : i32 to index
        %parallel_loop3A_654 = arith.index_cast %parallel_loop3A_652 : i32 to index
        %parallel_loop3A_655 = memref.load %arg16[%parallel_loop3A_653, %parallel_loop3A_654] : memref<2x16xf32, #tpu.memory_space<smem>>
        %parallel_loop3A_656 = arith.constant 1 : i32
        %parallel_loop3A_657 = arith.constant 14 : i32
        %parallel_loop3A_658 = arith.index_cast %parallel_loop3A_656 : i32 to index
        %parallel_loop3A_659 = arith.index_cast %parallel_loop3A_657 : i32 to index
        %parallel_loop3A_660 = memref.load %arg16[%parallel_loop3A_658, %parallel_loop3A_659] : memref<2x16xf32, #tpu.memory_space<smem>>
        %parallel_loop3A_661 = arith.constant 14 : i32
        %parallel_loop3A_662 = arith.constant 0 : i32
        %parallel_loop3A_663 = arith.constant 0 : i32
        %parallel_loop3A_664 = tpu.memref_slice %arg11[%parallel_loop3A_110, %parallel_loop3A_662, %parallel_loop3A_663] : memref<2x16x1024xf32, #tpu.memory_space<vmem>> -> memref<1x16x1024xf32, #tpu.memory_space<vmem>>
        %parallel_loop3A_665 = tpu.memref_squeeze %parallel_loop3A_664 : memref<1x16x1024xf32, #tpu.memory_space<vmem>> -> memref<16x1024xf32, #tpu.memory_space<vmem>>
        %parallel_loop3A_666 = arith.index_cast %parallel_loop3A_661 : i32 to index
        %parallel_loop3A_667 = arith.index_cast %parallel_loop3A_198 : i32 to index
        %parallel_loop3A_668 = tpu.vector_load %parallel_loop3A_665[%parallel_loop3A_666, %parallel_loop3A_667] {strides = array<i32>} : memref<16x1024xf32, #tpu.memory_space<vmem>>, vector<16xf32>,
        %parallel_loop3A_669 = vector.broadcast %parallel_loop3A_655 : f32 to vector<16xf32>
        %parallel_loop3A_670 = arith.mulf %parallel_loop3A_668, %parallel_loop3A_669 : vector<16xf32>
        %parallel_loop3A_671 = vector.broadcast %parallel_loop3A_660 : f32 to vector<16xf32>
        %parallel_loop3A_672 = arith.addf %parallel_loop3A_670, %parallel_loop3A_671 : vector<16xf32>
        %parallel_loop3A_673 = arith.mulf %parallel_loop3A_672, %parallel_loop3A_200 : vector<16xf32>
        %parallel_loop3A_674 = arith.addf %parallel_loop3A_673, %parallel_loop3A_202 : vector<16xf32>
        %parallel_loop3A_675 = arith.constant 14 : i32
        %parallel_loop3A_676 = arith.constant 0 : i32
        %parallel_loop3A_677 = arith.constant 0 : i32
        %parallel_loop3A_678 = tpu.memref_slice %arg13[%parallel_loop3A_111, %parallel_loop3A_676, %parallel_loop3A_677] : memref<2x16x1024xf32, #tpu.memory_space<vmem>> -> memref<1x16x1024xf32, #tpu.memory_space<vmem>>
        %parallel_loop3A_679 = tpu.memref_squeeze %parallel_loop3A_678 : memref<1x16x1024xf32, #tpu.memory_space<vmem>> -> memref<16x1024xf32, #tpu.memory_space<vmem>>
        %parallel_loop3A_680 = arith.index_cast %parallel_loop3A_675 : i32 to index
        %parallel_loop3A_681 = arith.index_cast %parallel_loop3A_198 : i32 to index
        %parallel_loop3A_682 = tpu.vector_load %parallel_loop3A_679[%parallel_loop3A_680, %parallel_loop3A_681] {strides = array<i32>} : memref<16x1024xf32, #tpu.memory_space<vmem>>, vector<16xf32>,
        tpu.vector_store %parallel_loop3A_679[%parallel_loop3A_680, %parallel_loop3A_681], %parallel_loop3A_674 {strides = array<i32>} : memref<16x1024xf32, #tpu.memory_space<vmem>>, vector<16xf32>,
        %parallel_loop3A_683 = arith.constant 0 : i32
        %parallel_loop3A_684 = arith.constant 15 : i32
        %parallel_loop3A_685 = arith.index_cast %parallel_loop3A_683 : i32 to index
        %parallel_loop3A_686 = arith.index_cast %parallel_loop3A_684 : i32 to index
        %parallel_loop3A_687 = memref.load %arg16[%parallel_loop3A_685, %parallel_loop3A_686] : memref<2x16xf32, #tpu.memory_space<smem>>
        %parallel_loop3A_688 = arith.constant 1 : i32
        %parallel_loop3A_689 = arith.constant 15 : i32
        %parallel_loop3A_690 = arith.index_cast %parallel_loop3A_688 : i32 to index
        %parallel_loop3A_691 = arith.index_cast %parallel_loop3A_689 : i32 to index
        %parallel_loop3A_692 = memref.load %arg16[%parallel_loop3A_690, %parallel_loop3A_691] : memref<2x16xf32, #tpu.memory_space<smem>>
        %parallel_loop3A_693 = arith.constant 15 : i32
        %parallel_loop3A_694 = arith.constant 0 : i32
        %parallel_loop3A_695 = arith.constant 0 : i32
        %parallel_loop3A_696 = tpu.memref_slice %arg11[%parallel_loop3A_110, %parallel_loop3A_694, %parallel_loop3A_695] : memref<2x16x1024xf32, #tpu.memory_space<vmem>> -> memref<1x16x1024xf32, #tpu.memory_space<vmem>>
        %parallel_loop3A_697 = tpu.memref_squeeze %parallel_loop3A_696 : memref<1x16x1024xf32, #tpu.memory_space<vmem>> -> memref<16x1024xf32, #tpu.memory_space<vmem>>
        %parallel_loop3A_698 = arith.index_cast %parallel_loop3A_693 : i32 to index
        %parallel_loop3A_699 = arith.index_cast %parallel_loop3A_198 : i32 to index
        %parallel_loop3A_700 = tpu.vector_load %parallel_loop3A_697[%parallel_loop3A_698, %parallel_loop3A_699] {strides = array<i32>} : memref<16x1024xf32, #tpu.memory_space<vmem>>, vector<16xf32>,
        %parallel_loop3A_701 = vector.broadcast %parallel_loop3A_687 : f32 to vector<16xf32>
        %parallel_loop3A_702 = arith.mulf %parallel_loop3A_700, %parallel_loop3A_701 : vector<16xf32>
        %parallel_loop3A_703 = vector.broadcast %parallel_loop3A_692 : f32 to vector<16xf32>
        %parallel_loop3A_704 = arith.addf %parallel_loop3A_702, %parallel_loop3A_703 : vector<16xf32>
        %parallel_loop3A_705 = arith.mulf %parallel_loop3A_704, %parallel_loop3A_200 : vector<16xf32>
        %parallel_loop3A_706 = arith.addf %parallel_loop3A_705, %parallel_loop3A_202 : vector<16xf32>
        %parallel_loop3A_707 = arith.constant 15 : i32
        %parallel_loop3A_708 = arith.constant 0 : i32
        %parallel_loop3A_709 = arith.constant 0 : i32
        %parallel_loop3A_710 = tpu.memref_slice %arg13[%parallel_loop3A_111, %parallel_loop3A_708, %parallel_loop3A_709] : memref<2x16x1024xf32, #tpu.memory_space<vmem>> -> memref<1x16x1024xf32, #tpu.memory_space<vmem>>
        %parallel_loop3A_711 = tpu.memref_squeeze %parallel_loop3A_710 : memref<1x16x1024xf32, #tpu.memory_space<vmem>> -> memref<16x1024xf32, #tpu.memory_space<vmem>>
        %parallel_loop3A_712 = arith.index_cast %parallel_loop3A_707 : i32 to index
        %parallel_loop3A_713 = arith.index_cast %parallel_loop3A_198 : i32 to index
        %parallel_loop3A_714 = tpu.vector_load %parallel_loop3A_711[%parallel_loop3A_712, %parallel_loop3A_713] {strides = array<i32>} : memref<16x1024xf32, #tpu.memory_space<vmem>>, vector<16xf32>,
        tpu.vector_store %parallel_loop3A_711[%parallel_loop3A_712, %parallel_loop3A_713], %parallel_loop3A_706 {strides = array<i32>} : memref<16x1024xf32, #tpu.memory_space<vmem>>, vector<16xf32>,
      } {sc.loop_unroll_factor = 8 : i64, sc.parallel_access}
      %add3A_112 = arith.addi %mul3A_2, %min3A_81 : i32
      %dma_start3A_113 = arith.constant 0 : i32
      %dma_start3A_114 = arith.constant 0 : i32
      %dma_start3A_115 = arith.constant 0 : i32
      %dma_start3A_116 = tpu.memref_slice %arg13[%dma_start3A_113, %dma_start3A_114, %dma_start3A_115] : memref<2x16x1024xf32, #tpu.memory_space<vmem>> -> memref<1x16x1024xf32, #tpu.memory_space<vmem>>
      %dma_start3A_117 = tpu.memref_squeeze %dma_start3A_116 : memref<1x16x1024xf32, #tpu.memory_space<vmem>> -> memref<16x1024xf32, #tpu.memory_space<vmem>>
      %dma_start3A_118 = arith.constant 0 : i32
      %dma_start3A_119 = tpu.memref_slice %arg8[%add3A_112, %dma_start3A_118] : memref<96000x1024xf32, #tpu.memory_space<hbm>> -> memref<16x1024xf32, #tpu.memory_space<hbm>>
      %dma_start3A_120 = arith.constant 0 : i32
      %dma_start3A_121 = tpu.memref_slice %arg8[%add3A_112, %dma_start3A_120] : memref<96000x1024xf32, #tpu.memory_space<hbm>> -> memref<16x1024xf32, #tpu.memory_space<hbm>>
      %dma_start3A_122 = arith.constant 0 : i32
      %dma_start3A_123 = arith.constant 0 : i32
      %dma_start3A_124 = tpu.memref_slice %arg13[%dma_start3A_113, %dma_start3A_122, %dma_start3A_123] : memref<2x16x1024xf32, #tpu.memory_space<vmem>> -> memref<1x16x1024xf32, #tpu.memory_space<vmem>>
      %dma_start3A_125 = tpu.memref_squeeze %dma_start3A_124 : memref<1x16x1024xf32, #tpu.memory_space<vmem>> -> memref<16x1024xf32, #tpu.memory_space<vmem>>
      tpu.enqueue_dma source(%dma_start3A_125 : memref<16x1024xf32, #tpu.memory_space<vmem>>) target(%dma_start3A_121 : memref<16x1024xf32, #tpu.memory_space<hbm>>) target_semaphore(%arg19 : memref<!tpu.dma_semaphore, #tpu.memory_space<semaphore_mem>>)
      %add3A_126 = arith.constant 2 : i32
      %add3A_127 = arith.addi %mul3A_77, %add3A_126 : i32
      %lt3A = arith.constant 188 : i32
      %lt3A_128 = arith.cmpi slt, %add3A_127, %lt3A : i32
      %convert_element_type3A_129 = arith.extui %lt3A_128 : i1 to i32
      %cond3A_130 = arith.constant 0 : i32
      %cond3A_131 = arith.cmpi ne, %convert_element_type3A_129, %cond3A_130 : i32
      scf.if %cond3A_131 {
        %add3A_196 = arith.constant 2 : i32
        %add3A_197 = arith.addi %mul3A_77, %add3A_196 : i32
        %mul3A_198 = arith.constant 16 : i32
        %mul3A_199 = arith.muli %add3A_197, %mul3A_198 : i32
        %min3A_200 = arith.constant 2984 : i32
        %min3A_201 = arith.minsi %mul3A_199, %min3A_200 : i32
        %dma_start3A_202 = arith.constant 0 : i32
        %dma_start3A_203 = arith.constant 0 : i32
        %dma_start3A_204 = arith.constant 0 : i32
        %dma_start3A_205 = tpu.memref_slice %arg11[%dma_start3A_202, %dma_start3A_203, %dma_start3A_204] : memref<2x16x1024xf32, #tpu.memory_space<vmem>> -> memref<1x16x1024xf32, #tpu.memory_space<vmem>>
        %dma_start3A_206 = tpu.memref_squeeze %dma_start3A_205 : memref<1x16x1024xf32, #tpu.memory_space<vmem>> -> memref<16x1024xf32, #tpu.memory_space<vmem>>
        %dma_start3A_207 = tpu.memref_slice %arg9[%min3A_201] : memref<3000xi32, #tpu.memory_space<vmem>> -> memref<16xi32, #tpu.memory_space<vmem>>
        %dma_start3A_208 = arith.constant 0 : i32
        %dma_start3A_209 = arith.constant 0 : i32
        %dma_start3A_210 = tpu.memref_slice %arg4[%dma_start3A_208, %dma_start3A_209] : memref<51865x1024xf32, #tpu.memory_space<hbm>> -> memref<51865x1024xf32, #tpu.memory_space<hbm>>
        tpu.enqueue_indirect_dma source(%dma_start3A_210 : memref<51865x1024xf32, #tpu.memory_space<hbm>>) target(%dma_start3A_206 : memref<16x1024xf32, #tpu.memory_space<vmem>>) offsets(%dma_start3A_207 : memref<16xi32, #tpu.memory_space<vmem>>) semaphore(%arg17 : memref<!tpu.dma_semaphore, #tpu.memory_space<semaphore_mem>>)
        %dma_start3A_211 = arith.constant 0 : i32
        %dma_start3A_212 = arith.constant 0 : i32
        %dma_start3A_213 = arith.constant 0 : i32
        %dma_start3A_214 = tpu.memref_slice %arg12[%dma_start3A_211, %dma_start3A_212, %dma_start3A_213] : memref<2x16x512xf32, #tpu.memory_space<vmem>> -> memref<1x16x512xf32, #tpu.memory_space<vmem>>
        %dma_start3A_215 = tpu.memref_squeeze %dma_start3A_214 : memref<1x16x512xf32, #tpu.memory_space<vmem>> -> memref<16x512xf32, #tpu.memory_space<vmem>>
        %dma_start3A_216 = tpu.memref_slice %arg10[%min3A_201] : memref<3000xi32, #tpu.memory_space<vmem>> -> memref<16xi32, #tpu.memory_space<vmem>>
        %dma_start3A_217 = arith.constant 0 : i32
        %dma_start3A_218 = arith.constant 0 : i32
        %dma_start3A_219 = tpu.memref_slice %arg5[%dma_start3A_217, %dma_start3A_218] : memref<1500x512xf32, #tpu.memory_space<hbm>> -> memref<1500x512xf32, #tpu.memory_space<hbm>>
        tpu.enqueue_indirect_dma source(%dma_start3A_219 : memref<1500x512xf32, #tpu.memory_space<hbm>>) target(%dma_start3A_215 : memref<16x512xf32, #tpu.memory_space<vmem>>) offsets(%dma_start3A_216 : memref<16xi32, #tpu.memory_space<vmem>>) semaphore(%arg17 : memref<!tpu.dma_semaphore, #tpu.memory_space<semaphore_mem>>)
      } else {
      }
      %mul3A_132 = arith.constant 2 : i32
      %mul3A_133 = arith.muli %mul3A_132, %scan3A_74 : i32
      %add3A_134 = arith.constant 1 : i32
      %add3A_135 = arith.addi %mul3A_133, %add3A_134 : i32
      %mul3A_136 = arith.constant 16 : i32
      %mul3A_137 = arith.muli %add3A_135, %mul3A_136 : i32
      %min3A_138 = arith.constant 2984 : i32
      %min3A_139 = arith.minsi %mul3A_137, %min3A_138 : i32
      %dma_wait3A_140 = arith.constant 1 : i32
      %dma_wait3A_141 = arith.constant 0 : i32
      %dma_wait3A_142 = arith.constant 0 : i32
      %dma_wait3A_143 = tpu.memref_slice %arg11[%dma_wait3A_140, %dma_wait3A_141, %dma_wait3A_142] : memref<2x16x1024xf32, #tpu.memory_space<vmem>> -> memref<1x16x1024xf32, #tpu.memory_space<vmem>>
      %dma_wait3A_144 = tpu.memref_squeeze %dma_wait3A_143 : memref<1x16x1024xf32, #tpu.memory_space<vmem>> -> memref<16x1024xf32, #tpu.memory_space<vmem>>
      %dma_wait3A_145 = tpu.memref_slice %arg9[%min3A_139] : memref<3000xi32, #tpu.memory_space<vmem>> -> memref<16xi32, #tpu.memory_space<vmem>>
      %dma_wait3A_146 = arith.constant 0 : i32
      %dma_wait3A_147 = arith.constant 0 : i32
      %dma_wait3A_148 = tpu.memref_slice %arg4[%dma_wait3A_146, %dma_wait3A_147] : memref<51865x1024xf32, #tpu.memory_space<hbm>> -> memref<51865x1024xf32, #tpu.memory_space<hbm>>
      tpu.wait_indirect_dma semaphore(%arg18 : memref<!tpu.dma_semaphore, #tpu.memory_space<semaphore_mem>>) src(%dma_wait3A_148 : memref<51865x1024xf32, #tpu.memory_space<hbm>>) dst(%dma_wait3A_144 : memref<16x1024xf32, #tpu.memory_space<vmem>>)
      %dma_wait3A_149 = arith.constant 1 : i32
      %dma_wait3A_150 = arith.constant 0 : i32
      %dma_wait3A_151 = arith.constant 0 : i32
      %dma_wait3A_152 = tpu.memref_slice %arg12[%dma_wait3A_149, %dma_wait3A_150, %dma_wait3A_151] : memref<2x16x512xf32, #tpu.memory_space<vmem>> -> memref<1x16x512xf32, #tpu.memory_space<vmem>>
      %dma_wait3A_153 = tpu.memref_squeeze %dma_wait3A_152 : memref<1x16x512xf32, #tpu.memory_space<vmem>> -> memref<16x512xf32, #tpu.memory_space<vmem>>
      %dma_wait3A_154 = tpu.memref_slice %arg10[%min3A_139] : memref<3000xi32, #tpu.memory_space<vmem>> -> memref<16xi32, #tpu.memory_space<vmem>>
      %dma_wait3A_155 = arith.constant 0 : i32
      %dma_wait3A_156 = arith.constant 0 : i32
      %dma_wait3A_157 = tpu.memref_slice %arg5[%dma_wait3A_155, %dma_wait3A_156] : memref<1500x512xf32, #tpu.memory_space<hbm>> -> memref<1500x512xf32, #tpu.memory_space<hbm>>
      tpu.wait_indirect_dma semaphore(%arg18 : memref<!tpu.dma_semaphore, #tpu.memory_space<semaphore_mem>>) src(%dma_wait3A_157 : memref<1500x512xf32, #tpu.memory_space<hbm>>) dst(%dma_wait3A_153 : memref<16x512xf32, #tpu.memory_space<vmem>>)
      %parallel_loop3A_158 = arith.constant 0 : i32
      %parallel_loop3A_159 = arith.constant 16 : i32
      %parallel_loop3A_160 = arith.constant 1 : i32
      %parallel_loop3A_161 = arith.constant 1 : i32
      %parallel_loop3A_162 = arith.constant 1 : i32
      scf.for %parallel_loop3A_196 = %parallel_loop3A_158 to %parallel_loop3A_159 step %parallel_loop3A_160  : i32 {
        %parallel_loop3A_197 = arith.constant 0.000000e+00 : f32
        %parallel_loop3A_198 = vector.broadcast %parallel_loop3A_197 : f32 to vector<16xf32>
        %parallel_loop3A_199 = arith.constant 0 : i32
        %parallel_loop3A_200 = arith.constant 32 : i32
        %parallel_loop3A_201 = arith.constant 1 : i32
        %parallel_loop3A_202:4 = scf.for %parallel_loop3A_252 = %parallel_loop3A_199 to %parallel_loop3A_200 step %parallel_loop3A_201 iter_args(%parallel_loop3A_253 = %parallel_loop3A_198, %parallel_loop3A_254 = %parallel_loop3A_198, %parallel_loop3A_255 = %parallel_loop3A_198, %parallel_loop3A_256 = %parallel_loop3A_198) -> (vector<16xf32>, vector<16xf32>, vector<16xf32>, vector<16xf32>)  : i32 {
          %parallel_loop3A_257 = arith.constant 16 : i32
          %parallel_loop3A_258 = arith.muli %parallel_loop3A_252, %parallel_loop3A_257 : i32
          %parallel_loop3A_259 = arith.constant 0 : i32
          %parallel_loop3A_260 = arith.constant 0 : i32
          %parallel_loop3A_261 = tpu.memref_slice %arg12[%parallel_loop3A_161, %parallel_loop3A_259, %parallel_loop3A_260] : memref<2x16x512xf32, #tpu.memory_space<vmem>> -> memref<1x16x512xf32, #tpu.memory_space<vmem>>
          %parallel_loop3A_262 = tpu.memref_squeeze %parallel_loop3A_261 : memref<1x16x512xf32, #tpu.memory_space<vmem>> -> memref<16x512xf32, #tpu.memory_space<vmem>>
          %parallel_loop3A_263 = arith.index_cast %parallel_loop3A_196 : i32 to index
          %parallel_loop3A_264 = arith.index_cast %parallel_loop3A_258 : i32 to index
          %parallel_loop3A_265 = tpu.vector_load %parallel_loop3A_262[%parallel_loop3A_263, %parallel_loop3A_264] {strides = array<i32>} : memref<16x512xf32, #tpu.memory_space<vmem>>, vector<16xf32>,
          %parallel_loop3A_266 = tpu.bitcast %parallel_loop3A_265 : vector<16xf32> -> vector<16xi32>
          %parallel_loop3A_267 = arith.constant 16 : i32
          %parallel_loop3A_268 = vector.broadcast %parallel_loop3A_267 : i32 to vector<16xi32>
          %parallel_loop3A_269 = arith.shli %parallel_loop3A_266, %parallel_loop3A_268 : vector<16xi32>
          %parallel_loop3A_270 = tpu.bitcast %parallel_loop3A_269 : vector<16xi32> -> vector<16xf32>
          %parallel_loop3A_271 = arith.constant -65536 : i32
          %parallel_loop3A_272 = vector.broadcast %parallel_loop3A_271 : i32 to vector<16xi32>
          %parallel_loop3A_273 = arith.andi %parallel_loop3A_266, %parallel_loop3A_272 : vector<16xi32>
          %parallel_loop3A_274 = tpu.bitcast %parallel_loop3A_273 : vector<16xi32> -> vector<16xf32>
          %parallel_loop3A_275 = arith.constant 16 : i32
          %parallel_loop3A_276 = arith.muli %parallel_loop3A_252, %parallel_loop3A_275 : i32
          %parallel_loop3A_277 = arith.constant 0 : i32
          %parallel_loop3A_278 = arith.constant 0 : i32
          %parallel_loop3A_279 = tpu.memref_slice %arg11[%parallel_loop3A_162, %parallel_loop3A_277, %parallel_loop3A_278] : memref<2x16x1024xf32, #tpu.memory_space<vmem>> -> memref<1x16x1024xf32, #tpu.memory_space<vmem>>
          %parallel_loop3A_280 = tpu.memref_squeeze %parallel_loop3A_279 : memref<1x16x1024xf32, #tpu.memory_space<vmem>> -> memref<16x1024xf32, #tpu.memory_space<vmem>>
          %parallel_loop3A_281 = arith.index_cast %parallel_loop3A_196 : i32 to index
          %parallel_loop3A_282 = arith.index_cast %parallel_loop3A_276 : i32 to index
          %parallel_loop3A_283 = tpu.vector_load %parallel_loop3A_280[%parallel_loop3A_281, %parallel_loop3A_282] {strides = array<i32>} : memref<16x1024xf32, #tpu.memory_space<vmem>>, vector<16xf32>,
          %parallel_loop3A_284 = arith.addf %parallel_loop3A_283, %parallel_loop3A_270 : vector<16xf32>
          %parallel_loop3A_285 = arith.constant 0 : i32
          %parallel_loop3A_286 = arith.constant 0 : i32
          %parallel_loop3A_287 = tpu.memref_slice %arg11[%parallel_loop3A_162, %parallel_loop3A_285, %parallel_loop3A_286] : memref<2x16x1024xf32, #tpu.memory_space<vmem>> -> memref<1x16x1024xf32, #tpu.memory_space<vmem>>
          %parallel_loop3A_288 = tpu.memref_squeeze %parallel_loop3A_287 : memref<1x16x1024xf32, #tpu.memory_space<vmem>> -> memref<16x1024xf32, #tpu.memory_space<vmem>>
          %parallel_loop3A_289 = arith.index_cast %parallel_loop3A_196 : i32 to index
          %parallel_loop3A_290 = arith.index_cast %parallel_loop3A_276 : i32 to index
          %parallel_loop3A_291 = tpu.vector_load %parallel_loop3A_288[%parallel_loop3A_289, %parallel_loop3A_290] {strides = array<i32>} : memref<16x1024xf32, #tpu.memory_space<vmem>>, vector<16xf32>,
          tpu.vector_store %parallel_loop3A_288[%parallel_loop3A_289, %parallel_loop3A_290], %parallel_loop3A_284 {strides = array<i32>} : memref<16x1024xf32, #tpu.memory_space<vmem>>, vector<16xf32>,
          %parallel_loop3A_292 = arith.addf %parallel_loop3A_253, %parallel_loop3A_284 : vector<16xf32>
          %parallel_loop3A_293 = arith.mulf %parallel_loop3A_284, %parallel_loop3A_284 : vector<16xf32>
          %parallel_loop3A_294 = arith.addf %parallel_loop3A_254, %parallel_loop3A_293 : vector<16xf32>
          %parallel_loop3A_295 = arith.constant 32 : i32
          %parallel_loop3A_296 = arith.addi %parallel_loop3A_252, %parallel_loop3A_295 : i32
          %parallel_loop3A_297 = arith.constant 16 : i32
          %parallel_loop3A_298 = arith.muli %parallel_loop3A_296, %parallel_loop3A_297 : i32
          %parallel_loop3A_299 = arith.constant 0 : i32
          %parallel_loop3A_300 = arith.constant 0 : i32
          %parallel_loop3A_301 = tpu.memref_slice %arg11[%parallel_loop3A_162, %parallel_loop3A_299, %parallel_loop3A_300] : memref<2x16x1024xf32, #tpu.memory_space<vmem>> -> memref<1x16x1024xf32, #tpu.memory_space<vmem>>
          %parallel_loop3A_302 = tpu.memref_squeeze %parallel_loop3A_301 : memref<1x16x1024xf32, #tpu.memory_space<vmem>> -> memref<16x1024xf32, #tpu.memory_space<vmem>>
          %parallel_loop3A_303 = arith.index_cast %parallel_loop3A_196 : i32 to index
          %parallel_loop3A_304 = arith.index_cast %parallel_loop3A_298 : i32 to index
          %parallel_loop3A_305 = tpu.vector_load %parallel_loop3A_302[%parallel_loop3A_303, %parallel_loop3A_304] {strides = array<i32>} : memref<16x1024xf32, #tpu.memory_space<vmem>>, vector<16xf32>,
          %parallel_loop3A_306 = arith.addf %parallel_loop3A_305, %parallel_loop3A_274 : vector<16xf32>
          %parallel_loop3A_307 = arith.constant 0 : i32
          %parallel_loop3A_308 = arith.constant 0 : i32
          %parallel_loop3A_309 = tpu.memref_slice %arg11[%parallel_loop3A_162, %parallel_loop3A_307, %parallel_loop3A_308] : memref<2x16x1024xf32, #tpu.memory_space<vmem>> -> memref<1x16x1024xf32, #tpu.memory_space<vmem>>
          %parallel_loop3A_310 = tpu.memref_squeeze %parallel_loop3A_309 : memref<1x16x1024xf32, #tpu.memory_space<vmem>> -> memref<16x1024xf32, #tpu.memory_space<vmem>>
          %parallel_loop3A_311 = arith.index_cast %parallel_loop3A_196 : i32 to index
          %parallel_loop3A_312 = arith.index_cast %parallel_loop3A_298 : i32 to index
          %parallel_loop3A_313 = tpu.vector_load %parallel_loop3A_310[%parallel_loop3A_311, %parallel_loop3A_312] {strides = array<i32>} : memref<16x1024xf32, #tpu.memory_space<vmem>>, vector<16xf32>,
          tpu.vector_store %parallel_loop3A_310[%parallel_loop3A_311, %parallel_loop3A_312], %parallel_loop3A_306 {strides = array<i32>} : memref<16x1024xf32, #tpu.memory_space<vmem>>, vector<16xf32>,
          %parallel_loop3A_314 = arith.addf %parallel_loop3A_255, %parallel_loop3A_306 : vector<16xf32>
          %parallel_loop3A_315 = arith.mulf %parallel_loop3A_306, %parallel_loop3A_306 : vector<16xf32>
          %parallel_loop3A_316 = arith.addf %parallel_loop3A_256, %parallel_loop3A_315 : vector<16xf32>
          scf.yield %parallel_loop3A_292, %parallel_loop3A_294, %parallel_loop3A_314, %parallel_loop3A_316 : vector<16xf32>, vector<16xf32>, vector<16xf32>, vector<16xf32>
        } {sc.loop_unroll_factor = 8 : i64, sc.parallel_access}
        %parallel_loop3A_203 = arith.addf %parallel_loop3A_202#0, %parallel_loop3A_202#2 : vector<16xf32>
        %parallel_loop3A_204 = arith.constant true
        %parallel_loop3A_205 = vector.broadcast %parallel_loop3A_204 : i1 to vector<16xi1>
        %parallel_loop3A_206 = tpu.scan <sum>, %parallel_loop3A_203 masked %parallel_loop3A_205 : vector<16xf32>, vector<16xi1> -> vector<16xf32>
        %parallel_loop3A_207 = vector.extract %parallel_loop3A_206[15] : f32 from vector<16xf32>
        %parallel_loop3A_208 = arith.constant 9.765625E-4 : f32
        %parallel_loop3A_209 = arith.mulf %parallel_loop3A_207, %parallel_loop3A_208 : f32
        %parallel_loop3A_210 = arith.addf %parallel_loop3A_202#1, %parallel_loop3A_202#3 : vector<16xf32>
        %parallel_loop3A_211 = arith.constant true
        %parallel_loop3A_212 = vector.broadcast %parallel_loop3A_211 : i1 to vector<16xi1>
        %parallel_loop3A_213 = tpu.scan <sum>, %parallel_loop3A_210 masked %parallel_loop3A_212 : vector<16xf32>, vector<16xi1> -> vector<16xf32>
        %parallel_loop3A_214 = vector.extract %parallel_loop3A_213[15] : f32 from vector<16xf32>
        %parallel_loop3A_215 = arith.constant 9.765625E-4 : f32
        %parallel_loop3A_216 = arith.mulf %parallel_loop3A_214, %parallel_loop3A_215 : f32
        %parallel_loop3A_217 = arith.mulf %parallel_loop3A_209, %parallel_loop3A_209 : f32
        %parallel_loop3A_218 = arith.subf %parallel_loop3A_216, %parallel_loop3A_217 : f32
        %parallel_loop3A_219 = arith.constant 9.99999974E-6 : f32
        %parallel_loop3A_220 = arith.addf %parallel_loop3A_218, %parallel_loop3A_219 : f32
        %parallel_loop3A_221 = arith.bitcast %parallel_loop3A_220 : f32 to i32
        %parallel_loop3A_222 = arith.constant 1 : i32
        %parallel_loop3A_223 = arith.shrsi %parallel_loop3A_221, %parallel_loop3A_222 : i32
        %parallel_loop3A_224 = arith.constant 1597463007 : i32
        %parallel_loop3A_225 = arith.subi %parallel_loop3A_224, %parallel_loop3A_223 : i32
        %parallel_loop3A_226 = arith.bitcast %parallel_loop3A_225 : i32 to f32
        %parallel_loop3A_227 = arith.constant 5.000000e-01 : f32
        %parallel_loop3A_228 = arith.mulf %parallel_loop3A_227, %parallel_loop3A_220 : f32
        %parallel_loop3A_229 = arith.mulf %parallel_loop3A_228, %parallel_loop3A_226 : f32
        %parallel_loop3A_230 = arith.mulf %parallel_loop3A_229, %parallel_loop3A_226 : f32
        %parallel_loop3A_231 = arith.constant 1.500000e+00 : f32
        %parallel_loop3A_232 = arith.subf %parallel_loop3A_231, %parallel_loop3A_230 : f32
        %parallel_loop3A_233 = arith.mulf %parallel_loop3A_226, %parallel_loop3A_232 : f32
        %parallel_loop3A_234 = arith.constant 5.000000e-01 : f32
        %parallel_loop3A_235 = arith.mulf %parallel_loop3A_234, %parallel_loop3A_220 : f32
        %parallel_loop3A_236 = arith.mulf %parallel_loop3A_235, %parallel_loop3A_233 : f32
        %parallel_loop3A_237 = arith.mulf %parallel_loop3A_236, %parallel_loop3A_233 : f32
        %parallel_loop3A_238 = arith.constant 1.500000e+00 : f32
        %parallel_loop3A_239 = arith.subf %parallel_loop3A_238, %parallel_loop3A_237 : f32
        %parallel_loop3A_240 = arith.mulf %parallel_loop3A_233, %parallel_loop3A_239 : f32
        %parallel_loop3A_241 = arith.constant 0 : i32
        %parallel_loop3A_242 = arith.index_cast %parallel_loop3A_241 : i32 to index
        %parallel_loop3A_243 = arith.index_cast %parallel_loop3A_196 : i32 to index
        %parallel_loop3A_244 = memref.load %arg16[%parallel_loop3A_242, %parallel_loop3A_243] : memref<2x16xf32, #tpu.memory_space<smem>>
        memref.store %parallel_loop3A_240, %arg16[%parallel_loop3A_242, %parallel_loop3A_243] : memref<2x16xf32, #tpu.memory_space<smem>>
        %parallel_loop3A_245 = arith.constant 0.000000e+00 : f32
        %parallel_loop3A_246 = arith.subf %parallel_loop3A_245, %parallel_loop3A_209 : f32
        %parallel_loop3A_247 = arith.mulf %parallel_loop3A_246, %parallel_loop3A_240 : f32
        %parallel_loop3A_248 = arith.constant 1 : i32
        %parallel_loop3A_249 = arith.index_cast %parallel_loop3A_248 : i32 to index
        %parallel_loop3A_250 = arith.index_cast %parallel_loop3A_196 : i32 to index
        %parallel_loop3A_251 = memref.load %arg16[%parallel_loop3A_249, %parallel_loop3A_250] : memref<2x16xf32, #tpu.memory_space<smem>>
        memref.store %parallel_loop3A_247, %arg16[%parallel_loop3A_249, %parallel_loop3A_250] : memref<2x16xf32, #tpu.memory_space<smem>>
      } {sc.loop_unroll_factor = 4 : i64, sc.parallel_access}
      %ge3A_163 = arith.constant 2 : i32
      %ge3A_164 = arith.cmpi sge, %add3A_135, %ge3A_163 : i32
      %convert_element_type3A_165 = arith.extui %ge3A_164 : i1 to i32
      %cond3A_166 = arith.constant 1 : i32
      %cond3A_167 = arith.constant 0 : i32
      %cond3A_168 = arith.cmpi ne, %convert_element_type3A_165, %cond3A_167 : i32
      scf.if %cond3A_168 {
        %dma_wait3A_196 = arith.constant 0 : i32
        %dma_wait3A_197 = arith.constant 0 : i32
        %dma_wait3A_198 = tpu.memref_slice %arg13[%cond3A_166, %dma_wait3A_196, %dma_wait3A_197] : memref<2x16x1024xf32, #tpu.memory_space<vmem>> -> memref<1x16x1024xf32, #tpu.memory_space<vmem>>
        %dma_wait3A_199 = tpu.memref_squeeze %dma_wait3A_198 : memref<1x16x1024xf32, #tpu.memory_space<vmem>> -> memref<16x1024xf32, #tpu.memory_space<vmem>>
        %dma_wait3A_200 = arith.constant 0 : i32
        %dma_wait3A_201 = tpu.memref_slice %arg8[%mul3A_2, %dma_wait3A_200] : memref<96000x1024xf32, #tpu.memory_space<hbm>> -> memref<16x1024xf32, #tpu.memory_space<hbm>>
        %dma_wait3A_202 = arith.constant 0 : i32
        %dma_wait3A_203 = tpu.memref_slice %arg8[%mul3A_2, %dma_wait3A_202] : memref<96000x1024xf32, #tpu.memory_space<hbm>> -> memref<16x1024xf32, #tpu.memory_space<hbm>>
        %dma_wait3A_204 = arith.constant 0 : i32
        %dma_wait3A_205 = arith.constant 0 : i32
        %dma_wait3A_206 = tpu.memref_slice %arg13[%cond3A_166, %dma_wait3A_204, %dma_wait3A_205] : memref<2x16x1024xf32, #tpu.memory_space<vmem>> -> memref<1x16x1024xf32, #tpu.memory_space<vmem>>
        %dma_wait3A_207 = tpu.memref_squeeze %dma_wait3A_206 : memref<1x16x1024xf32, #tpu.memory_space<vmem>> -> memref<16x1024xf32, #tpu.memory_space<vmem>>
        tpu.wait_dma2 semaphore(%arg20 : memref<!tpu.dma_semaphore, #tpu.memory_space<semaphore_mem>>) src(%dma_wait3A_207 : memref<16x1024xf32, #tpu.memory_space<vmem>>) dst(%dma_wait3A_203 : memref<16x1024xf32, #tpu.memory_space<hbm>>)
      } else {
      }
      %parallel_loop3A_169 = arith.constant 0 : i32
      %parallel_loop3A_170 = arith.constant 64 : i32
      %parallel_loop3A_171 = arith.constant 1 : i32
      %parallel_loop3A_172 = arith.constant 1 : i32
      %parallel_loop3A_173 = arith.constant 1 : i32
      scf.for %parallel_loop3A_196 = %parallel_loop3A_169 to %parallel_loop3A_170 step %parallel_loop3A_171  : i32 {
        %parallel_loop3A_197 = arith.constant 16 : i32
        %parallel_loop3A_198 = arith.muli %parallel_loop3A_196, %parallel_loop3A_197 : i32
        %parallel_loop3A_199 = arith.index_cast %parallel_loop3A_198 : i32 to index
        %parallel_loop3A_200 = tpu.vector_load %arg14[%parallel_loop3A_199] {strides = array<i32>} : memref<1024xf32, #tpu.memory_space<vmem>>, vector<16xf32>,
        %parallel_loop3A_201 = arith.index_cast %parallel_loop3A_198 : i32 to index
        %parallel_loop3A_202 = tpu.vector_load %arg15[%parallel_loop3A_201] {strides = array<i32>} : memref<1024xf32, #tpu.memory_space<vmem>>, vector<16xf32>,
        %parallel_loop3A_203 = arith.constant 0 : i32
        %parallel_loop3A_204 = arith.constant 0 : i32
        %parallel_loop3A_205 = arith.index_cast %parallel_loop3A_203 : i32 to index
        %parallel_loop3A_206 = arith.index_cast %parallel_loop3A_204 : i32 to index
        %parallel_loop3A_207 = memref.load %arg16[%parallel_loop3A_205, %parallel_loop3A_206] : memref<2x16xf32, #tpu.memory_space<smem>>
        %parallel_loop3A_208 = arith.constant 1 : i32
        %parallel_loop3A_209 = arith.constant 0 : i32
        %parallel_loop3A_210 = arith.index_cast %parallel_loop3A_208 : i32 to index
        %parallel_loop3A_211 = arith.index_cast %parallel_loop3A_209 : i32 to index
        %parallel_loop3A_212 = memref.load %arg16[%parallel_loop3A_210, %parallel_loop3A_211] : memref<2x16xf32, #tpu.memory_space<smem>>
        %parallel_loop3A_213 = arith.constant 0 : i32
        %parallel_loop3A_214 = arith.constant 0 : i32
        %parallel_loop3A_215 = arith.constant 0 : i32
        %parallel_loop3A_216 = tpu.memref_slice %arg11[%parallel_loop3A_172, %parallel_loop3A_214, %parallel_loop3A_215] : memref<2x16x1024xf32, #tpu.memory_space<vmem>> -> memref<1x16x1024xf32, #tpu.memory_space<vmem>>
        %parallel_loop3A_217 = tpu.memref_squeeze %parallel_loop3A_216 : memref<1x16x1024xf32, #tpu.memory_space<vmem>> -> memref<16x1024xf32, #tpu.memory_space<vmem>>
        %parallel_loop3A_218 = arith.index_cast %parallel_loop3A_213 : i32 to index
        %parallel_loop3A_219 = arith.index_cast %parallel_loop3A_198 : i32 to index
        %parallel_loop3A_220 = tpu.vector_load %parallel_loop3A_217[%parallel_loop3A_218, %parallel_loop3A_219] {strides = array<i32>} : memref<16x1024xf32, #tpu.memory_space<vmem>>, vector<16xf32>,
        %parallel_loop3A_221 = vector.broadcast %parallel_loop3A_207 : f32 to vector<16xf32>
        %parallel_loop3A_222 = arith.mulf %parallel_loop3A_220, %parallel_loop3A_221 : vector<16xf32>
        %parallel_loop3A_223 = vector.broadcast %parallel_loop3A_212 : f32 to vector<16xf32>
        %parallel_loop3A_224 = arith.addf %parallel_loop3A_222, %parallel_loop3A_223 : vector<16xf32>
        %parallel_loop3A_225 = arith.mulf %parallel_loop3A_224, %parallel_loop3A_200 : vector<16xf32>
        %parallel_loop3A_226 = arith.addf %parallel_loop3A_225, %parallel_loop3A_202 : vector<16xf32>
        %parallel_loop3A_227 = arith.constant 0 : i32
        %parallel_loop3A_228 = arith.constant 0 : i32
        %parallel_loop3A_229 = arith.constant 0 : i32
        %parallel_loop3A_230 = tpu.memref_slice %arg13[%parallel_loop3A_173, %parallel_loop3A_228, %parallel_loop3A_229] : memref<2x16x1024xf32, #tpu.memory_space<vmem>> -> memref<1x16x1024xf32, #tpu.memory_space<vmem>>
        %parallel_loop3A_231 = tpu.memref_squeeze %parallel_loop3A_230 : memref<1x16x1024xf32, #tpu.memory_space<vmem>> -> memref<16x1024xf32, #tpu.memory_space<vmem>>
        %parallel_loop3A_232 = arith.index_cast %parallel_loop3A_227 : i32 to index
        %parallel_loop3A_233 = arith.index_cast %parallel_loop3A_198 : i32 to index
        %parallel_loop3A_234 = tpu.vector_load %parallel_loop3A_231[%parallel_loop3A_232, %parallel_loop3A_233] {strides = array<i32>} : memref<16x1024xf32, #tpu.memory_space<vmem>>, vector<16xf32>,
        tpu.vector_store %parallel_loop3A_231[%parallel_loop3A_232, %parallel_loop3A_233], %parallel_loop3A_226 {strides = array<i32>} : memref<16x1024xf32, #tpu.memory_space<vmem>>, vector<16xf32>,
        %parallel_loop3A_235 = arith.constant 0 : i32
        %parallel_loop3A_236 = arith.constant 1 : i32
        %parallel_loop3A_237 = arith.index_cast %parallel_loop3A_235 : i32 to index
        %parallel_loop3A_238 = arith.index_cast %parallel_loop3A_236 : i32 to index
        %parallel_loop3A_239 = memref.load %arg16[%parallel_loop3A_237, %parallel_loop3A_238] : memref<2x16xf32, #tpu.memory_space<smem>>
        %parallel_loop3A_240 = arith.constant 1 : i32
        %parallel_loop3A_241 = arith.constant 1 : i32
        %parallel_loop3A_242 = arith.index_cast %parallel_loop3A_240 : i32 to index
        %parallel_loop3A_243 = arith.index_cast %parallel_loop3A_241 : i32 to index
        %parallel_loop3A_244 = memref.load %arg16[%parallel_loop3A_242, %parallel_loop3A_243] : memref<2x16xf32, #tpu.memory_space<smem>>
        %parallel_loop3A_245 = arith.constant 1 : i32
        %parallel_loop3A_246 = arith.constant 0 : i32
        %parallel_loop3A_247 = arith.constant 0 : i32
        %parallel_loop3A_248 = tpu.memref_slice %arg11[%parallel_loop3A_172, %parallel_loop3A_246, %parallel_loop3A_247] : memref<2x16x1024xf32, #tpu.memory_space<vmem>> -> memref<1x16x1024xf32, #tpu.memory_space<vmem>>
        %parallel_loop3A_249 = tpu.memref_squeeze %parallel_loop3A_248 : memref<1x16x1024xf32, #tpu.memory_space<vmem>> -> memref<16x1024xf32, #tpu.memory_space<vmem>>
        %parallel_loop3A_250 = arith.index_cast %parallel_loop3A_245 : i32 to index
        %parallel_loop3A_251 = arith.index_cast %parallel_loop3A_198 : i32 to index
        %parallel_loop3A_252 = tpu.vector_load %parallel_loop3A_249[%parallel_loop3A_250, %parallel_loop3A_251] {strides = array<i32>} : memref<16x1024xf32, #tpu.memory_space<vmem>>, vector<16xf32>,
        %parallel_loop3A_253 = vector.broadcast %parallel_loop3A_239 : f32 to vector<16xf32>
        %parallel_loop3A_254 = arith.mulf %parallel_loop3A_252, %parallel_loop3A_253 : vector<16xf32>
        %parallel_loop3A_255 = vector.broadcast %parallel_loop3A_244 : f32 to vector<16xf32>
        %parallel_loop3A_256 = arith.addf %parallel_loop3A_254, %parallel_loop3A_255 : vector<16xf32>
        %parallel_loop3A_257 = arith.mulf %parallel_loop3A_256, %parallel_loop3A_200 : vector<16xf32>
        %parallel_loop3A_258 = arith.addf %parallel_loop3A_257, %parallel_loop3A_202 : vector<16xf32>
        %parallel_loop3A_259 = arith.constant 1 : i32
        %parallel_loop3A_260 = arith.constant 0 : i32
        %parallel_loop3A_261 = arith.constant 0 : i32
        %parallel_loop3A_262 = tpu.memref_slice %arg13[%parallel_loop3A_173, %parallel_loop3A_260, %parallel_loop3A_261] : memref<2x16x1024xf32, #tpu.memory_space<vmem>> -> memref<1x16x1024xf32, #tpu.memory_space<vmem>>
        %parallel_loop3A_263 = tpu.memref_squeeze %parallel_loop3A_262 : memref<1x16x1024xf32, #tpu.memory_space<vmem>> -> memref<16x1024xf32, #tpu.memory_space<vmem>>
        %parallel_loop3A_264 = arith.index_cast %parallel_loop3A_259 : i32 to index
        %parallel_loop3A_265 = arith.index_cast %parallel_loop3A_198 : i32 to index
        %parallel_loop3A_266 = tpu.vector_load %parallel_loop3A_263[%parallel_loop3A_264, %parallel_loop3A_265] {strides = array<i32>} : memref<16x1024xf32, #tpu.memory_space<vmem>>, vector<16xf32>,
        tpu.vector_store %parallel_loop3A_263[%parallel_loop3A_264, %parallel_loop3A_265], %parallel_loop3A_258 {strides = array<i32>} : memref<16x1024xf32, #tpu.memory_space<vmem>>, vector<16xf32>,
        %parallel_loop3A_267 = arith.constant 0 : i32
        %parallel_loop3A_268 = arith.constant 2 : i32
        %parallel_loop3A_269 = arith.index_cast %parallel_loop3A_267 : i32 to index
        %parallel_loop3A_270 = arith.index_cast %parallel_loop3A_268 : i32 to index
        %parallel_loop3A_271 = memref.load %arg16[%parallel_loop3A_269, %parallel_loop3A_270] : memref<2x16xf32, #tpu.memory_space<smem>>
        %parallel_loop3A_272 = arith.constant 1 : i32
        %parallel_loop3A_273 = arith.constant 2 : i32
        %parallel_loop3A_274 = arith.index_cast %parallel_loop3A_272 : i32 to index
        %parallel_loop3A_275 = arith.index_cast %parallel_loop3A_273 : i32 to index
        %parallel_loop3A_276 = memref.load %arg16[%parallel_loop3A_274, %parallel_loop3A_275] : memref<2x16xf32, #tpu.memory_space<smem>>
        %parallel_loop3A_277 = arith.constant 2 : i32
        %parallel_loop3A_278 = arith.constant 0 : i32
        %parallel_loop3A_279 = arith.constant 0 : i32
        %parallel_loop3A_280 = tpu.memref_slice %arg11[%parallel_loop3A_172, %parallel_loop3A_278, %parallel_loop3A_279] : memref<2x16x1024xf32, #tpu.memory_space<vmem>> -> memref<1x16x1024xf32, #tpu.memory_space<vmem>>
        %parallel_loop3A_281 = tpu.memref_squeeze %parallel_loop3A_280 : memref<1x16x1024xf32, #tpu.memory_space<vmem>> -> memref<16x1024xf32, #tpu.memory_space<vmem>>
        %parallel_loop3A_282 = arith.index_cast %parallel_loop3A_277 : i32 to index
        %parallel_loop3A_283 = arith.index_cast %parallel_loop3A_198 : i32 to index
        %parallel_loop3A_284 = tpu.vector_load %parallel_loop3A_281[%parallel_loop3A_282, %parallel_loop3A_283] {strides = array<i32>} : memref<16x1024xf32, #tpu.memory_space<vmem>>, vector<16xf32>,
        %parallel_loop3A_285 = vector.broadcast %parallel_loop3A_271 : f32 to vector<16xf32>
        %parallel_loop3A_286 = arith.mulf %parallel_loop3A_284, %parallel_loop3A_285 : vector<16xf32>
        %parallel_loop3A_287 = vector.broadcast %parallel_loop3A_276 : f32 to vector<16xf32>
        %parallel_loop3A_288 = arith.addf %parallel_loop3A_286, %parallel_loop3A_287 : vector<16xf32>
        %parallel_loop3A_289 = arith.mulf %parallel_loop3A_288, %parallel_loop3A_200 : vector<16xf32>
        %parallel_loop3A_290 = arith.addf %parallel_loop3A_289, %parallel_loop3A_202 : vector<16xf32>
        %parallel_loop3A_291 = arith.constant 2 : i32
        %parallel_loop3A_292 = arith.constant 0 : i32
        %parallel_loop3A_293 = arith.constant 0 : i32
        %parallel_loop3A_294 = tpu.memref_slice %arg13[%parallel_loop3A_173, %parallel_loop3A_292, %parallel_loop3A_293] : memref<2x16x1024xf32, #tpu.memory_space<vmem>> -> memref<1x16x1024xf32, #tpu.memory_space<vmem>>
        %parallel_loop3A_295 = tpu.memref_squeeze %parallel_loop3A_294 : memref<1x16x1024xf32, #tpu.memory_space<vmem>> -> memref<16x1024xf32, #tpu.memory_space<vmem>>
        %parallel_loop3A_296 = arith.index_cast %parallel_loop3A_291 : i32 to index
        %parallel_loop3A_297 = arith.index_cast %parallel_loop3A_198 : i32 to index
        %parallel_loop3A_298 = tpu.vector_load %parallel_loop3A_295[%parallel_loop3A_296, %parallel_loop3A_297] {strides = array<i32>} : memref<16x1024xf32, #tpu.memory_space<vmem>>, vector<16xf32>,
        tpu.vector_store %parallel_loop3A_295[%parallel_loop3A_296, %parallel_loop3A_297], %parallel_loop3A_290 {strides = array<i32>} : memref<16x1024xf32, #tpu.memory_space<vmem>>, vector<16xf32>,
        %parallel_loop3A_299 = arith.constant 0 : i32
        %parallel_loop3A_300 = arith.constant 3 : i32
        %parallel_loop3A_301 = arith.index_cast %parallel_loop3A_299 : i32 to index
        %parallel_loop3A_302 = arith.index_cast %parallel_loop3A_300 : i32 to index
        %parallel_loop3A_303 = memref.load %arg16[%parallel_loop3A_301, %parallel_loop3A_302] : memref<2x16xf32, #tpu.memory_space<smem>>
        %parallel_loop3A_304 = arith.constant 1 : i32
        %parallel_loop3A_305 = arith.constant 3 : i32
        %parallel_loop3A_306 = arith.index_cast %parallel_loop3A_304 : i32 to index
        %parallel_loop3A_307 = arith.index_cast %parallel_loop3A_305 : i32 to index
        %parallel_loop3A_308 = memref.load %arg16[%parallel_loop3A_306, %parallel_loop3A_307] : memref<2x16xf32, #tpu.memory_space<smem>>
        %parallel_loop3A_309 = arith.constant 3 : i32
        %parallel_loop3A_310 = arith.constant 0 : i32
        %parallel_loop3A_311 = arith.constant 0 : i32
        %parallel_loop3A_312 = tpu.memref_slice %arg11[%parallel_loop3A_172, %parallel_loop3A_310, %parallel_loop3A_311] : memref<2x16x1024xf32, #tpu.memory_space<vmem>> -> memref<1x16x1024xf32, #tpu.memory_space<vmem>>
        %parallel_loop3A_313 = tpu.memref_squeeze %parallel_loop3A_312 : memref<1x16x1024xf32, #tpu.memory_space<vmem>> -> memref<16x1024xf32, #tpu.memory_space<vmem>>
        %parallel_loop3A_314 = arith.index_cast %parallel_loop3A_309 : i32 to index
        %parallel_loop3A_315 = arith.index_cast %parallel_loop3A_198 : i32 to index
        %parallel_loop3A_316 = tpu.vector_load %parallel_loop3A_313[%parallel_loop3A_314, %parallel_loop3A_315] {strides = array<i32>} : memref<16x1024xf32, #tpu.memory_space<vmem>>, vector<16xf32>,
        %parallel_loop3A_317 = vector.broadcast %parallel_loop3A_303 : f32 to vector<16xf32>
        %parallel_loop3A_318 = arith.mulf %parallel_loop3A_316, %parallel_loop3A_317 : vector<16xf32>
        %parallel_loop3A_319 = vector.broadcast %parallel_loop3A_308 : f32 to vector<16xf32>
        %parallel_loop3A_320 = arith.addf %parallel_loop3A_318, %parallel_loop3A_319 : vector<16xf32>
        %parallel_loop3A_321 = arith.mulf %parallel_loop3A_320, %parallel_loop3A_200 : vector<16xf32>
        %parallel_loop3A_322 = arith.addf %parallel_loop3A_321, %parallel_loop3A_202 : vector<16xf32>
        %parallel_loop3A_323 = arith.constant 3 : i32
        %parallel_loop3A_324 = arith.constant 0 : i32
        %parallel_loop3A_325 = arith.constant 0 : i32
        %parallel_loop3A_326 = tpu.memref_slice %arg13[%parallel_loop3A_173, %parallel_loop3A_324, %parallel_loop3A_325] : memref<2x16x1024xf32, #tpu.memory_space<vmem>> -> memref<1x16x1024xf32, #tpu.memory_space<vmem>>
        %parallel_loop3A_327 = tpu.memref_squeeze %parallel_loop3A_326 : memref<1x16x1024xf32, #tpu.memory_space<vmem>> -> memref<16x1024xf32, #tpu.memory_space<vmem>>
        %parallel_loop3A_328 = arith.index_cast %parallel_loop3A_323 : i32 to index
        %parallel_loop3A_329 = arith.index_cast %parallel_loop3A_198 : i32 to index
        %parallel_loop3A_330 = tpu.vector_load %parallel_loop3A_327[%parallel_loop3A_328, %parallel_loop3A_329] {strides = array<i32>} : memref<16x1024xf32, #tpu.memory_space<vmem>>, vector<16xf32>,
        tpu.vector_store %parallel_loop3A_327[%parallel_loop3A_328, %parallel_loop3A_329], %parallel_loop3A_322 {strides = array<i32>} : memref<16x1024xf32, #tpu.memory_space<vmem>>, vector<16xf32>,
        %parallel_loop3A_331 = arith.constant 0 : i32
        %parallel_loop3A_332 = arith.constant 4 : i32
        %parallel_loop3A_333 = arith.index_cast %parallel_loop3A_331 : i32 to index
        %parallel_loop3A_334 = arith.index_cast %parallel_loop3A_332 : i32 to index
        %parallel_loop3A_335 = memref.load %arg16[%parallel_loop3A_333, %parallel_loop3A_334] : memref<2x16xf32, #tpu.memory_space<smem>>
        %parallel_loop3A_336 = arith.constant 1 : i32
        %parallel_loop3A_337 = arith.constant 4 : i32
        %parallel_loop3A_338 = arith.index_cast %parallel_loop3A_336 : i32 to index
        %parallel_loop3A_339 = arith.index_cast %parallel_loop3A_337 : i32 to index
        %parallel_loop3A_340 = memref.load %arg16[%parallel_loop3A_338, %parallel_loop3A_339] : memref<2x16xf32, #tpu.memory_space<smem>>
        %parallel_loop3A_341 = arith.constant 4 : i32
        %parallel_loop3A_342 = arith.constant 0 : i32
        %parallel_loop3A_343 = arith.constant 0 : i32
        %parallel_loop3A_344 = tpu.memref_slice %arg11[%parallel_loop3A_172, %parallel_loop3A_342, %parallel_loop3A_343] : memref<2x16x1024xf32, #tpu.memory_space<vmem>> -> memref<1x16x1024xf32, #tpu.memory_space<vmem>>
        %parallel_loop3A_345 = tpu.memref_squeeze %parallel_loop3A_344 : memref<1x16x1024xf32, #tpu.memory_space<vmem>> -> memref<16x1024xf32, #tpu.memory_space<vmem>>
        %parallel_loop3A_346 = arith.index_cast %parallel_loop3A_341 : i32 to index
        %parallel_loop3A_347 = arith.index_cast %parallel_loop3A_198 : i32 to index
        %parallel_loop3A_348 = tpu.vector_load %parallel_loop3A_345[%parallel_loop3A_346, %parallel_loop3A_347] {strides = array<i32>} : memref<16x1024xf32, #tpu.memory_space<vmem>>, vector<16xf32>,
        %parallel_loop3A_349 = vector.broadcast %parallel_loop3A_335 : f32 to vector<16xf32>
        %parallel_loop3A_350 = arith.mulf %parallel_loop3A_348, %parallel_loop3A_349 : vector<16xf32>
        %parallel_loop3A_351 = vector.broadcast %parallel_loop3A_340 : f32 to vector<16xf32>
        %parallel_loop3A_352 = arith.addf %parallel_loop3A_350, %parallel_loop3A_351 : vector<16xf32>
        %parallel_loop3A_353 = arith.mulf %parallel_loop3A_352, %parallel_loop3A_200 : vector<16xf32>
        %parallel_loop3A_354 = arith.addf %parallel_loop3A_353, %parallel_loop3A_202 : vector<16xf32>
        %parallel_loop3A_355 = arith.constant 4 : i32
        %parallel_loop3A_356 = arith.constant 0 : i32
        %parallel_loop3A_357 = arith.constant 0 : i32
        %parallel_loop3A_358 = tpu.memref_slice %arg13[%parallel_loop3A_173, %parallel_loop3A_356, %parallel_loop3A_357] : memref<2x16x1024xf32, #tpu.memory_space<vmem>> -> memref<1x16x1024xf32, #tpu.memory_space<vmem>>
        %parallel_loop3A_359 = tpu.memref_squeeze %parallel_loop3A_358 : memref<1x16x1024xf32, #tpu.memory_space<vmem>> -> memref<16x1024xf32, #tpu.memory_space<vmem>>
        %parallel_loop3A_360 = arith.index_cast %parallel_loop3A_355 : i32 to index
        %parallel_loop3A_361 = arith.index_cast %parallel_loop3A_198 : i32 to index
        %parallel_loop3A_362 = tpu.vector_load %parallel_loop3A_359[%parallel_loop3A_360, %parallel_loop3A_361] {strides = array<i32>} : memref<16x1024xf32, #tpu.memory_space<vmem>>, vector<16xf32>,
        tpu.vector_store %parallel_loop3A_359[%parallel_loop3A_360, %parallel_loop3A_361], %parallel_loop3A_354 {strides = array<i32>} : memref<16x1024xf32, #tpu.memory_space<vmem>>, vector<16xf32>,
        %parallel_loop3A_363 = arith.constant 0 : i32
        %parallel_loop3A_364 = arith.constant 5 : i32
        %parallel_loop3A_365 = arith.index_cast %parallel_loop3A_363 : i32 to index
        %parallel_loop3A_366 = arith.index_cast %parallel_loop3A_364 : i32 to index
        %parallel_loop3A_367 = memref.load %arg16[%parallel_loop3A_365, %parallel_loop3A_366] : memref<2x16xf32, #tpu.memory_space<smem>>
        %parallel_loop3A_368 = arith.constant 1 : i32
        %parallel_loop3A_369 = arith.constant 5 : i32
        %parallel_loop3A_370 = arith.index_cast %parallel_loop3A_368 : i32 to index
        %parallel_loop3A_371 = arith.index_cast %parallel_loop3A_369 : i32 to index
        %parallel_loop3A_372 = memref.load %arg16[%parallel_loop3A_370, %parallel_loop3A_371] : memref<2x16xf32, #tpu.memory_space<smem>>
        %parallel_loop3A_373 = arith.constant 5 : i32
        %parallel_loop3A_374 = arith.constant 0 : i32
        %parallel_loop3A_375 = arith.constant 0 : i32
        %parallel_loop3A_376 = tpu.memref_slice %arg11[%parallel_loop3A_172, %parallel_loop3A_374, %parallel_loop3A_375] : memref<2x16x1024xf32, #tpu.memory_space<vmem>> -> memref<1x16x1024xf32, #tpu.memory_space<vmem>>
        %parallel_loop3A_377 = tpu.memref_squeeze %parallel_loop3A_376 : memref<1x16x1024xf32, #tpu.memory_space<vmem>> -> memref<16x1024xf32, #tpu.memory_space<vmem>>
        %parallel_loop3A_378 = arith.index_cast %parallel_loop3A_373 : i32 to index
        %parallel_loop3A_379 = arith.index_cast %parallel_loop3A_198 : i32 to index
        %parallel_loop3A_380 = tpu.vector_load %parallel_loop3A_377[%parallel_loop3A_378, %parallel_loop3A_379] {strides = array<i32>} : memref<16x1024xf32, #tpu.memory_space<vmem>>, vector<16xf32>,
        %parallel_loop3A_381 = vector.broadcast %parallel_loop3A_367 : f32 to vector<16xf32>
        %parallel_loop3A_382 = arith.mulf %parallel_loop3A_380, %parallel_loop3A_381 : vector<16xf32>
        %parallel_loop3A_383 = vector.broadcast %parallel_loop3A_372 : f32 to vector<16xf32>
        %parallel_loop3A_384 = arith.addf %parallel_loop3A_382, %parallel_loop3A_383 : vector<16xf32>
        %parallel_loop3A_385 = arith.mulf %parallel_loop3A_384, %parallel_loop3A_200 : vector<16xf32>
        %parallel_loop3A_386 = arith.addf %parallel_loop3A_385, %parallel_loop3A_202 : vector<16xf32>
        %parallel_loop3A_387 = arith.constant 5 : i32
        %parallel_loop3A_388 = arith.constant 0 : i32
        %parallel_loop3A_389 = arith.constant 0 : i32
        %parallel_loop3A_390 = tpu.memref_slice %arg13[%parallel_loop3A_173, %parallel_loop3A_388, %parallel_loop3A_389] : memref<2x16x1024xf32, #tpu.memory_space<vmem>> -> memref<1x16x1024xf32, #tpu.memory_space<vmem>>
        %parallel_loop3A_391 = tpu.memref_squeeze %parallel_loop3A_390 : memref<1x16x1024xf32, #tpu.memory_space<vmem>> -> memref<16x1024xf32, #tpu.memory_space<vmem>>
        %parallel_loop3A_392 = arith.index_cast %parallel_loop3A_387 : i32 to index
        %parallel_loop3A_393 = arith.index_cast %parallel_loop3A_198 : i32 to index
        %parallel_loop3A_394 = tpu.vector_load %parallel_loop3A_391[%parallel_loop3A_392, %parallel_loop3A_393] {strides = array<i32>} : memref<16x1024xf32, #tpu.memory_space<vmem>>, vector<16xf32>,
        tpu.vector_store %parallel_loop3A_391[%parallel_loop3A_392, %parallel_loop3A_393], %parallel_loop3A_386 {strides = array<i32>} : memref<16x1024xf32, #tpu.memory_space<vmem>>, vector<16xf32>,
        %parallel_loop3A_395 = arith.constant 0 : i32
        %parallel_loop3A_396 = arith.constant 6 : i32
        %parallel_loop3A_397 = arith.index_cast %parallel_loop3A_395 : i32 to index
        %parallel_loop3A_398 = arith.index_cast %parallel_loop3A_396 : i32 to index
        %parallel_loop3A_399 = memref.load %arg16[%parallel_loop3A_397, %parallel_loop3A_398] : memref<2x16xf32, #tpu.memory_space<smem>>
        %parallel_loop3A_400 = arith.constant 1 : i32
        %parallel_loop3A_401 = arith.constant 6 : i32
        %parallel_loop3A_402 = arith.index_cast %parallel_loop3A_400 : i32 to index
        %parallel_loop3A_403 = arith.index_cast %parallel_loop3A_401 : i32 to index
        %parallel_loop3A_404 = memref.load %arg16[%parallel_loop3A_402, %parallel_loop3A_403] : memref<2x16xf32, #tpu.memory_space<smem>>
        %parallel_loop3A_405 = arith.constant 6 : i32
        %parallel_loop3A_406 = arith.constant 0 : i32
        %parallel_loop3A_407 = arith.constant 0 : i32
        %parallel_loop3A_408 = tpu.memref_slice %arg11[%parallel_loop3A_172, %parallel_loop3A_406, %parallel_loop3A_407] : memref<2x16x1024xf32, #tpu.memory_space<vmem>> -> memref<1x16x1024xf32, #tpu.memory_space<vmem>>
        %parallel_loop3A_409 = tpu.memref_squeeze %parallel_loop3A_408 : memref<1x16x1024xf32, #tpu.memory_space<vmem>> -> memref<16x1024xf32, #tpu.memory_space<vmem>>
        %parallel_loop3A_410 = arith.index_cast %parallel_loop3A_405 : i32 to index
        %parallel_loop3A_411 = arith.index_cast %parallel_loop3A_198 : i32 to index
        %parallel_loop3A_412 = tpu.vector_load %parallel_loop3A_409[%parallel_loop3A_410, %parallel_loop3A_411] {strides = array<i32>} : memref<16x1024xf32, #tpu.memory_space<vmem>>, vector<16xf32>,
        %parallel_loop3A_413 = vector.broadcast %parallel_loop3A_399 : f32 to vector<16xf32>
        %parallel_loop3A_414 = arith.mulf %parallel_loop3A_412, %parallel_loop3A_413 : vector<16xf32>
        %parallel_loop3A_415 = vector.broadcast %parallel_loop3A_404 : f32 to vector<16xf32>
        %parallel_loop3A_416 = arith.addf %parallel_loop3A_414, %parallel_loop3A_415 : vector<16xf32>
        %parallel_loop3A_417 = arith.mulf %parallel_loop3A_416, %parallel_loop3A_200 : vector<16xf32>
        %parallel_loop3A_418 = arith.addf %parallel_loop3A_417, %parallel_loop3A_202 : vector<16xf32>
        %parallel_loop3A_419 = arith.constant 6 : i32
        %parallel_loop3A_420 = arith.constant 0 : i32
        %parallel_loop3A_421 = arith.constant 0 : i32
        %parallel_loop3A_422 = tpu.memref_slice %arg13[%parallel_loop3A_173, %parallel_loop3A_420, %parallel_loop3A_421] : memref<2x16x1024xf32, #tpu.memory_space<vmem>> -> memref<1x16x1024xf32, #tpu.memory_space<vmem>>
        %parallel_loop3A_423 = tpu.memref_squeeze %parallel_loop3A_422 : memref<1x16x1024xf32, #tpu.memory_space<vmem>> -> memref<16x1024xf32, #tpu.memory_space<vmem>>
        %parallel_loop3A_424 = arith.index_cast %parallel_loop3A_419 : i32 to index
        %parallel_loop3A_425 = arith.index_cast %parallel_loop3A_198 : i32 to index
        %parallel_loop3A_426 = tpu.vector_load %parallel_loop3A_423[%parallel_loop3A_424, %parallel_loop3A_425] {strides = array<i32>} : memref<16x1024xf32, #tpu.memory_space<vmem>>, vector<16xf32>,
        tpu.vector_store %parallel_loop3A_423[%parallel_loop3A_424, %parallel_loop3A_425], %parallel_loop3A_418 {strides = array<i32>} : memref<16x1024xf32, #tpu.memory_space<vmem>>, vector<16xf32>,
        %parallel_loop3A_427 = arith.constant 0 : i32
        %parallel_loop3A_428 = arith.constant 7 : i32
        %parallel_loop3A_429 = arith.index_cast %parallel_loop3A_427 : i32 to index
        %parallel_loop3A_430 = arith.index_cast %parallel_loop3A_428 : i32 to index
        %parallel_loop3A_431 = memref.load %arg16[%parallel_loop3A_429, %parallel_loop3A_430] : memref<2x16xf32, #tpu.memory_space<smem>>
        %parallel_loop3A_432 = arith.constant 1 : i32
        %parallel_loop3A_433 = arith.constant 7 : i32
        %parallel_loop3A_434 = arith.index_cast %parallel_loop3A_432 : i32 to index
        %parallel_loop3A_435 = arith.index_cast %parallel_loop3A_433 : i32 to index
        %parallel_loop3A_436 = memref.load %arg16[%parallel_loop3A_434, %parallel_loop3A_435] : memref<2x16xf32, #tpu.memory_space<smem>>
        %parallel_loop3A_437 = arith.constant 7 : i32
        %parallel_loop3A_438 = arith.constant 0 : i32
        %parallel_loop3A_439 = arith.constant 0 : i32
        %parallel_loop3A_440 = tpu.memref_slice %arg11[%parallel_loop3A_172, %parallel_loop3A_438, %parallel_loop3A_439] : memref<2x16x1024xf32, #tpu.memory_space<vmem>> -> memref<1x16x1024xf32, #tpu.memory_space<vmem>>
        %parallel_loop3A_441 = tpu.memref_squeeze %parallel_loop3A_440 : memref<1x16x1024xf32, #tpu.memory_space<vmem>> -> memref<16x1024xf32, #tpu.memory_space<vmem>>
        %parallel_loop3A_442 = arith.index_cast %parallel_loop3A_437 : i32 to index
        %parallel_loop3A_443 = arith.index_cast %parallel_loop3A_198 : i32 to index
        %parallel_loop3A_444 = tpu.vector_load %parallel_loop3A_441[%parallel_loop3A_442, %parallel_loop3A_443] {strides = array<i32>} : memref<16x1024xf32, #tpu.memory_space<vmem>>, vector<16xf32>,
        %parallel_loop3A_445 = vector.broadcast %parallel_loop3A_431 : f32 to vector<16xf32>
        %parallel_loop3A_446 = arith.mulf %parallel_loop3A_444, %parallel_loop3A_445 : vector<16xf32>
        %parallel_loop3A_447 = vector.broadcast %parallel_loop3A_436 : f32 to vector<16xf32>
        %parallel_loop3A_448 = arith.addf %parallel_loop3A_446, %parallel_loop3A_447 : vector<16xf32>
        %parallel_loop3A_449 = arith.mulf %parallel_loop3A_448, %parallel_loop3A_200 : vector<16xf32>
        %parallel_loop3A_450 = arith.addf %parallel_loop3A_449, %parallel_loop3A_202 : vector<16xf32>
        %parallel_loop3A_451 = arith.constant 7 : i32
        %parallel_loop3A_452 = arith.constant 0 : i32
        %parallel_loop3A_453 = arith.constant 0 : i32
        %parallel_loop3A_454 = tpu.memref_slice %arg13[%parallel_loop3A_173, %parallel_loop3A_452, %parallel_loop3A_453] : memref<2x16x1024xf32, #tpu.memory_space<vmem>> -> memref<1x16x1024xf32, #tpu.memory_space<vmem>>
        %parallel_loop3A_455 = tpu.memref_squeeze %parallel_loop3A_454 : memref<1x16x1024xf32, #tpu.memory_space<vmem>> -> memref<16x1024xf32, #tpu.memory_space<vmem>>
        %parallel_loop3A_456 = arith.index_cast %parallel_loop3A_451 : i32 to index
        %parallel_loop3A_457 = arith.index_cast %parallel_loop3A_198 : i32 to index
        %parallel_loop3A_458 = tpu.vector_load %parallel_loop3A_455[%parallel_loop3A_456, %parallel_loop3A_457] {strides = array<i32>} : memref<16x1024xf32, #tpu.memory_space<vmem>>, vector<16xf32>,
        tpu.vector_store %parallel_loop3A_455[%parallel_loop3A_456, %parallel_loop3A_457], %parallel_loop3A_450 {strides = array<i32>} : memref<16x1024xf32, #tpu.memory_space<vmem>>, vector<16xf32>,
        %parallel_loop3A_459 = arith.constant 0 : i32
        %parallel_loop3A_460 = arith.constant 8 : i32
        %parallel_loop3A_461 = arith.index_cast %parallel_loop3A_459 : i32 to index
        %parallel_loop3A_462 = arith.index_cast %parallel_loop3A_460 : i32 to index
        %parallel_loop3A_463 = memref.load %arg16[%parallel_loop3A_461, %parallel_loop3A_462] : memref<2x16xf32, #tpu.memory_space<smem>>
        %parallel_loop3A_464 = arith.constant 1 : i32
        %parallel_loop3A_465 = arith.constant 8 : i32
        %parallel_loop3A_466 = arith.index_cast %parallel_loop3A_464 : i32 to index
        %parallel_loop3A_467 = arith.index_cast %parallel_loop3A_465 : i32 to index
        %parallel_loop3A_468 = memref.load %arg16[%parallel_loop3A_466, %parallel_loop3A_467] : memref<2x16xf32, #tpu.memory_space<smem>>
        %parallel_loop3A_469 = arith.constant 8 : i32
        %parallel_loop3A_470 = arith.constant 0 : i32
        %parallel_loop3A_471 = arith.constant 0 : i32
        %parallel_loop3A_472 = tpu.memref_slice %arg11[%parallel_loop3A_172, %parallel_loop3A_470, %parallel_loop3A_471] : memref<2x16x1024xf32, #tpu.memory_space<vmem>> -> memref<1x16x1024xf32, #tpu.memory_space<vmem>>
        %parallel_loop3A_473 = tpu.memref_squeeze %parallel_loop3A_472 : memref<1x16x1024xf32, #tpu.memory_space<vmem>> -> memref<16x1024xf32, #tpu.memory_space<vmem>>
        %parallel_loop3A_474 = arith.index_cast %parallel_loop3A_469 : i32 to index
        %parallel_loop3A_475 = arith.index_cast %parallel_loop3A_198 : i32 to index
        %parallel_loop3A_476 = tpu.vector_load %parallel_loop3A_473[%parallel_loop3A_474, %parallel_loop3A_475] {strides = array<i32>} : memref<16x1024xf32, #tpu.memory_space<vmem>>, vector<16xf32>,
        %parallel_loop3A_477 = vector.broadcast %parallel_loop3A_463 : f32 to vector<16xf32>
        %parallel_loop3A_478 = arith.mulf %parallel_loop3A_476, %parallel_loop3A_477 : vector<16xf32>
        %parallel_loop3A_479 = vector.broadcast %parallel_loop3A_468 : f32 to vector<16xf32>
        %parallel_loop3A_480 = arith.addf %parallel_loop3A_478, %parallel_loop3A_479 : vector<16xf32>
        %parallel_loop3A_481 = arith.mulf %parallel_loop3A_480, %parallel_loop3A_200 : vector<16xf32>
        %parallel_loop3A_482 = arith.addf %parallel_loop3A_481, %parallel_loop3A_202 : vector<16xf32>
        %parallel_loop3A_483 = arith.constant 8 : i32
        %parallel_loop3A_484 = arith.constant 0 : i32
        %parallel_loop3A_485 = arith.constant 0 : i32
        %parallel_loop3A_486 = tpu.memref_slice %arg13[%parallel_loop3A_173, %parallel_loop3A_484, %parallel_loop3A_485] : memref<2x16x1024xf32, #tpu.memory_space<vmem>> -> memref<1x16x1024xf32, #tpu.memory_space<vmem>>
        %parallel_loop3A_487 = tpu.memref_squeeze %parallel_loop3A_486 : memref<1x16x1024xf32, #tpu.memory_space<vmem>> -> memref<16x1024xf32, #tpu.memory_space<vmem>>
        %parallel_loop3A_488 = arith.index_cast %parallel_loop3A_483 : i32 to index
        %parallel_loop3A_489 = arith.index_cast %parallel_loop3A_198 : i32 to index
        %parallel_loop3A_490 = tpu.vector_load %parallel_loop3A_487[%parallel_loop3A_488, %parallel_loop3A_489] {strides = array<i32>} : memref<16x1024xf32, #tpu.memory_space<vmem>>, vector<16xf32>,
        tpu.vector_store %parallel_loop3A_487[%parallel_loop3A_488, %parallel_loop3A_489], %parallel_loop3A_482 {strides = array<i32>} : memref<16x1024xf32, #tpu.memory_space<vmem>>, vector<16xf32>,
        %parallel_loop3A_491 = arith.constant 0 : i32
        %parallel_loop3A_492 = arith.constant 9 : i32
        %parallel_loop3A_493 = arith.index_cast %parallel_loop3A_491 : i32 to index
        %parallel_loop3A_494 = arith.index_cast %parallel_loop3A_492 : i32 to index
        %parallel_loop3A_495 = memref.load %arg16[%parallel_loop3A_493, %parallel_loop3A_494] : memref<2x16xf32, #tpu.memory_space<smem>>
        %parallel_loop3A_496 = arith.constant 1 : i32
        %parallel_loop3A_497 = arith.constant 9 : i32
        %parallel_loop3A_498 = arith.index_cast %parallel_loop3A_496 : i32 to index
        %parallel_loop3A_499 = arith.index_cast %parallel_loop3A_497 : i32 to index
        %parallel_loop3A_500 = memref.load %arg16[%parallel_loop3A_498, %parallel_loop3A_499] : memref<2x16xf32, #tpu.memory_space<smem>>
        %parallel_loop3A_501 = arith.constant 9 : i32
        %parallel_loop3A_502 = arith.constant 0 : i32
        %parallel_loop3A_503 = arith.constant 0 : i32
        %parallel_loop3A_504 = tpu.memref_slice %arg11[%parallel_loop3A_172, %parallel_loop3A_502, %parallel_loop3A_503] : memref<2x16x1024xf32, #tpu.memory_space<vmem>> -> memref<1x16x1024xf32, #tpu.memory_space<vmem>>
        %parallel_loop3A_505 = tpu.memref_squeeze %parallel_loop3A_504 : memref<1x16x1024xf32, #tpu.memory_space<vmem>> -> memref<16x1024xf32, #tpu.memory_space<vmem>>
        %parallel_loop3A_506 = arith.index_cast %parallel_loop3A_501 : i32 to index
        %parallel_loop3A_507 = arith.index_cast %parallel_loop3A_198 : i32 to index
        %parallel_loop3A_508 = tpu.vector_load %parallel_loop3A_505[%parallel_loop3A_506, %parallel_loop3A_507] {strides = array<i32>} : memref<16x1024xf32, #tpu.memory_space<vmem>>, vector<16xf32>,
        %parallel_loop3A_509 = vector.broadcast %parallel_loop3A_495 : f32 to vector<16xf32>
        %parallel_loop3A_510 = arith.mulf %parallel_loop3A_508, %parallel_loop3A_509 : vector<16xf32>
        %parallel_loop3A_511 = vector.broadcast %parallel_loop3A_500 : f32 to vector<16xf32>
        %parallel_loop3A_512 = arith.addf %parallel_loop3A_510, %parallel_loop3A_511 : vector<16xf32>
        %parallel_loop3A_513 = arith.mulf %parallel_loop3A_512, %parallel_loop3A_200 : vector<16xf32>
        %parallel_loop3A_514 = arith.addf %parallel_loop3A_513, %parallel_loop3A_202 : vector<16xf32>
        %parallel_loop3A_515 = arith.constant 9 : i32
        %parallel_loop3A_516 = arith.constant 0 : i32
        %parallel_loop3A_517 = arith.constant 0 : i32
        %parallel_loop3A_518 = tpu.memref_slice %arg13[%parallel_loop3A_173, %parallel_loop3A_516, %parallel_loop3A_517] : memref<2x16x1024xf32, #tpu.memory_space<vmem>> -> memref<1x16x1024xf32, #tpu.memory_space<vmem>>
        %parallel_loop3A_519 = tpu.memref_squeeze %parallel_loop3A_518 : memref<1x16x1024xf32, #tpu.memory_space<vmem>> -> memref<16x1024xf32, #tpu.memory_space<vmem>>
        %parallel_loop3A_520 = arith.index_cast %parallel_loop3A_515 : i32 to index
        %parallel_loop3A_521 = arith.index_cast %parallel_loop3A_198 : i32 to index
        %parallel_loop3A_522 = tpu.vector_load %parallel_loop3A_519[%parallel_loop3A_520, %parallel_loop3A_521] {strides = array<i32>} : memref<16x1024xf32, #tpu.memory_space<vmem>>, vector<16xf32>,
        tpu.vector_store %parallel_loop3A_519[%parallel_loop3A_520, %parallel_loop3A_521], %parallel_loop3A_514 {strides = array<i32>} : memref<16x1024xf32, #tpu.memory_space<vmem>>, vector<16xf32>,
        %parallel_loop3A_523 = arith.constant 0 : i32
        %parallel_loop3A_524 = arith.constant 10 : i32
        %parallel_loop3A_525 = arith.index_cast %parallel_loop3A_523 : i32 to index
        %parallel_loop3A_526 = arith.index_cast %parallel_loop3A_524 : i32 to index
        %parallel_loop3A_527 = memref.load %arg16[%parallel_loop3A_525, %parallel_loop3A_526] : memref<2x16xf32, #tpu.memory_space<smem>>
        %parallel_loop3A_528 = arith.constant 1 : i32
        %parallel_loop3A_529 = arith.constant 10 : i32
        %parallel_loop3A_530 = arith.index_cast %parallel_loop3A_528 : i32 to index
        %parallel_loop3A_531 = arith.index_cast %parallel_loop3A_529 : i32 to index
        %parallel_loop3A_532 = memref.load %arg16[%parallel_loop3A_530, %parallel_loop3A_531] : memref<2x16xf32, #tpu.memory_space<smem>>
        %parallel_loop3A_533 = arith.constant 10 : i32
        %parallel_loop3A_534 = arith.constant 0 : i32
        %parallel_loop3A_535 = arith.constant 0 : i32
        %parallel_loop3A_536 = tpu.memref_slice %arg11[%parallel_loop3A_172, %parallel_loop3A_534, %parallel_loop3A_535] : memref<2x16x1024xf32, #tpu.memory_space<vmem>> -> memref<1x16x1024xf32, #tpu.memory_space<vmem>>
        %parallel_loop3A_537 = tpu.memref_squeeze %parallel_loop3A_536 : memref<1x16x1024xf32, #tpu.memory_space<vmem>> -> memref<16x1024xf32, #tpu.memory_space<vmem>>
        %parallel_loop3A_538 = arith.index_cast %parallel_loop3A_533 : i32 to index
        %parallel_loop3A_539 = arith.index_cast %parallel_loop3A_198 : i32 to index
        %parallel_loop3A_540 = tpu.vector_load %parallel_loop3A_537[%parallel_loop3A_538, %parallel_loop3A_539] {strides = array<i32>} : memref<16x1024xf32, #tpu.memory_space<vmem>>, vector<16xf32>,
        %parallel_loop3A_541 = vector.broadcast %parallel_loop3A_527 : f32 to vector<16xf32>
        %parallel_loop3A_542 = arith.mulf %parallel_loop3A_540, %parallel_loop3A_541 : vector<16xf32>
        %parallel_loop3A_543 = vector.broadcast %parallel_loop3A_532 : f32 to vector<16xf32>
        %parallel_loop3A_544 = arith.addf %parallel_loop3A_542, %parallel_loop3A_543 : vector<16xf32>
        %parallel_loop3A_545 = arith.mulf %parallel_loop3A_544, %parallel_loop3A_200 : vector<16xf32>
        %parallel_loop3A_546 = arith.addf %parallel_loop3A_545, %parallel_loop3A_202 : vector<16xf32>
        %parallel_loop3A_547 = arith.constant 10 : i32
        %parallel_loop3A_548 = arith.constant 0 : i32
        %parallel_loop3A_549 = arith.constant 0 : i32
        %parallel_loop3A_550 = tpu.memref_slice %arg13[%parallel_loop3A_173, %parallel_loop3A_548, %parallel_loop3A_549] : memref<2x16x1024xf32, #tpu.memory_space<vmem>> -> memref<1x16x1024xf32, #tpu.memory_space<vmem>>
        %parallel_loop3A_551 = tpu.memref_squeeze %parallel_loop3A_550 : memref<1x16x1024xf32, #tpu.memory_space<vmem>> -> memref<16x1024xf32, #tpu.memory_space<vmem>>
        %parallel_loop3A_552 = arith.index_cast %parallel_loop3A_547 : i32 to index
        %parallel_loop3A_553 = arith.index_cast %parallel_loop3A_198 : i32 to index
        %parallel_loop3A_554 = tpu.vector_load %parallel_loop3A_551[%parallel_loop3A_552, %parallel_loop3A_553] {strides = array<i32>} : memref<16x1024xf32, #tpu.memory_space<vmem>>, vector<16xf32>,
        tpu.vector_store %parallel_loop3A_551[%parallel_loop3A_552, %parallel_loop3A_553], %parallel_loop3A_546 {strides = array<i32>} : memref<16x1024xf32, #tpu.memory_space<vmem>>, vector<16xf32>,
        %parallel_loop3A_555 = arith.constant 0 : i32
        %parallel_loop3A_556 = arith.constant 11 : i32
        %parallel_loop3A_557 = arith.index_cast %parallel_loop3A_555 : i32 to index
        %parallel_loop3A_558 = arith.index_cast %parallel_loop3A_556 : i32 to index
        %parallel_loop3A_559 = memref.load %arg16[%parallel_loop3A_557, %parallel_loop3A_558] : memref<2x16xf32, #tpu.memory_space<smem>>
        %parallel_loop3A_560 = arith.constant 1 : i32
        %parallel_loop3A_561 = arith.constant 11 : i32
        %parallel_loop3A_562 = arith.index_cast %parallel_loop3A_560 : i32 to index
        %parallel_loop3A_563 = arith.index_cast %parallel_loop3A_561 : i32 to index
        %parallel_loop3A_564 = memref.load %arg16[%parallel_loop3A_562, %parallel_loop3A_563] : memref<2x16xf32, #tpu.memory_space<smem>>
        %parallel_loop3A_565 = arith.constant 11 : i32
        %parallel_loop3A_566 = arith.constant 0 : i32
        %parallel_loop3A_567 = arith.constant 0 : i32
        %parallel_loop3A_568 = tpu.memref_slice %arg11[%parallel_loop3A_172, %parallel_loop3A_566, %parallel_loop3A_567] : memref<2x16x1024xf32, #tpu.memory_space<vmem>> -> memref<1x16x1024xf32, #tpu.memory_space<vmem>>
        %parallel_loop3A_569 = tpu.memref_squeeze %parallel_loop3A_568 : memref<1x16x1024xf32, #tpu.memory_space<vmem>> -> memref<16x1024xf32, #tpu.memory_space<vmem>>
        %parallel_loop3A_570 = arith.index_cast %parallel_loop3A_565 : i32 to index
        %parallel_loop3A_571 = arith.index_cast %parallel_loop3A_198 : i32 to index
        %parallel_loop3A_572 = tpu.vector_load %parallel_loop3A_569[%parallel_loop3A_570, %parallel_loop3A_571] {strides = array<i32>} : memref<16x1024xf32, #tpu.memory_space<vmem>>, vector<16xf32>,
        %parallel_loop3A_573 = vector.broadcast %parallel_loop3A_559 : f32 to vector<16xf32>
        %parallel_loop3A_574 = arith.mulf %parallel_loop3A_572, %parallel_loop3A_573 : vector<16xf32>
        %parallel_loop3A_575 = vector.broadcast %parallel_loop3A_564 : f32 to vector<16xf32>
        %parallel_loop3A_576 = arith.addf %parallel_loop3A_574, %parallel_loop3A_575 : vector<16xf32>
        %parallel_loop3A_577 = arith.mulf %parallel_loop3A_576, %parallel_loop3A_200 : vector<16xf32>
        %parallel_loop3A_578 = arith.addf %parallel_loop3A_577, %parallel_loop3A_202 : vector<16xf32>
        %parallel_loop3A_579 = arith.constant 11 : i32
        %parallel_loop3A_580 = arith.constant 0 : i32
        %parallel_loop3A_581 = arith.constant 0 : i32
        %parallel_loop3A_582 = tpu.memref_slice %arg13[%parallel_loop3A_173, %parallel_loop3A_580, %parallel_loop3A_581] : memref<2x16x1024xf32, #tpu.memory_space<vmem>> -> memref<1x16x1024xf32, #tpu.memory_space<vmem>>
        %parallel_loop3A_583 = tpu.memref_squeeze %parallel_loop3A_582 : memref<1x16x1024xf32, #tpu.memory_space<vmem>> -> memref<16x1024xf32, #tpu.memory_space<vmem>>
        %parallel_loop3A_584 = arith.index_cast %parallel_loop3A_579 : i32 to index
        %parallel_loop3A_585 = arith.index_cast %parallel_loop3A_198 : i32 to index
        %parallel_loop3A_586 = tpu.vector_load %parallel_loop3A_583[%parallel_loop3A_584, %parallel_loop3A_585] {strides = array<i32>} : memref<16x1024xf32, #tpu.memory_space<vmem>>, vector<16xf32>,
        tpu.vector_store %parallel_loop3A_583[%parallel_loop3A_584, %parallel_loop3A_585], %parallel_loop3A_578 {strides = array<i32>} : memref<16x1024xf32, #tpu.memory_space<vmem>>, vector<16xf32>,
        %parallel_loop3A_587 = arith.constant 0 : i32
        %parallel_loop3A_588 = arith.constant 12 : i32
        %parallel_loop3A_589 = arith.index_cast %parallel_loop3A_587 : i32 to index
        %parallel_loop3A_590 = arith.index_cast %parallel_loop3A_588 : i32 to index
        %parallel_loop3A_591 = memref.load %arg16[%parallel_loop3A_589, %parallel_loop3A_590] : memref<2x16xf32, #tpu.memory_space<smem>>
        %parallel_loop3A_592 = arith.constant 1 : i32
        %parallel_loop3A_593 = arith.constant 12 : i32
        %parallel_loop3A_594 = arith.index_cast %parallel_loop3A_592 : i32 to index
        %parallel_loop3A_595 = arith.index_cast %parallel_loop3A_593 : i32 to index
        %parallel_loop3A_596 = memref.load %arg16[%parallel_loop3A_594, %parallel_loop3A_595] : memref<2x16xf32, #tpu.memory_space<smem>>
        %parallel_loop3A_597 = arith.constant 12 : i32
        %parallel_loop3A_598 = arith.constant 0 : i32
        %parallel_loop3A_599 = arith.constant 0 : i32
        %parallel_loop3A_600 = tpu.memref_slice %arg11[%parallel_loop3A_172, %parallel_loop3A_598, %parallel_loop3A_599] : memref<2x16x1024xf32, #tpu.memory_space<vmem>> -> memref<1x16x1024xf32, #tpu.memory_space<vmem>>
        %parallel_loop3A_601 = tpu.memref_squeeze %parallel_loop3A_600 : memref<1x16x1024xf32, #tpu.memory_space<vmem>> -> memref<16x1024xf32, #tpu.memory_space<vmem>>
        %parallel_loop3A_602 = arith.index_cast %parallel_loop3A_597 : i32 to index
        %parallel_loop3A_603 = arith.index_cast %parallel_loop3A_198 : i32 to index
        %parallel_loop3A_604 = tpu.vector_load %parallel_loop3A_601[%parallel_loop3A_602, %parallel_loop3A_603] {strides = array<i32>} : memref<16x1024xf32, #tpu.memory_space<vmem>>, vector<16xf32>,
        %parallel_loop3A_605 = vector.broadcast %parallel_loop3A_591 : f32 to vector<16xf32>
        %parallel_loop3A_606 = arith.mulf %parallel_loop3A_604, %parallel_loop3A_605 : vector<16xf32>
        %parallel_loop3A_607 = vector.broadcast %parallel_loop3A_596 : f32 to vector<16xf32>
        %parallel_loop3A_608 = arith.addf %parallel_loop3A_606, %parallel_loop3A_607 : vector<16xf32>
        %parallel_loop3A_609 = arith.mulf %parallel_loop3A_608, %parallel_loop3A_200 : vector<16xf32>
        %parallel_loop3A_610 = arith.addf %parallel_loop3A_609, %parallel_loop3A_202 : vector<16xf32>
        %parallel_loop3A_611 = arith.constant 12 : i32
        %parallel_loop3A_612 = arith.constant 0 : i32
        %parallel_loop3A_613 = arith.constant 0 : i32
        %parallel_loop3A_614 = tpu.memref_slice %arg13[%parallel_loop3A_173, %parallel_loop3A_612, %parallel_loop3A_613] : memref<2x16x1024xf32, #tpu.memory_space<vmem>> -> memref<1x16x1024xf32, #tpu.memory_space<vmem>>
        %parallel_loop3A_615 = tpu.memref_squeeze %parallel_loop3A_614 : memref<1x16x1024xf32, #tpu.memory_space<vmem>> -> memref<16x1024xf32, #tpu.memory_space<vmem>>
        %parallel_loop3A_616 = arith.index_cast %parallel_loop3A_611 : i32 to index
        %parallel_loop3A_617 = arith.index_cast %parallel_loop3A_198 : i32 to index
        %parallel_loop3A_618 = tpu.vector_load %parallel_loop3A_615[%parallel_loop3A_616, %parallel_loop3A_617] {strides = array<i32>} : memref<16x1024xf32, #tpu.memory_space<vmem>>, vector<16xf32>,
        tpu.vector_store %parallel_loop3A_615[%parallel_loop3A_616, %parallel_loop3A_617], %parallel_loop3A_610 {strides = array<i32>} : memref<16x1024xf32, #tpu.memory_space<vmem>>, vector<16xf32>,
        %parallel_loop3A_619 = arith.constant 0 : i32
        %parallel_loop3A_620 = arith.constant 13 : i32
        %parallel_loop3A_621 = arith.index_cast %parallel_loop3A_619 : i32 to index
        %parallel_loop3A_622 = arith.index_cast %parallel_loop3A_620 : i32 to index
        %parallel_loop3A_623 = memref.load %arg16[%parallel_loop3A_621, %parallel_loop3A_622] : memref<2x16xf32, #tpu.memory_space<smem>>
        %parallel_loop3A_624 = arith.constant 1 : i32
        %parallel_loop3A_625 = arith.constant 13 : i32
        %parallel_loop3A_626 = arith.index_cast %parallel_loop3A_624 : i32 to index
        %parallel_loop3A_627 = arith.index_cast %parallel_loop3A_625 : i32 to index
        %parallel_loop3A_628 = memref.load %arg16[%parallel_loop3A_626, %parallel_loop3A_627] : memref<2x16xf32, #tpu.memory_space<smem>>
        %parallel_loop3A_629 = arith.constant 13 : i32
        %parallel_loop3A_630 = arith.constant 0 : i32
        %parallel_loop3A_631 = arith.constant 0 : i32
        %parallel_loop3A_632 = tpu.memref_slice %arg11[%parallel_loop3A_172, %parallel_loop3A_630, %parallel_loop3A_631] : memref<2x16x1024xf32, #tpu.memory_space<vmem>> -> memref<1x16x1024xf32, #tpu.memory_space<vmem>>
        %parallel_loop3A_633 = tpu.memref_squeeze %parallel_loop3A_632 : memref<1x16x1024xf32, #tpu.memory_space<vmem>> -> memref<16x1024xf32, #tpu.memory_space<vmem>>
        %parallel_loop3A_634 = arith.index_cast %parallel_loop3A_629 : i32 to index
        %parallel_loop3A_635 = arith.index_cast %parallel_loop3A_198 : i32 to index
        %parallel_loop3A_636 = tpu.vector_load %parallel_loop3A_633[%parallel_loop3A_634, %parallel_loop3A_635] {strides = array<i32>} : memref<16x1024xf32, #tpu.memory_space<vmem>>, vector<16xf32>,
        %parallel_loop3A_637 = vector.broadcast %parallel_loop3A_623 : f32 to vector<16xf32>
        %parallel_loop3A_638 = arith.mulf %parallel_loop3A_636, %parallel_loop3A_637 : vector<16xf32>
        %parallel_loop3A_639 = vector.broadcast %parallel_loop3A_628 : f32 to vector<16xf32>
        %parallel_loop3A_640 = arith.addf %parallel_loop3A_638, %parallel_loop3A_639 : vector<16xf32>
        %parallel_loop3A_641 = arith.mulf %parallel_loop3A_640, %parallel_loop3A_200 : vector<16xf32>
        %parallel_loop3A_642 = arith.addf %parallel_loop3A_641, %parallel_loop3A_202 : vector<16xf32>
        %parallel_loop3A_643 = arith.constant 13 : i32
        %parallel_loop3A_644 = arith.constant 0 : i32
        %parallel_loop3A_645 = arith.constant 0 : i32
        %parallel_loop3A_646 = tpu.memref_slice %arg13[%parallel_loop3A_173, %parallel_loop3A_644, %parallel_loop3A_645] : memref<2x16x1024xf32, #tpu.memory_space<vmem>> -> memref<1x16x1024xf32, #tpu.memory_space<vmem>>
        %parallel_loop3A_647 = tpu.memref_squeeze %parallel_loop3A_646 : memref<1x16x1024xf32, #tpu.memory_space<vmem>> -> memref<16x1024xf32, #tpu.memory_space<vmem>>
        %parallel_loop3A_648 = arith.index_cast %parallel_loop3A_643 : i32 to index
        %parallel_loop3A_649 = arith.index_cast %parallel_loop3A_198 : i32 to index
        %parallel_loop3A_650 = tpu.vector_load %parallel_loop3A_647[%parallel_loop3A_648, %parallel_loop3A_649] {strides = array<i32>} : memref<16x1024xf32, #tpu.memory_space<vmem>>, vector<16xf32>,
        tpu.vector_store %parallel_loop3A_647[%parallel_loop3A_648, %parallel_loop3A_649], %parallel_loop3A_642 {strides = array<i32>} : memref<16x1024xf32, #tpu.memory_space<vmem>>, vector<16xf32>,
        %parallel_loop3A_651 = arith.constant 0 : i32
        %parallel_loop3A_652 = arith.constant 14 : i32
        %parallel_loop3A_653 = arith.index_cast %parallel_loop3A_651 : i32 to index
        %parallel_loop3A_654 = arith.index_cast %parallel_loop3A_652 : i32 to index
        %parallel_loop3A_655 = memref.load %arg16[%parallel_loop3A_653, %parallel_loop3A_654] : memref<2x16xf32, #tpu.memory_space<smem>>
        %parallel_loop3A_656 = arith.constant 1 : i32
        %parallel_loop3A_657 = arith.constant 14 : i32
        %parallel_loop3A_658 = arith.index_cast %parallel_loop3A_656 : i32 to index
        %parallel_loop3A_659 = arith.index_cast %parallel_loop3A_657 : i32 to index
        %parallel_loop3A_660 = memref.load %arg16[%parallel_loop3A_658, %parallel_loop3A_659] : memref<2x16xf32, #tpu.memory_space<smem>>
        %parallel_loop3A_661 = arith.constant 14 : i32
        %parallel_loop3A_662 = arith.constant 0 : i32
        %parallel_loop3A_663 = arith.constant 0 : i32
        %parallel_loop3A_664 = tpu.memref_slice %arg11[%parallel_loop3A_172, %parallel_loop3A_662, %parallel_loop3A_663] : memref<2x16x1024xf32, #tpu.memory_space<vmem>> -> memref<1x16x1024xf32, #tpu.memory_space<vmem>>
        %parallel_loop3A_665 = tpu.memref_squeeze %parallel_loop3A_664 : memref<1x16x1024xf32, #tpu.memory_space<vmem>> -> memref<16x1024xf32, #tpu.memory_space<vmem>>
        %parallel_loop3A_666 = arith.index_cast %parallel_loop3A_661 : i32 to index
        %parallel_loop3A_667 = arith.index_cast %parallel_loop3A_198 : i32 to index
        %parallel_loop3A_668 = tpu.vector_load %parallel_loop3A_665[%parallel_loop3A_666, %parallel_loop3A_667] {strides = array<i32>} : memref<16x1024xf32, #tpu.memory_space<vmem>>, vector<16xf32>,
        %parallel_loop3A_669 = vector.broadcast %parallel_loop3A_655 : f32 to vector<16xf32>
        %parallel_loop3A_670 = arith.mulf %parallel_loop3A_668, %parallel_loop3A_669 : vector<16xf32>
        %parallel_loop3A_671 = vector.broadcast %parallel_loop3A_660 : f32 to vector<16xf32>
        %parallel_loop3A_672 = arith.addf %parallel_loop3A_670, %parallel_loop3A_671 : vector<16xf32>
        %parallel_loop3A_673 = arith.mulf %parallel_loop3A_672, %parallel_loop3A_200 : vector<16xf32>
        %parallel_loop3A_674 = arith.addf %parallel_loop3A_673, %parallel_loop3A_202 : vector<16xf32>
        %parallel_loop3A_675 = arith.constant 14 : i32
        %parallel_loop3A_676 = arith.constant 0 : i32
        %parallel_loop3A_677 = arith.constant 0 : i32
        %parallel_loop3A_678 = tpu.memref_slice %arg13[%parallel_loop3A_173, %parallel_loop3A_676, %parallel_loop3A_677] : memref<2x16x1024xf32, #tpu.memory_space<vmem>> -> memref<1x16x1024xf32, #tpu.memory_space<vmem>>
        %parallel_loop3A_679 = tpu.memref_squeeze %parallel_loop3A_678 : memref<1x16x1024xf32, #tpu.memory_space<vmem>> -> memref<16x1024xf32, #tpu.memory_space<vmem>>
        %parallel_loop3A_680 = arith.index_cast %parallel_loop3A_675 : i32 to index
        %parallel_loop3A_681 = arith.index_cast %parallel_loop3A_198 : i32 to index
        %parallel_loop3A_682 = tpu.vector_load %parallel_loop3A_679[%parallel_loop3A_680, %parallel_loop3A_681] {strides = array<i32>} : memref<16x1024xf32, #tpu.memory_space<vmem>>, vector<16xf32>,
        tpu.vector_store %parallel_loop3A_679[%parallel_loop3A_680, %parallel_loop3A_681], %parallel_loop3A_674 {strides = array<i32>} : memref<16x1024xf32, #tpu.memory_space<vmem>>, vector<16xf32>,
        %parallel_loop3A_683 = arith.constant 0 : i32
        %parallel_loop3A_684 = arith.constant 15 : i32
        %parallel_loop3A_685 = arith.index_cast %parallel_loop3A_683 : i32 to index
        %parallel_loop3A_686 = arith.index_cast %parallel_loop3A_684 : i32 to index
        %parallel_loop3A_687 = memref.load %arg16[%parallel_loop3A_685, %parallel_loop3A_686] : memref<2x16xf32, #tpu.memory_space<smem>>
        %parallel_loop3A_688 = arith.constant 1 : i32
        %parallel_loop3A_689 = arith.constant 15 : i32
        %parallel_loop3A_690 = arith.index_cast %parallel_loop3A_688 : i32 to index
        %parallel_loop3A_691 = arith.index_cast %parallel_loop3A_689 : i32 to index
        %parallel_loop3A_692 = memref.load %arg16[%parallel_loop3A_690, %parallel_loop3A_691] : memref<2x16xf32, #tpu.memory_space<smem>>
        %parallel_loop3A_693 = arith.constant 15 : i32
        %parallel_loop3A_694 = arith.constant 0 : i32
        %parallel_loop3A_695 = arith.constant 0 : i32
        %parallel_loop3A_696 = tpu.memref_slice %arg11[%parallel_loop3A_172, %parallel_loop3A_694, %parallel_loop3A_695] : memref<2x16x1024xf32, #tpu.memory_space<vmem>> -> memref<1x16x1024xf32, #tpu.memory_space<vmem>>
        %parallel_loop3A_697 = tpu.memref_squeeze %parallel_loop3A_696 : memref<1x16x1024xf32, #tpu.memory_space<vmem>> -> memref<16x1024xf32, #tpu.memory_space<vmem>>
        %parallel_loop3A_698 = arith.index_cast %parallel_loop3A_693 : i32 to index
        %parallel_loop3A_699 = arith.index_cast %parallel_loop3A_198 : i32 to index
        %parallel_loop3A_700 = tpu.vector_load %parallel_loop3A_697[%parallel_loop3A_698, %parallel_loop3A_699] {strides = array<i32>} : memref<16x1024xf32, #tpu.memory_space<vmem>>, vector<16xf32>,
        %parallel_loop3A_701 = vector.broadcast %parallel_loop3A_687 : f32 to vector<16xf32>
        %parallel_loop3A_702 = arith.mulf %parallel_loop3A_700, %parallel_loop3A_701 : vector<16xf32>
        %parallel_loop3A_703 = vector.broadcast %parallel_loop3A_692 : f32 to vector<16xf32>
        %parallel_loop3A_704 = arith.addf %parallel_loop3A_702, %parallel_loop3A_703 : vector<16xf32>
        %parallel_loop3A_705 = arith.mulf %parallel_loop3A_704, %parallel_loop3A_200 : vector<16xf32>
        %parallel_loop3A_706 = arith.addf %parallel_loop3A_705, %parallel_loop3A_202 : vector<16xf32>
        %parallel_loop3A_707 = arith.constant 15 : i32
        %parallel_loop3A_708 = arith.constant 0 : i32
        %parallel_loop3A_709 = arith.constant 0 : i32
        %parallel_loop3A_710 = tpu.memref_slice %arg13[%parallel_loop3A_173, %parallel_loop3A_708, %parallel_loop3A_709] : memref<2x16x1024xf32, #tpu.memory_space<vmem>> -> memref<1x16x1024xf32, #tpu.memory_space<vmem>>
        %parallel_loop3A_711 = tpu.memref_squeeze %parallel_loop3A_710 : memref<1x16x1024xf32, #tpu.memory_space<vmem>> -> memref<16x1024xf32, #tpu.memory_space<vmem>>
        %parallel_loop3A_712 = arith.index_cast %parallel_loop3A_707 : i32 to index
        %parallel_loop3A_713 = arith.index_cast %parallel_loop3A_198 : i32 to index
        %parallel_loop3A_714 = tpu.vector_load %parallel_loop3A_711[%parallel_loop3A_712, %parallel_loop3A_713] {strides = array<i32>} : memref<16x1024xf32, #tpu.memory_space<vmem>>, vector<16xf32>,
        tpu.vector_store %parallel_loop3A_711[%parallel_loop3A_712, %parallel_loop3A_713], %parallel_loop3A_706 {strides = array<i32>} : memref<16x1024xf32, #tpu.memory_space<vmem>>, vector<16xf32>,
      } {sc.loop_unroll_factor = 8 : i64, sc.parallel_access}
      %add3A_174 = arith.addi %mul3A_2, %min3A_139 : i32
      %dma_start3A_175 = arith.constant 1 : i32
      %dma_start3A_176 = arith.constant 0 : i32
      %dma_start3A_177 = arith.constant 0 : i32
      %dma_start3A_178 = tpu.memref_slice %arg13[%dma_start3A_175, %dma_start3A_176, %dma_start3A_177] : memref<2x16x1024xf32, #tpu.memory_space<vmem>> -> memref<1x16x1024xf32, #tpu.memory_space<vmem>>
      %dma_start3A_179 = tpu.memref_squeeze %dma_start3A_178 : memref<1x16x1024xf32, #tpu.memory_space<vmem>> -> memref<16x1024xf32, #tpu.memory_space<vmem>>
      %dma_start3A_180 = arith.constant 0 : i32
      %dma_start3A_181 = tpu.memref_slice %arg8[%add3A_174, %dma_start3A_180] : memref<96000x1024xf32, #tpu.memory_space<hbm>> -> memref<16x1024xf32, #tpu.memory_space<hbm>>
      %dma_start3A_182 = arith.constant 0 : i32
      %dma_start3A_183 = tpu.memref_slice %arg8[%add3A_174, %dma_start3A_182] : memref<96000x1024xf32, #tpu.memory_space<hbm>> -> memref<16x1024xf32, #tpu.memory_space<hbm>>
      %dma_start3A_184 = arith.constant 0 : i32
      %dma_start3A_185 = arith.constant 0 : i32
      %dma_start3A_186 = tpu.memref_slice %arg13[%dma_start3A_175, %dma_start3A_184, %dma_start3A_185] : memref<2x16x1024xf32, #tpu.memory_space<vmem>> -> memref<1x16x1024xf32, #tpu.memory_space<vmem>>
      %dma_start3A_187 = tpu.memref_squeeze %dma_start3A_186 : memref<1x16x1024xf32, #tpu.memory_space<vmem>> -> memref<16x1024xf32, #tpu.memory_space<vmem>>
      tpu.enqueue_dma source(%dma_start3A_187 : memref<16x1024xf32, #tpu.memory_space<vmem>>) target(%dma_start3A_183 : memref<16x1024xf32, #tpu.memory_space<hbm>>) target_semaphore(%arg20 : memref<!tpu.dma_semaphore, #tpu.memory_space<semaphore_mem>>)
      %add3A_188 = arith.constant 2 : i32
      %add3A_189 = arith.addi %add3A_135, %add3A_188 : i32
      %lt3A_190 = arith.constant 188 : i32
      %lt3A_191 = arith.cmpi slt, %add3A_189, %lt3A_190 : i32
      %convert_element_type3A_192 = arith.extui %lt3A_191 : i1 to i32
      %cond3A_193 = arith.constant 0 : i32
      %cond3A_194 = arith.cmpi ne, %convert_element_type3A_192, %cond3A_193 : i32
      scf.if %cond3A_194 {
        %add3A_196 = arith.constant 2 : i32
        %add3A_197 = arith.addi %add3A_135, %add3A_196 : i32
        %mul3A_198 = arith.constant 16 : i32
        %mul3A_199 = arith.muli %add3A_197, %mul3A_198 : i32
        %min3A_200 = arith.constant 2984 : i32
        %min3A_201 = arith.minsi %mul3A_199, %min3A_200 : i32
        %dma_start3A_202 = arith.constant 1 : i32
        %dma_start3A_203 = arith.constant 0 : i32
        %dma_start3A_204 = arith.constant 0 : i32
        %dma_start3A_205 = tpu.memref_slice %arg11[%dma_start3A_202, %dma_start3A_203, %dma_start3A_204] : memref<2x16x1024xf32, #tpu.memory_space<vmem>> -> memref<1x16x1024xf32, #tpu.memory_space<vmem>>
        %dma_start3A_206 = tpu.memref_squeeze %dma_start3A_205 : memref<1x16x1024xf32, #tpu.memory_space<vmem>> -> memref<16x1024xf32, #tpu.memory_space<vmem>>
        %dma_start3A_207 = tpu.memref_slice %arg9[%min3A_201] : memref<3000xi32, #tpu.memory_space<vmem>> -> memref<16xi32, #tpu.memory_space<vmem>>
        %dma_start3A_208 = arith.constant 0 : i32
        %dma_start3A_209 = arith.constant 0 : i32
        %dma_start3A_210 = tpu.memref_slice %arg4[%dma_start3A_208, %dma_start3A_209] : memref<51865x1024xf32, #tpu.memory_space<hbm>> -> memref<51865x1024xf32, #tpu.memory_space<hbm>>
        tpu.enqueue_indirect_dma source(%dma_start3A_210 : memref<51865x1024xf32, #tpu.memory_space<hbm>>) target(%dma_start3A_206 : memref<16x1024xf32, #tpu.memory_space<vmem>>) offsets(%dma_start3A_207 : memref<16xi32, #tpu.memory_space<vmem>>) semaphore(%arg18 : memref<!tpu.dma_semaphore, #tpu.memory_space<semaphore_mem>>)
        %dma_start3A_211 = arith.constant 1 : i32
        %dma_start3A_212 = arith.constant 0 : i32
        %dma_start3A_213 = arith.constant 0 : i32
        %dma_start3A_214 = tpu.memref_slice %arg12[%dma_start3A_211, %dma_start3A_212, %dma_start3A_213] : memref<2x16x512xf32, #tpu.memory_space<vmem>> -> memref<1x16x512xf32, #tpu.memory_space<vmem>>
        %dma_start3A_215 = tpu.memref_squeeze %dma_start3A_214 : memref<1x16x512xf32, #tpu.memory_space<vmem>> -> memref<16x512xf32, #tpu.memory_space<vmem>>
        %dma_start3A_216 = tpu.memref_slice %arg10[%min3A_201] : memref<3000xi32, #tpu.memory_space<vmem>> -> memref<16xi32, #tpu.memory_space<vmem>>
        %dma_start3A_217 = arith.constant 0 : i32
        %dma_start3A_218 = arith.constant 0 : i32
        %dma_start3A_219 = tpu.memref_slice %arg5[%dma_start3A_217, %dma_start3A_218] : memref<1500x512xf32, #tpu.memory_space<hbm>> -> memref<1500x512xf32, #tpu.memory_space<hbm>>
        tpu.enqueue_indirect_dma source(%dma_start3A_219 : memref<1500x512xf32, #tpu.memory_space<hbm>>) target(%dma_start3A_215 : memref<16x512xf32, #tpu.memory_space<vmem>>) offsets(%dma_start3A_216 : memref<16xi32, #tpu.memory_space<vmem>>) semaphore(%arg18 : memref<!tpu.dma_semaphore, #tpu.memory_space<semaphore_mem>>)
      } else {
      }
      %scan3A_195 = arith.constant 0 : i32
      scf.yield %scan3A_195 : i32
    }
    %scan3A_48 = arith.constant 94 : i32
    %dma_wait3A = arith.constant 0 : i32
    %dma_wait3A_49 = arith.constant 0 : i32
    %dma_wait3A_50 = arith.constant 0 : i32
    %dma_wait3A_51 = tpu.memref_slice %arg13[%dma_wait3A, %dma_wait3A_49, %dma_wait3A_50] : memref<2x16x1024xf32, #tpu.memory_space<vmem>> -> memref<1x16x1024xf32, #tpu.memory_space<vmem>>
    %dma_wait3A_52 = tpu.memref_squeeze %dma_wait3A_51 : memref<1x16x1024xf32, #tpu.memory_space<vmem>> -> memref<16x1024xf32, #tpu.memory_space<vmem>>
    %dma_wait3A_53 = arith.constant 0 : i32
    %dma_wait3A_54 = tpu.memref_slice %arg8[%mul3A_2, %dma_wait3A_53] : memref<96000x1024xf32, #tpu.memory_space<hbm>> -> memref<16x1024xf32, #tpu.memory_space<hbm>>
    %dma_wait3A_55 = arith.constant 0 : i32
    %dma_wait3A_56 = tpu.memref_slice %arg8[%mul3A_2, %dma_wait3A_55] : memref<96000x1024xf32, #tpu.memory_space<hbm>> -> memref<16x1024xf32, #tpu.memory_space<hbm>>
    %dma_wait3A_57 = arith.constant 0 : i32
    %dma_wait3A_58 = arith.constant 0 : i32
    %dma_wait3A_59 = tpu.memref_slice %arg13[%dma_wait3A, %dma_wait3A_57, %dma_wait3A_58] : memref<2x16x1024xf32, #tpu.memory_space<vmem>> -> memref<1x16x1024xf32, #tpu.memory_space<vmem>>
    %dma_wait3A_60 = tpu.memref_squeeze %dma_wait3A_59 : memref<1x16x1024xf32, #tpu.memory_space<vmem>> -> memref<16x1024xf32, #tpu.memory_space<vmem>>
    tpu.wait_dma2 semaphore(%arg19 : memref<!tpu.dma_semaphore, #tpu.memory_space<semaphore_mem>>) src(%dma_wait3A_60 : memref<16x1024xf32, #tpu.memory_space<vmem>>) dst(%dma_wait3A_56 : memref<16x1024xf32, #tpu.memory_space<hbm>>)
    %dma_wait3A_61 = arith.constant 1 : i32
    %dma_wait3A_62 = arith.constant 0 : i32
    %dma_wait3A_63 = arith.constant 0 : i32
    %dma_wait3A_64 = tpu.memref_slice %arg13[%dma_wait3A_61, %dma_wait3A_62, %dma_wait3A_63] : memref<2x16x1024xf32, #tpu.memory_space<vmem>> -> memref<1x16x1024xf32, #tpu.memory_space<vmem>>
    %dma_wait3A_65 = tpu.memref_squeeze %dma_wait3A_64 : memref<1x16x1024xf32, #tpu.memory_space<vmem>> -> memref<16x1024xf32, #tpu.memory_space<vmem>>
    %dma_wait3A_66 = arith.constant 0 : i32
    %dma_wait3A_67 = tpu.memref_slice %arg8[%mul3A_2, %dma_wait3A_66] : memref<96000x1024xf32, #tpu.memory_space<hbm>> -> memref<16x1024xf32, #tpu.memory_space<hbm>>
    %dma_wait3A_68 = arith.constant 0 : i32
    %dma_wait3A_69 = tpu.memref_slice %arg8[%mul3A_2, %dma_wait3A_68] : memref<96000x1024xf32, #tpu.memory_space<hbm>> -> memref<16x1024xf32, #tpu.memory_space<hbm>>
    %dma_wait3A_70 = arith.constant 0 : i32
    %dma_wait3A_71 = arith.constant 0 : i32
    %dma_wait3A_72 = tpu.memref_slice %arg13[%dma_wait3A_61, %dma_wait3A_70, %dma_wait3A_71] : memref<2x16x1024xf32, #tpu.memory_space<vmem>> -> memref<1x16x1024xf32, #tpu.memory_space<vmem>>
    %dma_wait3A_73 = tpu.memref_squeeze %dma_wait3A_72 : memref<1x16x1024xf32, #tpu.memory_space<vmem>> -> memref<16x1024xf32, #tpu.memory_space<vmem>>
    tpu.wait_dma2 semaphore(%arg20 : memref<!tpu.dma_semaphore, #tpu.memory_space<semaphore_mem>>) src(%dma_wait3A_73 : memref<16x1024xf32, #tpu.memory_space<vmem>>) dst(%dma_wait3A_69 : memref<16x1024xf32, #tpu.memory_space<hbm>>)
    return
  }
}

</mosaic_0001>

<sc_bundles>
// kernel: kernel.3.cloned.1.call-start
scs
__scs_entry_jumppad:
0x0: {  	(pc) =	sbr.rel $0x88, $3  }
0x1: {  	(tag) =	ssettag $0x0;
	lr =	simm.s32 $0x1  }
0x2: {  	[smem:$0x3F9B] =	sst lr;
	_ =	strace $0xD0000000  }
0x3: {  	_ = 	snop  }
0x4: {  	_ = 	snop  }
0x5: {  	_ = 	snop  }
0x6: {  	_ = 	snop  }
0x7: {  	_ = 	snop  }
__scs_overlays_trampoline_lowered:
0x8: {  	[smem:$0x3FAA] =	sst s0  }
0x9: {  	[smem:$0x3FAB] =	sst s1  }
0xa: {  	[smem:$0x3FAC] =	sst s2  }
0xb: {  	[smem:$0x3FAD] =	sst s3  }
0xc: {  	[smem:$0x3FAE] =	sst s4  }
0xd: {  	[smem:$0x3FAF] =	sst s5  }
0xe: {  	[smem:$0x3FB0] =	sst s6  }
0xf: {  	[smem:$0x3FB1] =	sst s7  }
0x10: {  	[smem:$0x3FB2] =	sst s8  }
0x11: {  	[smem:$0x3FB3] =	sst s9;
	s0 =	simm.s32 @!p0 $0x0  }
0x12: {  	s1 =	sld [smem:$0x3F99];
	s0 =	simm.s32 @p0 $0x1  }
0x13: {  	[smem:$0x3FB4] =	sst s0;
	s0 =	simm.s32 @!p1 $0x0  }
0x14: {  	s2 =	sld [smem:$0x3F98];
	s0 =	simm.s32 @p1 $0x1  }
0x15: {  	[smem:$0x3FB5] =	sst s0;
	s0 =	simm.s32 @!p2 $0x0  }
0x16: {  	s3 =	sld [smem:$0x3FDB];
	s0 =	simm.s32 @p2 $0x1  }
0x17: {  	s4 =	simm.s32 $0x1BF5;
	[smem:$0x3FB7] =	sst s0  }
0x18: {  	s0 =	sld [smem:$0x3F9A];
	_ =	swait.ge [sflag:s4], $0x0  }
0x19: {  	s7 =	sld [smem:$0x3F9B]  }
0x1a: {  	s8 =	sadd.s32 $0xFFFFE003, lr  }
0x1b: {  	s9 =	sadd.s32 $0xFFFFFEF7, lr;
	s5 =	simm.s32 $0xFFFFFFFF;
	p2 =	slt.u32 s8, $0xFFFFF086  }
0x1c: {  	p1 =	slt.u32 s9, $0xF7A;
	s5 =	simm.s32 @!p2 $0x0  }
0x1d: {  	s5 =	simm.s32 @p1 $0x1;
	p0 =	seq.s32 s7, s2  }
0x1e: {  	s7 =	smul.u32 @!p0 $0xF7A, s2;
	p2 =	seq.s32 @!p0 s5, $0x0  }
0x1f: {  	s9 =	smul.u32 $0xF7A, s1;
	s8 =	simm.s32 @!p0 $0x1BF5;
	p2 =	por !p2, p0  }
0x20: {  	[sflag:s8] =	ssyncset.s32 @!p0 $0xFFFFF086;
	s6 =	sadd.s32 @!p0 s3, s7;
	s7 =	simm.s32 @!p0 $0x108  }
0x21: {  	s3 =	sadd.s32 s3, s9;
	s6 =	sadd.s32 @!p0 $0x88, s6;
	s7 =	simm.s32 @p2 $0x1082  }
0x22: {  	[simem:s7], [sflag:s8] =	dma.local @!p0 [hbm:s6], $0xF7A  }
0x23: {  	s9 =	sor.u32 $0xD0000000, s2;
	s6 =	simm.s32 $0x108;
	_ =	swait.ge @!p0 [sflag:s8], $0x0  }
0x24: {  	s3 =	sadd.s32 $0x88, s3;
	s6 =	simm.s32 @!p1 $0x1082;
	[sflag:s4] =	ssyncset.s32 $0xFFFFF086  }
0x25: {  	[simem:s6], [sflag:s4] =	dma.local [hbm:s3], $0xF7A  }
0x26: {  	[smem:$0x3F9B] =	sst s1;
	(tag) =	ssettag s2;
	_ =	strace s9  }
0x27: {  	s1 =	sld [smem:$0x3FAB]  }
0x28: {  	s2 =	sld [smem:$0x3FAC]  }
0x29: {  	s4 =	sld [smem:$0x3FAE]  }
0x2a: {  	p0 =	seq.s32 s5, $0x0;
	s5 =	sld [smem:$0x3FAF]  }
0x2b: {  	s6 =	sld [smem:$0x3FB0]  }
0x2c: {  	s7 =	sld [smem:$0x3FB1]  }
0x2d: {  	s3 =	simm.s32 $0x108;
	s8 =	sld [smem:$0x3FB2]  }
0x2e: {  	s3 =	simm.s32 @!p0 $0x1082;
	s9 =	sld [smem:$0x3FB3]  }
0x2f: {  	lr =	sadd.s32 s0, s3;
	s0 =	sld [smem:$0x3FAA]  }
0x30: {  	s3 =	sld [smem:$0x3FAD]  }
0x31: {  	[smem:$0x3FB6] =	sst s10  }
0x32: {  	s10 =	sld [smem:$0x3FB4];
	_ =	sdelay $0x3  }
0x33: {  	p0 =	seq.s32 s10, $0x1;
	s10 =	sld [smem:$0x3FB6];
	_ =	sdelay $0x3  }
0x34: {  	[smem:$0x3FB6] =	sst s10  }
0x35: {  	s10 =	sld [smem:$0x3FB5];
	_ =	sdelay $0x3  }
0x36: {  	p1 =	seq.s32 s10, $0x1;
	s10 =	sld [smem:$0x3FB6];
	_ =	sdelay $0x3  }
0x37: {  	[smem:$0x3FB6] =	sst s10  }
0x38: {  	s10 =	sld [smem:$0x3FB7]  }
0x39: {  	_ = 	snop;
	(pc) =	sbr.ind lr, $3  }
0x3a: {  	_ = 	snop  }
0x3b: {  	_ = 	snop  }
0x3c: {  	p2 =	seq.s32 s10, $0x1;
	s10 =	sld [smem:$0x3FB6]  }
0x3d: {  	_ =	shalt  }
0x3e: {  	_ =	shalt  }
0x3f: {  	_ =	shalt  }
0x40: {  	_ =	shalt  }
0x41: {  	_ =	shalt  }
0x42: {  	_ =	shalt  }
0x43: {  	_ =	shalt  }
0x44: {  	_ =	shalt  }
0x45: {  	_ =	shalt  }
0x46: {  	_ =	shalt  }
0x47: {  	_ =	shalt  }
0x48: {  	_ =	shalt  }
0x49: {  	_ =	shalt  }
0x4a: {  	_ =	shalt  }
0x4b: {  	_ =	shalt  }
0x4c: {  	_ =	shalt  }
0x4d: {  	_ =	shalt  }
0x4e: {  	_ =	shalt  }
0x4f: {  	_ =	shalt  }
0x50: {  	_ =	shalt  }
0x51: {  	_ =	shalt  }
0x52: {  	_ =	shalt  }
0x53: {  	_ =	shalt  }
0x54: {  	_ =	shalt  }
0x55: {  	_ =	shalt  }
0x56: {  	_ =	shalt  }
0x57: {  	_ =	shalt  }
0x58: {  	_ =	shalt  }
0x59: {  	_ =	shalt  }
0x5a: {  	_ =	shalt  }
0x5b: {  	_ =	shalt  }
0x5c: {  	_ =	shalt  }
0x5d: {  	_ =	shalt  }
0x5e: {  	_ =	shalt  }
0x5f: {  	_ =	shalt  }
0x60: {  	_ =	shalt  }
0x61: {  	_ =	shalt  }
0x62: {  	_ =	shalt  }
0x63: {  	_ =	shalt  }
0x64: {  	_ =	shalt  }
0x65: {  	_ =	shalt  }
0x66: {  	_ =	shalt  }
0x67: {  	_ =	shalt  }
0x68: {  	_ =	shalt  }
0x69: {  	_ =	shalt  }
0x6a: {  	_ =	shalt  }
0x6b: {  	_ =	shalt  }
0x6c: {  	_ =	shalt  }
0x6d: {  	_ =	shalt  }
0x6e: {  	_ =	shalt  }
0x6f: {  	_ =	shalt  }
0x70: {  	_ =	shalt  }
0x71: {  	_ =	shalt  }
0x72: {  	_ =	shalt  }
0x73: {  	_ =	shalt  }
0x74: {  	_ =	shalt  }
0x75: {  	_ =	shalt  }
0x76: {  	_ =	shalt  }
0x77: {  	_ =	shalt  }
0x78: {  	_ =	shalt  }
0x79: {  	_ =	shalt  }
0x7a: {  	_ =	shalt  }
0x7b: {  	_ =	shalt  }
0x7c: {  	_ =	shalt  }
0x7d: {  	_ =	shalt  }
0x7e: {  	_ =	shalt  }
0x7f: {  	_ =	shalt  }
0x80: {  	_ =	shalt  }
0x81: {  	_ =	shalt  }
0x82: {  	_ =	shalt  }
0x83: {  	_ =	shalt  }
0x84: {  	_ =	shalt  }
0x85: {  	_ =	shalt  }
0x86: {  	_ =	shalt  }
0x87: {  	_ =	shalt  }
.Lfunc_end0:
.L_simem_size_0:
called_computation_lowered:
.L_overlay_start_0:
0x88: {  	s2 =	sld [smem:$0x3FD9]  }
0x89: {  	s3 =	sld [smem:$0x3FFE];
	_ =	sdelay $0x1  }
0x8a: {  	s1 =	srdreg.scid  }
0x8b: {  	s0 =	sand.u32 $0x1, s1  }
0x8c: {  	s17 =	sshll.u32 s0, $0xA;
	s2 =	sadd.s32 s3, s2  }
0x8d: {  	s2 =	sadd.s32 s2, s17  }
0x8e: {  	[smem:$0x3FC2] =	sst s2  }
0x8f: {  	_ = 	snop  }
0x90: {  	s2 =	sld [smem:$0x3FC7]  }
0x91: {  	s18 =	sld [smem:$0x3FC5]  }
0x92: {  	s4 =	sld [smem:$0x3FC4]  }
0x93: {  	s5 =	sld [smem:$0x3FD0];
	(tm) =	ssettm $0x1  }
0x94: {  	s6 =	sld [smem:$0x3FFB];
	_ =	sdelay $0x3  }
0x95: {  	_ =	strace s6  }
0x96: {  	s6 =	sld [smem:$0x3FFC];
	_ =	sdelay $0x3  }
0x97: {  	_ =	strace s6  }
0x98: {  	s6 =	sld [smem:$0x3FFD];
	_ =	sdelay $0x3  }
0x99: {  	_ =	strace s6  }
0x9a: {  	_ =	strace $0x8FFFFFFF  }
0x9b: {  	s19 =	sld [smem:$0x3FDB];
	_ =	sdelay $0x1  }
0x9c: {  	s7 =	simm.s32 $_scs_section_size  }
0x9d: {  	s8 =	simm.s32 $_size__tile_overlayer_lowered;
	s9 =	simm.s32 $_tile_overlayer_lowered  }
0x9e: {  	s22 =	simm.s32 $0x1BFF;
	s21 =	sshll.u32 s9, $0x1;
	s6 =	sadd.s32 s7, s19  }
0x9f: {  	s10 =	simm.s32 $0x0;
	s20 =	sshll.u32 s8, $0x1;
	s8 =	sadd.s32 s21, s6  }
0xa0: {  	[timem:s10], [sflag:s22] =	dma.local [hbm:s8], s20  }
0xa1: {  	_ =	swait.ge [sflag:s22], s20  }
0xa2: {  	s7 =	ssub.s32 $0x0, s20;
	[sflag:s22] =	ssyncset.done $0x0  }
0xa3: {  	[sflag:s22] =	ssyncadd.s32 s7;
	_ =	sdelay $0x1  }
0xa4: {  	s23 =	simm.s32 $0x1B8B  }
0xa5: {  	_ =	swait.ge [sflag:s23], $0x1  }
0xa6: {  	[sflag:s23] =	ssyncset.done $0x0  }
0xa7: {  	s25 =	simm.s32 $0x1B8E;
	s24 =	sld [smem:$0x3FFE];
	[sflag:s23] =	ssyncadd.s32 $0xFFFFFFFF  }
0xa8: {  	s26 =	simm.s32 $execute0_lowered;
	[smem:$0x3FD2] =	sst s25  }
0xa9: {  	s8 =	sshll.u32 s26, $0x1;
	_ =	strace $0x80000046;
	[dreg:$0x1] =	wrdreg $0xFFFFFFFF  }
0xaa: {  	s28 =	simm.s32 $_size_execute0_lowered;
	s6 =	sadd.s32 s6, s8;
	[dreg:$0x0] =	wrdreg $0x0  }
0xab: {  	s8 =	sshll.u32 s28, $0x1;
	[dreg:$0x2] =	wrdreg s6  }
0xac: {  	[dreg:$0x3] =	wrdreg s8  }
0xad: {  	[dreg:$0x4] =	wrdreg $0xC0  }
0xae: {  	_ =	task [dreg:s10], $0x5FFFF  }
0xaf: {  	[dreg:$0x1] =	wrdreg $0xFFFFFFFF  }
0xb0: {  	[dreg:$0x0] =	wrdreg $0x60  }
0xb1: {  	[dreg:$0x2] =	wrdreg s24  }
0xb2: {  	[dreg:$0x3] =	wrdreg s2  }
0xb3: {  	[dreg:$0x4] =	wrdreg s18  }
0xb4: {  	[dreg:$0x5] =	wrdreg s4  }
0xb5: {  	[dreg:$0x6] =	wrdreg s5  }
0xb6: {  	[dreg:$0x7] =	wrdreg $0x9  }
0xb7: {  	_ =	task.clear_ibuf [dreg:s10], $0x8FFFF;
	_ =	strace $0x90000046  }
0xb8: {  	s29 =	simm.s32 $0x9;
	_ =	strace $0x80000048  }
0xb9: {  	_ =	swait.ge [sflag:s29], $0x1  }
0xba: {  	[sflag:s29] =	ssyncadd.s32 $0xFFFFFFFF  }
0xbb: {  	_ =	strace $0x90000048  }
0xbc: {  	_ =	sfence  }
0xbd: {  	s30 =	sld [smem:$0x0];
	_ =	sdelay $0x2  }
0xbe: {  	s31 =	sshll.u32 s1, $0xD;
	s1 =	sshrl.u32 s1, $0x2  }
0xbf: {  	s3 =	sand.u32 $0x4000, s31;
	s1 =	sadd.s32 s1, s30  }
0xc0: {  	s0 =	sor.u32 s3, s0;
	s1 =	sshll.u32 s1, $0x11  }
0xc1: {  	s0 =	sor.u32 s1, s0  }
0xc2: {  	s0 =	sadd.s32 $0x8F2B, s0  }
0xc3: {  	[sflag:s0] =	ssyncadd.remote.s32 $0x1  }
0xc4: {  	_ =	sfence.sel $0xFFFF  }
0xc5: {  	[dreg:$0x0] =	wrdreg $0xFFFFFFFF;
	(pc) =	sbr.abs _section_cstart, $3  }
0xc6: {  	[dreg:$0x1] =	wrdreg $0xFFFFFFFF  }
0xc7: {  	_ =	task.clear_ibuf [dreg:s10], $0x2FFFF;
	_ =	strace $0x9FFFFFFF  }
0xc8: {  	(tm) =	ssettm $0x7FFFFFFF  }
0xc9: {  	_ =	shalt  }
tec
execute0_lowered:
.L_overlay_start_1:
0x0: {  	(tag) =	ssettag $0x1  }
0x1: {  	s0 =	rddreg [dreg:$0x0]  }
0x2: {  	s1 =	srdreg.scid;
	s2 =	stileid.u32  }
0x3: {  	s29 =	rddreg [dreg:$0x1];
	s1 =	sand.u32 $0x1, s1;
	s2 =	sshll.u32 s2, $0x1  }
0x4: {  	s6 =	simm.s32 $0x0;
	s2 =	sor.u32 s1, s2;
	s1 =	ssub.s32 $0x2, s1  }
0x5: {  	[smem:$0x7FF] =	sst s6;
	s2 =	smul.u32 $0xBB8, s2;
	s3 =	sshrl.u32 s1, $0x1  }
0x6: {  	s8 =	sadd.s32 $0x6200, s0;
	_ =	strace $0x80000047;
	s1 =	ssub.s32 s1, s3  }
.Ltmp0:
0x7: {  	v2 =	vlaneseq.u32;
	[dreg:$0x6] =	wrdreg s2;
	s2 =	sshrl.u32 s2, $0x3;
	(pc) =	sbr.rel .LBB2_1-.Ltmp0, $4  }
0x8: {  	s11 =	sadd.s32 $0x100, s29;
	v0 =	vand.u32 $0x7, v2;
	v1 =	vshrl.u32 v2, $0x3;
	s31 =	smax.u32 s1, $0x1;
	s2 =	sadd.s32 s2, s0  }
0x9: {  	s12 =	sadd.s32 $0x200, s29;
	v63 =	vor.u32 $0x8, v2;
	[tilespmem:$0x1FFD0] =	vst v0;
	v62 =	vmul.u32 $0x8, v1;
	[dreg:$0x9] =	wrdreg s31;
	s30 =	sadd.s32 $0x200, s2  }
0xa: {  	s13 =	sadd.s32 $0x300, s29;
	[tilespmem:$0x1FFF0] =	vst v63;
	s2 =	sadd.s32 $0x3200, s2;
	[dreg:$0x7] =	wrdreg s30  }
0xb: {  	vm0 =	vmmov $0xffff;
	s14 =	sadd.s32 $0x6300, s0;
	[tilespmem:$0x1FFE0] =	vst v62;
	[dreg:$0x8] =	wrdreg s2;
	s2 =	simm.s32 $0x0  }
.LBB2_28:
0xc: {  	s0 =	simm.s32 $0x3  }
0xd: {  	_ =	swait.ge [sflag:s0], $0x4000  }
0xe: {  	[sflag:s0] =	ssyncset.done $0x0  }
0xf: {  	s1 =	simm.s32 $0x4;
	[sflag:s0] =	ssyncadd.s32 $0xFFFFC000  }
0x10: {  	_ =	swait.ge [sflag:s1], $0x4000  }
0x11: {  	s2 =	rddreg [dreg:$0xa]  }
0x12: {  	s31 =	rddreg [dreg:$0x9];
	s2 =	sadd.s32 $0x1, s2  }
0x13: {  	p0 =	sne.s32 s2, s31  }
.Ltmp1:
0x14: {  	_ = 	snop;
	(pc) =	sbr.rel @!p0 .LBB2_29-.Ltmp1, $3  }
0x15: {  	_ =	sdelay $0x1  }
0x16: {  	[sflag:s1] =	ssyncset.done $0x0  }
0x17: {  	[sflag:s1] =	ssyncadd.s32 $0xFFFFC000  }
.LBB2_1:
0x18: {  	[dreg:$0xa] =	wrdreg s2  }
0x19: {  	s0 =	rddreg [dreg:$0x7];
	s1 =	simm.s32 $0x5  }
0x1a: {  	[tilespmem:s6], [sflag:$0x5] =	stream.linear.gather [hbm4b:s0+s6], $0xBB8, $0x38;
	[tilespmem:$0x16000] =	vst v63  }
0x1b: {  	_ =	swait.ge [sflag:s1], $0xBB8  }
0x1c: {  	[sflag:s1] =	ssyncset.done $0x0  }
0x1d: {  	s24 =	simm.s32 $0xC00;
	s23 =	rddreg [dreg:$0x8];
	[sflag:s1] =	ssyncadd.s32 $0xFFFFF448  }
0x1e: {  	[tilespmem:s24], [sflag:$0x5] =	stream.linear.gather [hbm4b:s23+s6], $0xBB8, $0x38;
	[tilespmem:$0x16000] =	vst v63  }
0x1f: {  	_ =	swait.ge [sflag:s1], $0xBB8  }
0x20: {  	[sflag:s1] =	ssyncset.done $0x0  }
0x21: {  	[sflag:s1] =	ssyncadd.s32 $0xFFFFF448  }
0x22: {  	s26 =	simm.s32 $0x15800;
	s25 =	rddreg [dreg:$0x2]  }
0x23: {  	[tilespmem:s26], [sflag:$0x5] =	stream.linear.gather [hbm4b:s25+s6], $0x400, $0x38;
	[tilespmem:$0x16000] =	vst v63  }
0x24: {  	_ =	swait.ge [sflag:s1], $0x400  }
0x25: {  	[sflag:s1] =	ssyncset.done $0x0  }
0x26: {  	[sflag:s1] =	ssyncadd.s32 $0xFFFFFC00  }
0x27: {  	s30 =	simm.s32 $0x15C00;
	s28 =	rddreg [dreg:$0x3]  }
0x28: {  	[tilespmem:s30], [sflag:$0x5] =	stream.linear.gather [hbm4b:s28+s6], $0x400, $0x38;
	[tilespmem:$0x16000] =	vst v63  }
0x29: {  	_ =	swait.ge [sflag:s1], $0x400  }
0x2a: {  	[sflag:s1] =	ssyncset.done $0x0  }
0x2b: {  	[sflag:s1] =	ssyncadd.s32 $0xFFFFFC00  }
0x2c: {  	v3 =	vld [tilespmem:$0x0];
	_ =	sdelay $0x2  }
0x2d: {  	v0 =	vld [tilespmem:$0x1FFD0];
	_ =	sdelay $0x1  }
0x2e: {  	v1 =	vld [tilespmem:$0x1FFE0];
	v4 =	vshll.u32 v3, $0x3  }
0x2f: {  	v3 =	vand.u32 $0x7, v3;
	v4 =	vand.u32 $0xFFFFFFC0, v4  }
0x30: {  	v3 =	vor.u32 v3, v4  }
0x31: {  	v4 =	vperm.xlane v3, v0;
	_ =	sdelay $0x1  }
0x32: {  	v4 =	vadd.s32 v1, v4  }
0x33: {  	v2 =	vld [tilespmem:$0x1FFF0];
	_ =	sdelay $0x2  }
0x34: {  	s31 =	simm.s32 $0x1800  }
0x35: {  	[tilespmem:s31], [sflag:$0x1] =	stream.indirect_vreg.gather [hbm4b:s29+s6], $0x80, v4, vm0, $0xb8;
	[tilespmem:$0x16000] =	vst v63  }
0x36: {  	s1 =	simm.s32 $0x2000;
	v3 =	vperm.xlane v3, v2  }
0x37: {  	[tilespmem:s1], [sflag:$0x1] =	stream.indirect_vreg.gather [hbm4b:s11+s6], $0x80, v4, vm0, $0xb8;
	[tilespmem:$0x16000] =	vst v63  }
0x38: {  	s2 =	simm.s32 $0x2800;
	v3 =	vadd.s32 v1, v3  }
0x39: {  	[tilespmem:s2], [sflag:$0x1] =	stream.indirect_vreg.gather [hbm4b:s12+s6], $0x80, v4, vm0, $0xb8;
	[tilespmem:$0x16000] =	vst v63  }
0x3a: {  	s3 =	simm.s32 $0x3000  }
0x3b: {  	[tilespmem:s3], [sflag:$0x1] =	stream.indirect_vreg.gather [hbm4b:s13+s6], $0x80, v4, vm0, $0xb8;
	[tilespmem:$0x16000] =	vst v63  }
0x3c: {  	s4 =	simm.s32 $0x3800  }
0x3d: {  	[tilespmem:s4], [sflag:$0x1] =	stream.indirect_vreg.gather [hbm4b:s29+s6], $0x80, v3, vm0, $0xb8;
	[tilespmem:$0x16000] =	vst v63  }
0x3e: {  	s5 =	simm.s32 $0x4000  }
0x3f: {  	[tilespmem:s5], [sflag:$0x1] =	stream.indirect_vreg.gather [hbm4b:s11+s6], $0x80, v3, vm0, $0xb8;
	[tilespmem:$0x16000] =	vst v63  }
0x40: {  	s7 =	simm.s32 $0x4800  }
0x41: {  	[tilespmem:s7], [sflag:$0x1] =	stream.indirect_vreg.gather [hbm4b:s12+s6], $0x80, v3, vm0, $0xb8;
	[tilespmem:$0x16000] =	vst v63  }
0x42: {  	s9 =	simm.s32 $0x5000  }
0x43: {  	[tilespmem:s9], [sflag:$0x1] =	stream.indirect_vreg.gather [hbm4b:s13+s6], $0x80, v3, vm0, $0xb8;
	[tilespmem:$0x16000] =	vst v63  }
0x44: {  	v3 =	vld [tilespmem:$0xC00];
	_ =	sdelay $0x4  }
0x45: {  	v61 =	vshll.u32 v3, $0x2  }
0x46: {  	v3 =	vand.u32 $0x7, v3;
	v4 =	vand.u32 $0xFFFFFFE0, v61  }
0x47: {  	v3 =	vor.u32 v3, v4  }
0x48: {  	v4 =	vperm.xlane v3, v0;
	_ =	sdelay $0x1  }
0x49: {  	v4 =	vadd.s32 v1, v4;
	_ =	sdelay $0x1  }
0x4a: {  	v3 =	vperm.xlane v3, v2;
	_ =	sdelay $0x1  }
0x4b: {  	s10 =	simm.s32 $0x9800;
	v3 =	vadd.s32 v1, v3  }
0x4c: {  	[tilespmem:s10], [sflag:$0x1] =	stream.indirect_vreg.gather [hbm4b:s8+s6], $0x80, v4, vm0, $0xb8;
	[tilespmem:$0x16000] =	vst v63  }
0x4d: {  	s15 =	simm.s32 $0xA000  }
0x4e: {  	[tilespmem:s15], [sflag:$0x1] =	stream.indirect_vreg.gather [hbm4b:s14+s6], $0x80, v4, vm0, $0xb8;
	[tilespmem:$0x16000] =	vst v63  }
0x4f: {  	s16 =	simm.s32 $0xA800  }
0x50: {  	[tilespmem:s16], [sflag:$0x1] =	stream.indirect_vreg.gather [hbm4b:s8+s6], $0x80, v3, vm0, $0xb8;
	[tilespmem:$0x16000] =	vst v63  }
0x51: {  	s17 =	simm.s32 $0xB000  }
0x52: {  	[tilespmem:s17], [sflag:$0x1] =	stream.indirect_vreg.gather [hbm4b:s14+s6], $0x80, v3, vm0, $0xb8;
	[tilespmem:$0x16000] =	vst v63  }
0x53: {  	v3 =	vld [tilespmem:$0x10];
	_ =	sdelay $0x4  }
0x54: {  	v62 =	vshll.u32 v3, $0x3  }
0x55: {  	v3 =	vand.u32 $0x7, v3;
	v4 =	vand.u32 $0xFFFFFFC0, v62  }
0x56: {  	v3 =	vor.u32 v3, v4  }
0x57: {  	v4 =	vperm.xlane v3, v0;
	_ =	sdelay $0x1  }
0x58: {  	v4 =	vadd.s32 v1, v4;
	_ =	sdelay $0x3  }
0x59: {  	s18 =	simm.s32 $0x5800  }
0x5a: {  	[tilespmem:s18], [sflag:$0x2] =	stream.indirect_vreg.gather [hbm4b:s29+s6], $0x80, v4, vm0, $0xb8;
	[tilespmem:$0x16000] =	vst v63  }
0x5b: {  	s19 =	simm.s32 $0x6000;
	v3 =	vperm.xlane v3, v2  }
0x5c: {  	[tilespmem:s19], [sflag:$0x2] =	stream.indirect_vreg.gather [hbm4b:s11+s6], $0x80, v4, vm0, $0xb8;
	[tilespmem:$0x16000] =	vst v63  }
0x5d: {  	s20 =	simm.s32 $0x6800;
	v3 =	vadd.s32 v1, v3  }
0x5e: {  	[tilespmem:s20], [sflag:$0x2] =	stream.indirect_vreg.gather [hbm4b:s12+s6], $0x80, v4, vm0, $0xb8;
	[tilespmem:$0x16000] =	vst v63  }
0x5f: {  	s21 =	simm.s32 $0x7000  }
0x60: {  	[tilespmem:s21], [sflag:$0x2] =	stream.indirect_vreg.gather [hbm4b:s13+s6], $0x80, v4, vm0, $0xb8;
	[tilespmem:$0x16000] =	vst v63  }
0x61: {  	s22 =	simm.s32 $0x7800  }
0x62: {  	[tilespmem:s22], [sflag:$0x2] =	stream.indirect_vreg.gather [hbm4b:s29+s6], $0x80, v3, vm0, $0xb8;
	[tilespmem:$0x16000] =	vst v63  }
0x63: {  	s23 =	simm.s32 $0x8000  }
0x64: {  	[tilespmem:s23], [sflag:$0x2] =	stream.indirect_vreg.gather [hbm4b:s11+s6], $0x80, v3, vm0, $0xb8;
	[tilespmem:$0x16000] =	vst v63  }
0x65: {  	s24 =	simm.s32 $0x8800  }
0x66: {  	[tilespmem:s24], [sflag:$0x2] =	stream.indirect_vreg.gather [hbm4b:s12+s6], $0x80, v3, vm0, $0xb8;
	[tilespmem:$0x16000] =	vst v63  }
0x67: {  	s25 =	simm.s32 $0x9000  }
0x68: {  	[tilespmem:s25], [sflag:$0x2] =	stream.indirect_vreg.gather [hbm4b:s13+s6], $0x80, v3, vm0, $0xb8;
	[tilespmem:$0x16000] =	vst v63  }
0x69: {  	v3 =	vld [tilespmem:$0xC10];
	_ =	sdelay $0x4  }
0x6a: {  	v63 =	vshll.u32 v3, $0x2  }
0x6b: {  	v3 =	vand.u32 $0x7, v3;
	v4 =	vand.u32 $0xFFFFFFE0, v63  }
0x6c: {  	v3 =	vor.u32 v3, v4  }
0x6d: {  	v4 =	vperm.xlane v3, v0;
	_ =	sdelay $0x1  }
0x6e: {  	v4 =	vadd.s32 v1, v4;
	_ =	sdelay $0x1  }
0x6f: {  	v3 =	vperm.xlane v3, v2;
	_ =	sdelay $0x1  }
0x70: {  	s26 =	simm.s32 $0xB800;
	v3 =	vadd.s32 v1, v3  }
0x71: {  	[tilespmem:s26], [sflag:$0x2] =	stream.indirect_vreg.gather [hbm4b:s8+s6], $0x80, v4, vm0, $0xb8;
	[tilespmem:$0x16000] =	vst v63  }
0x72: {  	s28 =	simm.s32 $0xC000  }
0x73: {  	[tilespmem:s28], [sflag:$0x2] =	stream.indirect_vreg.gather [hbm4b:s14+s6], $0x80, v4, vm0, $0xb8;
	[tilespmem:$0x16000] =	vst v63  }
0x74: {  	s30 =	simm.s32 $0xC800  }
0x75: {  	[tilespmem:s30], [sflag:$0x2] =	stream.indirect_vreg.gather [hbm4b:s8+s6], $0x80, v3, vm0, $0xb8;
	[tilespmem:$0x16000] =	vst v63  }
0x76: {  	s31 =	simm.s32 $0xD000;
	s10 =	simm.s32 $0x0  }
0x77: {  	[tilespmem:s31], [sflag:$0x2] =	stream.indirect_vreg.gather [hbm4b:s14+s6], $0x80, v3, vm0, $0xb8;
	[tilespmem:$0x16000] =	vst v63  }
.LBB2_2:
0x78: {  	s0 =	simm.s32 $0x1  }
0x79: {  	_ =	swait.ge [sflag:s0], $0x4000  }
0x7a: {  	[sflag:s0] =	ssyncset.done $0x0  }
0x7b: {  	[sflag:s0] =	ssyncadd.s32 $0xFFFFC000  }
0x7c: {  	_ =	swait.ge [sflag:s0], $0x2000  }
0x7d: {  	s15 =	simm.s32 $0x0;
	p0 =	por $0x0, $0x0;
	[sflag:s0] =	ssyncset.done $0x0  }
0x7e: {  	s3 =	simm.s32 $0x0;
	s9 =	simm.s32 $0x0;
	[sflag:s0] =	ssyncadd.s32 $0xFFFFE000  }
.LBB2_3:
0x7f: {  	s0 =	simm.s32 $0x1  }
0x80: {  	s1 =	sshrl.u32 s15, $0x3;
	s0 =	simm.s32 @!p0 $0x0  }
0x81: {  	s2 =	sshll.u32 s1, $0xF;
	s0 =	sshll.u32 s0, $0xB  }
0x82: {  	s4 =	sor.u32 s0, s2  }
0x83: {  	s1 =	sshll.u32 s1, $0xE;
	s4 =	sshrl.u32 s4, $0x2  }
0x84: {  	s0 =	sor.u32 s0, s1;
	s18 =	sadd.s32 $0x2800, s4  }
0x85: {  	s0 =	sshrl.u32 s0, $0x2;
	v3 =	vld [tilespmem:s18+$0xFFFFF070]  }
0x86: {  	s19 =	sadd.s32 $0x9840, s0;
	v4 =	vld [tilespmem:s18+$0x70]  }
0x87: {  	v5 =	vld [tilespmem:s19+$0x30]  }
0x88: {  	v7 =	vld [tilespmem:s18+$0xFFFFF060]  }
0x89: {  	v9 =	vld [tilespmem:s18+$0x60]  }
0x8a: {  	v6 =	vld [tilespmem:s19+$0x20]  }
0x8b: {  	v10 =	vld [tilespmem:s18+$0xFFFFF050]  }
0x8c: {  	v13 =	vld [tilespmem:s18+$0x50]  }
0x8d: {  	v8 =	vld [tilespmem:s19+$0x10]  }
0x8e: {  	v14 =	vld [tilespmem:s18+$0xFFFFF040]  }
0x8f: {  	v15 =	vld [tilespmem:s18+$0x40]  }
0x90: {  	v11 =	vld [tilespmem:s19+$0x0]  }
0x91: {  	v19 =	vld [tilespmem:s18+$0xFFFFF030]  }
0x92: {  	v16 =	vld [tilespmem:s19+$0xFFFFFFF0]  }
0x93: {  	v17 =	vld [tilespmem:s19+$0xFFFFFFE0]  }
0x94: {  	v20 =	vld [tilespmem:s18+$0x30]  }
0x95: {  	v12 =	vimm.f32 $0.0e+00;
	v22 =	vld [tilespmem:s19+$0xFFFFFFD0];
	v21 =	vshll.u32 v5, $0x10  }
0x96: {  	v25 =	vld [tilespmem:s19+$0xFFFFFFC0];
	v23 =	vshll.u32 v6, $0x10;
	v24 =	vand.u32 $0xFFFF0000, v6;
	v5 =	vand.u32 $0xFFFF0000, v5  }
0x97: {  	v29 =	vld [tilespmem:s18+$0xFFFFF000];
	v26 =	vshll.u32 v11, $0x10;
	v27 =	vshll.u32 v8, $0x10;
	v28 =	vand.u32 $0xFFFF0000, v8  }
0x98: {  	s5 =	sshll.u32 s3, $0xA;
	v33 =	vld [tilespmem:s18+$0x0];
	v30 =	vshll.u32 v16, $0x10;
	v31 =	vand.u32 $0xFFFF0000, v16;
	v32 =	vand.u32 $0xFFFF0000, v11  }
0x99: {  	s25 =	sshll.u32 s9, $0x9;
	s5 =	sand.u32 $0xC00, s5;
	v18 =	vshll.u32 v17, $0x10;
	v16 =	vld [tilespmem:s18+$0xFFFFF020];
	v6 =	vadd.f32 v21, v3;
	v3 =	vadd.f32 v5, v4  }
0x9a: {  	s28 =	sor.u32 s5, s1;
	s0 =	sand.u32 $0xE00, s25;
	v21 =	vand.u32 $0xFFFF0000, v17;
	v8 =	vadd.f32 v23, v7;
	v5 =	vadd.f32 v24, v9;
	v17 =	vld [tilespmem:s18+$0x20]  }
0x9b: {  	s30 =	sor.u32 s5, s2;
	s26 =	sor.u32 s0, s1;
	s0 =	sor.u32 s0, s2;
	v23 =	vshll.u32 v22, $0x10;
	v11 =	vadd.f32 v27, v10;
	v4 =	vadd.f32 v28, v13;
	v24 =	vld [tilespmem:s18+$0xFFFFF010]  }
0x9c: {  	s1 =	sshrl.u32 s30, $0x2;
	s5 =	sadd.s32 $0x400, s18;
	s4 =	sshrl.u32 s26, $0x2;
	v9 =	vshll.u32 v25, $0x10;
	v13 =	vadd.f32 v26, v14;
	v10 =	vand.u32 $0xFFFF0000, v25;
	v25 =	vld [tilespmem:s18+$0x10];
	[tilespmem:s18+$0xFFFFF070] =	vst v6  }
0x9d: {  	s7 =	sshrl.u32 s0, $0x2;
	s0 =	sshrl.u32 s28, $0x2;
	s31 =	sadd.s32 $0x99F0, s4;
	v7 =	vadd.f32 v32, v15;
	v26 =	vand.u32 $0xFFFF0000, v22;
	v14 =	vadd.f32 v9, v29;
	[tilespmem:s18+$0xFFFFF060] =	vst v8  }
0x9e: {  	s16 =	sadd.s32 $0x2980, s7;
	s2 =	sadd.s32 $0x9970, s0;
	s0 =	sadd.s32 $0x2900, s1;
	v22 =	vimm.f32 $0.0e+00;
	v9 =	vadd.f32 v30, v19;
	v15 =	vadd.f32 v10, v33;
	[tilespmem:s18+$0xFFFFF050] =	vst v11  }
0x9f: {  	s17 =	sadd.s32 $0x98F0, s4;
	s4 =	sadd.s32 $0x2880, s7;
	s1 =	simm.s32 $0x0;
	v10 =	vadd.f32 v31, v20;
	v19 =	vimm.f32 $0.0e+00;
	v20 =	vimm.f32 $0.0e+00;
	[tilespmem:s18+$0xFFFFF040] =	vst v13  }
.LBB2_4:
0xa0: {  	v27 =	vld [tilespmem:s5+$0xFFFFF070];
	[tilespmem:s18+$0xFFFFF000] =	vst v14;
	v28 =	vmul.f32 v14, v14;
	v23 =	vadd.f32 v23, v24;
	v16 =	vadd.f32 v18, v16  }
0xa1: {  	v17 =	vadd.f32 v21, v17;
	s19 =	sadd.s32 $0x400, s19;
	v24 =	vld [tilespmem:s5+$0x70];
	[tilespmem:s18+$0x0] =	vst v15;
	v18 =	vmul.f32 v15, v15;
	v25 =	vadd.f32 v26, v25  }
0xa2: {  	v12 =	vadd.f32 v14, v12;
	v21 =	vld [tilespmem:s19+$0x30];
	v14 =	vadd.f32 v28, v22;
	[tilespmem:s18+$0xFFFFF010] =	vst v23;
	v22 =	vmul.f32 v23, v23  }
0xa3: {  	v15 =	vadd.f32 v15, v19;
	v26 =	vld [tilespmem:s5+$0xFFFFF060];
	v18 =	vadd.f32 v18, v20;
	[tilespmem:s18+$0x10] =	vst v25;
	v19 =	vmul.f32 v25, v25  }
0xa4: {  	v12 =	vadd.f32 v23, v12;
	v20 =	vmul.f32 v16, v16;
	v28 =	vld [tilespmem:s5+$0x60];
	v14 =	vadd.f32 v22, v14;
	[tilespmem:s18+$0xFFFFF020] =	vst v16  }
0xa5: {  	v15 =	vadd.f32 v25, v15;
	v23 =	vld [tilespmem:s19+$0x20];
	v18 =	vadd.f32 v19, v18;
	[tilespmem:s18+$0x20] =	vst v17;
	v19 =	vmul.f32 v17, v17  }
0xa6: {  	v12 =	vadd.f32 v16, v12;
	v16 =	vmul.f32 v9, v9;
	v29 =	vld [tilespmem:s5+$0xFFFFF050];
	v14 =	vadd.f32 v20, v14;
	[tilespmem:s18+$0xFFFFF030] =	vst v9  }
0xa7: {  	v15 =	vadd.f32 v17, v15;
	v30 =	vld [tilespmem:s5+$0x50];
	v17 =	vadd.f32 v19, v18;
	[tilespmem:s18+$0x30] =	vst v10;
	v18 =	vmul.f32 v10, v10  }
0xa8: {  	v9 =	vadd.f32 v9, v12;
	v25 =	vld [tilespmem:s19+$0x10];
	v12 =	vadd.f32 v16, v14;
	v14 =	vmul.f32 v13, v13;
	[tilespmem:s18+$0x40] =	vst v7  }
0xa9: {  	v10 =	vadd.f32 v10, v15;
	v16 =	vmul.f32 v7, v7;
	v31 =	vld [tilespmem:s5+$0xFFFFF040];
	v15 =	vadd.f32 v18, v17;
	[tilespmem:s18+$0x50] =	vst v4  }
0xaa: {  	v9 =	vadd.f32 v13, v9;
	v13 =	vmul.f32 v11, v11;
	v32 =	vld [tilespmem:s5+$0x40];
	v12 =	vadd.f32 v14, v12;
	[tilespmem:s18+$0x60] =	vst v5  }
0xab: {  	v7 =	vadd.f32 v7, v10;
	v14 =	vld [tilespmem:s19+$0x0];
	v10 =	vadd.f32 v16, v15;
	v15 =	vmul.f32 v4, v4;
	[tilespmem:s18+$0x70] =	vst v3;
	s18 =	smov.u32 s5  }
0xac: {  	v9 =	vadd.f32 v11, v9;
	v33 =	vld [tilespmem:s5+$0xFFFFF030];
	v11 =	vadd.f32 v13, v12;
	v12 =	vmul.f32 v8, v8  }
0xad: {  	v4 =	vadd.f32 v4, v7;
	v34 =	vld [tilespmem:s5+$0x30];
	v7 =	vadd.f32 v15, v10;
	v10 =	vmul.f32 v5, v5  }
0xae: {  	v8 =	vadd.f32 v8, v9;
	v13 =	vld [tilespmem:s19+$0xFFFFFFF0];
	v9 =	vadd.f32 v12, v11;
	v11 =	vmul.f32 v6, v6  }
0xaf: {  	v4 =	vadd.f32 v5, v4;
	v16 =	vld [tilespmem:s5+$0xFFFFF020];
	v5 =	vadd.f32 v10, v7;
	v7 =	vmul.f32 v3, v3  }
0xb0: {  	v12 =	vadd.f32 v6, v8;
	v10 =	vld [tilespmem:s19+$0xFFFFFFE0];
	v22 =	vadd.f32 v11, v9  }
0xb1: {  	v6 =	vshll.u32 v21, $0x10;
	v19 =	vadd.f32 v3, v4;
	v17 =	vld [tilespmem:s5+$0x20];
	v20 =	vadd.f32 v7, v5  }
0xb2: {  	v4 =	vshll.u32 v23, $0x10;
	v3 =	vand.u32 $0xFFFF0000, v21;
	v5 =	vand.u32 $0xFFFF0000, v23;
	v35 =	vld [tilespmem:s19+$0xFFFFFFD0]  }
0xb3: {  	v15 =	vand.u32 $0xFFFF0000, v25;
	v11 =	vshll.u32 v25, $0x10;
	v7 =	vshll.u32 v14, $0x10;
	v9 =	vld [tilespmem:s19+$0xFFFFFFC0]  }
0xb4: {  	s1 =	sadd.s32 $0x8, s1;
	v14 =	vand.u32 $0xFFFF0000, v14;
	v37 =	vshll.u32 v13, $0x10;
	v38 =	vand.u32 $0xFFFF0000, v13;
	v36 =	vld [tilespmem:s5+$0xFFFFF000]  }
0xb5: {  	p1 =	slt.u32 s1, $0x18;
	v6 =	vadd.f32 v6, v27;
	v3 =	vadd.f32 v3, v24;
	v39 =	vld [tilespmem:s5+$0x0];
	v18 =	vshll.u32 v10, $0x10  }
.Ltmp2:
0xb6: {  	v8 =	vadd.f32 v4, v26;
	v5 =	vadd.f32 v5, v28;
	v21 =	vand.u32 $0xFFFF0000, v10;
	v24 =	vld [tilespmem:s5+$0xFFFFF010];
	(pc) =	sbr.rel @p1 .LBB2_4-.Ltmp2, $4  }
0xb7: {  	v4 =	vadd.f32 v15, v30;
	v11 =	vadd.f32 v11, v29;
	v23 =	vshll.u32 v35, $0x10;
	v25 =	vld [tilespmem:s5+$0x10];
	[tilespmem:s5+$0xFFFFF070] =	vst v6  }
0xb8: {  	v13 =	vadd.f32 v7, v31;
	v7 =	vadd.f32 v14, v32;
	v10 =	vshll.u32 v9, $0x10;
	[tilespmem:s5+$0xFFFFF060] =	vst v8  }
0xb9: {  	v15 =	vand.u32 $0xFFFF0000, v9;
	v9 =	vadd.f32 v37, v33;
	v14 =	vadd.f32 v10, v36;
	[tilespmem:s5+$0xFFFFF050] =	vst v11  }
0xba: {  	v26 =	vand.u32 $0xFFFF0000, v35;
	v10 =	vadd.f32 v38, v34;
	s5 =	sadd.s32 $0x400, s5;
	v15 =	vadd.f32 v15, v39;
	[tilespmem:s18+$0xFFFFF040] =	vst v13  }
0xbb: {  	v23 =	vadd.f32 v23, v24  }
0xbc: {  	v24 =	vmul.f32 v14, v14;
	v16 =	vadd.f32 v18, v16;
	v17 =	vadd.f32 v21, v17  }
0xbd: {  	v12 =	vadd.f32 v14, v12;
	v18 =	vadd.f32 v26, v25;
	v25 =	vmul.f32 v15, v15  }
0xbe: {  	v19 =	vadd.f32 v15, v19;
	v21 =	vadd.f32 v24, v22;
	v22 =	vmul.f32 v23, v23  }
0xbf: {  	v12 =	vadd.f32 v23, v12;
	v20 =	vadd.f32 v25, v20;
	v24 =	vmul.f32 v18, v18  }
0xc0: {  	v19 =	vadd.f32 v18, v19;
	v21 =	vadd.f32 v22, v21;
	v22 =	vmul.f32 v16, v16  }
0xc1: {  	v12 =	vadd.f32 v16, v12;
	v20 =	vadd.f32 v24, v20;
	v24 =	vmul.f32 v17, v17  }
0xc2: {  	v19 =	vadd.f32 v17, v19;
	v21 =	vadd.f32 v22, v21;
	v22 =	vmul.f32 v9, v9  }
0xc3: {  	v12 =	vadd.f32 v9, v12;
	v20 =	vadd.f32 v24, v20;
	v24 =	vmul.f32 v10, v10  }
0xc4: {  	v19 =	vadd.f32 v10, v19;
	v21 =	vadd.f32 v22, v21;
	v22 =	vmul.f32 v13, v13  }
0xc5: {  	v12 =	vadd.f32 v13, v12;
	v20 =	vadd.f32 v24, v20;
	v24 =	vmul.f32 v7, v7  }
0xc6: {  	v19 =	vadd.f32 v7, v19;
	v13 =	vadd.f32 v22, v21;
	v21 =	vmul.f32 v11, v11  }
0xc7: {  	v22 =	vmul.f32 v4, v4;
	v11 =	vadd.f32 v11, v12;
	v20 =	vadd.f32 v24, v20  }
0xc8: {  	v19 =	vadd.f32 v4, v19;
	v12 =	vadd.f32 v21, v13;
	v13 =	vmul.f32 v8, v8  }
0xc9: {  	v21 =	vmul.f32 v5, v5;
	v8 =	vadd.f32 v8, v11;
	v20 =	vadd.f32 v22, v20  }
0xca: {  	v11 =	vadd.f32 v13, v12;
	v12 =	vadd.f32 v5, v19  }
0xcb: {  	v13 =	vmul.f32 v6, v6;
	v19 =	vadd.f32 v21, v20;
	v20 =	vmul.f32 v3, v3  }
0xcc: {  	v6 =	vadd.f32 v6, v8;
	v8 =	vadd.f32 v3, v12  }
0xcd: {  	v11 =	vadd.f32 v13, v11;
	v12 =	vadd.f32 v20, v19  }
0xce: {  	v6 =	vadd.f32 v8, v6  }
0xcf: {  	v8 =	vadd.f32 v12, v11  }
0xd0: {  	(xrf2) =	vadd.scan.msk.f32 $0xffff, v6  }
0xd1: {  	(xrf2) =	vadd.scan.msk.f32 $0xffff, v8;
	_ =	sdelay $0x8  }
0xd2: {  	v6, _, _ =	vpop (xrf2)  }
0xd3: {  	(v2sf) =	vpush v6, $0xF;
	v6, _, _ =	vpop (xrf2)  }
0xd4: {  	(v2sf) =	vpush v6, $0xF;
	_ =	sdelay $0xd  }
0xd5: {  	s1 =	spop (v2sf)  }
0xd6: {  	s1 =	smul.f32 $9.765625000e-04, s1;
	s5 =	spop (v2sf)  }
0xd7: {  	s5 =	smul.f32 $9.765625000e-04, s5  }
0xd8: {  	[tilespmem:s18+$0xFFFFF000] =	vst v14;
	v14 =	vld [tilespmem:s4+$0x40];
	s7 =	smul.f32 s1, s1  }
0xd9: {  	v27 =	vld [tilespmem:s4+$0xFFFFF030]  }
0xda: {  	v28 =	vld [tilespmem:s4+$0x30];
	s5 =	ssub.f32 s5, s7  }
0xdb: {  	v32 =	vld [tilespmem:s4+$0xFFFFF000]  }
0xdc: {  	v26 =	vld [tilespmem:s4+$0xFFFFF040];
	s5 =	sadd.f32 $9.999999740e-06, s5  }
0xdd: {  	[tilespmem:s18+$0x0] =	vst v15;
	v15 =	vld [tilespmem:s17+$0xFFFFFFD0]  }
0xde: {  	v25 =	vld [tilespmem:s4+$0x50];
	s28 =	sshra.s32 s5, $0x1;
	s5 =	smul.f32 $5.000000000e-01, s5  }
0xdf: {  	[tilespmem:s18+$0x10] =	vst v18;
	v18 =	vld [tilespmem:s17+$0xFFFFFFC0];
	s7 =	ssub.s32 $0x5F3759DF, s28  }
0xe0: {  	[tilespmem:s18+$0xFFFFF020] =	vst v16;
	v16 =	vld [tilespmem:s17+$0xFFFFFFB0];
	s19 =	smul.f32 s7, s5  }
0xe1: {  	[tilespmem:s18+$0xFFFFF030] =	vst v9;
	v9 =	vld [tilespmem:s17+$0xFFFFFFA0]  }
0xe2: {  	[tilespmem:s18+$0x30] =	vst v10;
	v10 =	vld [tilespmem:s17+$0xFFFFFF90];
	s19 =	smul.f32 s7, s19  }
0xe3: {  	v21 =	vld [tilespmem:s17+$0xFFFFFFE0]  }
0xe4: {  	v13 =	vld [tilespmem:s4+$0xFFFFF060];
	s19 =	ssub.f32 $1.500000000e+00, s19  }
0xe5: {  	v19 =	vld [tilespmem:s4+$0x60]  }
0xe6: {  	v20 =	vld [tilespmem:s17+$0xFFFFFFF0];
	s7 =	smul.f32 s7, s19  }
0xe7: {  	v11 =	vld [tilespmem:s17+$0x0]  }
0xe8: {  	v29 =	vshll.u32 v15, $0x10;
	v15 =	vand.u32 $0xFFFF0000, v15;
	v8 =	vld [tilespmem:s4+$0x70];
	s5 =	smul.f32 s7, s5  }
0xe9: {  	[tilespmem:s18+$0x60] =	vst v5;
	v33 =	vshll.u32 v18, $0x10;
	v18 =	vand.u32 $0xFFFF0000, v18;
	v24 =	vld [tilespmem:s4+$0xFFFFF050];
	v22 =	vand.u32 $0xFFFF0000, v16  }
0xea: {  	[tilespmem:s18+$0x70] =	vst v3;
	v30 =	vshll.u32 v21, $0x10;
	v31 =	vand.u32 $0xFFFF0000, v21;
	v21 =	vshll.u32 v16, $0x10;
	v6 =	vld [tilespmem:s4+$0xFFFFF070];
	s5 =	smul.f32 s5, s7  }
0xeb: {  	v34 =	vld [tilespmem:s4+$0x0];
	[tilespmem:s18+$0xFFFFF010] =	vst v23;
	v3 =	vadd.f32 v31, v25;
	v23 =	vshll.u32 v20, $0x10;
	v20 =	vand.u32 $0xFFFF0000, v20  }
0xec: {  	[tilespmem:s18+$0x20] =	vst v17;
	v16 =	vld [tilespmem:s4+$0xFFFFF020];
	v5 =	vadd.f32 v20, v19;
	v17 =	vshll.u32 v11, $0x10;
	v11 =	vand.u32 $0xFFFF0000, v11;
	s5 =	ssub.f32 $1.500000000e+00, s5  }
0xed: {  	[tilespmem:s18+$0x50] =	vst v4;
	v12 =	vimm.f32 $0.0e+00;
	v25 =	vld [tilespmem:s4+$0x10];
	v4 =	vadd.f32 v11, v8;
	v8 =	vadd.f32 v23, v13  }
0xee: {  	[tilespmem:s18+$0x40] =	vst v7;
	v19 =	vshll.u32 v10, $0x10;
	v20 =	vimm.f32 $0.0e+00;
	v11 =	vadd.f32 v30, v24;
	v24 =	vld [tilespmem:s4+$0xFFFFF010];
	s1 =	ssub.f32 $0.0e+00, s1;
	s5 =	smul.f32 s5, s7  }
0xef: {  	v23 =	vshll.u32 v9, $0x10;
	v13 =	vadd.f32 v29, v26;
	[tilespmem:s4+$0xFFFFF060] =	vst v8;
	v7 =	vadd.f32 v17, v6;
	v17 =	vld [tilespmem:s4+$0x20]  }
0xf0: {  	v26 =	vand.u32 $0xFFFF0000, v9;
	v9 =	vadd.f32 v18, v28;
	v18 =	vimm.f32 $0.0e+00;
	[tilespmem:s4+$0xFFFFF050] =	vst v11;
	s1 =	smul.f32 s5, s1  }
0xf1: {  	s30 =	sadd.s32 $0x80, s15;
	s18 =	sor.u32 $0x1, s15;
	[tilespmem:s4+$0xFFFFF040] =	vst v13;
	v6 =	vadd.f32 v15, v14;
	v15 =	vand.u32 $0xFFFF0000, v10;
	v14 =	vadd.f32 v19, v32;
	[smem:s15] =	sst s5  }
0xf2: {  	v10 =	vadd.f32 v33, v27;
	v19 =	vimm.f32 $0.0e+00;
	v15 =	vadd.f32 v15, v34;
	[tilespmem:s4+$0xFFFFF070] =	vst v7;
	s5 =	sadd.s32 $0x400, s4;
	[smem:s30] =	sst s1;
	s1 =	simm.s32 $0x0  }
.LBB2_6:
0xf3: {  	v27 =	vld [tilespmem:s5+$0xFFFFF070];
	[tilespmem:s4+$0xFFFFF000] =	vst v14;
	v28 =	vmul.f32 v14, v14;
	v23 =	vadd.f32 v23, v24;
	v16 =	vadd.f32 v21, v16  }
0xf4: {  	v17 =	vadd.f32 v22, v17;
	s17 =	sadd.s32 $0x400, s17;
	v24 =	vld [tilespmem:s5+$0x70];
	[tilespmem:s4+$0x0] =	vst v15;
	v21 =	vmul.f32 v15, v15;
	v25 =	vadd.f32 v26, v25  }
0xf5: {  	v12 =	vadd.f32 v14, v12;
	v22 =	vld [tilespmem:s17+$0x0];
	v14 =	vadd.f32 v28, v20;
	[tilespmem:s4+$0xFFFFF010] =	vst v23;
	v20 =	vmul.f32 v23, v23  }
0xf6: {  	v15 =	vadd.f32 v15, v18;
	v26 =	vld [tilespmem:s5+$0xFFFFF060];
	v18 =	vadd.f32 v21, v19;
	[tilespmem:s4+$0x10] =	vst v25;
	v19 =	vmul.f32 v25, v25  }
0xf7: {  	v12 =	vadd.f32 v23, v12;
	v28 =	vld [tilespmem:s5+$0x60];
	v14 =	vadd.f32 v20, v14;
	[tilespmem:s4+$0xFFFFF020] =	vst v16;
	v20 =	vmul.f32 v16, v16  }
0xf8: {  	v15 =	vadd.f32 v25, v15;
	v21 =	vld [tilespmem:s17+$0xFFFFFFF0];
	v18 =	vadd.f32 v19, v18;
	[tilespmem:s4+$0x20] =	vst v17;
	v19 =	vmul.f32 v17, v17  }
0xf9: {  	v12 =	vadd.f32 v16, v12;
	v16 =	vmul.f32 v10, v10;
	v29 =	vld [tilespmem:s5+$0xFFFFF050];
	v14 =	vadd.f32 v20, v14;
	[tilespmem:s4+$0xFFFFF030] =	vst v10  }
0xfa: {  	v15 =	vadd.f32 v17, v15;
	v30 =	vld [tilespmem:s5+$0x50];
	v17 =	vadd.f32 v19, v18;
	[tilespmem:s4+$0x30] =	vst v9;
	v18 =	vmul.f32 v9, v9  }
0xfb: {  	v10 =	vadd.f32 v10, v12;
	v23 =	vld [tilespmem:s17+$0xFFFFFFE0];
	v12 =	vadd.f32 v16, v14;
	v14 =	vmul.f32 v13, v13;
	[tilespmem:s4+$0x40] =	vst v6  }
0xfc: {  	v9 =	vadd.f32 v9, v15;
	v16 =	vmul.f32 v6, v6;
	v31 =	vld [tilespmem:s5+$0xFFFFF040];
	v15 =	vadd.f32 v18, v17;
	[tilespmem:s4+$0x50] =	vst v3  }
0xfd: {  	v10 =	vadd.f32 v13, v10;
	v13 =	vmul.f32 v11, v11;
	v32 =	vld [tilespmem:s5+$0x40];
	v12 =	vadd.f32 v14, v12;
	[tilespmem:s4+$0x60] =	vst v5  }
0xfe: {  	v6 =	vadd.f32 v6, v9;
	v14 =	vld [tilespmem:s17+$0xFFFFFFD0];
	v9 =	vadd.f32 v16, v15;
	v15 =	vmul.f32 v3, v3;
	[tilespmem:s4+$0x70] =	vst v4;
	s4 =	smov.u32 s5  }
0xff: {  	v10 =	vadd.f32 v11, v10;
	v33 =	vld [tilespmem:s5+$0xFFFFF030];
	v11 =	vadd.f32 v13, v12;
	v12 =	vmul.f32 v8, v8  }
0x100: {  	v3 =	vadd.f32 v3, v6;
	v34 =	vld [tilespmem:s5+$0x30];
	v6 =	vadd.f32 v15, v9;
	v9 =	vmul.f32 v5, v5  }
0x101: {  	v8 =	vadd.f32 v8, v10;
	v13 =	vld [tilespmem:s17+$0xFFFFFFC0];
	v10 =	vadd.f32 v12, v11;
	v11 =	vmul.f32 v7, v7  }
0x102: {  	v3 =	vadd.f32 v5, v3;
	v16 =	vld [tilespmem:s5+$0xFFFFF020];
	v5 =	vadd.f32 v9, v6;
	v6 =	vmul.f32 v4, v4  }
0x103: {  	v12 =	vadd.f32 v7, v8;
	v9 =	vld [tilespmem:s17+$0xFFFFFFB0];
	v20 =	vadd.f32 v11, v10  }
0x104: {  	v7 =	vshll.u32 v22, $0x10;
	v18 =	vadd.f32 v4, v3;
	v17 =	vld [tilespmem:s5+$0x20];
	v19 =	vadd.f32 v6, v5  }
0x105: {  	v3 =	vshll.u32 v21, $0x10;
	v4 =	vand.u32 $0xFFFF0000, v22;
	v5 =	vand.u32 $0xFFFF0000, v21;
	v35 =	vld [tilespmem:s17+$0xFFFFFFA0]  }
0x106: {  	v15 =	vand.u32 $0xFFFF0000, v23;
	v11 =	vshll.u32 v23, $0x10;
	v6 =	vshll.u32 v14, $0x10;
	v10 =	vld [tilespmem:s17+$0xFFFFFF90]  }
0x107: {  	s1 =	sadd.s32 $0x8, s1;
	v14 =	vand.u32 $0xFFFF0000, v14;
	v37 =	vshll.u32 v13, $0x10;
	v38 =	vand.u32 $0xFFFF0000, v13;
	v36 =	vld [tilespmem:s5+$0xFFFFF000]  }
0x108: {  	p1 =	slt.u32 s1, $0x18;
	v7 =	vadd.f32 v7, v27;
	v4 =	vadd.f32 v4, v24;
	v39 =	vld [tilespmem:s5+$0x0];
	v21 =	vshll.u32 v9, $0x10  }
.Ltmp3:
0x109: {  	v8 =	vadd.f32 v3, v26;
	v5 =	vadd.f32 v5, v28;
	v22 =	vand.u32 $0xFFFF0000, v9;
	v24 =	vld [tilespmem:s5+$0xFFFFF010];
	(pc) =	sbr.rel @p1 .LBB2_6-.Ltmp3, $4  }
0x10a: {  	v3 =	vadd.f32 v15, v30;
	v11 =	vadd.f32 v11, v29;
	v23 =	vshll.u32 v35, $0x10;
	v25 =	vld [tilespmem:s5+$0x10];
	[tilespmem:s5+$0xFFFFF070] =	vst v7  }
0x10b: {  	v13 =	vadd.f32 v6, v31;
	v6 =	vadd.f32 v14, v32;
	v9 =	vshll.u32 v10, $0x10;
	[tilespmem:s5+$0xFFFFF060] =	vst v8  }
0x10c: {  	v15 =	vand.u32 $0xFFFF0000, v10;
	v10 =	vadd.f32 v37, v33;
	v14 =	vadd.f32 v9, v36;
	[tilespmem:s5+$0xFFFFF050] =	vst v11  }
0x10d: {  	v26 =	vand.u32 $0xFFFF0000, v35;
	v9 =	vadd.f32 v38, v34;
	s5 =	sadd.s32 $0x400, s5;
	v15 =	vadd.f32 v15, v39;
	[tilespmem:s4+$0xFFFFF040] =	vst v13  }
0x10e: {  	v23 =	vadd.f32 v23, v24  }
0x10f: {  	v24 =	vmul.f32 v14, v14;
	v16 =	vadd.f32 v21, v16;
	v17 =	vadd.f32 v22, v17  }
0x110: {  	v12 =	vadd.f32 v14, v12;
	v21 =	vadd.f32 v26, v25;
	v25 =	vmul.f32 v15, v15  }
0x111: {  	v18 =	vadd.f32 v15, v18;
	v20 =	vadd.f32 v24, v20;
	v22 =	vmul.f32 v23, v23  }
0x112: {  	v12 =	vadd.f32 v23, v12;
	v19 =	vadd.f32 v25, v19;
	v24 =	vmul.f32 v21, v21  }
0x113: {  	v18 =	vadd.f32 v21, v18;
	v20 =	vadd.f32 v22, v20;
	v22 =	vmul.f32 v16, v16  }
0x114: {  	v12 =	vadd.f32 v16, v12;
	v19 =	vadd.f32 v24, v19;
	v24 =	vmul.f32 v17, v17  }
0x115: {  	v18 =	vadd.f32 v17, v18;
	v20 =	vadd.f32 v22, v20;
	v22 =	vmul.f32 v10, v10  }
0x116: {  	v12 =	vadd.f32 v10, v12;
	v19 =	vadd.f32 v24, v19;
	v24 =	vmul.f32 v9, v9  }
0x117: {  	v18 =	vadd.f32 v9, v18;
	v20 =	vadd.f32 v22, v20;
	v22 =	vmul.f32 v13, v13  }
0x118: {  	v12 =	vadd.f32 v13, v12;
	v19 =	vadd.f32 v24, v19;
	v24 =	vmul.f32 v6, v6  }
0x119: {  	v18 =	vadd.f32 v6, v18;
	v13 =	vadd.f32 v22, v20;
	v20 =	vmul.f32 v11, v11  }
0x11a: {  	v22 =	vmul.f32 v3, v3;
	v11 =	vadd.f32 v11, v12;
	v19 =	vadd.f32 v24, v19  }
0x11b: {  	v18 =	vadd.f32 v3, v18;
	v12 =	vadd.f32 v20, v13;
	v13 =	vmul.f32 v8, v8  }
0x11c: {  	v20 =	vmul.f32 v5, v5;
	v8 =	vadd.f32 v8, v11;
	v19 =	vadd.f32 v22, v19  }
0x11d: {  	v11 =	vadd.f32 v13, v12;
	v12 =	vadd.f32 v5, v18  }
0x11e: {  	v13 =	vmul.f32 v7, v7;
	v18 =	vadd.f32 v20, v19;
	v19 =	vmul.f32 v4, v4  }
0x11f: {  	v7 =	vadd.f32 v7, v8;
	v8 =	vadd.f32 v4, v12  }
0x120: {  	v11 =	vadd.f32 v13, v11;
	v12 =	vadd.f32 v19, v18  }
0x121: {  	v7 =	vadd.f32 v8, v7  }
0x122: {  	v8 =	vadd.f32 v12, v11  }
0x123: {  	(xrf2) =	vadd.scan.msk.f32 $0xffff, v7  }
0x124: {  	(xrf2) =	vadd.scan.msk.f32 $0xffff, v8;
	_ =	sdelay $0x8  }
0x125: {  	v7, _, _ =	vpop (xrf2)  }
0x126: {  	(v2sf) =	vpush v7, $0xF;
	v7, _, _ =	vpop (xrf2)  }
0x127: {  	(v2sf) =	vpush v7, $0xF;
	_ =	sdelay $0xd  }
0x128: {  	s1 =	spop (v2sf)  }
0x129: {  	s1 =	smul.f32 $9.765625000e-04, s1;
	s5 =	spop (v2sf)  }
0x12a: {  	s5 =	smul.f32 $9.765625000e-04, s5  }
0x12b: {  	[tilespmem:s4+$0xFFFFF000] =	vst v14;
	v14 =	vld [tilespmem:s0+$0x40];
	s7 =	smul.f32 s1, s1  }
0x12c: {  	v27 =	vld [tilespmem:s0+$0x30]  }
0x12d: {  	v28 =	vld [tilespmem:s2+$0xFFFFFFA0];
	s5 =	ssub.f32 s5, s7  }
0x12e: {  	v32 =	vld [tilespmem:s0+$0xFFFFF000]  }
0x12f: {  	[tilespmem:s4+$0x0] =	vst v15;
	v15 =	vld [tilespmem:s2+$0xFFFFFFD0];
	s5 =	sadd.f32 $9.999999740e-06, s5  }
0x130: {  	v26 =	vld [tilespmem:s0+$0xFFFFF030]  }
0x131: {  	v25 =	vld [tilespmem:s0+$0xFFFFF040];
	s28 =	sshra.s32 s5, $0x1;
	s5 =	smul.f32 $5.000000000e-01, s5  }
0x132: {  	[tilespmem:s4+$0x10] =	vst v21;
	v21 =	vld [tilespmem:s2+$0xFFFFFFC0];
	s7 =	ssub.s32 $0x5F3759DF, s28  }
0x133: {  	[tilespmem:s4+$0xFFFFF020] =	vst v16;
	v16 =	vld [tilespmem:s2+$0xFFFFFFB0];
	s17 =	smul.f32 s7, s5  }
0x134: {  	[tilespmem:s4+$0x30] =	vst v9;
	v9 =	vld [tilespmem:s2+$0xFFFFFF90]  }
0x135: {  	v24 =	vld [tilespmem:s0+$0x50];
	s17 =	smul.f32 s7, s17  }
0x136: {  	v22 =	vld [tilespmem:s2+$0xFFFFFFE0]  }
0x137: {  	v20 =	vld [tilespmem:s0+$0xFFFFF050];
	s17 =	ssub.f32 $1.500000000e+00, s17  }
0x138: {  	v13 =	vld [tilespmem:s0+$0xFFFFF060]  }
0x139: {  	v19 =	vld [tilespmem:s2+$0xFFFFFFF0];
	s7 =	smul.f32 s7, s17  }
0x13a: {  	v11 =	vld [tilespmem:s2+$0x0]  }
0x13b: {  	[tilespmem:s4+$0xFFFFF010] =	vst v23;
	v23 =	vshll.u32 v28, $0x10;
	v29 =	vshll.u32 v15, $0x10;
	v8 =	vld [tilespmem:s0+$0x70];
	s5 =	smul.f32 s7, s5  }
0x13c: {  	[tilespmem:s4+$0x40] =	vst v6;
	v33 =	vshll.u32 v21, $0x10;
	v34 =	vand.u32 $0xFFFF0000, v21;
	v6 =	vand.u32 $0xFFFF0000, v15;
	v18 =	vld [tilespmem:s0+$0x60]  }
0x13d: {  	[tilespmem:s4+$0xFFFFF030] =	vst v10;
	v21 =	vshll.u32 v16, $0x10;
	v6 =	vadd.f32 v6, v14;
	v31 =	vand.u32 $0xFFFF0000, v22;
	v7 =	vld [tilespmem:s0+$0xFFFFF070];
	s5 =	smul.f32 s5, s7  }
0x13e: {  	[tilespmem:s4+$0x70] =	vst v4;
	v15 =	vld [tilespmem:s0+$0x0];
	v30 =	vshll.u32 v22, $0x10;
	v22 =	vand.u32 $0xFFFF0000, v16;
	v4 =	vadd.f32 v31, v24  }
0x13f: {  	[tilespmem:s4+$0x20] =	vst v17;
	v16 =	vld [tilespmem:s0+$0xFFFFF020];
	v10 =	vshll.u32 v19, $0x10;
	v17 =	vshll.u32 v11, $0x10;
	v11 =	vand.u32 $0xFFFF0000, v11;
	s5 =	ssub.f32 $1.500000000e+00, s5  }
0x140: {  	[tilespmem:s4+$0x50] =	vst v3;
	v12 =	vimm.f32 $0.0e+00;
	v24 =	vld [tilespmem:s0+$0xFFFFF010];
	v3 =	vadd.f32 v11, v8;
	v8 =	vadd.f32 v10, v13  }
0x141: {  	[tilespmem:s4+$0x60] =	vst v5;
	v19 =	vand.u32 $0xFFFF0000, v19;
	v11 =	vadd.f32 v30, v20;
	v13 =	vadd.f32 v29, v25;
	v25 =	vld [tilespmem:s0+$0x10];
	s1 =	ssub.f32 $0.0e+00, s1;
	s5 =	smul.f32 s5, s7  }
0x142: {  	v5 =	vadd.f32 v19, v18;
	v18 =	vimm.f32 $0.0e+00;
	[tilespmem:s0+$0xFFFFF060] =	vst v8;
	v7 =	vadd.f32 v17, v7;
	v17 =	vld [tilespmem:s0+$0x20]  }
0x143: {  	v19 =	vimm.f32 $0.0e+00;
	v10 =	vshll.u32 v9, $0x10;
	v9 =	vand.u32 $0xFFFF0000, v9;
	[tilespmem:s0+$0xFFFFF050] =	vst v11;
	s1 =	smul.f32 s5, s1  }
0x144: {  	s30 =	sadd.s32 $0x80, s18;
	s4 =	sor.u32 $0x2, s15;
	v20 =	vimm.f32 $0.0e+00;
	v14 =	vadd.f32 v10, v32;
	v10 =	vadd.f32 v33, v26;
	[tilespmem:s0+$0xFFFFF040] =	vst v13;
	[smem:s18] =	sst s5  }
0x145: {  	v15 =	vadd.f32 v9, v15;
	v26 =	vand.u32 $0xFFFF0000, v28;
	v9 =	vadd.f32 v34, v27;
	[tilespmem:s0+$0xFFFFF070] =	vst v7;
	s5 =	sadd.s32 $0x400, s0;
	[smem:s30] =	sst s1;
	s1 =	simm.s32 $0x0  }
.LBB2_8:
0x146: {  	v27 =	vld [tilespmem:s5+$0xFFFFF070];
	[tilespmem:s0+$0xFFFFF000] =	vst v14;
	v28 =	vmul.f32 v14, v14;
	v23 =	vadd.f32 v23, v24;
	v16 =	vadd.f32 v21, v16  }
0x147: {  	v17 =	vadd.f32 v22, v17;
	s2 =	sadd.s32 $0x400, s2;
	v24 =	vld [tilespmem:s5+$0x70];
	[tilespmem:s0+$0x0] =	vst v15;
	v21 =	vmul.f32 v15, v15;
	v25 =	vadd.f32 v26, v25  }
0x148: {  	v12 =	vadd.f32 v14, v12;
	v22 =	vld [tilespmem:s2+$0x0];
	v14 =	vadd.f32 v28, v20;
	[tilespmem:s0+$0xFFFFF010] =	vst v23;
	v20 =	vmul.f32 v23, v23  }
0x149: {  	v15 =	vadd.f32 v15, v18;
	v26 =	vld [tilespmem:s5+$0xFFFFF060];
	v18 =	vadd.f32 v21, v19;
	[tilespmem:s0+$0x10] =	vst v25;
	v19 =	vmul.f32 v25, v25  }
0x14a: {  	v12 =	vadd.f32 v23, v12;
	v28 =	vld [tilespmem:s5+$0x60];
	v14 =	vadd.f32 v20, v14;
	[tilespmem:s0+$0xFFFFF020] =	vst v16;
	v20 =	vmul.f32 v16, v16  }
0x14b: {  	v15 =	vadd.f32 v25, v15;
	v21 =	vld [tilespmem:s2+$0xFFFFFFF0];
	v18 =	vadd.f32 v19, v18;
	[tilespmem:s0+$0x20] =	vst v17;
	v19 =	vmul.f32 v17, v17  }
0x14c: {  	v12 =	vadd.f32 v16, v12;
	v16 =	vmul.f32 v10, v10;
	v29 =	vld [tilespmem:s5+$0xFFFFF050];
	v14 =	vadd.f32 v20, v14;
	[tilespmem:s0+$0xFFFFF030] =	vst v10  }
0x14d: {  	v15 =	vadd.f32 v17, v15;
	v30 =	vld [tilespmem:s5+$0x50];
	v17 =	vadd.f32 v19, v18;
	[tilespmem:s0+$0x30] =	vst v9;
	v18 =	vmul.f32 v9, v9  }
0x14e: {  	v10 =	vadd.f32 v10, v12;
	v23 =	vld [tilespmem:s2+$0xFFFFFFE0];
	v12 =	vadd.f32 v16, v14;
	v14 =	vmul.f32 v13, v13;
	[tilespmem:s0+$0x40] =	vst v6  }
0x14f: {  	v9 =	vadd.f32 v9, v15;
	v16 =	vmul.f32 v6, v6;
	v31 =	vld [tilespmem:s5+$0xFFFFF040];
	v15 =	vadd.f32 v18, v17;
	[tilespmem:s0+$0x50] =	vst v4  }
0x150: {  	v10 =	vadd.f32 v13, v10;
	v13 =	vmul.f32 v11, v11;
	v32 =	vld [tilespmem:s5+$0x40];
	v12 =	vadd.f32 v14, v12;
	[tilespmem:s0+$0x60] =	vst v5  }
0x151: {  	v6 =	vadd.f32 v6, v9;
	v14 =	vld [tilespmem:s2+$0xFFFFFFD0];
	v9 =	vadd.f32 v16, v15;
	v15 =	vmul.f32 v4, v4;
	[tilespmem:s0+$0x70] =	vst v3;
	s0 =	smov.u32 s5  }
0x152: {  	v10 =	vadd.f32 v11, v10;
	v33 =	vld [tilespmem:s5+$0xFFFFF030];
	v11 =	vadd.f32 v13, v12;
	v12 =	vmul.f32 v8, v8  }
0x153: {  	v4 =	vadd.f32 v4, v6;
	v34 =	vld [tilespmem:s5+$0x30];
	v6 =	vadd.f32 v15, v9;
	v9 =	vmul.f32 v5, v5  }
0x154: {  	v8 =	vadd.f32 v8, v10;
	v13 =	vld [tilespmem:s2+$0xFFFFFFC0];
	v10 =	vadd.f32 v12, v11;
	v11 =	vmul.f32 v7, v7  }
0x155: {  	v4 =	vadd.f32 v5, v4;
	v16 =	vld [tilespmem:s5+$0xFFFFF020];
	v5 =	vadd.f32 v9, v6;
	v6 =	vmul.f32 v3, v3  }
0x156: {  	v12 =	vadd.f32 v7, v8;
	v9 =	vld [tilespmem:s2+$0xFFFFFFB0];
	v20 =	vadd.f32 v11, v10  }
0x157: {  	v7 =	vshll.u32 v22, $0x10;
	v18 =	vadd.f32 v3, v4;
	v17 =	vld [tilespmem:s5+$0x20];
	v19 =	vadd.f32 v6, v5  }
0x158: {  	v4 =	vshll.u32 v21, $0x10;
	v3 =	vand.u32 $0xFFFF0000, v22;
	v5 =	vand.u32 $0xFFFF0000, v21;
	v35 =	vld [tilespmem:s2+$0xFFFFFFA0]  }
0x159: {  	v15 =	vand.u32 $0xFFFF0000, v23;
	v11 =	vshll.u32 v23, $0x10;
	v6 =	vshll.u32 v14, $0x10;
	v10 =	vld [tilespmem:s2+$0xFFFFFF90]  }
0x15a: {  	s1 =	sadd.s32 $0x8, s1;
	v14 =	vand.u32 $0xFFFF0000, v14;
	v37 =	vshll.u32 v13, $0x10;
	v38 =	vand.u32 $0xFFFF0000, v13;
	v36 =	vld [tilespmem:s5+$0xFFFFF000]  }
0x15b: {  	p1 =	slt.u32 s1, $0x18;
	v7 =	vadd.f32 v7, v27;
	v3 =	vadd.f32 v3, v24;
	v39 =	vld [tilespmem:s5+$0x0];
	v21 =	vshll.u32 v9, $0x10  }
.Ltmp4:
0x15c: {  	v8 =	vadd.f32 v4, v26;
	v5 =	vadd.f32 v5, v28;
	v22 =	vand.u32 $0xFFFF0000, v9;
	v24 =	vld [tilespmem:s5+$0xFFFFF010];
	(pc) =	sbr.rel @p1 .LBB2_8-.Ltmp4, $4  }
0x15d: {  	v4 =	vadd.f32 v15, v30;
	v11 =	vadd.f32 v11, v29;
	v23 =	vshll.u32 v35, $0x10;
	v25 =	vld [tilespmem:s5+$0x10];
	[tilespmem:s5+$0xFFFFF070] =	vst v7  }
0x15e: {  	v13 =	vadd.f32 v6, v31;
	v6 =	vadd.f32 v14, v32;
	v9 =	vshll.u32 v10, $0x10;
	[tilespmem:s5+$0xFFFFF060] =	vst v8  }
0x15f: {  	v15 =	vand.u32 $0xFFFF0000, v10;
	v10 =	vadd.f32 v37, v33;
	v14 =	vadd.f32 v9, v36;
	[tilespmem:s5+$0xFFFFF050] =	vst v11  }
0x160: {  	v26 =	vand.u32 $0xFFFF0000, v35;
	v9 =	vadd.f32 v38, v34;
	s5 =	sadd.s32 $0x400, s5;
	v15 =	vadd.f32 v15, v39;
	[tilespmem:s0+$0xFFFFF040] =	vst v13  }
0x161: {  	v23 =	vadd.f32 v23, v24  }
0x162: {  	v24 =	vmul.f32 v14, v14;
	v16 =	vadd.f32 v21, v16;
	v17 =	vadd.f32 v22, v17  }
0x163: {  	v12 =	vadd.f32 v14, v12;
	v21 =	vadd.f32 v26, v25;
	v25 =	vmul.f32 v15, v15  }
0x164: {  	v18 =	vadd.f32 v15, v18;
	v20 =	vadd.f32 v24, v20;
	v22 =	vmul.f32 v23, v23  }
0x165: {  	v12 =	vadd.f32 v23, v12;
	v19 =	vadd.f32 v25, v19;
	v24 =	vmul.f32 v21, v21  }
0x166: {  	v18 =	vadd.f32 v21, v18;
	v20 =	vadd.f32 v22, v20;
	v22 =	vmul.f32 v16, v16  }
0x167: {  	v12 =	vadd.f32 v16, v12;
	v19 =	vadd.f32 v24, v19;
	v24 =	vmul.f32 v17, v17  }
0x168: {  	v18 =	vadd.f32 v17, v18;
	v20 =	vadd.f32 v22, v20;
	v22 =	vmul.f32 v10, v10  }
0x169: {  	v12 =	vadd.f32 v10, v12;
	v19 =	vadd.f32 v24, v19;
	v24 =	vmul.f32 v9, v9  }
0x16a: {  	v18 =	vadd.f32 v9, v18;
	v20 =	vadd.f32 v22, v20;
	v22 =	vmul.f32 v13, v13  }
0x16b: {  	v12 =	vadd.f32 v13, v12;
	v19 =	vadd.f32 v24, v19;
	v24 =	vmul.f32 v6, v6  }
0x16c: {  	v18 =	vadd.f32 v6, v18;
	v13 =	vadd.f32 v22, v20;
	v20 =	vmul.f32 v11, v11  }
0x16d: {  	v22 =	vmul.f32 v4, v4;
	v11 =	vadd.f32 v11, v12;
	v19 =	vadd.f32 v24, v19  }
0x16e: {  	v18 =	vadd.f32 v4, v18;
	v12 =	vadd.f32 v20, v13;
	v13 =	vmul.f32 v8, v8  }
0x16f: {  	v20 =	vmul.f32 v5, v5;
	v8 =	vadd.f32 v8, v11;
	v19 =	vadd.f32 v22, v19  }
0x170: {  	v11 =	vadd.f32 v13, v12;
	v12 =	vadd.f32 v5, v18  }
0x171: {  	v13 =	vmul.f32 v7, v7;
	v18 =	vadd.f32 v20, v19;
	v19 =	vmul.f32 v3, v3  }
0x172: {  	v7 =	vadd.f32 v7, v8;
	v8 =	vadd.f32 v3, v12  }
0x173: {  	v11 =	vadd.f32 v13, v11;
	v12 =	vadd.f32 v19, v18  }
0x174: {  	v7 =	vadd.f32 v8, v7  }
0x175: {  	v8 =	vadd.f32 v12, v11  }
0x176: {  	(xrf2) =	vadd.scan.msk.f32 $0xffff, v7  }
0x177: {  	(xrf2) =	vadd.scan.msk.f32 $0xffff, v8;
	_ =	sdelay $0x8  }
0x178: {  	v7, _, _ =	vpop (xrf2)  }
0x179: {  	(v2sf) =	vpush v7, $0xF;
	v7, _, _ =	vpop (xrf2)  }
0x17a: {  	(v2sf) =	vpush v7, $0xF;
	_ =	sdelay $0xd  }
0x17b: {  	s1 =	spop (v2sf)  }
0x17c: {  	s1 =	smul.f32 $9.765625000e-04, s1;
	s2 =	spop (v2sf)  }
0x17d: {  	s2 =	smul.f32 $9.765625000e-04, s2  }
0x17e: {  	[tilespmem:s0+$0xFFFFF000] =	vst v14;
	v14 =	vld [tilespmem:s16+$0x40];
	s5 =	smul.f32 s1, s1  }
0x17f: {  	v27 =	vld [tilespmem:s16+$0x30]  }
0x180: {  	v28 =	vld [tilespmem:s31+$0xFFFFFFA0];
	s2 =	ssub.f32 s2, s5  }
0x181: {  	v29 =	vld [tilespmem:s31+$0xFFFFFF90]  }
0x182: {  	v32 =	vld [tilespmem:s16+$0xFFFFF000];
	s2 =	sadd.f32 $9.999999740e-06, s2  }
0x183: {  	v35 =	vld [tilespmem:s16+$0x0]  }
0x184: {  	[tilespmem:s0+$0x0] =	vst v15;
	v15 =	vld [tilespmem:s31+$0xFFFFFFD0];
	s26 =	sshra.s32 s2, $0x1;
	s2 =	smul.f32 $5.000000000e-01, s2  }
0x185: {  	v25 =	vld [tilespmem:s16+$0xFFFFF040];
	s5 =	ssub.s32 $0x5F3759DF, s26  }
0x186: {  	[tilespmem:s0+$0x10] =	vst v21;
	v21 =	vld [tilespmem:s31+$0xFFFFFFC0];
	s7 =	smul.f32 s5, s2  }
0x187: {  	[tilespmem:s0+$0xFFFFF020] =	vst v16;
	v16 =	vld [tilespmem:s31+$0xFFFFFFB0]  }
0x188: {  	v24 =	vld [tilespmem:s16+$0x50];
	s7 =	smul.f32 s5, s7  }
0x189: {  	v22 =	vld [tilespmem:s31+$0xFFFFFFE0]  }
0x18a: {  	v20 =	vld [tilespmem:s16+$0xFFFFF050];
	s7 =	ssub.f32 $1.500000000e+00, s7  }
0x18b: {  	v13 =	vld [tilespmem:s16+$0xFFFFF060]  }
0x18c: {  	v19 =	vld [tilespmem:s31+$0xFFFFFFF0];
	s5 =	smul.f32 s5, s7  }
0x18d: {  	[tilespmem:s0+$0xFFFFF030] =	vst v10;
	v11 =	vld [tilespmem:s31+$0x0]  }
0x18e: {  	[tilespmem:s0+$0xFFFFF010] =	vst v23;
	v23 =	vshll.u32 v28, $0x10;
	v30 =	vshll.u32 v15, $0x10;
	v8 =	vld [tilespmem:s16+$0x70];
	s2 =	smul.f32 s5, s2  }
0x18f: {  	[tilespmem:s0+$0x40] =	vst v6;
	v15 =	vand.u32 $0xFFFF0000, v15;
	v33 =	vshll.u32 v21, $0x10;
	v34 =	vand.u32 $0xFFFF0000, v21;
	v18 =	vld [tilespmem:s16+$0x60]  }
0x190: {  	[tilespmem:s0+$0x30] =	vst v9;
	v21 =	vshll.u32 v16, $0x10;
	v9 =	vshll.u32 v22, $0x10;
	v31 =	vand.u32 $0xFFFF0000, v22;
	v7 =	vld [tilespmem:s16+$0xFFFFF070];
	s2 =	smul.f32 s2, s5  }
0x191: {  	[tilespmem:s0+$0x70] =	vst v3;
	v26 =	vld [tilespmem:s16+$0xFFFFF030];
	v22 =	vand.u32 $0xFFFF0000, v16;
	v12 =	vimm.f32 $0.0e+00;
	v3 =	vadd.f32 v31, v24  }
0x192: {  	[tilespmem:s0+$0x20] =	vst v17;
	v16 =	vld [tilespmem:s16+$0xFFFFF020];
	v9 =	vadd.f32 v9, v20;
	v17 =	vshll.u32 v11, $0x10;
	v11 =	vand.u32 $0xFFFF0000, v11;
	s2 =	ssub.f32 $1.500000000e+00, s2  }
0x193: {  	[tilespmem:s0+$0x50] =	vst v4;
	v24 =	vld [tilespmem:s16+$0xFFFFF010];
	v20 =	vimm.f32 $0.0e+00;
	v10 =	vshll.u32 v19, $0x10;
	v4 =	vadd.f32 v11, v8  }
0x194: {  	[tilespmem:s0+$0x60] =	vst v5;
	v19 =	vand.u32 $0xFFFF0000, v19;
	v8 =	vadd.f32 v10, v13;
	v13 =	vadd.f32 v30, v25;
	v25 =	vld [tilespmem:s16+$0x10];
	s1 =	ssub.f32 $0.0e+00, s1;
	s2 =	smul.f32 s2, s5  }
0x195: {  	[tilespmem:s16+$0xFFFFF050] =	vst v9;
	v5 =	vadd.f32 v19, v18;
	v18 =	vimm.f32 $0.0e+00;
	v6 =	vadd.f32 v17, v7;
	v17 =	vld [tilespmem:s16+$0x20]  }
0x196: {  	v19 =	vimm.f32 $0.0e+00;
	v10 =	vshll.u32 v29, $0x10;
	[tilespmem:s16+$0xFFFFF060] =	vst v8;
	v7 =	vadd.f32 v15, v14;
	s28 =	smul.f32 s2, s1  }
0x197: {  	s30 =	sadd.s32 $0x80, s4;
	s0 =	sor.u32 $0x3, s15;
	v11 =	vand.u32 $0xFFFF0000, v29;
	[tilespmem:s16+$0xFFFFF040] =	vst v13;
	v14 =	vadd.f32 v10, v32;
	v10 =	vadd.f32 v33, v26;
	[smem:s4] =	sst s2  }
0x198: {  	v15 =	vadd.f32 v11, v35;
	v26 =	vand.u32 $0xFFFF0000, v28;
	v11 =	vadd.f32 v34, v27;
	[tilespmem:s16+$0xFFFFF070] =	vst v6;
	s1 =	simm.s32 $0x0;
	s2 =	sadd.s32 $0x400, s16;
	[smem:s30] =	sst s28  }
.LBB2_10:
0x199: {  	v27 =	vld [tilespmem:s2+$0xFFFFF070];
	[tilespmem:s16+$0xFFFFF000] =	vst v14;
	v28 =	vmul.f32 v14, v14;
	v23 =	vadd.f32 v23, v24;
	v16 =	vadd.f32 v21, v16  }
0x19a: {  	v17 =	vadd.f32 v22, v17;
	s31 =	sadd.s32 $0x400, s31;
	v24 =	vld [tilespmem:s2+$0x70];
	[tilespmem:s16+$0x0] =	vst v15;
	v21 =	vmul.f32 v15, v15;
	v25 =	vadd.f32 v26, v25  }
0x19b: {  	v12 =	vadd.f32 v14, v12;
	v22 =	vld [tilespmem:s31+$0x0];
	v14 =	vadd.f32 v28, v20;
	[tilespmem:s16+$0xFFFFF010] =	vst v23;
	v20 =	vmul.f32 v23, v23  }
0x19c: {  	v15 =	vadd.f32 v15, v18;
	v26 =	vld [tilespmem:s2+$0xFFFFF060];
	v18 =	vadd.f32 v21, v19;
	[tilespmem:s16+$0x10] =	vst v25;
	v19 =	vmul.f32 v25, v25  }
0x19d: {  	v12 =	vadd.f32 v23, v12;
	v28 =	vld [tilespmem:s2+$0x60];
	v14 =	vadd.f32 v20, v14;
	[tilespmem:s16+$0xFFFFF020] =	vst v16;
	v20 =	vmul.f32 v16, v16  }
0x19e: {  	v15 =	vadd.f32 v25, v15;
	v21 =	vld [tilespmem:s31+$0xFFFFFFF0];
	v18 =	vadd.f32 v19, v18;
	[tilespmem:s16+$0x20] =	vst v17;
	v19 =	vmul.f32 v17, v17  }
0x19f: {  	v12 =	vadd.f32 v16, v12;
	v16 =	vmul.f32 v10, v10;
	v29 =	vld [tilespmem:s2+$0xFFFFF050];
	v14 =	vadd.f32 v20, v14;
	[tilespmem:s16+$0xFFFFF030] =	vst v10  }
0x1a0: {  	v15 =	vadd.f32 v17, v15;
	v30 =	vld [tilespmem:s2+$0x50];
	v17 =	vadd.f32 v19, v18;
	[tilespmem:s16+$0x30] =	vst v11;
	v18 =	vmul.f32 v11, v11  }
0x1a1: {  	v10 =	vadd.f32 v10, v12;
	v23 =	vld [tilespmem:s31+$0xFFFFFFE0];
	v12 =	vadd.f32 v16, v14;
	v14 =	vmul.f32 v13, v13;
	[tilespmem:s16+$0x40] =	vst v7  }
0x1a2: {  	v11 =	vadd.f32 v11, v15;
	v16 =	vmul.f32 v7, v7;
	v31 =	vld [tilespmem:s2+$0xFFFFF040];
	v15 =	vadd.f32 v18, v17;
	[tilespmem:s16+$0x50] =	vst v3  }
0x1a3: {  	v10 =	vadd.f32 v13, v10;
	v13 =	vmul.f32 v9, v9;
	v32 =	vld [tilespmem:s2+$0x40];
	v12 =	vadd.f32 v14, v12;
	[tilespmem:s16+$0x60] =	vst v5  }
0x1a4: {  	v7 =	vadd.f32 v7, v11;
	v14 =	vld [tilespmem:s31+$0xFFFFFFD0];
	v11 =	vadd.f32 v16, v15;
	v15 =	vmul.f32 v3, v3;
	[tilespmem:s16+$0x70] =	vst v4;
	s16 =	smov.u32 s2  }
0x1a5: {  	v9 =	vadd.f32 v9, v10;
	v33 =	vld [tilespmem:s2+$0xFFFFF030];
	v10 =	vadd.f32 v13, v12;
	v12 =	vmul.f32 v8, v8  }
0x1a6: {  	v3 =	vadd.f32 v3, v7;
	v34 =	vld [tilespmem:s2+$0x30];
	v7 =	vadd.f32 v15, v11;
	v11 =	vmul.f32 v5, v5  }
0x1a7: {  	v8 =	vadd.f32 v8, v9;
	v13 =	vld [tilespmem:s31+$0xFFFFFFC0];
	v9 =	vadd.f32 v12, v10;
	v10 =	vmul.f32 v6, v6  }
0x1a8: {  	v3 =	vadd.f32 v5, v3;
	v16 =	vld [tilespmem:s2+$0xFFFFF020];
	v5 =	vadd.f32 v11, v7;
	v7 =	vmul.f32 v4, v4  }
0x1a9: {  	v12 =	vadd.f32 v6, v8;
	v11 =	vld [tilespmem:s31+$0xFFFFFFB0];
	v20 =	vadd.f32 v10, v9  }
0x1aa: {  	v6 =	vshll.u32 v22, $0x10;
	v18 =	vadd.f32 v4, v3;
	v17 =	vld [tilespmem:s2+$0x20];
	v19 =	vadd.f32 v7, v5  }
0x1ab: {  	v3 =	vshll.u32 v21, $0x10;
	v4 =	vand.u32 $0xFFFF0000, v22;
	v5 =	vand.u32 $0xFFFF0000, v21;
	v35 =	vld [tilespmem:s31+$0xFFFFFFA0]  }
0x1ac: {  	v15 =	vand.u32 $0xFFFF0000, v23;
	v9 =	vshll.u32 v23, $0x10;
	v7 =	vshll.u32 v14, $0x10;
	v10 =	vld [tilespmem:s31+$0xFFFFFF90]  }
0x1ad: {  	s1 =	sadd.s32 $0x8, s1;
	v14 =	vand.u32 $0xFFFF0000, v14;
	v37 =	vshll.u32 v13, $0x10;
	v38 =	vand.u32 $0xFFFF0000, v13;
	v36 =	vld [tilespmem:s2+$0xFFFFF000]  }
0x1ae: {  	p1 =	slt.u32 s1, $0x18;
	v6 =	vadd.f32 v6, v27;
	v4 =	vadd.f32 v4, v24;
	v39 =	vld [tilespmem:s2+$0x0];
	v21 =	vshll.u32 v11, $0x10  }
.Ltmp5:
0x1af: {  	v8 =	vadd.f32 v3, v26;
	v5 =	vadd.f32 v5, v28;
	v22 =	vand.u32 $0xFFFF0000, v11;
	v24 =	vld [tilespmem:s2+$0xFFFFF010];
	(pc) =	sbr.rel @p1 .LBB2_10-.Ltmp5, $4  }
0x1b0: {  	v3 =	vadd.f32 v15, v30;
	v9 =	vadd.f32 v9, v29;
	v23 =	vshll.u32 v35, $0x10;
	v25 =	vld [tilespmem:s2+$0x10];
	[tilespmem:s2+$0xFFFFF070] =	vst v6  }
0x1b1: {  	v13 =	vadd.f32 v7, v31;
	v7 =	vadd.f32 v14, v32;
	v11 =	vshll.u32 v10, $0x10;
	[tilespmem:s2+$0xFFFFF060] =	vst v8  }
0x1b2: {  	v15 =	vand.u32 $0xFFFF0000, v10;
	v10 =	vadd.f32 v37, v33;
	v14 =	vadd.f32 v11, v36;
	[tilespmem:s2+$0xFFFFF050] =	vst v9  }
0x1b3: {  	v26 =	vand.u32 $0xFFFF0000, v35;
	v11 =	vadd.f32 v38, v34;
	s2 =	sadd.s32 $0x400, s2;
	v15 =	vadd.f32 v15, v39;
	[tilespmem:s16+$0xFFFFF040] =	vst v13  }
0x1b4: {  	v23 =	vadd.f32 v23, v24  }
0x1b5: {  	v35 =	vmul.f32 v14, v14;
	v16 =	vadd.f32 v21, v16;
	v17 =	vadd.f32 v22, v17  }
0x1b6: {  	v12 =	vadd.f32 v14, v12;
	v36 =	vadd.f32 v26, v25;
	v37 =	vmul.f32 v15, v15  }
0x1b7: {  	v18 =	vadd.f32 v15, v18;
	v20 =	vadd.f32 v35, v20  }
0x1b8: {  	v38 =	vmul.f32 v23, v23;
	v19 =	vadd.f32 v37, v19;
	v39 =	vmul.f32 v36, v36  }
0x1b9: {  	v12 =	vadd.f32 v23, v12;
	v40 =	vmul.f32 v16, v16;
	v18 =	vadd.f32 v36, v18  }
0x1ba: {  	v41 =	vmul.f32 v17, v17;
	v20 =	vadd.f32 v38, v20;
	v19 =	vadd.f32 v39, v19  }
0x1bb: {  	v42 =	vmul.f32 v10, v10;
	v12 =	vadd.f32 v16, v12;
	v18 =	vadd.f32 v17, v18  }
0x1bc: {  	v43 =	vmul.f32 v11, v11;
	v20 =	vadd.f32 v40, v20;
	v19 =	vadd.f32 v41, v19  }
0x1bd: {  	v44 =	vmul.f32 v13, v13;
	v12 =	vadd.f32 v10, v12;
	v18 =	vadd.f32 v11, v18  }
0x1be: {  	v45 =	vmul.f32 v7, v7;
	v20 =	vadd.f32 v42, v20;
	v19 =	vadd.f32 v43, v19  }
0x1bf: {  	v47 =	vmul.f32 v9, v9;
	v12 =	vadd.f32 v13, v12;
	v18 =	vadd.f32 v7, v18  }
0x1c0: {  	v48 =	vmul.f32 v3, v3;
	v46 =	vadd.f32 v44, v20;
	v19 =	vadd.f32 v45, v19  }
0x1c1: {  	v51 =	vmul.f32 v8, v8;
	v49 =	vadd.f32 v9, v12;
	v18 =	vadd.f32 v3, v18  }
0x1c2: {  	v52 =	vmul.f32 v5, v5;
	v50 =	vadd.f32 v47, v46;
	v19 =	vadd.f32 v48, v19  }
0x1c3: {  	v56 =	vmul.f32 v6, v6;
	v53 =	vadd.f32 v8, v49;
	v55 =	vadd.f32 v5, v18  }
0x1c4: {  	v58 =	vmul.f32 v4, v4;
	v54 =	vadd.f32 v51, v50;
	v57 =	vadd.f32 v52, v19  }
0x1c5: {  	v59 =	vadd.f32 v6, v53;
	v60 =	vadd.f32 v4, v55  }
0x1c6: {  	v9 =	vadd.f32 v56, v54;
	v61 =	vadd.f32 v58, v57  }
0x1c7: {  	v6 =	vadd.f32 v60, v59  }
0x1c8: {  	v62 =	vadd.f32 v61, v9  }
0x1c9: {  	(xrf2) =	vadd.scan.msk.f32 $0xffff, v6  }
0x1ca: {  	(xrf2) =	vadd.scan.msk.f32 $0xffff, v62;
	_ =	sdelay $0x8  }
0x1cb: {  	v6, _, _ =	vpop (xrf2)  }
0x1cc: {  	(v2sf) =	vpush v6, $0xF;
	v63, _, _ =	vpop (xrf2)  }
0x1cd: {  	(v2sf) =	vpush v63, $0xF;
	_ =	sdelay $0xd  }
0x1ce: {  	s1 =	spop (v2sf)  }
0x1cf: {  	s1 =	smul.f32 $9.765625000e-04, s1;
	s2 =	spop (v2sf)  }
0x1d0: {  	s2 =	smul.f32 $9.765625000e-04, s2  }
0x1d1: {  	s4 =	smul.f32 s1, s1;
	_ =	sdelay $0x1  }
0x1d2: {  	s2 =	ssub.f32 s2, s4;
	_ =	sdelay $0x1  }
0x1d3: {  	s2 =	sadd.f32 $9.999999740e-06, s2;
	_ =	sdelay $0x1  }
0x1d4: {  	s28 =	sshra.s32 s2, $0x1;
	s2 =	smul.f32 $5.000000000e-01, s2  }
0x1d5: {  	s4 =	ssub.s32 $0x5F3759DF, s28  }
0x1d6: {  	s5 =	smul.f32 s4, s2;
	_ =	sdelay $0x1  }
0x1d7: {  	s5 =	smul.f32 s4, s5;
	_ =	sdelay $0x1  }
0x1d8: {  	s5 =	ssub.f32 $1.500000000e+00, s5;
	_ =	sdelay $0x1  }
0x1d9: {  	s4 =	smul.f32 s4, s5;
	_ =	sdelay $0x1  }
0x1da: {  	[tilespmem:s16+$0xFFFFF000] =	vst v14;
	s2 =	smul.f32 s4, s2  }
0x1db: {  	[tilespmem:s16+$0xFFFFF030] =	vst v10  }
0x1dc: {  	[tilespmem:s16+$0x40] =	vst v7;
	s2 =	smul.f32 s2, s4  }
0x1dd: {  	[tilespmem:s16+$0x50] =	vst v3  }
0x1de: {  	[tilespmem:s16+$0x60] =	vst v5;
	s2 =	ssub.f32 $1.500000000e+00, s2  }
0x1df: {  	[tilespmem:s16+$0x70] =	vst v4  }
0x1e0: {  	p1 =	slt.u32 s15, $0xC;
	[tilespmem:s16+$0x0] =	vst v15;
	s2 =	smul.f32 s2, s4  }
.Ltmp6:
0x1e1: {  	[tilespmem:s16+$0x30] =	vst v11;
	s1 =	ssub.f32 $0.0e+00, s1;
	(pc) =	sbr.rel @p1 .LBB2_3-.Ltmp6, $4  }
0x1e2: {  	s30 =	sadd.s32 $0x3, s15;
	[tilespmem:s16+$0xFFFFF010] =	vst v23  }
0x1e3: {  	s0 =	sadd.s32 $0x80, s0;
	s31 =	sadd.s32 $0x4, s15;
	[tilespmem:s16+$0xFFFFF020] =	vst v16;
	s1 =	smul.f32 s2, s1  }
0x1e4: {  	p0 =	por !p0, !p0;
	s9 =	sadd.s32 $0x4, s9;
	[tilespmem:s16+$0x20] =	vst v17;
	[smem:s30] =	sst s2  }
0x1e5: {  	s3 =	sadd.s32 $0x2, s3;
	s15 =	smov.u32 s31;
	[tilespmem:s16+$0x10] =	vst v36;
	[smem:s0] =	sst s1  }
0x1e6: {  	p0 =	seq.s32 s10, $0x0  }
0x1e7: {  	s0 =	simm.s32 @!p0 $0x3  }
0x1e8: {  	_ =	swait.ge @!p0 [sflag:s0], $0x4000  }
0x1e9: {  	[sflag:s0] =	ssyncset.done @!p0 $0x0  }
0x1ea: {  	s15 =	sshll.u32 s10, $0x5;
	[sflag:s0] =	ssyncadd.s32 @!p0 $0xFFFFC000;
	s0 =	simm.s32 $0x0  }
.LBB2_13:
0x1eb: {  	s2 =	sshll.u32 s0, $0x4  }
0x1ec: {  	v13 =	vld [tilespmem:s2+$0x15800]  }
0x1ed: {  	s3 =	sshll.u32 s0, $0x7;
	v31 =	vld [tilespmem:s2+$0x15C00]  }
0x1ee: {  	v3 =	vld [tilespmem:s3+$0x1800]  }
0x1ef: {  	v4 =	vld [tilespmem:s3+$0x1880]  }
0x1f0: {  	v6 =	vld [tilespmem:s3+$0x1900]  }
0x1f1: {  	v8 =	vld [tilespmem:s3+$0x1980]  }
0x1f2: {  	v10 =	vld [tilespmem:s3+$0x1A00]  }
0x1f3: {  	v11 =	vld [tilespmem:s3+$0x1A80]  }
0x1f4: {  	v14 =	vld [tilespmem:s3+$0x1B00]  }
0x1f5: {  	v15 =	vld [tilespmem:s3+$0x1B80]  }
0x1f6: {  	v16 =	vld [tilespmem:s3+$0x3800]  }
0x1f7: {  	v17 =	vld [tilespmem:s3+$0x3880]  }
0x1f8: {  	s7 =	sld [smem:$0x0];
	v18 =	vld [tilespmem:s3+$0x3900]  }
0x1f9: {  	s25 =	sld [smem:$0x1];
	v20 =	vld [tilespmem:s3+$0x1810]  }
0x1fa: {  	s21 =	sld [smem:$0x2];
	v21 =	vld [tilespmem:s3+$0x1890]  }
0x1fb: {  	s24 =	sld [smem:$0x3];
	v22 =	vld [tilespmem:s3+$0x1910]  }
0x1fc: {  	s17 =	sld [smem:$0x4];
	v24 =	vld [tilespmem:s3+$0x1820]  }
0x1fd: {  	s20 =	sld [smem:$0x5];
	v26 =	vld [tilespmem:s3+$0x18A0]  }
0x1fe: {  	s19 =	sld [smem:$0x6];
	v28 =	vld [tilespmem:s3+$0x1830]  }
0x1ff: {  	s5 =	sld [smem:$0x7];
	v29 =	vld [tilespmem:s3+$0x18B0];
	v3 =	vmul.f32 s7, v3;
	v4 =	vmul.f32 s25, v4  }
0x200: {  	s30 =	sld [smem:$0x8];
	v32 =	vld [tilespmem:s3+$0x1840];
	v6 =	vmul.f32 s21, v6;
	v8 =	vmul.f32 s24, v8  }
0x201: {  	v33 =	vld [tilespmem:s3+$0x18C0];
	v10 =	vmul.f32 s17, v10;
	v11 =	vmul.f32 s20, v11  }
0x202: {  	s22 =	sld [smem:$0x80];
	v36 =	vld [tilespmem:s3+$0x1850];
	v14 =	vmul.f32 s19, v14;
	v53 =	vmul.f32 s5, v15  }
0x203: {  	s23 =	sld [smem:$0x81];
	v37 =	vld [tilespmem:s3+$0x18E0];
	v54 =	vmul.f32 s30, v16;
	v58 =	vmul.f32 s7, v20  }
0x204: {  	s16 =	sld [smem:$0x82];
	v23 =	vld [tilespmem:s3+$0x1990];
	v20 =	vmul.f32 s25, v21;
	v59 =	vmul.f32 s7, v24  }
0x205: {  	s28 =	sld [smem:$0x9];
	v27 =	vld [tilespmem:s3+$0x1920];
	v38 =	vmul.f32 s25, v26;
	v60 =	vmul.f32 s7, v28  }
0x206: {  	s4 =	sld [smem:$0x83];
	v39 =	vld [tilespmem:s3+$0x1930];
	v28 =	vmul.f32 s25, v29;
	v62 =	vmul.f32 s7, v32  }
0x207: {  	s9 =	sld [smem:$0x84];
	v61 =	vld [tilespmem:s3+$0x1940];
	v63 =	vmul.f32 s25, v33;
	v57 =	vmul.f32 s7, v36  }
0x208: {  	s1 =	sld [smem:$0x85];
	v40 =	vld [tilespmem:s3+$0x1960];
	v37 =	vmul.f32 s25, v37;
	v17 =	vmul.f32 s28, v17  }
0x209: {  	s18 =	sld [smem:$0x86];
	v55 =	vld [tilespmem:s3+$0x1860];
	v22 =	vmul.f32 s21, v22;
	v3 =	vadd.f32 s22, v3;
	v4 =	vadd.f32 s23, v4  }
0x20a: {  	v42 =	vld [tilespmem:s3+$0x19B0];
	v27 =	vmul.f32 s21, v27;
	v6 =	vadd.f32 s16, v6;
	v8 =	vadd.f32 s4, v8  }
0x20b: {  	v49 =	vld [tilespmem:s3+$0x19E0];
	v44 =	vmul.f32 s21, v39;
	v10 =	vadd.f32 s9, v10;
	v11 =	vadd.f32 s1, v11  }
0x20c: {  	v5 =	vld [tilespmem:s3+$0x3980];
	v47 =	vmul.f32 s21, v61;
	v14 =	vadd.f32 s18, v14;
	v26 =	vadd.f32 s22, v58  }
0x20d: {  	v7 =	vld [tilespmem:s3+$0x3A00];
	v40 =	vmul.f32 s21, v40;
	v34 =	vadd.f32 s22, v59;
	v24 =	vadd.f32 s22, v60  }
0x20e: {  	v41 =	vld [tilespmem:s3+$0x1A90];
	v58 =	vmul.f32 s7, v55;
	v16 =	vadd.f32 s22, v62;
	v0 =	vadd.f32 s22, v57  }
0x20f: {  	v61 =	vld [tilespmem:s3+$0x19C0];
	v46 =	vadd.f32 s23, v20;
	v20 =	vmul.f32 s24, v23;
	v39 =	vadd.f32 s23, v38  }
0x210: {  	v48 =	vld [tilespmem:s3+$0x19D0];
	v29 =	vadd.f32 s23, v28;
	v28 =	vmul.f32 s24, v42;
	v55 =	vmul.f32 s24, v49  }
0x211: {  	v9 =	vld [tilespmem:s3+$0x3A80];
	s7 =	sld [smem:$0x88];
	v33 =	vadd.f32 s16, v44;
	v3 =	vmul.f32 v3, v13;
	v4 =	vmul.f32 v4, v13  }
0x212: {  	v52 =	vld [tilespmem:s3+$0x18D0];
	v6 =	vmul.f32 v6, v13;
	v50 =	vmul.f32 v8, v13;
	v59 =	vadd.f32 s22, v58  }
0x213: {  	v56 =	vld [tilespmem:s3+$0x1950];
	v51 =	vmul.f32 v10, v13;
	v49 =	vadd.f32 s4, v20;
	v32 =	vadd.f32 s4, v28  }
0x214: {  	v12 =	vld [tilespmem:s3+$0x3B00];
	v55 =	vadd.f32 s4, v55;
	v15 =	vadd.f32 s7, v54;
	v2 =	vmul.f32 s24, v61  }
0x215: {  	s31 =	sld [smem:$0x87];
	v60 =	vld [tilespmem:s3+$0x19A0];
	v54 =	vmul.f32 s24, v48;
	v61 =	vmul.f32 s20, v41;
	v41 =	vadd.f32 s16, v27  }
0x216: {  	v23 =	vld [tilespmem:s3+$0x1A20];
	s22 =	sld [smem:$0xA];
	v19 =	vadd.f32 v3, v31;
	v10 =	vadd.f32 v4, v31;
	v4 =	vmul.f32 v11, v13  }
0x217: {  	v38 =	vld [tilespmem:s3+$0x1AA0];
	v11 =	vmul.f32 v14, v13;
	v35 =	vadd.f32 v6, v31;
	v30 =	vadd.f32 v50, v31  }
0x218: {  	v25 =	vld [tilespmem:s3+$0x1A10];
	v21 =	vadd.f32 v51, v31;
	v14 =	vmul.f32 s25, v52;
	v50 =	vmul.f32 s21, v56  }
0x219: {  	v45 =	vld [tilespmem:s3+$0x1B10];
	v6 =	vadd.f32 s31, v53;
	v62 =	vmul.f32 s22, v18;
	v15 =	vmul.f32 v15, v13  }
0x21a: {  	v1 =	vld [tilespmem:s3+$0x1AB0];
	s25 =	sld [smem:$0x89];
	v36 =	vmul.f32 s24, v60;
	v18 =	vadd.f32 s23, v63;
	v63 =	vadd.f32 s23, v37  }
0x21b: {  	v8 =	vld [tilespmem:s3+$0x1A60];
	s21 =	sld [smem:$0x8A];
	v27 =	vmul.f32 s17, v23;
	v23 =	vadd.f32 s16, v47;
	v52 =	vadd.f32 v4, v31  }
0x21c: {  	v20 =	vld [tilespmem:s3+$0x1A50];
	v38 =	vmul.f32 s20, v38;
	v43 =	vadd.f32 v11, v31;
	v11 =	vadd.f32 s23, v14  }
0x21d: {  	v28 =	vld [tilespmem:s3+$0x1B60];
	v6 =	vmul.f32 v6, v13;
	v14 =	vadd.f32 s16, v50;
	v50 =	vadd.f32 s16, v40  }
0x21e: {  	v53 =	vld [tilespmem:s3+$0x1A30];
	v4 =	vmul.f32 s17, v25;
	v17 =	vadd.f32 s25, v17;
	v51 =	vadd.f32 s21, v62  }
0x21f: {  	v3 =	vld [tilespmem:s3+$0x1A40];
	[tilespmem:$0x1FF90] =	vst v63;
	v57 =	vadd.f32 v15, v31;
	v42 =	vadd.f32 s4, v36;
	v63 =	vmul.f32 s20, v1  }
0x220: {  	v37 =	vld [tilespmem:s3+$0x1B30];
	s23 =	sld [smem:$0xB];
	v15 =	vadd.f32 s4, v54;
	v44 =	vadd.f32 s9, v27;
	v8 =	vmul.f32 s17, v8  }
0x221: {  	v25 =	vld [tilespmem:s3+$0x1AD0];
	v27 =	vmul.f32 s19, v45;
	v56 =	vadd.f32 v6, v31;
	v48 =	vadd.f32 s9, v4  }
0x222: {  	[tilespmem:s3+$0xD900] =	vst v35;
	v35 =	vld [tilespmem:s3+$0x3850];
	v6 =	vadd.f32 s1, v61;
	v61 =	vadd.f32 s1, v38;
	v17 =	vmul.f32 v17, v13  }
0x223: {  	[tilespmem:$0x1FF80] =	vst v59;
	v62 =	vld [tilespmem:s3+$0x1B20];
	v59 =	vmul.f32 v51, v13;
	v60 =	vmul.f32 s23, v5;
	v51 =	vadd.f32 s16, v22  }
0x224: {  	s24 =	sld [smem:$0x8B];
	[tilespmem:$0x1FFA0] =	vst v50;
	v50 =	vld [tilespmem:s3+$0x1B40];
	v4 =	vmul.f32 s17, v53;
	v22 =	vadd.f32 s4, v2;
	v47 =	vmul.f32 s17, v3  }
0x225: {  	v5 =	vld [tilespmem:s3+$0x1AE0];
	s16 =	sld [smem:$0xC];
	v2 =	vmul.f32 s17, v20;
	v38 =	vadd.f32 s1, v63;
	v58 =	vadd.f32 v17, v31  }
0x226: {  	s4 =	sld [smem:$0xD];
	v20 =	vld [tilespmem:s3+$0x1B50];
	v36 =	vadd.f32 s9, v4;
	v54 =	vmul.f32 s20, v25;
	v25 =	vadd.f32 s9, v47  }
0x227: {  	[tilespmem:$0x1FFB0] =	vst v55;
	v37 =	vmul.f32 s19, v37;
	v17 =	vld [tilespmem:s3+$0x1AC0];
	v47 =	vadd.f32 s9, v8;
	v59 =	vadd.f32 v59, v31  }
0x228: {  	[tilespmem:s3+$0xDA80] =	vst v52;
	v1 =	vadd.f32 s24, v60;
	v60 =	vld [tilespmem:s3+$0x1BA0];
	v52 =	vmul.f32 s30, v35;
	v55 =	vmul.f32 s16, v7  }
0x229: {  	[tilespmem:$0x1FF70] =	vst v0;
	s17 =	sld [smem:$0x8C];
	v9 =	vmul.f32 s4, v9;
	v0 =	vmul.f32 s19, v62;
	v7 =	vadd.f32 s18, v27;
	v27 =	vld [tilespmem:s3+$0x1BC0]  }
0x22a: {  	v62 =	vmul.f32 s19, v28;
	v37 =	vadd.f32 s18, v37;
	[tilespmem:$0x1FFC0] =	vst v47;
	v47 =	vmul.f32 v1, v13;
	v1 =	vld [tilespmem:s3+$0x1BD0]  }
0x22b: {  	[tilespmem:s3+$0xD800] =	vst v19;
	v50 =	vmul.f32 s19, v50;
	v19 =	vadd.f32 s1, v54;
	v54 =	vld [tilespmem:s3+$0x3830];
	v53 =	vmul.f32 s20, v5  }
0x22c: {  	v20 =	vmul.f32 s19, v20;
	v3 =	vadd.f32 s17, v55;
	v55 =	vld [tilespmem:s3+$0x1BB0];
	v45 =	vadd.f32 s18, v0  }
0x22d: {  	s26 =	sld [smem:$0xF];
	[tilespmem:s3+$0xD880] =	vst v10;
	v5 =	vld [tilespmem:s3+$0x3B80];
	v10 =	vadd.f32 s18, v62;
	v8 =	vadd.f32 s18, v50;
	v40 =	vmul.f32 s20, v17  }
0x22e: {  	v17 =	vadd.f32 s9, v2;
	s9 =	sld [smem:$0x8D];
	v2 =	vld [tilespmem:s3+$0x1B90];
	v28 =	vmul.f32 v3, v13;
	v50 =	vmul.f32 s5, v60  }
0x22f: {  	v3 =	vld [tilespmem:s3+$0x1BE0];
	v53 =	vadd.f32 s1, v53;
	s20 =	sld [smem:$0xE];
	v20 =	vadd.f32 s18, v20;
	v27 =	vmul.f32 s5, v27  }
0x230: {  	v63 =	vadd.f32 s1, v40;
	v1 =	vmul.f32 s5, v1;
	v50 =	vadd.f32 s31, v50  }
0x231: {  	[tilespmem:s3+$0xD980] =	vst v30;
	v4 =	vld [tilespmem:s3+$0x3810];
	s1 =	sld [smem:$0x8E];
	v28 =	vadd.f32 v28, v31;
	v9 =	vadd.f32 s9, v9;
	v55 =	vmul.f32 s5, v55  }
0x232: {  	[tilespmem:s3+$0xDA00] =	vst v21;
	v60 =	vld [tilespmem:s3+$0x3840];
	v62 =	vmul.f32 s20, v12;
	v21 =	vadd.f32 s31, v1;
	v1 =	vmul.f32 s26, v5  }
0x233: {  	v30 =	vadd.f32 s31, v27;
	v27 =	vld [tilespmem:s2+$0x15810];
	v5 =	vmul.f32 s30, v54;
	v0 =	vmul.f32 s5, v2  }
0x234: {  	v40 =	vadd.f32 s31, v55;
	v3 =	vmul.f32 s5, v3;
	v55 =	vld [tilespmem:s3+$0x3860];
	v62 =	vadd.f32 s1, v62  }
0x235: {  	[tilespmem:s3+$0xDB00] =	vst v43;
	v9 =	vmul.f32 v9, v13;
	s5 =	sld [smem:$0x8F];
	v43 =	vadd.f32 s7, v5;
	v0 =	vadd.f32 s31, v0  }
0x236: {  	v2 =	vld [tilespmem:s3+$0x3820];
	v12 =	vadd.f32 s31, v3;
	v3 =	vmul.f32 s30, v4;
	v4 =	vadd.f32 v47, v31  }
0x237: {  	[tilespmem:s3+$0xDB80] =	vst v56;
	v47 =	vmul.f32 s30, v60;
	v9 =	vadd.f32 v9, v31;
	v56 =	vmul.f32 v62, v13  }
0x238: {  	[tilespmem:s3+$0xF900] =	vst v59;
	v60 =	vld [tilespmem:s3+$0x3890];
	v1 =	vadd.f32 s5, v1;
	v62 =	vmul.f32 v26, v27;
	v59 =	vmul.f32 v49, v27  }
0x239: {  	v26 =	vadd.f32 s7, v52;
	v6 =	vmul.f32 v6, v27;
	v54 =	vmul.f32 s30, v55;
	v55 =	vld [tilespmem:s2+$0x15C10]  }
0x23a: {  	[tilespmem:s3+$0xF800] =	vst v57;
	v7 =	vmul.f32 v7, v27;
	v3 =	vadd.f32 s7, v3;
	v35 =	vadd.f32 s7, v47  }
0x23b: {  	v57 =	vld [tilespmem:s3+$0x3B10];
	[tilespmem:s3+$0xF880] =	vst v58;
	v52 =	vadd.f32 v56, v31;
	v2 =	vmul.f32 s30, v2;
	v1 =	vmul.f32 v1, v13  }
0x23c: {  	[tilespmem:s3+$0xFA00] =	vst v28;
	v49 =	vld [tilespmem:s3+$0x3A10];
	v56 =	vmul.f32 v51, v27;
	v13 =	vadd.f32 s7, v54;
	v54 =	vmul.f32 v46, v27  }
0x23d: {  	[tilespmem:s3+$0xF980] =	vst v4;
	v0 =	vmul.f32 v0, v27;
	v2 =	vadd.f32 s7, v2;
	v46 =	vld [tilespmem:s3+$0x3910];
	v1 =	vadd.f32 v1, v31  }
0x23e: {  	[tilespmem:s3+$0xFA80] =	vst v9;
	v31 =	vld [tilespmem:s3+$0x3990];
	v60 =	vmul.f32 s28, v60;
	v4 =	vadd.f32 v62, v55;
	v58 =	vadd.f32 v54, v55  }
0x23f: {  	[tilespmem:s3+$0xFB00] =	vst v52;
	v52 =	vmul.f32 v48, v27;
	v48 =	vld [tilespmem:s3+$0x3A90];
	v62 =	vadd.f32 v56, v55;
	v54 =	vadd.f32 v59, v55  }
0x240: {  	v3 =	vmul.f32 v3, v27;
	v56 =	vadd.f32 s25, v60;
	v6 =	vadd.f32 v6, v55;
	[tilespmem:s3+$0xD810] =	vst v4  }
0x241: {  	v47 =	vmul.f32 s20, v57;
	v59 =	vld [tilespmem:s3+$0x3B90];
	v60 =	vadd.f32 v7, v55;
	v0 =	vadd.f32 v0, v55;
	[tilespmem:s3+$0xD890] =	vst v58  }
0x242: {  	v3 =	vadd.f32 v3, v55;
	v58 =	vadd.f32 v52, v55;
	[tilespmem:s3+$0xD990] =	vst v54;
	v51 =	vmul.f32 s22, v46  }
0x243: {  	v52 =	vmul.f32 s23, v31;
	v54 =	vmul.f32 s16, v49;
	[tilespmem:s3+$0xDB10] =	vst v60;
	v60 =	vadd.f32 s1, v47  }
0x244: {  	[tilespmem:s3+$0xD910] =	vst v62;
	v62 =	vmul.f32 v56, v27;
	v56 =	vmul.f32 s4, v48;
	v46 =	vld [tilespmem:s2+$0x15820];
	v4 =	vadd.f32 s21, v51  }
0x245: {  	[tilespmem:s3+$0xFB80] =	vst v1;
	v28 =	vadd.f32 s24, v52;
	v7 =	vadd.f32 s17, v54;
	v52 =	vmul.f32 v60, v27  }
0x246: {  	[tilespmem:s3+$0xDA10] =	vst v58;
	v58 =	vadd.f32 s9, v56;
	v9 =	vmul.f32 s26, v59;
	v4 =	vmul.f32 v4, v27  }
0x247: {  	v48 =	vld [tilespmem:s2+$0x15C20];
	[tilespmem:s3+$0xDA90] =	vst v6;
	v5 =	vadd.f32 v62, v55;
	v57 =	vmul.f32 v28, v27;
	v59 =	vmul.f32 v7, v27  }
0x248: {  	v47 =	vld [tilespmem:s3+$0x38B0];
	[tilespmem:s3+$0xDB90] =	vst v0;
	v51 =	vmul.f32 v58, v27;
	v58 =	vadd.f32 v52, v55;
	v9 =	vadd.f32 s5, v9  }
0x249: {  	v31 =	vld [tilespmem:s3+$0x38A0];
	[tilespmem:s3+$0xF810] =	vst v3;
	v56 =	vmul.f32 v34, v46;
	v60 =	vmul.f32 v42, v46;
	v62 =	vadd.f32 v4, v55  }
0x24a: {  	v28 =	vld [tilespmem:s3+$0x38C0];
	[tilespmem:s3+$0xF890] =	vst v5;
	v2 =	vmul.f32 v2, v46;
	v49 =	vadd.f32 v57, v55;
	v1 =	vadd.f32 v59, v55  }
0x24b: {  	v52 =	vld [tilespmem:s3+$0x3920];
	v5 =	vadd.f32 v51, v55;
	v57 =	vmul.f32 v39, v46;
	v59 =	vmul.f32 v41, v46;
	[tilespmem:s3+$0xFB10] =	vst v58  }
0x24c: {  	v34 =	vld [tilespmem:s3+$0x38E0];
	v51 =	vmul.f32 v61, v46;
	v54 =	vmul.f32 v9, v27;
	v2 =	vadd.f32 v2, v48;
	[tilespmem:s3+$0xF910] =	vst v62  }
0x24d: {  	v39 =	vld [tilespmem:s2+$0x15830];
	[tilespmem:s3+$0xF990] =	vst v49;
	v49 =	vmul.f32 v44, v46;
	v44 =	vmul.f32 s28, v47;
	v57 =	vadd.f32 v57, v48  }
0x24e: {  	v9 =	vld [tilespmem:s3+$0x38D0];
	[tilespmem:s3+$0xFA10] =	vst v1;
	v58 =	vadd.f32 v59, v48;
	v7 =	vadd.f32 v51, v48;
	v51 =	vmul.f32 v50, v46  }
0x24f: {  	[tilespmem:s3+$0xFA90] =	vst v5;
	v62 =	vadd.f32 v54, v55;
	v54 =	vadd.f32 v56, v48;
	v55 =	vmul.f32 s28, v31;
	v56 =	vld [tilespmem:s3+$0x39A0]  }
0x250: {  	v59 =	vadd.f32 v60, v48;
	v60 =	vld [tilespmem:s3+$0x3A20];
	v27 =	vmul.f32 s28, v28;
	v42 =	vmul.f32 s22, v52;
	[tilespmem:s3+$0xD8A0] =	vst v57  }
0x251: {  	v52 =	vld [tilespmem:s3+$0x3B20];
	v28 =	vmul.f32 s28, v34;
	v61 =	vadd.f32 v49, v48;
	[tilespmem:s3+$0xD920] =	vst v58;
	v41 =	vadd.f32 s25, v44  }
0x252: {  	v49 =	vld [tilespmem:s3+$0x3AA0];
	[tilespmem:s3+$0xFB90] =	vst v62;
	v62 =	vmul.f32 v45, v46;
	v6 =	vadd.f32 s25, v55;
	v58 =	vadd.f32 s21, v42  }
0x253: {  	[tilespmem:s3+$0xDAA0] =	vst v7;
	v44 =	vld [tilespmem:s3+$0x3A30];
	v7 =	vadd.f32 s25, v27;
	v9 =	vmul.f32 s28, v9;
	v41 =	vmul.f32 v41, v39  }
0x254: {  	[tilespmem:s3+$0xD820] =	vst v54;
	v55 =	vld [tilespmem:s3+$0x3BA0];
	v54 =	vadd.f32 v62, v48;
	v57 =	vmul.f32 v6, v46;
	v31 =	vmul.f32 s23, v56  }
0x255: {  	[tilespmem:s3+$0xDA20] =	vst v61;
	v60 =	vmul.f32 s16, v60;
	v61 =	vmul.f32 v58, v46;
	v56 =	vadd.f32 v51, v48  }
0x256: {  	[tilespmem:s3+$0xD9A0] =	vst v59;
	v42 =	vmul.f32 s20, v52;
	v1 =	vadd.f32 v57, v48;
	v59 =	vadd.f32 s24, v31  }
0x257: {  	[tilespmem:s3+$0xF820] =	vst v2;
	v62 =	vmul.f32 s4, v49;
	v34 =	vadd.f32 s17, v60;
	v4 =	vadd.f32 v61, v48  }
0x258: {  	v6 =	vld [tilespmem:s2+$0x15C30];
	[tilespmem:s3+$0xDB20] =	vst v54;
	v27 =	vmul.f32 s16, v44;
	v51 =	vadd.f32 s1, v42;
	v3 =	vmul.f32 v59, v46  }
0x259: {  	v47 =	vmul.f32 s26, v55;
	[tilespmem:s3+$0xDBA0] =	vst v56;
	v31 =	vadd.f32 s25, v28;
	v50 =	vmul.f32 v34, v46  }
0x25a: {  	v45 =	vadd.f32 s9, v62;
	[tilespmem:s3+$0xF8A0] =	vst v1;
	v55 =	vmul.f32 v51, v46;
	v49 =	vadd.f32 v3, v48  }
0x25b: {  	v57 =	vld [tilespmem:s3+$0x3930];
	v42 =	vmul.f32 v33, v39;
	[tilespmem:s3+$0xF920] =	vst v4;
	v59 =	vmul.f32 v24, v39;
	v3 =	vadd.f32 v50, v48  }
0x25c: {  	v60 =	vld [tilespmem:s3+$0x39B0];
	v54 =	vadd.f32 s5, v47;
	v52 =	vmul.f32 v45, v46;
	v1 =	vadd.f32 v55, v48;
	[tilespmem:s3+$0xF9A0] =	vst v49  }
0x25d: {  	v34 =	vadd.f32 s25, v9;
	v47 =	vmul.f32 v36, v39;
	v45 =	vadd.f32 v59, v6;
	[tilespmem:s3+$0xFA20] =	vst v3  }
0x25e: {  	v62 =	vmul.f32 v29, v39;
	v56 =	vmul.f32 v54, v46;
	v58 =	vadd.f32 v52, v48;
	[tilespmem:s3+$0xFB20] =	vst v1  }
0x25f: {  	v28 =	vld [tilespmem:s2+$0x15840];
	v27 =	vadd.f32 s17, v27;
	v46 =	vmul.f32 v32, v39;
	v52 =	vadd.f32 v47, v6;
	[tilespmem:s3+$0xD830] =	vst v45  }
0x260: {  	v29 =	vld [tilespmem:s2+$0x15C40];
	v50 =	vmul.f32 v38, v39;
	v54 =	vmul.f32 v37, v39;
	v61 =	vadd.f32 v56, v48;
	[tilespmem:s3+$0xFAA0] =	vst v58  }
0x261: {  	v51 =	vld [tilespmem:s3+$0x3AB0];
	v5 =	vmul.f32 s22, v57;
	v9 =	vmul.f32 s23, v60;
	v48 =	vadd.f32 v62, v6;
	[tilespmem:s3+$0xDA30] =	vst v52  }
0x262: {  	v55 =	vld [tilespmem:s3+$0x3B30];
	v59 =	vmul.f32 v40, v39;
	v49 =	vadd.f32 v42, v6;
	v2 =	vadd.f32 v46, v6;
	[tilespmem:s3+$0xFBA0] =	vst v61  }
0x263: {  	v57 =	vld [tilespmem:s3+$0x3BB0];
	v47 =	vmul.f32 v27, v39;
	v56 =	vadd.f32 v50, v6;
	v5 =	vadd.f32 s21, v5;
	[tilespmem:s3+$0xD8B0] =	vst v48  }
0x264: {  	v60 =	vld [tilespmem:s3+$0x3940];
	v7 =	vmul.f32 v7, v28;
	v9 =	vadd.f32 s24, v9;
	v40 =	vadd.f32 v59, v6;
	[tilespmem:s3+$0xD930] =	vst v49  }
0x265: {  	v62 =	vld [tilespmem:s3+$0x3950];
	v46 =	vadd.f32 v41, v6;
	v41 =	vmul.f32 v16, v28;
	v58 =	vadd.f32 v54, v6;
	[tilespmem:s3+$0xD9B0] =	vst v2  }
0x266: {  	v42 =	vld [tilespmem:s3+$0x3960];
	v59 =	vadd.f32 v47, v6;
	v61 =	vmul.f32 v43, v39;
	v44 =	vmul.f32 v5, v39;
	[tilespmem:s3+$0xDAB0] =	vst v56  }
0x267: {  	v33 =	vadd.f32 v7, v29;
	v45 =	vmul.f32 v9, v39;
	v48 =	vmul.f32 s4, v51;
	[tilespmem:s3+$0xDBB0] =	vst v40  }
0x268: {  	[tilespmem:s3+$0xF8B0] =	vst v46;
	v47 =	vadd.f32 v41, v29;
	v50 =	vmul.f32 s20, v55;
	v24 =	vmul.f32 s26, v57  }
0x269: {  	v54 =	vld [tilespmem:s3+$0x39C0];
	v52 =	vmul.f32 s22, v60;
	[tilespmem:s3+$0xFA30] =	vst v59;
	v59 =	vmul.f32 v30, v28;
	v43 =	vadd.f32 v61, v6  }
0x26a: {  	[tilespmem:s3+$0xDB30] =	vst v58;
	v49 =	vadd.f32 v44, v6;
	v51 =	vadd.f32 s9, v48;
	v44 =	vmul.f32 v23, v28  }
0x26b: {  	[tilespmem:s3+$0xF8C0] =	vst v33;
	v57 =	vadd.f32 v45, v6;
	v55 =	vmul.f32 s22, v62;
	v56 =	vmul.f32 s22, v42  }
0x26c: {  	[tilespmem:s3+$0xD840] =	vst v47;
	v4 =	vadd.f32 s1, v50;
	v60 =	vadd.f32 s5, v24;
	v42 =	vmul.f32 v18, v28  }
0x26d: {  	v58 =	vld [tilespmem:s3+$0x39D0];
	v38 =	vadd.f32 s21, v52;
	v50 =	vmul.f32 v22, v28;
	v52 =	vmul.f32 v25, v28;
	[tilespmem:s3+$0xF830] =	vst v43  }
0x26e: {  	v36 =	vld [tilespmem:s3+$0x3A50];
	v25 =	vadd.f32 v59, v29;
	v2 =	vmul.f32 v51, v39;
	[tilespmem:s3+$0xF930] =	vst v49;
	v45 =	vmul.f32 s23, v54  }
0x26f: {  	v61 =	vld [tilespmem:s3+$0x39E0];
	[tilespmem:s3+$0xF9B0] =	vst v57;
	v49 =	vadd.f32 v44, v29;
	v62 =	vmul.f32 v4, v39;
	v27 =	vadd.f32 s21, v55  }
0x270: {  	v22 =	vld [tilespmem:s2+$0x15850];
	v24 =	vadd.f32 s21, v56;
	v39 =	vmul.f32 v60, v39;
	v48 =	vadd.f32 v42, v29;
	[tilespmem:s3+$0xDBC0] =	vst v25  }
0x271: {  	v51 =	vld [tilespmem:s3+$0x3A40];
	v55 =	vadd.f32 v50, v29;
	v56 =	vmul.f32 v63, v28;
	v0 =	vadd.f32 v52, v29;
	[tilespmem:s3+$0xD940] =	vst v49  }
0x272: {  	v54 =	vld [tilespmem:s3+$0x3AC0];
	v37 =	vmul.f32 v38, v28;
	v2 =	vadd.f32 v2, v6;
	v5 =	vmul.f32 s23, v58;
	[tilespmem:s3+$0xD8C0] =	vst v48  }
0x273: {  	v57 =	vld [tilespmem:s3+$0x3B40];
	v58 =	vmul.f32 v8, v28;
	v40 =	vadd.f32 v62, v6;
	v43 =	vadd.f32 v39, v6;
	[tilespmem:s3+$0xD9C0] =	vst v55  }
0x274: {  	v23 =	vld [tilespmem:s2+$0x15C50];
	v46 =	vmul.f32 s23, v61;
	v6 =	vadd.f32 s24, v45;
	v61 =	vadd.f32 v56, v29;
	[tilespmem:s3+$0xDA40] =	vst v0  }
0x275: {  	v60 =	vld [tilespmem:s3+$0x3BC0];
	v62 =	vmul.f32 v35, v28;
	[tilespmem:s3+$0xFAB0] =	vst v2;
	v63 =	vadd.f32 v58, v29;
	v58 =	vmul.f32 v11, v22  }
0x276: {  	v0 =	vadd.f32 v37, v29;
	v33 =	vmul.f32 v20, v22;
	v37 =	vmul.f32 v21, v22;
	[tilespmem:s3+$0xFB30] =	vst v40  }
0x277: {  	v52 =	vld [tilespmem:s3+$0x3AE0];
	v5 =	vadd.f32 s24, v5;
	[tilespmem:s3+$0xFBB0] =	vst v43;
	v30 =	vmul.f32 s16, v51;
	v35 =	vmul.f32 s4, v54  }
0x278: {  	v16 =	vadd.f32 s24, v46;
	[tilespmem:s3+$0xDAC0] =	vst v61;
	v39 =	vmul.f32 s20, v57;
	v41 =	vmul.f32 v6, v28  }
0x279: {  	v32 =	vadd.f32 v62, v29;
	[tilespmem:s3+$0xF940] =	vst v0;
	v51 =	vmul.f32 s16, v36;
	v61 =	vmul.f32 v15, v22  }
0x27a: {  	[tilespmem:s3+$0xDB40] =	vst v63;
	v43 =	vmul.f32 s26, v60;
	v60 =	vmul.f32 v14, v22;
	v62 =	vadd.f32 v58, v23  }
0x27b: {  	v38 =	vadd.f32 s17, v30;
	[tilespmem:s3+$0xF840] =	vst v32;
	v2 =	vadd.f32 v41, v29;
	v32 =	vmul.f32 v19, v22  }
0x27c: {  	v40 =	vld [tilespmem:s3+$0x3A60];
	v9 =	vmul.f32 s4, v52;
	v42 =	vadd.f32 s9, v35;
	v25 =	vadd.f32 v60, v23;
	[tilespmem:s3+$0xD8D0] =	vst v62  }
0x27d: {  	v48 =	vld [tilespmem:s3+$0x3AD0];
	v45 =	vadd.f32 s1, v39;
	v41 =	vmul.f32 v26, v22;
	[tilespmem:s3+$0xF9C0] =	vst v2;
	v39 =	vadd.f32 v32, v23  }
0x27e: {  	v11 =	vld [tilespmem:s2+$0x15860];
	v47 =	vadd.f32 s5, v43;
	v46 =	vmul.f32 v42, v28;
	v42 =	vadd.f32 v37, v23;
	[tilespmem:s3+$0xD950] =	vst v25  }
0x27f: {  	v57 =	vld [tilespmem:$0x1FF70];
	v43 =	vmul.f32 v34, v22;
	v50 =	vmul.f32 v45, v28;
	v45 =	vadd.f32 v41, v23;
	[tilespmem:s3+$0xDAD0] =	vst v39  }
0x280: {  	v44 =	vmul.f32 v38, v28;
	v55 =	vmul.f32 v47, v28;
	v28 =	vadd.f32 v61, v23;
	[tilespmem:s3+$0xDBD0] =	vst v42  }
0x281: {  	v4 =	vadd.f32 s17, v51;
	v54 =	vmul.f32 s16, v40;
	v40 =	vadd.f32 v33, v23;
	[tilespmem:s3+$0xF850] =	vst v45  }
0x282: {  	v5 =	vmul.f32 v5, v22;
	v30 =	vld [tilespmem:s3+$0x3BD0];
	v7 =	vmul.f32 s4, v48;
	v47 =	vadd.f32 v43, v23;
	[tilespmem:s3+$0xD9D0] =	vst v28  }
0x283: {  	v35 =	vld [tilespmem:s3+$0x3B60];
	v9 =	vadd.f32 s9, v9;
	v52 =	vmul.f32 v4, v22;
	v49 =	vadd.f32 v44, v29;
	[tilespmem:s3+$0xDB50] =	vst v40  }
0x284: {  	v32 =	vmul.f32 v53, v11;
	v1 =	vmul.f32 v57, v22;
	v3 =	vadd.f32 v46, v29;
	[tilespmem:s3+$0xF8D0] =	vst v47  }
0x285: {  	v63 =	vld [tilespmem:s3+$0x3B50];
	v7 =	vadd.f32 s9, v7;
	v56 =	vadd.f32 v50, v29;
	v44 =	vmul.f32 v27, v22;
	[tilespmem:s3+$0xFA40] =	vst v49  }
0x286: {  	v38 =	vld [tilespmem:s3+$0x3BE0];
	v50 =	vadd.f32 v5, v23;
	v39 =	vmul.f32 v12, v11;
	v42 =	vmul.f32 v13, v11;
	[tilespmem:s3+$0xFAC0] =	vst v3  }
0x287: {  	v4 =	vld [tilespmem:s2+$0x15C60];
	v8 =	vadd.f32 s17, v54;
	v2 =	vadd.f32 v55, v29;
	v29 =	vmul.f32 v17, v22;
	[tilespmem:s3+$0xFB40] =	vst v56  }
0x288: {  	s19 =	sld [smem:$0x3];
	v37 =	vld [tilespmem:s3+$0x1BF0];
	v59 =	vadd.f32 v1, v23;
	v15 =	vmul.f32 s20, v35;
	v51 =	vmul.f32 s26, v30;
	[tilespmem:s3+$0xF9D0] =	vst v50  }
0x289: {  	s18 =	sld [smem:$0x2];
	v57 =	vld [tilespmem:s3+$0x19F0];
	v54 =	vmul.f32 v7, v22;
	v1 =	vadd.f32 v52, v23;
	v35 =	vmul.f32 v10, v11;
	[tilespmem:s3+$0xFBC0] =	vst v2  }
0x28a: {  	s31 =	sld [smem:$0x87];
	v25 =	vld [tilespmem:s3+$0x1AF0];
	v47 =	vmul.f32 v24, v11;
	v48 =	vadd.f32 v44, v23;
	[tilespmem:s3+$0xD850] =	vst v59;
	v36 =	vadd.f32 v29, v23  }
0x28b: {  	s28 =	sld [smem:$0x7];
	v46 =	vld [tilespmem:s3+$0x1870];
	v3 =	vmul.f32 s20, v63;
	v15 =	vadd.f32 s1, v15;
	v5 =	vadd.f32 s5, v51;
	[tilespmem:s3+$0xFA50] =	vst v1  }
0x28c: {  	s7 =	sld [smem:$0x0];
	v62 =	vld [tilespmem:$0x1FF90];
	v17 =	vmul.f32 s26, v38;
	v2 =	vadd.f32 v54, v23;
	v38 =	vadd.f32 v32, v4;
	[tilespmem:s3+$0xF950] =	vst v48  }
0x28d: {  	s23 =	sld [smem:$0x5];
	v33 =	vld [tilespmem:s3+$0x1B70];
	v44 =	vmul.f32 v31, v11;
	v41 =	vadd.f32 v35, v4;
	v43 =	vadd.f32 v39, v4;
	[tilespmem:s3+$0xDA50] =	vst v36  }
0x28e: {  	s25 =	sld [smem:$0x85];
	v55 =	vld [tilespmem:s3+$0x1970];
	v51 =	vmul.f32 v16, v11;
	v18 =	vmul.f32 s28, v37;
	v52 =	vadd.f32 v47, v4;
	[tilespmem:s3+$0xFAD0] =	vst v2  }
0x28f: {  	s22 =	sld [smem:$0x4];
	v27 =	vld [tilespmem:$0x1FFB0];
	v53 =	vmul.f32 v8, v11;
	v3 =	vadd.f32 s1, v3;
	v14 =	vmul.f32 s19, v57;
	[tilespmem:s3+$0xDAE0] =	vst v38  }
0x290: {  	s21 =	sld [smem:$0x83];
	v49 =	vld [tilespmem:s3+$0x18F0];
	v40 =	vmul.f32 s23, v25;
	v50 =	vadd.f32 v44, v4;
	v56 =	vmul.f32 s7, v46;
	[tilespmem:s3+$0xDB60] =	vst v41  }
0x291: {  	v63 =	vld [tilespmem:s3+$0x1A70];
	s26 =	sld [smem:$0x6];
	v7 =	vadd.f32 s5, v17;
	v58 =	vmul.f32 v5, v22;
	v2 =	vmul.f32 v62, v11;
	[tilespmem:s3+$0xDBE0] =	vst v43  }
0x292: {  	s9 =	sld [smem:$0x1];
	v46 =	vadd.f32 v42, v4;
	v57 =	vadd.f32 s31, v18;
	[tilespmem:s3+$0xF960] =	vst v52;
	v3 =	vmul.f32 v3, v22  }
0x293: {  	s16 =	sld [smem:$0x80];
	v61 =	vld [tilespmem:$0x1FF80];
	v17 =	vmul.f32 s18, v55;
	v14 =	vadd.f32 s21, v14;
	[tilespmem:s3+$0xF8E0] =	vst v50;
	v55 =	vadd.f32 v51, v4  }
0x294: {  	v45 =	vld [tilespmem:s3+$0x3870];
	s20 =	sld [smem:$0x82];
	v12 =	vadd.f32 s25, v40;
	v48 =	vmul.f32 s26, v33;
	v0 =	vadd.f32 v58, v23;
	[tilespmem:s3+$0xF860] =	vst v46  }
0x295: {  	s17 =	sld [smem:$0x81];
	v16 =	vld [tilespmem:s2+$0x15870];
	v59 =	vmul.f32 s9, v49;
	v26 =	vadd.f32 v2, v4;
	v2 =	vmul.f32 v27, v11;
	[tilespmem:s3+$0xF9E0] =	vst v55  }
0x296: {  	s30 =	sld [smem:$0x86];
	v21 =	vld [tilespmem:s2+$0x15C70];
	v6 =	vadd.f32 s16, v56;
	v36 =	vmul.f32 s22, v63;
	v60 =	vadd.f32 v3, v23;
	[tilespmem:s3+$0xFBD0] =	vst v0  }
0x297: {  	v37 =	vld [tilespmem:s3+$0x3B70];
	s7 =	sld [smem:$0x8];
	v56 =	vmul.f32 v9, v11;
	v17 =	vadd.f32 s20, v17;
	[tilespmem:s3+$0xD8E0] =	vst v26;
	v30 =	vadd.f32 v2, v4  }
0x298: {  	s24 =	sld [smem:$0x84];
	v62 =	vmul.f32 v7, v11;
	v5 =	vadd.f32 s17, v59;
	v59 =	vadd.f32 v53, v4;
	[tilespmem:s3+$0xFB50] =	vst v60  }
0x299: {  	s26 =	sld [smem:$0xE];
	v3 =	vmul.f32 v61, v11;
	v54 =	vadd.f32 s30, v48;
	v2 =	vadd.f32 v56, v4;
	[tilespmem:s3+$0xD9E0] =	vst v30  }
0x29a: {  	s28 =	sld [smem:$0xF];
	v23 =	vld [tilespmem:$0x1FFA0];
	v13 =	vmul.f32 s7, v45;
	v35 =	vmul.f32 v12, v16;
	v0 =	vadd.f32 v62, v4;
	[tilespmem:s3+$0xFA60] =	vst v59  }
0x29b: {  	v40 =	vld [tilespmem:s3+$0x3BF0];
	s16 =	sld [smem:$0x88];
	v42 =	vmul.f32 v57, v16;
	v10 =	vadd.f32 s24, v36;
	v22 =	vadd.f32 v3, v4;
	[tilespmem:s3+$0xFAE0] =	vst v2  }
0x29c: {  	s19 =	sld [smem:$0xB];
	v49 =	vld [tilespmem:s3+$0x38F0];
	v19 =	vmul.f32 v6, v16;
	v51 =	vmul.f32 s26, v37;
	v41 =	vadd.f32 v35, v21;
	[tilespmem:s3+$0xFBE0] =	vst v0  }
0x29d: {  	v58 =	vld [tilespmem:s3+$0x3970];
	s30 =	sld [smem:$0x8E];
	v60 =	vmul.f32 v15, v11;
	v26 =	vmul.f32 v17, v16;
	v46 =	vadd.f32 v42, v21;
	[tilespmem:s3+$0xD860] =	vst v22  }
0x29e: {  	s9 =	sld [smem:$0x9];
	v61 =	vld [tilespmem:s3+$0x39F0];
	v20 =	vadd.f32 s16, v13;
	v39 =	vmul.f32 v54, v16;
	v25 =	vadd.f32 v19, v21;
	[tilespmem:s3+$0xDAF0] =	vst v41  }
0x29f: {  	v29 =	vld [tilespmem:$0x1FFC0];
	s18 =	sld [smem:$0xA];
	v33 =	vmul.f32 v10, v16;
	v32 =	vadd.f32 v26, v21;
	[tilespmem:s3+$0xDBF0] =	vst v46;
	v3 =	vmul.f32 v23, v11  }
0x2a0: {  	v24 =	vld [tilespmem:s3+$0x3A70];
	s31 =	sld [smem:$0x8F];
	v52 =	vmul.f32 s28, v40;
	v6 =	vadd.f32 s30, v51;
	v44 =	vadd.f32 v39, v21;
	[tilespmem:s3+$0xD870] =	vst v25  }
0x2a1: {  	s22 =	sld [smem:$0xC];
	v63 =	vmul.f32 s9, v49;
	v45 =	vmul.f32 v20, v16;
	[tilespmem:s3+$0xD970] =	vst v32;
	v28 =	vadd.f32 v3, v4  }
0x2a2: {  	s17 =	sld [smem:$0x89];
	v22 =	vmul.f32 v5, v16;
	v27 =	vmul.f32 s18, v58;
	v38 =	vadd.f32 v33, v21;
	[tilespmem:s3+$0xDB70] =	vst v44  }
0x2a3: {  	s20 =	sld [smem:$0x8A];
	v31 =	vmul.f32 s19, v61;
	v57 =	vadd.f32 s31, v52;
	v49 =	vadd.f32 v45, v21;
	[tilespmem:s3+$0xD960] =	vst v28;
	v28 =	vld [tilespmem:s3+$0x3AF0]  }
0x2a4: {  	s24 =	sld [smem:$0x8C];
	v61 =	vmul.f32 v6, v16;
	v3 =	vmul.f32 v29, v11;
	v11 =	vadd.f32 v60, v4;
	[tilespmem:s3+$0xDA70] =	vst v38  }
0x2a5: {  	s23 =	sld [smem:$0xD];
	v5 =	vmul.f32 s22, v24;
	v23 =	vadd.f32 s17, v63;
	v29 =	vadd.f32 v22, v21;
	[tilespmem:s3+$0xF870] =	vst v49  }
0x2a6: {  	s21 =	sld [smem:$0x8B];
	v7 =	vadd.f32 s20, v27;
	v62 =	vmul.f32 v57, v16;
	v63 =	vadd.f32 v61, v21;
	[tilespmem:s3+$0xFB60] =	vst v11  }
0x2a7: {  	s25 =	sld [smem:$0x8D];
	v5 =	vadd.f32 s24, v5;
	v47 =	vmul.f32 v23, v16;
	v34 =	vadd.f32 v3, v4;
	[tilespmem:s3+$0xD8F0] =	vst v29  }
0x2a8: {  	v50 =	vmul.f32 v7, v16;
	v0 =	vadd.f32 v62, v21;
	[tilespmem:s3+$0xFB70] =	vst v63;
	v43 =	vmul.f32 s23, v28  }
0x2a9: {  	v36 =	vadd.f32 s21, v31;
	v56 =	vmul.f32 v5, v16;
	v53 =	vadd.f32 v47, v21;
	[tilespmem:s3+$0xDA60] =	vst v34  }
0x2aa: {  	v30 =	vmul.f32 v14, v16;
	v55 =	vadd.f32 v50, v21;
	[tilespmem:s3+$0xFBF0] =	vst v0;
	v48 =	vadd.f32 s25, v43  }
0x2ab: {  	p1 =	slt.u32 s0, $0x38;
	v54 =	vmul.f32 v36, v16;
	v60 =	vadd.f32 v56, v21;
	[tilespmem:s3+$0xF8F0] =	vst v53  }
.Ltmp7:
0x2ac: {  	v34 =	vadd.f32 v30, v21;
	[tilespmem:s3+$0xF970] =	vst v55;
	v59 =	vmul.f32 v48, v16;
	(pc) =	sbr.rel @p1 .LBB2_13-.Ltmp7, $4  }
0x2ad: {  	v58 =	vadd.f32 v54, v21;
	[tilespmem:s3+$0xFA70] =	vst v60  }
0x2ae: {  	[tilespmem:s3+$0xD9F0] =	vst v34;
	v2 =	vadd.f32 v59, v21  }
0x2af: {  	[tilespmem:s3+$0xF9F0] =	vst v58  }
0x2b0: {  	s0 =	sadd.s32 $0x8, s0;
	[tilespmem:s3+$0xFAF0] =	vst v2  }
0x2b1: {  	s0 =	rddreg [dreg:$0x6]  }
0x2b2: {  	s0 =	sadd.s32 s0, s15  }
0x2b3: {  	s1 =	rddreg [dreg:$0x4];
	s0 =	sshll.u32 s0, $0x7  }
0x2b4: {  	s28 =	simm.s32 $0xD800;
	p1 =	seq.s32 s10, $0x5D;
	s0 =	sadd.s32 s1, s0  }
0x2b5: {  	[hbm4b:s0+s6] =	stream.linear.scatter [tilespmem:s28], [sflag:$0x3], $0x4000, $0x38;
	[tilespmem:$0x16000] =	vst v63  }
0x2b6: {  	s0 =	smin.u32 @!p1 s15, $0xB88  }
0x2b7: {  	v0 =	vld @!p1 [tilespmem:s0+$0x20];
	_ =	sdelay $0x4  }
0x2b8: {  	v1 =	vshll.u32 @!p1 v0, $0x3  }
0x2b9: {  	v2 =	vlaneseq.u32 @!p1;
	v0 =	vand.u32 @!p1 $0x7, v0;
	v1 =	vand.u32 @!p1 $0xFFFFFFC0, v1  }
0x2ba: {  	v3 =	vshrl.u32 @!p1 v2, $0x3;
	v0 =	vor.u32 @!p1 v0, v1;
	v1 =	vand.u32 @!p1 $0x7, v2  }
0x2bb: {  	v3 =	vmul.u32 @!p1 $0x8, v3;
	v4 =	vperm.xlane @!p1 v0, v1;
	_ =	sdelay $0x1  }
0x2bc: {  	v4 =	vadd.s32 @!p1 v3, v4;
	_ =	sdelay $0x3  }
0x2bd: {  	vm1 =	vmmov @!p1 $0xffff;
	s2 =	simm.s32 @!p1 $0x1800;
	s1 =	simm.s32 @!p1 $0x0  }
0x2be: {  	v2 =	vor.u32 @!p1 $0x8, v2;
	[tilespmem:s2], [sflag:$0x1] =	stream.indirect_vreg.gather @!p1 [hbm4b:s29+s1], $0x80, v4, vm1, $0xb8;
	[tilespmem:$0x16000] =	vst v63  }
0x2bf: {  	v0 =	vperm.xlane @!p1 v0, v2;
	s2 =	simm.s32 @!p1 $0x2000  }
0x2c0: {  	[tilespmem:s2], [sflag:$0x1] =	stream.indirect_vreg.gather @!p1 [hbm4b:s11+s1], $0x80, v4, vm1, $0xb8;
	[tilespmem:$0x16000] =	vst v63  }
0x2c1: {  	v0 =	vadd.s32 @!p1 v3, v0;
	s2 =	simm.s32 @!p1 $0x2800  }
0x2c2: {  	[tilespmem:s2], [sflag:$0x1] =	stream.indirect_vreg.gather @!p1 [hbm4b:s12+s1], $0x80, v4, vm1, $0xb8;
	[tilespmem:$0x16000] =	vst v63  }
0x2c3: {  	s2 =	simm.s32 @!p1 $0x3000  }
0x2c4: {  	[tilespmem:s2], [sflag:$0x1] =	stream.indirect_vreg.gather @!p1 [hbm4b:s13+s1], $0x80, v4, vm1, $0xb8;
	[tilespmem:$0x16000] =	vst v63  }
0x2c5: {  	s2 =	simm.s32 @!p1 $0x3800  }
0x2c6: {  	[tilespmem:s2], [sflag:$0x1] =	stream.indirect_vreg.gather @!p1 [hbm4b:s29+s1], $0x80, v0, vm1, $0xb8;
	[tilespmem:$0x16000] =	vst v63  }
0x2c7: {  	s2 =	simm.s32 @!p1 $0x4000  }
0x2c8: {  	[tilespmem:s2], [sflag:$0x1] =	stream.indirect_vreg.gather @!p1 [hbm4b:s11+s1], $0x80, v0, vm1, $0xb8;
	[tilespmem:$0x16000] =	vst v63  }
0x2c9: {  	s2 =	simm.s32 @!p1 $0x4800  }
0x2ca: {  	[tilespmem:s2], [sflag:$0x1] =	stream.indirect_vreg.gather @!p1 [hbm4b:s12+s1], $0x80, v0, vm1, $0xb8;
	[tilespmem:$0x16000] =	vst v63  }
0x2cb: {  	s2 =	simm.s32 @!p1 $0x5000  }
0x2cc: {  	[tilespmem:s2], [sflag:$0x1] =	stream.indirect_vreg.gather @!p1 [hbm4b:s13+s1], $0x80, v0, vm1, $0xb8;
	[tilespmem:$0x16000] =	vst v63  }
0x2cd: {  	v0 =	vld @!p1 [tilespmem:s0+$0xC20];
	_ =	sdelay $0x4  }
0x2ce: {  	v4 =	vshll.u32 @!p1 v0, $0x2  }
0x2cf: {  	v0 =	vand.u32 @!p1 $0x7, v0;
	v4 =	vand.u32 @!p1 $0xFFFFFFE0, v4  }
0x2d0: {  	v0 =	vor.u32 @!p1 v0, v4  }
0x2d1: {  	v1 =	vperm.xlane @!p1 v0, v1;
	_ =	sdelay $0x1  }
0x2d2: {  	v1 =	vadd.s32 @!p1 v3, v1;
	_ =	sdelay $0x1  }
0x2d3: {  	v0 =	vperm.xlane @!p1 v0, v2;
	_ =	sdelay $0x1  }
0x2d4: {  	s0 =	simm.s32 @!p1 $0x9800;
	v0 =	vadd.s32 @!p1 v3, v0  }
0x2d5: {  	[tilespmem:s0], [sflag:$0x1] =	stream.indirect_vreg.gather @!p1 [hbm4b:s8+s1], $0x80, v1, vm1, $0xb8;
	[tilespmem:$0x16000] =	vst v63  }
0x2d6: {  	s0 =	simm.s32 @!p1 $0xA000  }
0x2d7: {  	[tilespmem:s0], [sflag:$0x1] =	stream.indirect_vreg.gather @!p1 [hbm4b:s14+s1], $0x80, v1, vm1, $0xb8;
	[tilespmem:$0x16000] =	vst v63  }
0x2d8: {  	s0 =	simm.s32 @!p1 $0xA800  }
0x2d9: {  	[tilespmem:s0], [sflag:$0x1] =	stream.indirect_vreg.gather @!p1 [hbm4b:s8+s1], $0x80, v0, vm1, $0xb8;
	[tilespmem:$0x16000] =	vst v63  }
0x2da: {  	s30 =	simm.s32 $0x2;
	s0 =	simm.s32 @!p1 $0xB000  }
0x2db: {  	[tilespmem:s0], [sflag:$0x1] =	stream.indirect_vreg.gather @!p1 [hbm4b:s14+s1], $0x80, v0, vm1, $0xb8;
	[tilespmem:$0x16000] =	vst v63  }
0x2dc: {  	_ =	swait.ge [sflag:s30], $0x4000  }
0x2dd: {  	[sflag:s30] =	ssyncset.done $0x0  }
0x2de: {  	[sflag:s30] =	ssyncadd.s32 $0xFFFFC000  }
0x2df: {  	_ =	swait.ge [sflag:s30], $0x2000  }
0x2e0: {  	s16 =	simm.s32 $0x0;
	p2 =	por $0x0, $0x0;
	[sflag:s30] =	ssyncset.done $0x0  }
0x2e1: {  	s31 =	simm.s32 $0x0;
	s3 =	simm.s32 $0x0;
	[sflag:s30] =	ssyncadd.s32 $0xFFFFE000  }
.LBB2_15:
0x2e2: {  	s0 =	simm.s32 $0x1  }
0x2e3: {  	s0 =	simm.s32 @!p2 $0x0  }
0x2e4: {  	s0 =	sshll.u32 s0, $0xB  }
0x2e5: {  	s0 =	sshrl.u32 s0, $0x2  }
0x2e6: {  	v3 =	vmov s0;
	_ =	sdelay $0x1  }
0x2e7: {  	s25 =	sshll.u32 s16, $0x9  }
0x2e8: {  	s2 =	sshll.u32 s16, $0xA;
	s1 =	sand.u32 $0x3FFFF000, s25  }
0x2e9: {  	s26 =	sand.u32 $0x3FFFE000, s2;
	s28 =	sadd.s32 $0xB870, s1  }
0x2ea: {  	s9 =	sor.u32 $0x1800, s26;
	v0 =	vld.idx.msk [tilespmem:v3+s28+$0xFFFFFFA0 ss:$0x1], $0xffff  }
0x2eb: {  	v1 =	vld.idx.msk [tilespmem:v3+s9+$0x5070 ss:$0x1], $0xffff  }
0x2ec: {  	v2 =	vld.idx.msk [tilespmem:v3+s9+$0x4070 ss:$0x1], $0xffff  }
0x2ed: {  	v4 =	vld.idx.msk [tilespmem:v3+s28+$0x0 ss:$0x1], $0xffff  }
0x2ee: {  	v6 =	vld.idx.msk [tilespmem:v3+s9+$0x5060 ss:$0x1], $0xffff  }
0x2ef: {  	v7 =	vld.idx.msk [tilespmem:v3+s9+$0x5050 ss:$0x1], $0xffff  }
0x2f0: {  	v14 =	vld.idx.msk [tilespmem:v3+s9+$0x4060 ss:$0x1], $0xffff  }
0x2f1: {  	v15 =	vld.idx.msk [tilespmem:v3+s28+$0xFFFFFFF0 ss:$0x1], $0xffff  }
0x2f2: {  	v9 =	vld.idx.msk [tilespmem:v3+s9+$0x5030 ss:$0x1], $0xffff  }
0x2f3: {  	v10 =	vld.idx.msk [tilespmem:v3+s28+$0xFFFFFFE0 ss:$0x1], $0xffff  }
0x2f4: {  	v11 =	vld.idx.msk [tilespmem:v3+s28+$0xFFFFFFC0 ss:$0x1], $0xffff  }
0x2f5: {  	v5 =	vld.idx.msk [tilespmem:v3+s9+$0x4010 ss:$0x1], $0xffff  }
0x2f6: {  	v12 =	vld.idx.msk [tilespmem:v3+s28+$0xFFFFFFB0 ss:$0x1], $0xffff  }
0x2f7: {  	v13 =	vld.idx.msk [tilespmem:v3+s28+$0xFFFFFF90 ss:$0x1], $0xffff  }
0x2f8: {  	v8 =	vld.idx.msk [tilespmem:v3+s9+$0x5020 ss:$0x1], $0xffff  }
0x2f9: {  	v16 =	vld.idx.msk [tilespmem:v3+s28+$0xFFFFFFD0 ss:$0x1], $0xffff  }
0x2fa: {  	v18 =	vld.idx.msk [tilespmem:v3+s9+$0x4040 ss:$0x1], $0xffff  }
0x2fb: {  	v20 =	vld.idx.msk [tilespmem:v3+s9+$0x5000 ss:$0x1], $0xffff  }
0x2fc: {  	v23 =	vld.idx.msk [tilespmem:v3+s9+$0x4000 ss:$0x1], $0xffff  }
0x2fd: {  	s20 =	sadd.s32 $0x400, s9;
	v27 =	vld.idx.msk [tilespmem:v3+s9+$0x4030 ss:$0x1], $0xffff  }
0x2fe: {  	s5 =	sadd.s32 $0x400, s28;
	v31 =	vld.idx.msk [tilespmem:v3+s20+$0x4070 ss:$0x1], $0xffff  }
0x2ff: {  	v40 =	vld.idx.msk [tilespmem:v3+s5+$0xFFFFFFE0 ss:$0x1], $0xffff  }
0x300: {  	v41 =	vld.idx.msk [tilespmem:v3+s5+$0xFFFFFFB0 ss:$0x1], $0xffff  }
0x301: {  	v39 =	vld.idx.msk [tilespmem:v3+s5+$0xFFFFFFC0 ss:$0x1], $0xffff  }
0x302: {  	v35 =	vld.idx.msk [tilespmem:v3+s20+$0x4010 ss:$0x1], $0xffff;
	v17 =	vshll.u32 v4, $0x10  }
0x303: {  	v44 =	vld.idx.msk [tilespmem:v3+s5+$0xFFFFFFD0 ss:$0x1], $0xffff;
	v19 =	vshll.u32 v0, $0x10;
	v4 =	vand.u32 $0xFFFF0000, v4;
	v0 =	vand.u32 $0xFFFF0000, v0  }
0x304: {  	v46 =	vld.idx.msk [tilespmem:v3+s20+$0x4020 ss:$0x1], $0xffff;
	v21 =	vshll.u32 v13, $0x10;
	v13 =	vand.u32 $0xFFFF0000, v13;
	v26 =	vadd.f32 v17, v2  }
0x305: {  	v47 =	vld.idx.msk [tilespmem:v3+s20+$0x5040 ss:$0x1], $0xffff;
	v63 =	vshll.u32 v41, $0x10;
	v17 =	vadd.f32 v19, v5;
	v4 =	vadd.f32 v4, v1  }
0x306: {  	v48 =	vld.idx.msk [tilespmem:v3+s20+$0x5000 ss:$0x1], $0xffff;
	v1 =	vshll.u32 v10, $0x10;
	v5 =	vand.u32 $0xFFFF0000, v12;
	v20 =	vadd.f32 v13, v20;
	[tilespmem:v3+s9+$0x4070 ss:$0x1] =	vst.idx.msk $0xffff, v26  }
0x307: {  	v2 =	vld.idx.msk [tilespmem:v3+s9+$0x4020 ss:$0x1], $0xffff;
	v12 =	vshll.u32 v12, $0x10;
	v21 =	vadd.f32 v21, v23;
	v13 =	vshll.u32 v11, $0x10;
	[tilespmem:v3+s9+$0x4010 ss:$0x1] =	vst.idx.msk $0xffff, v17  }
0x308: {  	v19 =	vld.idx.msk [tilespmem:v3+s9+$0x5040 ss:$0x1], $0xffff;
	v11 =	vand.u32 $0xFFFF0000, v11;
	v10 =	vand.u32 $0xFFFF0000, v10;
	v25 =	vadd.f32 v5, v8;
	[tilespmem:v3+s9+$0x5000 ss:$0x1] =	vst.idx.msk $0xffff, v20  }
0x309: {  	v5 =	vshll.u32 v16, $0x10;
	v34 =	vadd.f32 v11, v9;
	v37 =	vadd.f32 v10, v7;
	[tilespmem:v3+s9+$0x5070 ss:$0x1] =	vst.idx.msk $0xffff, v4  }
0x30a: {  	v22 =	vmul.f32 v17, v17;
	v18 =	vadd.f32 v5, v18;
	v24 =	vld.idx.msk [tilespmem:v3+s9+$0x5010 ss:$0x1], $0xffff;
	[tilespmem:v3+s9+$0x5020 ss:$0x1] =	vst.idx.msk $0xffff, v25  }
0x30b: {  	v23 =	vld.idx.msk [tilespmem:v3+s20+$0x5070 ss:$0x1], $0xffff;
	v8 =	vmul.f32 v26, v26;
	v5 =	vmul.f32 v4, v4;
	[tilespmem:v3+s9+$0x4000 ss:$0x1] =	vst.idx.msk $0xffff, v21  }
0x30c: {  	v16 =	vand.u32 $0xFFFF0000, v16;
	v29 =	vmul.f32 v25, v25;
	v43 =	vmul.f32 v37, v37;
	[tilespmem:v3+s9+$0x4040 ss:$0x1] =	vst.idx.msk $0xffff, v18  }
0x30d: {  	v2 =	vadd.f32 v12, v2;
	v30 =	vadd.f32 v16, v19;
	v19 =	vld.idx.msk [tilespmem:v3+s9+$0x4050 ss:$0x1], $0xffff;
	v16 =	vand.u32 $0xFFFF0000, v15  }
0x30e: {  	v45 =	vmul.f32 v34, v34;
	[tilespmem:v3+s9+$0x5050 ss:$0x1] =	vst.idx.msk $0xffff, v37;
	v15 =	vshll.u32 v15, $0x10;
	v10 =	vadd.f32 v16, v6  }
0x30f: {  	v28 =	vimm.f32 $0.0e+00;
	v12 =	vld.idx.msk [tilespmem:v3+s5+$0xFFFFFFA0 ss:$0x1], $0xffff;
	v38 =	vadd.f32 v15, v14;
	[tilespmem:v3+s9+$0x4020 ss:$0x1] =	vst.idx.msk $0xffff, v2;
	v0 =	vadd.f32 v0, v24  }
0x310: {  	[tilespmem:v3+s9+$0x5040 ss:$0x1] =	vst.idx.msk $0xffff, v30;
	v24 =	vadd.f32 v13, v27;
	v13 =	vadd.f32 v21, v28;
	v27 =	vld.idx.msk [tilespmem:v3+s5+$0x0 ss:$0x1], $0xffff  }
0x311: {  	v15 =	vshll.u32 v40, $0x10;
	v32 =	vmul.f32 v2, v2;
	v36 =	vmul.f32 v30, v30;
	[tilespmem:v3+s9+$0x5060 ss:$0x1] =	vst.idx.msk $0xffff, v10  }
0x312: {  	v9 =	vld.idx.msk [tilespmem:v3+s20+$0x5060 ss:$0x1], $0xffff;
	v13 =	vadd.f32 v17, v13;
	v1 =	vadd.f32 v1, v19;
	v19 =	vmul.f32 v21, v21  }
0x313: {  	v11 =	vld.idx.msk [tilespmem:v3+s20+$0x5050 ss:$0x1], $0xffff;
	v17 =	vmul.f32 v18, v18;
	v21 =	vadd.f32 v20, v28;
	v20 =	vmul.f32 v20, v20  }
0x314: {  	[tilespmem:v3+s9+$0x4060 ss:$0x1] =	vst.idx.msk $0xffff, v38;
	v33 =	vshll.u32 v12, $0x10;
	v2 =	vadd.f32 v2, v13;
	v19 =	vadd.f32 v19, v28  }
0x315: {  	[tilespmem:v3+s9+$0x5010 ss:$0x1] =	vst.idx.msk $0xffff, v0;
	v20 =	vadd.f32 v20, v28;
	v28 =	vadd.f32 v33, v35;
	v6 =	vand.u32 $0xFFFF0000, v27  }
0x316: {  	[tilespmem:v3+s9+$0x4030 ss:$0x1] =	vst.idx.msk $0xffff, v24;
	v16 =	vand.u32 $0xFFFF0000, v12;
	v2 =	vadd.f32 v24, v2;
	v6 =	vadd.f32 v6, v23  }
0x317: {  	v12 =	vld.idx.msk [tilespmem:v3+s5+$0xFFFFFFF0 ss:$0x1], $0xffff;
	[tilespmem:v3+s9+$0x5030 ss:$0x1] =	vst.idx.msk $0xffff, v34;
	v14 =	vadd.f32 v22, v19;
	v19 =	vadd.f32 v0, v21  }
0x318: {  	v7 =	vld.idx.msk [tilespmem:v3+s20+$0x4060 ss:$0x1], $0xffff;
	v24 =	vmul.f32 v24, v24;
	v0 =	vmul.f32 v0, v0;
	v2 =	vadd.f32 v18, v2  }
0x319: {  	v22 =	vld.idx.msk [tilespmem:v3+s5+$0xFFFFFF90 ss:$0x1], $0xffff;
	v18 =	vshll.u32 v27, $0x10;
	v27 =	vmul.f32 v38, v38;
	v42 =	vadd.f32 v32, v14  }
0x31a: {  	v21 =	vld.idx.msk [tilespmem:v3+s20+$0x5020 ss:$0x1], $0xffff;
	v25 =	vadd.f32 v25, v19;
	v32 =	vshll.u32 v39, $0x10;
	v0 =	vadd.f32 v0, v20  }
0x31b: {  	[tilespmem:v3+s9+$0x4050 ss:$0x1] =	vst.idx.msk $0xffff, v1;
	v20 =	vmul.f32 v28, v28;
	v39 =	vand.u32 $0xFFFF0000, v39;
	v14 =	vadd.f32 v18, v31  }
0x31c: {  	v13 =	vld.idx.msk [tilespmem:v3+s20+$0x5030 ss:$0x1], $0xffff;
	[tilespmem:v3+s20+$0x4010 ss:$0x1] =	vst.idx.msk $0xffff, v28;
	v18 =	vand.u32 $0xFFFF0000, v41;
	v41 =	vand.u32 $0xFFFF0000, v12;
	v2 =	vadd.f32 v1, v2  }
0x31d: {  	v23 =	vld.idx.msk [tilespmem:v3+s20+$0x4030 ss:$0x1], $0xffff;
	v1 =	vmul.f32 v1, v1;
	v42 =	vadd.f32 v24, v42;
	v0 =	vadd.f32 v29, v0  }
0x31e: {  	v31 =	vld.idx.msk [tilespmem:v3+s20+$0x4040 ss:$0x1], $0xffff;
	v25 =	vadd.f32 v34, v25;
	v24 =	vmul.f32 v6, v6;
	v34 =	vadd.f32 v63, v46  }
0x31f: {  	v35 =	vld.idx.msk [tilespmem:v3+s20+$0x5010 ss:$0x1], $0xffff;
	v33 =	vshll.u32 v22, $0x10;
	v18 =	vadd.f32 v18, v21;
	v19 =	vmul.f32 v14, v14  }
0x320: {  	[tilespmem:v3+s20+$0x4070 ss:$0x1] =	vst.idx.msk $0xffff, v14;
	v21 =	vshll.u32 v44, $0x10;
	v2 =	vadd.f32 v38, v2;
	v49 =	vadd.f32 v17, v42  }
0x321: {  	v44 =	vand.u32 $0xFFFF0000, v44;
	[tilespmem:v3+s20+$0x5070 ss:$0x1] =	vst.idx.msk $0xffff, v6;
	v0 =	vadd.f32 v45, v0;
	v25 =	vadd.f32 v30, v25  }
0x322: {  	v22 =	vand.u32 $0xFFFF0000, v22;
	v17 =	vadd.f32 v44, v47;
	v30 =	vmul.f32 v34, v34;
	[tilespmem:v3+s20+$0x5020 ss:$0x1] =	vst.idx.msk $0xffff, v18  }
0x323: {  	s30 =	sshll.u32 s3, $0x9;
	s4 =	sand.u32 $0x3, s31;
	v38 =	vld.idx.msk [tilespmem:v3+s20+$0x4000 ss:$0x1], $0xffff;
	v29 =	vadd.f32 v21, v31;
	v21 =	vmul.f32 v18, v18;
	v0 =	vadd.f32 v36, v0  }
0x324: {  	s2 =	sand.u32 $0xE00, s30;
	s17 =	sshll.u32 s4, $0xA;
	v42 =	vand.u32 $0xFFFF0000, v40;
	[tilespmem:v3+s20+$0x4020 ss:$0x1] =	vst.idx.msk $0xffff, v34;
	v37 =	vadd.f32 v37, v25;
	v25 =	vadd.f32 v22, v48  }
0x325: {  	s4 =	sadd.s32 $0xB970, s1;
	s18 =	sadd.s32 $0xB8F0, s1;
	s0 =	sadd.s32 $0xB9F0, s1;
	v22 =	vmul.f32 v17, v17;
	v36 =	vld.idx.msk [tilespmem:v3+s20+$0x4050 ss:$0x1], $0xffff;
	v31 =	vadd.f32 v1, v49;
	[tilespmem:v3+s20+$0x4040 ss:$0x1] =	vst.idx.msk $0xffff, v29  }
0x326: {  	s1 =	simm.s32 $0x8;
	s7 =	smov.u32 s20;
	s5 =	sadd.s32 $0x400, s5;
	v40 =	vadd.f32 v43, v0;
	v43 =	vadd.f32 v26, v2;
	v26 =	vmov v10;
	[tilespmem:v3+s20+$0x5040 ss:$0x1] =	vst.idx.msk $0xffff, v17  }
.LBB2_16:
0x327: {  	v0 =	vld.idx.msk [tilespmem:v3+s5+$0xFFFFFFA0 ss:$0x1], $0xffff;
	s1 =	sadd.s32 $0x8, s1;
	[tilespmem:v3+s20+$0x5000 ss:$0x1] =	vst.idx.msk $0xffff, v25;
	v1 =	vadd.f32 v16, v35;
	v2 =	vadd.f32 v32, v23;
	s7 =	sadd.s32 $0x400, s7  }
0x328: {  	v33 =	vadd.f32 v33, v38;
	v38 =	vmul.f32 v29, v29;
	v32 =	vld.idx.msk [tilespmem:v3+s7+$0x5070 ss:$0x1], $0xffff;
	p3 =	slt.u32 s1, $0x18;
	v16 =	vadd.f32 v27, v31  }
0x329: {  	v39 =	vadd.f32 v39, v13;
	v31 =	vadd.f32 v42, v11;
	v35 =	vld.idx.msk [tilespmem:v3+s7+$0x4070 ss:$0x1], $0xffff;
	[tilespmem:v3+s20+$0x5010 ss:$0x1] =	vst.idx.msk $0xffff, v1  }
0x32a: {  	v13 =	vadd.f32 v33, v43;
	v27 =	vld.idx.msk [tilespmem:v3+s5+$0x0 ss:$0x1], $0xffff;
	[tilespmem:v3+s20+$0x4030 ss:$0x1] =	vst.idx.msk $0xffff, v2;
	v42 =	vadd.f32 v8, v16  }
0x32b: {  	v8 =	vmul.f32 v26, v10;
	v26 =	vadd.f32 v41, v9;
	[tilespmem:v3+s20+$0x4000 ss:$0x1] =	vst.idx.msk $0xffff, v33;
	v9 =	vld.idx.msk [tilespmem:v3+s7+$0x5060 ss:$0x1], $0xffff  }
0x32c: {  	v23 =	vadd.f32 v10, v37;
	v13 =	vadd.f32 v28, v13;
	v11 =	vld.idx.msk [tilespmem:v3+s7+$0x5050 ss:$0x1], $0xffff;
	[tilespmem:v3+s20+$0x5030 ss:$0x1] =	vst.idx.msk $0xffff, v39  }
0x32d: {  	v28 =	vshll.u32 v0, $0x10;
	v45 =	vadd.f32 v8, v40;
	v10 =	vmov v26;
	v37 =	vld.idx.msk [tilespmem:v3+s7+$0x4060 ss:$0x1], $0xffff;
	[tilespmem:v3+s20+$0x5050 ss:$0x1] =	vst.idx.msk $0xffff, v31  }
0x32e: {  	v16 =	vand.u32 $0xFFFF0000, v0;
	v40 =	vadd.f32 v4, v23;
	v4 =	vmovc v6;
	v34 =	vadd.f32 v34, v13;
	v0 =	vld.idx.msk [tilespmem:v3+s5+$0xFFFFFFF0 ss:$0x1], $0xffff  }
0x32f: {  	v12 =	vshll.u32 v12, $0x10;
	v43 =	vmov v14;
	v41 =	vadd.f32 v5, v45;
	v13 =	vld.idx.msk [tilespmem:v3+s7+$0x5030 ss:$0x1], $0xffff;
	[tilespmem:v3+s20+$0x5060 ss:$0x1] =	vst.idx.msk $0xffff, v10  }
0x330: {  	v15 =	vadd.f32 v15, v36;
	v8 =	vmovc v19;
	v45 =	vand.u32 $0xFFFF0000, v27;
	v14 =	vadd.f32 v2, v34;
	v44 =	vld.idx.msk [tilespmem:v3+s5+$0xFFFFFFE0 ss:$0x1], $0xffff  }
0x331: {  	v5 =	vmovc v24;
	v19 =	vshll.u32 v27, $0x10;
	v27 =	vmul.f32 v33, v33;
	v6 =	vadd.f32 v45, v32;
	v23 =	vld.idx.msk [tilespmem:v3+s7+$0x4030 ss:$0x1], $0xffff  }
0x332: {  	v24 =	vadd.f32 v25, v40;
	v25 =	vmul.f32 v25, v25;
	v14 =	vadd.f32 v29, v14;
	v36 =	vld.idx.msk [tilespmem:v3+s5+$0xFFFFFFC0 ss:$0x1], $0xffff  }
0x333: {  	v34 =	vadd.f32 v12, v7;
	v27 =	vadd.f32 v27, v42;
	v29 =	vld.idx.msk [tilespmem:v3+s7+$0x4010 ss:$0x1], $0xffff;
	[tilespmem:v3+s20+$0x4050 ss:$0x1] =	vst.idx.msk $0xffff, v15  }
0x334: {  	v25 =	vadd.f32 v25, v41;
	v45 =	vmul.f32 v31, v31;
	v14 =	vadd.f32 v15, v14;
	v40 =	vld.idx.msk [tilespmem:v3+s5+$0xFFFFFFB0 ss:$0x1], $0xffff  }
0x335: {  	v46 =	vmul.f32 v15, v15;
	v32 =	vadd.f32 v20, v27;
	v27 =	vmul.f32 v34, v34;
	v41 =	vld.idx.msk [tilespmem:v3+s5+$0xFFFFFF90 ss:$0x1], $0xffff  }
0x336: {  	v7 =	vmovc v37;
	v20 =	vadd.f32 v1, v24;
	v15 =	vshll.u32 v44, $0x10;
	v47 =	vadd.f32 v34, v14;
	v42 =	vld.idx.msk [tilespmem:v3+s7+$0x5020 ss:$0x1], $0xffff  }
0x337: {  	v2 =	vmul.f32 v2, v2;
	v37 =	vmul.f32 v39, v39;
	v30 =	vadd.f32 v30, v32;
	v24 =	vld.idx.msk [tilespmem:v3+s5+$0xFFFFFFD0 ss:$0x1], $0xffff  }
0x338: {  	v1 =	vmul.f32 v1, v1;
	v12 =	vmovc v0;
	v14 =	vadd.f32 v19, v35;
	v48 =	vadd.f32 v18, v20  }
0x339: {  	v32 =	vshll.u32 v36, $0x10;
	v2 =	vadd.f32 v2, v30;
	v28 =	vadd.f32 v28, v29;
	v0 =	vld.idx.msk [tilespmem:v3+s7+$0x4040 ss:$0x1], $0xffff  }
0x33a: {  	v1 =	vadd.f32 v1, v25;
	v18 =	vand.u32 $0xFFFF0000, v40;
	v30 =	vld.idx.msk [tilespmem:v3+s7+$0x4020 ss:$0x1], $0xffff;
	[tilespmem:v3+s7+$0x4070 ss:$0x1] =	vst.idx.msk $0xffff, v14  }
0x33b: {  	v33 =	vshll.u32 v41, $0x10;
	v20 =	vmul.f32 v28, v28;
	[tilespmem:v3+s7+$0x4010 ss:$0x1] =	vst.idx.msk $0xffff, v28;
	v25 =	vld.idx.msk [tilespmem:v3+s7+$0x5040 ss:$0x1], $0xffff  }
0x33c: {  	v19 =	vmul.f32 v14, v14;
	v1 =	vadd.f32 v21, v1;
	v18 =	vadd.f32 v18, v42;
	v35 =	vld.idx.msk [tilespmem:v3+s7+$0x5010 ss:$0x1], $0xffff  }
0x33d: {  	v39 =	vadd.f32 v39, v48;
	v21 =	vshll.u32 v24, $0x10;
	v42 =	vand.u32 $0xFFFF0000, v24;
	v49 =	vld.idx.msk [tilespmem:v3+s7+$0x5000 ss:$0x1], $0xffff;
	[tilespmem:v3+s20+$0x4060 ss:$0x1] =	vst.idx.msk $0xffff, v34;
	s20 =	smov.u32 s7  }
0x33e: {  	v2 =	vadd.f32 v38, v2;
	v24 =	vmul.f32 v6, v6;
	v34 =	vshll.u32 v40, $0x10;
	[tilespmem:v3+s7+$0x5070 ss:$0x1] =	vst.idx.msk $0xffff, v6  }
0x33f: {  	v40 =	vand.u32 $0xFFFF0000, v41;
	v29 =	vadd.f32 v21, v0;
	v0 =	vadd.f32 v37, v1;
	[tilespmem:v3+s7+$0x5020 ss:$0x1] =	vst.idx.msk $0xffff, v18  }
.Ltmp8:
0x340: {  	v21 =	vmul.f32 v18, v18;
	v1 =	vadd.f32 v17, v39;
	v34 =	vadd.f32 v34, v30;
	v38 =	vld.idx.msk [tilespmem:v3+s7+$0x4000 ss:$0x1], $0xffff;
	(pc) =	sbr.rel @p3 .LBB2_16-.Ltmp8, $4  }
0x341: {  	v39 =	vand.u32 $0xFFFF0000, v36;
	v17 =	vadd.f32 v42, v25;
	v0 =	vadd.f32 v22, v0;
	[tilespmem:v3+s7+$0x4040 ss:$0x1] =	vst.idx.msk $0xffff, v29  }
0x342: {  	v42 =	vand.u32 $0xFFFF0000, v44;
	v37 =	vadd.f32 v31, v1;
	v30 =	vmul.f32 v34, v34;
	[tilespmem:v3+s7+$0x4020 ss:$0x1] =	vst.idx.msk $0xffff, v34  }
0x343: {  	v41 =	vand.u32 $0xFFFF0000, v12;
	v25 =	vadd.f32 v40, v49;
	v40 =	vadd.f32 v45, v0;
	[tilespmem:v3+s7+$0x5040 ss:$0x1] =	vst.idx.msk $0xffff, v17  }
0x344: {  	s5 =	sadd.s32 $0x400, s5;
	v43 =	vadd.f32 v43, v47;
	v31 =	vadd.f32 v46, v2;
	v22 =	vmul.f32 v17, v17;
	v36 =	vld.idx.msk [tilespmem:v3+s7+$0x4050 ss:$0x1], $0xffff  }
0x345: {  	v0 =	vadd.f32 v16, v35;
	v1 =	vadd.f32 v32, v23  }
0x346: {  	v2 =	vadd.f32 v33, v38;
	v23 =	vadd.f32 v39, v13  }
0x347: {  	v26 =	vmul.f32 v26, v10;
	v10 =	vadd.f32 v10, v37;
	v16 =	vadd.f32 v27, v31  }
0x348: {  	v11 =	vadd.f32 v42, v11;
	v13 =	vadd.f32 v2, v43  }
0x349: {  	v4 =	vadd.f32 v4, v10;
	v8 =	vadd.f32 v8, v16  }
0x34a: {  	v16 =	vadd.f32 v26, v40;
	v13 =	vadd.f32 v28, v13  }
0x34b: {  	v9 =	vadd.f32 v41, v9;
	v10 =	vmul.f32 v2, v2;
	v4 =	vadd.f32 v25, v4  }
0x34c: {  	v5 =	vadd.f32 v5, v16;
	v16 =	vmul.f32 v25, v25;
	v13 =	vadd.f32 v34, v13  }
0x34d: {  	v12 =	vshll.u32 v12, $0x10;
	v8 =	vadd.f32 v10, v8;
	v4 =	vadd.f32 v0, v4  }
0x34e: {  	v5 =	vadd.f32 v16, v5;
	v10 =	vadd.f32 v1, v13;
	v13 =	vmul.f32 v0, v0  }
0x34f: {  	v7 =	vadd.f32 v12, v7;
	v4 =	vadd.f32 v18, v4  }
0x350: {  	v8 =	vadd.f32 v20, v8;
	v5 =	vadd.f32 v13, v5  }
0x351: {  	v20 =	vadd.f32 v15, v36;
	v15 =	vmul.f32 v23, v23;
	v4 =	vadd.f32 v23, v4  }
0x352: {  	v8 =	vadd.f32 v30, v8;
	v13 =	vmul.f32 v1, v1;
	v5 =	vadd.f32 v21, v5  }
0x353: {  	v10 =	vadd.f32 v29, v10;
	v4 =	vadd.f32 v17, v4  }
0x354: {  	v16 =	vmul.f32 v29, v29;
	v8 =	vadd.f32 v13, v8;
	v5 =	vadd.f32 v15, v5  }
0x355: {  	v12 =	vmul.f32 v11, v11;
	v10 =	vadd.f32 v20, v10;
	v4 =	vadd.f32 v11, v4  }
0x356: {  	v13 =	vmul.f32 v20, v20;
	v8 =	vadd.f32 v16, v8;
	v5 =	vadd.f32 v22, v5  }
0x357: {  	v15 =	vmul.f32 v7, v7;
	v10 =	vadd.f32 v7, v10;
	v4 =	vadd.f32 v9, v4  }
0x358: {  	v8 =	vadd.f32 v13, v8;
	v5 =	vadd.f32 v12, v5;
	v12 =	vmul.f32 v9, v9  }
0x359: {  	v10 =	vadd.f32 v14, v10;
	v4 =	vadd.f32 v6, v4  }
0x35a: {  	v8 =	vadd.f32 v15, v8;
	v5 =	vadd.f32 v12, v5  }
0x35b: {  	v4 =	vadd.f32 v4, v10  }
0x35c: {  	v6 =	vadd.f32 v19, v8;
	v5 =	vadd.f32 v24, v5  }
0x35d: {  	(xrf2) =	vadd.scan.msk.f32 $0xffff, v4  }
0x35e: {  	v5 =	vadd.f32 v5, v6;
	_ =	sdelay $0x1  }
0x35f: {  	(xrf2) =	vadd.scan.msk.f32 $0xffff, v5;
	_ =	sdelay $0x6  }
0x360: {  	v4, _, _ =	vpop (xrf2)  }
0x361: {  	(v2sf) =	vpush v4, $0xF;
	_ =	sdelay $0x1  }
0x362: {  	v4, _, _ =	vpop (xrf2)  }
0x363: {  	(v2sf) =	vpush v4, $0xF;
	_ =	sdelay $0xb  }
0x364: {  	s1 =	spop (v2sf)  }
0x365: {  	s1 =	smul.f32 $9.765625000e-04, s1;
	_ =	sdelay $0x1  }
0x366: {  	s7 =	smul.f32 s1, s1;
	s5 =	spop (v2sf)  }
0x367: {  	s5 =	smul.f32 $9.765625000e-04, s5  }
0x368: {  	s2 =	sshrl.u32 s2, $0x2  }
0x369: {  	s26 =	sadd.s32 s2, s18;
	s5 =	ssub.f32 s5, s7  }
0x36a: {  	v18 =	vld [tilespmem:s26+$0xFFFFFF90]  }
0x36b: {  	v13 =	vld [tilespmem:s26+$0xFFFFFFA0];
	s5 =	sadd.f32 $9.999999740e-06, s5  }
0x36c: {  	v8 =	vld [tilespmem:s26+$0xFFFFFFD0]  }
0x36d: {  	v10 =	vld [tilespmem:s26+$0xFFFFFFC0];
	s19 =	sshra.s32 s5, $0x1;
	s5 =	smul.f32 $5.000000000e-01, s5  }
0x36e: {  	v19 =	vld [tilespmem:s26+$0xFFFFFFB0];
	s21 =	ssub.s32 $0x5F3759DF, s19  }
0x36f: {  	v6 =	vld [tilespmem:s26+$0xFFFFFFE0];
	s19 =	smul.f32 s21, s5  }
0x370: {  	v5 =	vld [tilespmem:s26+$0xFFFFFFF0]  }
0x371: {  	v4 =	vld [tilespmem:s26+$0x0];
	s22 =	smul.f32 s21, s19;
	s19 =	sadd.s32 s2, s9  }
0x372: {  	[tilespmem:v3+s20+$0x5000 ss:$0x1] =	vst.idx.msk $0xffff, v25;
	v21 =	vld [tilespmem:s19+$0x40F0]  }
0x373: {  	[tilespmem:v3+s20+$0x5010 ss:$0x1] =	vst.idx.msk $0xffff, v0;
	v26 =	vld [tilespmem:s19+$0x50F0]  }
0x374: {  	[tilespmem:v3+s20+$0x4030 ss:$0x1] =	vst.idx.msk $0xffff, v1;
	v27 =	vld [tilespmem:s19+$0x40E0];
	s28 =	ssub.f32 $1.500000000e+00, s22  }
0x375: {  	[tilespmem:v3+s20+$0x4000 ss:$0x1] =	vst.idx.msk $0xffff, v2;
	v28 =	vld [tilespmem:s19+$0x50E0]  }
0x376: {  	[tilespmem:v3+s20+$0x5050 ss:$0x1] =	vst.idx.msk $0xffff, v11;
	v29 =	vld [tilespmem:s19+$0x40D0];
	s7 =	smul.f32 s21, s28  }
0x377: {  	[tilespmem:v3+s20+$0x5060 ss:$0x1] =	vst.idx.msk $0xffff, v9;
	v30 =	vld [tilespmem:s19+$0x50D0]  }
0x378: {  	[tilespmem:v3+s20+$0x5030 ss:$0x1] =	vst.idx.msk $0xffff, v23;
	v0 =	vld [tilespmem:s19+$0x40C0];
	s5 =	smul.f32 s7, s5  }
0x379: {  	[tilespmem:v3+s20+$0x4060 ss:$0x1] =	vst.idx.msk $0xffff, v7;
	v1 =	vld [tilespmem:s19+$0x50C0]  }
0x37a: {  	[tilespmem:v3+s20+$0x4050 ss:$0x1] =	vst.idx.msk $0xffff, v20;
	v3 =	vimm.f32 $0.0e+00;
	v20 =	vimm.f32 $0.0e+00;
	v14 =	vld [tilespmem:s19+$0x40B0];
	s5 =	smul.f32 s5, s7  }
0x37b: {  	v12 =	vimm.f32 $0.0e+00;
	v60 =	vshll.u32 v8, $0x10;
	v24 =	vshll.u32 v10, $0x10;
	v15 =	vld [tilespmem:s19+$0x50B0]  }
0x37c: {  	v22 =	vand.u32 $0xFFFF0000, v10;
	v63 =	vand.u32 $0xFFFF0000, v8;
	v23 =	vshll.u32 v19, $0x10;
	v16 =	vld [tilespmem:s19+$0x40A0];
	s5 =	ssub.f32 $1.500000000e+00, s5  }
0x37d: {  	v61 =	vshll.u32 v6, $0x10;
	v2 =	vshll.u32 v5, $0x10;
	v25 =	vshll.u32 v4, $0x10;
	v17 =	vld [tilespmem:s19+$0x50A0]  }
0x37e: {  	v31 =	vand.u32 $0xFFFF0000, v5;
	v4 =	vand.u32 $0xFFFF0000, v4;
	s1 =	ssub.f32 $0.0e+00, s1;
	v5 =	vadd.f32 v25, v21;
	v25 =	vld [tilespmem:s19+$0x4080];
	s5 =	smul.f32 s5, s7  }
0x37f: {  	v62 =	vand.u32 $0xFFFF0000, v6;
	v4 =	vadd.f32 v4, v26;
	v21 =	vand.u32 $0xFFFF0000, v19;
	v26 =	vld [tilespmem:s19+$0x5080]  }
0x380: {  	v10 =	vadd.f32 v2, v27;
	v6 =	vadd.f32 v31, v28;
	v28 =	vshll.u32 v13, $0x10;
	v27 =	vld [tilespmem:s19+$0x4090];
	s1 =	smul.f32 s5, s1  }
0x381: {  	s30 =	sadd.s32 $0x80, s16;
	s20 =	sor.u32 $0x1, s16;
	v9 =	vadd.f32 v61, v29;
	v8 =	vadd.f32 v62, v30;
	v30 =	vshll.u32 v18, $0x10;
	v29 =	vld [tilespmem:s19+$0x5090];
	[tilespmem:s19+$0x40F0] =	vst v5;
	[smem:s16] =	sst s5  }
0x382: {  	v11 =	vadd.f32 v60, v0;
	v7 =	vadd.f32 v63, v1;
	v19 =	vimm.f32 $0.0e+00;
	[tilespmem:s19+$0x40E0] =	vst v10;
	s5 =	smov.u32 s9;
	[smem:s30] =	sst s1;
	s1 =	simm.s32 $0x0  }
.LBB2_18:
0x383: {  	v0 =	vand.u32 $0xFFFF0000, v18;
	v1 =	vadd.f32 v30, v25;
	v2 =	vadd.f32 v24, v14;
	[tilespmem:s19+$0x40D0] =	vst v9;
	s5 =	sadd.s32 $0x400, s5  }
0x384: {  	v13 =	vand.u32 $0xFFFF0000, v13;
	v14 =	vadd.f32 v22, v15;
	s21 =	sadd.s32 s2, s5;
	v0 =	vadd.f32 v0, v26;
	[tilespmem:s19+$0x40C0] =	vst v11  }
0x385: {  	v16 =	vadd.f32 v23, v16;
	s18 =	sadd.s32 $0x400, s18;
	v30 =	vld [tilespmem:s21+$0x40F0];
	[tilespmem:s19+$0x4080] =	vst v1;
	v15 =	vmul.f32 v1, v1;
	v18 =	vadd.f32 v28, v27  }
0x386: {  	v17 =	vadd.f32 v21, v17;
	s7 =	sadd.s32 s2, s18;
	v27 =	vld [tilespmem:s21+$0x50F0];
	[tilespmem:s19+$0x5080] =	vst v0;
	v22 =	vmul.f32 v0, v0;
	v13 =	vadd.f32 v13, v29  }
0x387: {  	v1 =	vadd.f32 v1, v12;
	v21 =	vld [tilespmem:s7+$0x0];
	v12 =	vadd.f32 v15, v20;
	[tilespmem:s19+$0x4090] =	vst v18;
	v15 =	vmul.f32 v18, v18  }
0x388: {  	v0 =	vadd.f32 v0, v3;
	v28 =	vld [tilespmem:s21+$0x40E0];
	v3 =	vadd.f32 v22, v19;
	[tilespmem:s19+$0x5090] =	vst v13;
	v19 =	vmul.f32 v13, v13  }
0x389: {  	v1 =	vadd.f32 v18, v1;
	v29 =	vld [tilespmem:s21+$0x50E0];
	v12 =	vadd.f32 v15, v12;
	[tilespmem:s19+$0x40A0] =	vst v16;
	v15 =	vmul.f32 v16, v16  }
0x38a: {  	v0 =	vadd.f32 v13, v0;
	v13 =	vmul.f32 v17, v17;
	v18 =	vld [tilespmem:s7+$0xFFFFFFF0];
	v3 =	vadd.f32 v19, v3;
	[tilespmem:s19+$0x50A0] =	vst v17  }
0x38b: {  	v1 =	vadd.f32 v16, v1;
	v31 =	vld [tilespmem:s21+$0x40D0];
	v12 =	vadd.f32 v15, v12;
	[tilespmem:s19+$0x40B0] =	vst v2;
	v15 =	vmul.f32 v2, v2  }
0x38c: {  	v0 =	vadd.f32 v17, v0;
	v32 =	vld [tilespmem:s21+$0x50D0];
	v3 =	vadd.f32 v13, v3;
	[tilespmem:s19+$0x50B0] =	vst v14;
	v13 =	vmul.f32 v14, v14  }
0x38d: {  	v1 =	vadd.f32 v2, v1;
	v22 =	vld [tilespmem:s7+$0xFFFFFFE0];
	v2 =	vadd.f32 v15, v12;
	v12 =	vmul.f32 v11, v11;
	[tilespmem:s19+$0x50C0] =	vst v7  }
0x38e: {  	v0 =	vadd.f32 v14, v0;
	v33 =	vld [tilespmem:s21+$0x40C0];
	v3 =	vadd.f32 v13, v3;
	v13 =	vmul.f32 v7, v7;
	[tilespmem:s19+$0x50D0] =	vst v8  }
0x38f: {  	v1 =	vadd.f32 v11, v1;
	v11 =	vmul.f32 v9, v9;
	v34 =	vld [tilespmem:s21+$0x50C0];
	v2 =	vadd.f32 v12, v2;
	[tilespmem:s19+$0x50E0] =	vst v6  }
0x390: {  	v0 =	vadd.f32 v7, v0;
	v7 =	vmul.f32 v8, v8;
	v23 =	vld [tilespmem:s7+$0xFFFFFFD0];
	v3 =	vadd.f32 v13, v3;
	[tilespmem:s19+$0x50F0] =	vst v4;
	s19 =	smov.u32 s21  }
0x391: {  	v1 =	vadd.f32 v9, v1;
	v9 =	vmul.f32 v10, v10;
	v14 =	vld [tilespmem:s19+$0x40B0];
	v2 =	vadd.f32 v11, v2  }
0x392: {  	v0 =	vadd.f32 v8, v0;
	v15 =	vld [tilespmem:s19+$0x50B0];
	v3 =	vadd.f32 v7, v3;
	v7 =	vmul.f32 v6, v6  }
0x393: {  	v1 =	vadd.f32 v10, v1;
	v8 =	vld [tilespmem:s7+$0xFFFFFFC0];
	v2 =	vadd.f32 v9, v2;
	v9 =	vmul.f32 v5, v5  }
0x394: {  	v0 =	vadd.f32 v6, v0;
	v16 =	vld [tilespmem:s19+$0x40A0];
	v6 =	vadd.f32 v7, v3;
	v7 =	vmul.f32 v4, v4  }
0x395: {  	v12 =	vadd.f32 v5, v1;
	v10 =	vld [tilespmem:s7+$0xFFFFFFB0];
	v20 =	vadd.f32 v9, v2  }
0x396: {  	v1 =	vshll.u32 v21, $0x10;
	v3 =	vadd.f32 v4, v0;
	v17 =	vld [tilespmem:s19+$0x50A0];
	v19 =	vadd.f32 v7, v6  }
0x397: {  	s1 =	sadd.s32 $0x8, s1;
	v0 =	vshll.u32 v18, $0x10;
	v4 =	vand.u32 $0xFFFF0000, v21;
	v2 =	vand.u32 $0xFFFF0000, v18;
	v13 =	vld [tilespmem:s7+$0xFFFFFFA0]  }
0x398: {  	p3 =	slt.u32 s1, $0x18;
	v11 =	vand.u32 $0xFFFF0000, v22;
	v9 =	vshll.u32 v22, $0x10;
	v7 =	vshll.u32 v23, $0x10;
	v18 =	vld [tilespmem:s7+$0xFFFFFF90]  }
.Ltmp9:
0x399: {  	v35 =	vand.u32 $0xFFFF0000, v23;
	v24 =	vshll.u32 v8, $0x10;
	v22 =	vand.u32 $0xFFFF0000, v8;
	v25 =	vld [tilespmem:s19+$0x4080];
	(pc) =	sbr.rel @p3 .LBB2_18-.Ltmp9, $4  }
0x39a: {  	v5 =	vadd.f32 v1, v30;
	v4 =	vadd.f32 v4, v27;
	v26 =	vld [tilespmem:s19+$0x5080];
	v23 =	vshll.u32 v10, $0x10  }
0x39b: {  	v6 =	vadd.f32 v2, v29;
	v21 =	vand.u32 $0xFFFF0000, v10;
	v10 =	vadd.f32 v0, v28;
	v27 =	vld [tilespmem:s19+$0x4090]  }
0x39c: {  	v9 =	vadd.f32 v9, v31;
	v8 =	vadd.f32 v11, v32;
	v28 =	vshll.u32 v13, $0x10;
	v29 =	vld [tilespmem:s19+$0x5090];
	[tilespmem:s19+$0x40F0] =	vst v5  }
0x39d: {  	v11 =	vadd.f32 v7, v33;
	v7 =	vadd.f32 v35, v34;
	v30 =	vshll.u32 v18, $0x10;
	[tilespmem:s19+$0x40E0] =	vst v10  }
0x39e: {  	v1 =	vadd.f32 v30, v25;
	v2 =	vadd.f32 v24, v14  }
0x39f: {  	v0 =	vand.u32 $0xFFFF0000, v18;
	v14 =	vadd.f32 v22, v15;
	v16 =	vadd.f32 v23, v16  }
0x3a0: {  	v13 =	vand.u32 $0xFFFF0000, v13;
	v17 =	vadd.f32 v21, v17;
	v0 =	vadd.f32 v0, v26  }
0x3a1: {  	v15 =	vadd.f32 v28, v27;
	v18 =	vmul.f32 v1, v1;
	v12 =	vadd.f32 v1, v12  }
0x3a2: {  	v13 =	vadd.f32 v13, v29;
	v22 =	vmul.f32 v0, v0;
	v3 =	vadd.f32 v0, v3  }
0x3a3: {  	v18 =	vadd.f32 v18, v20;
	v20 =	vmul.f32 v15, v15;
	v12 =	vadd.f32 v15, v12  }
0x3a4: {  	v19 =	vadd.f32 v22, v19;
	v21 =	vmul.f32 v13, v13;
	v3 =	vadd.f32 v13, v3  }
0x3a5: {  	v18 =	vadd.f32 v20, v18;
	v20 =	vmul.f32 v16, v16;
	v12 =	vadd.f32 v16, v12  }
0x3a6: {  	v19 =	vadd.f32 v21, v19;
	v21 =	vmul.f32 v17, v17;
	v3 =	vadd.f32 v17, v3  }
0x3a7: {  	v18 =	vadd.f32 v20, v18;
	v20 =	vmul.f32 v2, v2;
	v12 =	vadd.f32 v2, v12  }
0x3a8: {  	v19 =	vadd.f32 v21, v19;
	v21 =	vmul.f32 v14, v14;
	v3 =	vadd.f32 v14, v3  }
0x3a9: {  	v18 =	vadd.f32 v20, v18;
	v20 =	vmul.f32 v11, v11;
	v12 =	vadd.f32 v11, v12  }
0x3aa: {  	v19 =	vadd.f32 v21, v19;
	v21 =	vmul.f32 v7, v7;
	v3 =	vadd.f32 v7, v3  }
0x3ab: {  	v18 =	vadd.f32 v20, v18;
	v20 =	vmul.f32 v9, v9;
	v12 =	vadd.f32 v9, v12  }
0x3ac: {  	v19 =	vadd.f32 v21, v19;
	v3 =	vadd.f32 v8, v3  }
0x3ad: {  	v21 =	vmul.f32 v8, v8;
	v18 =	vadd.f32 v20, v18;
	v20 =	vmul.f32 v10, v10  }
0x3ae: {  	v10 =	vadd.f32 v10, v12;
	v3 =	vadd.f32 v6, v3  }
0x3af: {  	v19 =	vadd.f32 v21, v19;
	v21 =	vmul.f32 v6, v6;
	v12 =	vadd.f32 v20, v18  }
0x3b0: {  	v18 =	vmul.f32 v5, v5;
	v5 =	vadd.f32 v5, v10;
	v3 =	vadd.f32 v4, v3  }
0x3b1: {  	s1 =	sshrl.u32 s17, $0x2;
	v20 =	vmul.f32 v4, v4  }
0x3b2: {  	v19 =	vadd.f32 v21, v19;
	v5 =	vadd.f32 v3, v5;
	v3 =	vmov s1;
	_ =	sdelay $0x1  }
0x3b3: {  	v10 =	vadd.f32 v18, v12;
	v12 =	vadd.f32 v20, v19;
	_ =	sdelay $0x1  }
0x3b4: {  	v10 =	vadd.f32 v12, v10  }
0x3b5: {  	(xrf2) =	vadd.scan.msk.f32 $0xffff, v5;
	v5 =	vld.idx.msk [tilespmem:v3+s4+$0xFFFFFFA0 ss:$0x1], $0xffff  }
0x3b6: {  	(xrf2) =	vadd.scan.msk.f32 $0xffff, v10;
	v10 =	vld.idx.msk [tilespmem:v3+s9+$0x5170 ss:$0x1], $0xffff  }
0x3b7: {  	v12 =	vld.idx.msk [tilespmem:v3+s9+$0x4170 ss:$0x1], $0xffff  }
0x3b8: {  	v18 =	vld.idx.msk [tilespmem:v3+s4+$0x0 ss:$0x1], $0xffff  }
0x3b9: {  	v19 =	vld.idx.msk [tilespmem:v3+s9+$0x5160 ss:$0x1], $0xffff  }
0x3ba: {  	v20 =	vld.idx.msk [tilespmem:v3+s9+$0x5150 ss:$0x1], $0xffff  }
0x3bb: {  	v21 =	vld.idx.msk [tilespmem:v3+s9+$0x4160 ss:$0x1], $0xffff  }
0x3bc: {  	v23 =	vld.idx.msk [tilespmem:v3+s4+$0xFFFFFFF0 ss:$0x1], $0xffff  }
0x3bd: {  	v24 =	vld.idx.msk [tilespmem:v3+s9+$0x5130 ss:$0x1], $0xffff  }
0x3be: {  	v26 =	vld.idx.msk [tilespmem:v3+s4+$0xFFFFFFE0 ss:$0x1], $0xffff  }
0x3bf: {  	[tilespmem:s19+$0x40C0] =	vst v11;
	v11 =	vld.idx.msk [tilespmem:v3+s4+$0xFFFFFFC0 ss:$0x1], $0xffff  }
0x3c0: {  	[tilespmem:s19+$0x4080] =	vst v1;
	v1 =	vld.idx.msk [tilespmem:v3+s9+$0x4110 ss:$0x1], $0xffff  }
0x3c1: {  	[tilespmem:s19+$0x5080] =	vst v0;
	v0 =	vld.idx.msk [tilespmem:v3+s4+$0xFFFFFFB0 ss:$0x1], $0xffff  }
0x3c2: {  	[tilespmem:s19+$0x4090] =	vst v15;
	v15 =	vld.idx.msk [tilespmem:v3+s4+$0xFFFFFF90 ss:$0x1], $0xffff  }
0x3c3: {  	[tilespmem:s19+$0x40D0] =	vst v9;
	v9 =	vld.idx.msk [tilespmem:v3+s9+$0x5120 ss:$0x1], $0xffff  }
0x3c4: {  	[tilespmem:s19+$0x5090] =	vst v13;
	v13 =	vld.idx.msk [tilespmem:v3+s4+$0xFFFFFFD0 ss:$0x1], $0xffff;
	v22, _, _ =	vpop (xrf2)  }
0x3c5: {  	[tilespmem:s19+$0x50A0] =	vst v17;
	v17 =	vld.idx.msk [tilespmem:v3+s9+$0x4140 ss:$0x1], $0xffff;
	(v2sf) =	vpush v22, $0xF;
	v22, _, _ =	vpop (xrf2)  }
0x3c6: {  	s17 =	sadd.s32 $0x400, s9;
	v29 =	vld.idx.msk [tilespmem:v3+s9+$0x4100 ss:$0x1], $0xffff;
	(v2sf) =	vpush v22, $0xF  }
0x3c7: {  	s5 =	sadd.s32 $0x400, s4;
	v37 =	vld.idx.msk [tilespmem:v3+s17+$0x4170 ss:$0x1], $0xffff  }
0x3c8: {  	v42 =	vld.idx.msk [tilespmem:v3+s5+$0xFFFFFFE0 ss:$0x1], $0xffff  }
0x3c9: {  	v40 =	vld.idx.msk [tilespmem:v3+s5+$0xFFFFFFC0 ss:$0x1], $0xffff  }
0x3ca: {  	[tilespmem:s19+$0x50D0] =	vst v8;
	v44 =	vld.idx.msk [tilespmem:v3+s5+$0xFFFFFF90 ss:$0x1], $0xffff  }
0x3cb: {  	[tilespmem:s19+$0x50E0] =	vst v6;
	v45 =	vld.idx.msk [tilespmem:v3+s17+$0x5120 ss:$0x1], $0xffff  }
0x3cc: {  	[tilespmem:s19+$0x40A0] =	vst v16;
	v59 =	vld.idx.msk [tilespmem:v3+s5+$0xFFFFFFD0 ss:$0x1], $0xffff  }
0x3cd: {  	[tilespmem:s19+$0x40B0] =	vst v2;
	v61 =	vld.idx.msk [tilespmem:v3+s17+$0x4120 ss:$0x1], $0xffff  }
0x3ce: {  	[tilespmem:s19+$0x50B0] =	vst v14;
	v46 =	vld.idx.msk [tilespmem:v3+s17+$0x5140 ss:$0x1], $0xffff;
	v16 =	vshll.u32 v18, $0x10;
	v2 =	vshll.u32 v5, $0x10;
	v14 =	vand.u32 $0xFFFF0000, v18  }
0x3cf: {  	[tilespmem:s19+$0x50C0] =	vst v7;
	v27 =	vshll.u32 v15, $0x10;
	v7 =	vshll.u32 v13, $0x10;
	v25 =	vadd.f32 v16, v12;
	v12 =	vld.idx.msk [tilespmem:v3+s9+$0x4120 ss:$0x1], $0xffff  }
0x3d0: {  	[tilespmem:s19+$0x50F0] =	vst v4;
	v1 =	vadd.f32 v2, v1;
	v2 =	vld.idx.msk [tilespmem:v3+s9+$0x5140 ss:$0x1], $0xffff;
	v16 =	vand.u32 $0xFFFF0000, v5;
	v5 =	vadd.f32 v14, v10  }
0x3d1: {  	v13 =	vand.u32 $0xFFFF0000, v13;
	v10 =	vld.idx.msk [tilespmem:v3+s9+$0x5100 ss:$0x1], $0xffff;
	v14 =	vand.u32 $0xFFFF0000, v0;
	v32 =	vadd.f32 v7, v17;
	[tilespmem:v3+s9+$0x4170 ss:$0x1] =	vst.idx.msk $0xffff, v25  }
0x3d2: {  	v27 =	vadd.f32 v27, v29;
	v31 =	vadd.f32 v14, v9;
	v14 =	vld.idx.msk [tilespmem:v3+s9+$0x4130 ss:$0x1], $0xffff;
	[tilespmem:v3+s9+$0x4110 ss:$0x1] =	vst.idx.msk $0xffff, v1  }
0x3d3: {  	v0 =	vshll.u32 v0, $0x10;
	v28 =	vmul.f32 v1, v1;
	v9 =	vmul.f32 v25, v25;
	[tilespmem:v3+s9+$0x4140 ss:$0x1] =	vst.idx.msk $0xffff, v32  }
0x3d4: {  	v15 =	vand.u32 $0xFFFF0000, v15;
	v7 =	vmul.f32 v5, v5;
	[tilespmem:v3+s9+$0x5170 ss:$0x1] =	vst.idx.msk $0xffff, v5;
	v0 =	vadd.f32 v0, v12;
	s24 =	spop (v2sf)  }
0x3d5: {  	v30 =	vld.idx.msk [tilespmem:v3+s9+$0x5110 ss:$0x1], $0xffff;
	[tilespmem:v3+s9+$0x5120 ss:$0x1] =	vst.idx.msk $0xffff, v31;
	v34 =	vmul.f32 v31, v31;
	v22 =	vadd.f32 v13, v2;
	s1 =	smul.f32 $9.765625000e-04, s24;
	s7 =	spop (v2sf)  }
0x3d6: {  	v33 =	vimm.f32 $0.0e+00;
	v2 =	vld.idx.msk [tilespmem:v3+s9+$0x4150 ss:$0x1], $0xffff;
	v35 =	vadd.f32 v15, v10;
	v10 =	vshll.u32 v11, $0x10;
	[tilespmem:v3+s9+$0x4120 ss:$0x1] =	vst.idx.msk $0xffff, v0;
	s25 =	smul.f32 $9.765625000e-04, s7  }
0x3d7: {  	v18 =	vshll.u32 v26, $0x10;
	v15 =	vld.idx.msk [tilespmem:v3+s5+$0xFFFFFFA0 ss:$0x1], $0xffff;
	v11 =	vand.u32 $0xFFFF0000, v11;
	v36 =	vadd.f32 v10, v14;
	[tilespmem:v3+s9+$0x5140 ss:$0x1] =	vst.idx.msk $0xffff, v22;
	s26 =	smul.f32 s1, s1  }
0x3d8: {  	v13 =	vand.u32 $0xFFFF0000, v26;
	v10 =	vadd.f32 v27, v33;
	v24 =	vadd.f32 v11, v24;
	[tilespmem:v3+s9+$0x5100 ss:$0x1] =	vst.idx.msk $0xffff, v35  }
0x3d9: {  	v26 =	vld.idx.msk [tilespmem:v3+s5+$0x0 ss:$0x1], $0xffff;
	v41 =	vadd.f32 v13, v20;
	v38 =	vmul.f32 v0, v0;
	[tilespmem:v3+s9+$0x4130 ss:$0x1] =	vst.idx.msk $0xffff, v36;
	s4 =	ssub.f32 s25, s26  }
0x3da: {  	v39 =	vmul.f32 v22, v22;
	v29 =	vadd.f32 v16, v30;
	v16 =	vand.u32 $0xFFFF0000, v23;
	[tilespmem:v3+s9+$0x4100 ss:$0x1] =	vst.idx.msk $0xffff, v27  }
0x3db: {  	v1 =	vadd.f32 v1, v10;
	[tilespmem:v3+s9+$0x5150 ss:$0x1] =	vst.idx.msk $0xffff, v41;
	v23 =	vshll.u32 v23, $0x10;
	v43 =	vmul.f32 v41, v41;
	s4 =	sadd.f32 $9.999999740e-06, s4  }
0x3dc: {  	v62 =	vld.idx.msk [tilespmem:v3+s17+$0x5100 ss:$0x1], $0xffff;
	v58 =	vmul.f32 v36, v36;
	v60 =	vmul.f32 v24, v24;
	v13 =	vadd.f32 v16, v19  }
0x3dd: {  	v30 =	vld.idx.msk [tilespmem:v3+s17+$0x5170 ss:$0x1], $0xffff;
	v23 =	vadd.f32 v23, v21;
	v0 =	vadd.f32 v0, v1;
	v1 =	vmul.f32 v32, v32;
	s28 =	sshra.s32 s4, $0x1;
	s4 =	smul.f32 $5.000000000e-01, s4  }
0x3de: {  	v12 =	vld.idx.msk [tilespmem:v3+s17+$0x5160 ss:$0x1], $0xffff;
	[tilespmem:v3+s9+$0x5130 ss:$0x1] =	vst.idx.msk $0xffff, v24;
	v20 =	vshll.u32 v15, $0x10;
	v17 =	vand.u32 $0xFFFF0000, v15;
	v2 =	vadd.f32 v18, v2;
	s7 =	ssub.s32 $0x5F3759DF, s28  }
0x3df: {  	[tilespmem:v3+s9+$0x5110 ss:$0x1] =	vst.idx.msk $0xffff, v29;
	v18 =	vmul.f32 v27, v27;
	v27 =	vadd.f32 v35, v33;
	v56 =	vshll.u32 v26, $0x10;
	s18 =	smul.f32 s7, s4  }
0x3e0: {  	v11 =	vand.u32 $0xFFFF0000, v26;
	[tilespmem:v3+s9+$0x5160 ss:$0x1] =	vst.idx.msk $0xffff, v13;
	v6 =	vadd.f32 v56, v37;
	v0 =	vadd.f32 v36, v0  }
0x3e1: {  	v26 =	vmul.f32 v23, v23;
	v8 =	vadd.f32 v18, v33;
	v18 =	vld.idx.msk [tilespmem:v3+s17+$0x4110 ss:$0x1], $0xffff;
	v27 =	vadd.f32 v29, v27;
	s18 =	smul.f32 s7, s18  }
0x3e2: {  	[tilespmem:v3+s9+$0x4150 ss:$0x1] =	vst.idx.msk $0xffff, v2;
	v29 =	vmul.f32 v29, v29;
	v36 =	vand.u32 $0xFFFF0000, v59;
	v11 =	vadd.f32 v11, v30  }
0x3e3: {  	v14 =	vld.idx.msk [tilespmem:v3+s17+$0x5150 ss:$0x1], $0xffff;
	v30 =	vmul.f32 v35, v35;
	v0 =	vadd.f32 v32, v0;
	v28 =	vadd.f32 v28, v8;
	s18 =	ssub.f32 $1.500000000e+00, s18  }
0x3e4: {  	v10 =	vld.idx.msk [tilespmem:v3+s17+$0x4160 ss:$0x1], $0xffff;
	[tilespmem:v3+s9+$0x4160 ss:$0x1] =	vst.idx.msk $0xffff, v23;
	v8 =	vshll.u32 v42, $0x10;
	v4 =	vadd.f32 v31, v27;
	v32 =	vshll.u32 v40, $0x10  }
0x3e5: {  	[tilespmem:v3+s17+$0x4170 ss:$0x1] =	vst.idx.msk $0xffff, v6;
	v27 =	vld.idx.msk [tilespmem:v3+s17+$0x4140 ss:$0x1], $0xffff;
	v40 =	vand.u32 $0xFFFF0000, v40;
	v42 =	vand.u32 $0xFFFF0000, v42;
	v21 =	vadd.f32 v30, v33;
	s7 =	smul.f32 s7, s18  }
0x3e6: {  	v30 =	vld.idx.msk [tilespmem:v3+s5+$0xFFFFFFB0 ss:$0x1], $0xffff;
	v33 =	vshll.u32 v44, $0x10;
	v0 =	vadd.f32 v2, v0;
	v57 =	vadd.f32 v38, v28  }
0x3e7: {  	v16 =	vld.idx.msk [tilespmem:v3+s17+$0x5130 ss:$0x1], $0xffff;
	v2 =	vmul.f32 v2, v2;
	v4 =	vadd.f32 v24, v4;
	v28 =	vadd.f32 v20, v18;
	s4 =	smul.f32 s7, s4  }
0x3e8: {  	v19 =	vld.idx.msk [tilespmem:v3+s17+$0x4130 ss:$0x1], $0xffff;
	v24 =	vmul.f32 v11, v11;
	v29 =	vadd.f32 v29, v21;
	v0 =	vadd.f32 v23, v0  }
0x3e9: {  	v15 =	vld.idx.msk [tilespmem:v3+s5+$0xFFFFFFF0 ss:$0x1], $0xffff;
	v20 =	vmul.f32 v6, v6;
	v31 =	vadd.f32 v58, v57;
	v22 =	vadd.f32 v22, v4;
	s4 =	smul.f32 s4, s7  }
0x3ea: {  	[tilespmem:v3+s17+$0x5170 ss:$0x1] =	vst.idx.msk $0xffff, v11;
	v4 =	vadd.f32 v36, v46;
	v34 =	vadd.f32 v34, v29;
	v29 =	vshll.u32 v59, $0x10  }
0x3eb: {  	v38 =	vld.idx.msk [tilespmem:v3+s17+$0x4100 ss:$0x1], $0xffff;
	v21 =	vmul.f32 v28, v28;
	v18 =	vand.u32 $0xFFFF0000, v30;
	v29 =	vadd.f32 v29, v27;
	s4 =	ssub.f32 $1.500000000e+00, s4  }
0x3ec: {  	[tilespmem:v3+s17+$0x4110 ss:$0x1] =	vst.idx.msk $0xffff, v28;
	v23 =	vshll.u32 v30, $0x10;
	v1 =	vadd.f32 v1, v31;
	v18 =	vadd.f32 v18, v45  }
0x3ed: {  	v35 =	vld.idx.msk [tilespmem:v3+s17+$0x5110 ss:$0x1], $0xffff;
	s1 =	ssub.f32 $0.0e+00, s1;
	v27 =	vadd.f32 v60, v34;
	v34 =	vadd.f32 v23, v61;
	[tilespmem:v3+s17+$0x4140 ss:$0x1] =	vst.idx.msk $0xffff, v29;
	s4 =	smul.f32 s4, s7  }
0x3ee: {  	v31 =	vand.u32 $0xFFFF0000, v44;
	v37 =	vadd.f32 v41, v22;
	v22 =	vmul.f32 v4, v4;
	[tilespmem:v3+s17+$0x5120 ss:$0x1] =	vst.idx.msk $0xffff, v18  }
0x3ef: {  	s30 =	sadd.s32 $0x80, s20;
	v36 =	vld.idx.msk [tilespmem:v3+s17+$0x4150 ss:$0x1], $0xffff;
	v23 =	vmul.f32 v18, v18;
	v63 =	vadd.f32 v39, v27;
	v30 =	vmul.f32 v34, v34;
	s1 =	smul.f32 s4, s1  }
0x3f0: {  	s5 =	sadd.s32 $0x400, s5;
	v41 =	vand.u32 $0xFFFF0000, v15;
	v27 =	vadd.f32 v31, v62;
	[tilespmem:v3+s17+$0x5140 ss:$0x1] =	vst.idx.msk $0xffff, v4;
	v31 =	vadd.f32 v2, v1;
	s7 =	smov.u32 s17;
	[smem:s20] =	sst s4  }
0x3f1: {  	[tilespmem:v3+s17+$0x4120 ss:$0x1] =	vst.idx.msk $0xffff, v34;
	v39 =	vadd.f32 v43, v63;
	v43 =	vadd.f32 v25, v0;
	v25 =	vmov v13;
	s4 =	sor.u32 $0x2, s16;
	[smem:s30] =	sst s1;
	s1 =	simm.s32 $0x8  }
.LBB2_20:
0x3f2: {  	v0 =	vld.idx.msk [tilespmem:v3+s5+$0xFFFFFFA0 ss:$0x1], $0xffff;
	s1 =	sadd.s32 $0x8, s1;
	[tilespmem:v3+s17+$0x5100 ss:$0x1] =	vst.idx.msk $0xffff, v27;
	v1 =	vadd.f32 v17, v35;
	v2 =	vadd.f32 v32, v19;
	s7 =	sadd.s32 $0x400, s7  }
0x3f3: {  	v33 =	vadd.f32 v33, v38;
	v38 =	vmul.f32 v29, v29;
	v32 =	vld.idx.msk [tilespmem:v3+s7+$0x5170 ss:$0x1], $0xffff;
	p3 =	slt.u32 s1, $0x18;
	v17 =	vadd.f32 v26, v31  }
0x3f4: {  	v40 =	vadd.f32 v40, v16;
	v31 =	vadd.f32 v42, v14;
	v35 =	vld.idx.msk [tilespmem:v3+s7+$0x4170 ss:$0x1], $0xffff;
	[tilespmem:v3+s17+$0x5110 ss:$0x1] =	vst.idx.msk $0xffff, v1  }
0x3f5: {  	v16 =	vadd.f32 v33, v43;
	v26 =	vld.idx.msk [tilespmem:v3+s5+$0x0 ss:$0x1], $0xffff;
	[tilespmem:v3+s17+$0x4130 ss:$0x1] =	vst.idx.msk $0xffff, v2;
	v42 =	vadd.f32 v9, v17  }
0x3f6: {  	v9 =	vmul.f32 v25, v13;
	v25 =	vadd.f32 v41, v12;
	[tilespmem:v3+s17+$0x4100 ss:$0x1] =	vst.idx.msk $0xffff, v33;
	v12 =	vld.idx.msk [tilespmem:v3+s7+$0x5160 ss:$0x1], $0xffff  }
0x3f7: {  	v19 =	vadd.f32 v13, v37;
	v16 =	vadd.f32 v28, v16;
	v14 =	vld.idx.msk [tilespmem:v3+s7+$0x5150 ss:$0x1], $0xffff;
	[tilespmem:v3+s17+$0x5130 ss:$0x1] =	vst.idx.msk $0xffff, v40  }
0x3f8: {  	v28 =	vshll.u32 v0, $0x10;
	v45 =	vadd.f32 v9, v39;
	v13 =	vmov v25;
	v37 =	vld.idx.msk [tilespmem:v3+s7+$0x4160 ss:$0x1], $0xffff;
	[tilespmem:v3+s17+$0x5150 ss:$0x1] =	vst.idx.msk $0xffff, v31  }
0x3f9: {  	v17 =	vand.u32 $0xFFFF0000, v0;
	v39 =	vadd.f32 v5, v19;
	v5 =	vmovc v11;
	v34 =	vadd.f32 v34, v16;
	v0 =	vld.idx.msk [tilespmem:v3+s5+$0xFFFFFFF0 ss:$0x1], $0xffff  }
0x3fa: {  	v15 =	vshll.u32 v15, $0x10;
	v43 =	vmov v6;
	v41 =	vadd.f32 v7, v45;
	v16 =	vld.idx.msk [tilespmem:v3+s7+$0x5130 ss:$0x1], $0xffff;
	[tilespmem:v3+s17+$0x5160 ss:$0x1] =	vst.idx.msk $0xffff, v13  }
0x3fb: {  	v8 =	vadd.f32 v8, v36;
	v9 =	vmovc v20;
	v6 =	vand.u32 $0xFFFF0000, v26;
	v34 =	vadd.f32 v2, v34;
	v44 =	vld.idx.msk [tilespmem:v3+s5+$0xFFFFFFE0 ss:$0x1], $0xffff  }
0x3fc: {  	v7 =	vmovc v24;
	v20 =	vshll.u32 v26, $0x10;
	v11 =	vadd.f32 v6, v32;
	v6 =	vmul.f32 v33, v33;
	v19 =	vld.idx.msk [tilespmem:v3+s7+$0x4130 ss:$0x1], $0xffff  }
0x3fd: {  	v24 =	vadd.f32 v27, v39;
	v26 =	vmul.f32 v27, v27;
	v27 =	vadd.f32 v29, v34;
	v36 =	vld.idx.msk [tilespmem:v3+s5+$0xFFFFFFC0 ss:$0x1], $0xffff  }
0x3fe: {  	v34 =	vadd.f32 v15, v10;
	v6 =	vadd.f32 v6, v42;
	v29 =	vld.idx.msk [tilespmem:v3+s7+$0x4110 ss:$0x1], $0xffff;
	[tilespmem:v3+s17+$0x4150 ss:$0x1] =	vst.idx.msk $0xffff, v8  }
0x3ff: {  	v45 =	vmul.f32 v31, v31;
	v33 =	vadd.f32 v26, v41;
	v32 =	vadd.f32 v8, v27;
	v39 =	vld.idx.msk [tilespmem:v3+s5+$0xFFFFFFB0 ss:$0x1], $0xffff  }
0x400: {  	v46 =	vmul.f32 v8, v8;
	v26 =	vmul.f32 v34, v34;
	v6 =	vadd.f32 v21, v6;
	v27 =	vld.idx.msk [tilespmem:v3+s5+$0xFFFFFF90 ss:$0x1], $0xffff  }
0x401: {  	v42 =	vadd.f32 v1, v24;
	v10 =	vmovc v37;
	v8 =	vshll.u32 v44, $0x10;
	v47 =	vadd.f32 v34, v32;
	v41 =	vld.idx.msk [tilespmem:v3+s7+$0x5120 ss:$0x1], $0xffff  }
0x402: {  	v2 =	vmul.f32 v2, v2;
	v21 =	vadd.f32 v30, v6;
	v30 =	vmul.f32 v40, v40;
	v24 =	vld.idx.msk [tilespmem:v3+s5+$0xFFFFFFD0 ss:$0x1], $0xffff  }
0x403: {  	v1 =	vmul.f32 v1, v1;
	v15 =	vmovc v0;
	v37 =	vadd.f32 v18, v42;
	v6 =	vadd.f32 v20, v35  }
0x404: {  	v32 =	vshll.u32 v36, $0x10;
	v28 =	vadd.f32 v28, v29;
	v2 =	vadd.f32 v2, v21;
	v0 =	vld.idx.msk [tilespmem:v3+s7+$0x4140 ss:$0x1], $0xffff  }
0x405: {  	v1 =	vadd.f32 v1, v33;
	v18 =	vand.u32 $0xFFFF0000, v39;
	v42 =	vld.idx.msk [tilespmem:v3+s7+$0x4120 ss:$0x1], $0xffff;
	[tilespmem:v3+s7+$0x4170 ss:$0x1] =	vst.idx.msk $0xffff, v6  }
0x406: {  	v33 =	vshll.u32 v27, $0x10;
	v21 =	vmul.f32 v28, v28;
	[tilespmem:v3+s7+$0x4110 ss:$0x1] =	vst.idx.msk $0xffff, v28;
	v48 =	vld.idx.msk [tilespmem:v3+s7+$0x5140 ss:$0x1], $0xffff  }
0x407: {  	v1 =	vadd.f32 v23, v1;
	v20 =	vmul.f32 v6, v6;
	v18 =	vadd.f32 v18, v41;
	v35 =	vld.idx.msk [tilespmem:v3+s7+$0x5110 ss:$0x1], $0xffff  }
0x408: {  	v37 =	vadd.f32 v40, v37;
	v23 =	vshll.u32 v24, $0x10;
	v49 =	vand.u32 $0xFFFF0000, v24;
	v41 =	vld.idx.msk [tilespmem:v3+s7+$0x5100 ss:$0x1], $0xffff;
	[tilespmem:v3+s17+$0x4160 ss:$0x1] =	vst.idx.msk $0xffff, v34;
	s17 =	smov.u32 s7  }
0x409: {  	v2 =	vadd.f32 v38, v2;
	v24 =	vmul.f32 v11, v11;
	v34 =	vshll.u32 v39, $0x10;
	[tilespmem:v3+s7+$0x5170 ss:$0x1] =	vst.idx.msk $0xffff, v11  }
0x40a: {  	v27 =	vand.u32 $0xFFFF0000, v27;
	v29 =	vadd.f32 v23, v0;
	v0 =	vadd.f32 v30, v1;
	[tilespmem:v3+s7+$0x5120 ss:$0x1] =	vst.idx.msk $0xffff, v18  }
.Ltmp10:
0x40b: {  	v23 =	vmul.f32 v18, v18;
	v1 =	vadd.f32 v4, v37;
	v34 =	vadd.f32 v34, v42;
	v38 =	vld.idx.msk [tilespmem:v3+s7+$0x4100 ss:$0x1], $0xffff;
	(pc) =	sbr.rel @p3 .LBB2_20-.Ltmp10, $4  }
0x40c: {  	v40 =	vand.u32 $0xFFFF0000, v36;
	v4 =	vadd.f32 v49, v48;
	v0 =	vadd.f32 v22, v0;
	[tilespmem:v3+s7+$0x4140 ss:$0x1] =	vst.idx.msk $0xffff, v29  }
0x40d: {  	v42 =	vand.u32 $0xFFFF0000, v44;
	v37 =	vadd.f32 v31, v1;
	v30 =	vmul.f32 v34, v34;
	[tilespmem:v3+s7+$0x4120 ss:$0x1] =	vst.idx.msk $0xffff, v34  }
0x40e: {  	v27 =	vadd.f32 v27, v41;
	v41 =	vand.u32 $0xFFFF0000, v15;
	v39 =	vadd.f32 v45, v0;
	[tilespmem:v3+s7+$0x5140 ss:$0x1] =	vst.idx.msk $0xffff, v4  }
0x40f: {  	s5 =	sadd.s32 $0x400, s5;
	v43 =	vadd.f32 v43, v47;
	v31 =	vadd.f32 v46, v2;
	v22 =	vmul.f32 v4, v4;
	v36 =	vld.idx.msk [tilespmem:v3+s7+$0x4150 ss:$0x1], $0xffff  }
0x410: {  	v0 =	vadd.f32 v17, v35;
	v1 =	vadd.f32 v32, v19  }
0x411: {  	v2 =	vadd.f32 v33, v38;
	v25 =	vmul.f32 v25, v13;
	v13 =	vadd.f32 v13, v37  }
0x412: {  	v16 =	vadd.f32 v40, v16;
	v14 =	vadd.f32 v42, v14  }
0x413: {  	v17 =	vadd.f32 v26, v31;
	v5 =	vadd.f32 v5, v13  }
0x414: {  	v12 =	vadd.f32 v41, v12;
	v19 =	vadd.f32 v2, v43  }
0x415: {  	v9 =	vadd.f32 v9, v17;
	v5 =	vadd.f32 v27, v5  }
0x416: {  	v15 =	vshll.u32 v15, $0x10;
	v17 =	vadd.f32 v28, v19;
	v19 =	vadd.f32 v25, v39  }
0x417: {  	v10 =	vadd.f32 v15, v10;
	v13 =	vmul.f32 v2, v2;
	v5 =	vadd.f32 v0, v5  }
0x418: {  	v17 =	vadd.f32 v34, v17;
	v7 =	vadd.f32 v7, v19;
	v19 =	vmul.f32 v27, v27  }
0x419: {  	v9 =	vadd.f32 v13, v9;
	v5 =	vadd.f32 v18, v5  }
0x41a: {  	v13 =	vadd.f32 v1, v17;
	v7 =	vadd.f32 v19, v7;
	v17 =	vmul.f32 v0, v0  }
0x41b: {  	v8 =	vadd.f32 v8, v36;
	v5 =	vadd.f32 v16, v5  }
0x41c: {  	v9 =	vadd.f32 v21, v9;
	v7 =	vadd.f32 v17, v7  }
0x41d: {  	v18 =	vmul.f32 v16, v16;
	v13 =	vadd.f32 v29, v13;
	v4 =	vadd.f32 v4, v5  }
0x41e: {  	v9 =	vadd.f32 v30, v9;
	v17 =	vmul.f32 v1, v1;
	v7 =	vadd.f32 v23, v7  }
0x41f: {  	v13 =	vadd.f32 v8, v13;
	v4 =	vadd.f32 v14, v4  }
0x420: {  	v19 =	vmul.f32 v29, v29;
	v9 =	vadd.f32 v17, v9;
	v7 =	vadd.f32 v18, v7  }
0x421: {  	v13 =	vadd.f32 v10, v13;
	v4 =	vadd.f32 v12, v4  }
0x422: {  	v5 =	vmul.f32 v8, v8;
	v9 =	vadd.f32 v19, v9;
	v7 =	vadd.f32 v22, v7  }
0x423: {  	v15 =	vmul.f32 v14, v14;
	v6 =	vadd.f32 v6, v13;
	v4 =	vadd.f32 v11, v4  }
0x424: {  	v17 =	vmul.f32 v10, v10;
	v5 =	vadd.f32 v5, v9;
	v9 =	vmul.f32 v12, v12  }
0x425: {  	v7 =	vadd.f32 v15, v7;
	v6 =	vadd.f32 v4, v6;
	v4 =	vmov s2;
	_ =	sdelay $0x1  }
0x426: {  	v5 =	vadd.f32 v17, v5;
	v7 =	vadd.f32 v9, v7;
	_ =	sdelay $0x1  }
0x427: {  	v5 =	vadd.f32 v20, v5;
	v7 =	vadd.f32 v24, v7  }
0x428: {  	(xrf2) =	vadd.scan.msk.f32 $0xffff, v6;
	v6 =	vld.idx.msk [tilespmem:v4+s9+$0x51F0 ss:$0x1], $0xffff  }
0x429: {  	v5 =	vadd.f32 v7, v5;
	v7 =	vld.idx.msk [tilespmem:v4+s9+$0x41F0 ss:$0x1], $0xffff  }
0x42a: {  	v9 =	vld.idx.msk [tilespmem:v4+s0+$0x0 ss:$0x1], $0xffff  }
0x42b: {  	v13 =	vld.idx.msk [tilespmem:v4+s9+$0x51E0 ss:$0x1], $0xffff  }
0x42c: {  	v11 =	vld.idx.msk [tilespmem:v4+s9+$0x51D0 ss:$0x1], $0xffff;
	(xrf2) =	vadd.scan.msk.f32 $0xffff, v5  }
0x42d: {  	v17 =	vld.idx.msk [tilespmem:v4+s9+$0x41E0 ss:$0x1], $0xffff  }
0x42e: {  	v18 =	vld.idx.msk [tilespmem:v4+s0+$0xFFFFFFF0 ss:$0x1], $0xffff  }
0x42f: {  	v19 =	vld.idx.msk [tilespmem:v4+s9+$0x51B0 ss:$0x1], $0xffff  }
0x430: {  	[tilespmem:v3+s17+$0x5100 ss:$0x1] =	vst.idx.msk $0xffff, v27;
	v20 =	vld.idx.msk [tilespmem:v4+s0+$0xFFFFFFC0 ss:$0x1], $0xffff  }
0x431: {  	[tilespmem:v3+s17+$0x5110 ss:$0x1] =	vst.idx.msk $0xffff, v0;
	v0 =	vld.idx.msk [tilespmem:v4+s9+$0x4190 ss:$0x1], $0xffff  }
0x432: {  	[tilespmem:v3+s17+$0x4130 ss:$0x1] =	vst.idx.msk $0xffff, v1;
	v1 =	vld.idx.msk [tilespmem:v4+s0+$0xFFFFFFB0 ss:$0x1], $0xffff  }
0x433: {  	[tilespmem:v3+s17+$0x4100 ss:$0x1] =	vst.idx.msk $0xffff, v2;
	v2 =	vld.idx.msk [tilespmem:v4+s0+$0xFFFFFF90 ss:$0x1], $0xffff;
	v15, _, _ =	vpop (xrf2)  }
0x434: {  	[tilespmem:v3+s17+$0x5130 ss:$0x1] =	vst.idx.msk $0xffff, v16;
	v16 =	vld.idx.msk [tilespmem:v4+s9+$0x51A0 ss:$0x1], $0xffff;
	(v2sf) =	vpush v15, $0xF  }
0x435: {  	[tilespmem:v3+s17+$0x5150 ss:$0x1] =	vst.idx.msk $0xffff, v14;
	v14 =	vld.idx.msk [tilespmem:v4+s0+$0xFFFFFFD0 ss:$0x1], $0xffff  }
0x436: {  	[tilespmem:v3+s17+$0x5160 ss:$0x1] =	vst.idx.msk $0xffff, v12;
	v21 =	vld.idx.msk [tilespmem:v4+s9+$0x41C0 ss:$0x1], $0xffff;
	v15, _, _ =	vpop (xrf2)  }
0x437: {  	[tilespmem:v3+s17+$0x4160 ss:$0x1] =	vst.idx.msk $0xffff, v10;
	v10 =	vld.idx.msk [tilespmem:v4+s9+$0x5180 ss:$0x1], $0xffff;
	(v2sf) =	vpush v15, $0xF  }
0x438: {  	s5 =	sadd.s32 $0x400, s0;
	v5 =	vld.idx.msk [tilespmem:v4+s0+$0xFFFFFFA0 ss:$0x1], $0xffff  }
0x439: {  	v27 =	vld.idx.msk [tilespmem:v4+s5+$0xFFFFFFA0 ss:$0x1], $0xffff  }
0x43a: {  	v59 =	vld.idx.msk [tilespmem:v4+s5+$0xFFFFFFC0 ss:$0x1], $0xffff  }
0x43b: {  	v61 =	vld.idx.msk [tilespmem:v4+s5+$0xFFFFFFD0 ss:$0x1], $0xffff  }
0x43c: {  	v24 =	vld.idx.msk [tilespmem:v4+s9+$0x4180 ss:$0x1], $0xffff;
	v12 =	vshll.u32 v9, $0x10  }
0x43d: {  	[tilespmem:v3+s17+$0x4150 ss:$0x1] =	vst.idx.msk $0xffff, v8;
	v3 =	vand.u32 $0xFFFF0000, v9;
	v8 =	vshll.u32 v5, $0x10;
	v25 =	vadd.f32 v12, v7;
	v7 =	vld.idx.msk [tilespmem:v4+s9+$0x41A0 ss:$0x1], $0xffff  }
0x43e: {  	v9 =	vand.u32 $0xFFFF0000, v5;
	v5 =	vand.u32 $0xFFFF0000, v1;
	v0 =	vadd.f32 v8, v0;
	v8 =	vld.idx.msk [tilespmem:v4+s9+$0x51C0 ss:$0x1], $0xffff  }
0x43f: {  	v57 =	vshll.u32 v27, $0x10;
	v32 =	vshll.u32 v59, $0x10;
	v28 =	vadd.f32 v5, v16;
	v16 =	vld.idx.msk [tilespmem:v4+s9+$0x41B0 ss:$0x1], $0xffff  }
0x440: {  	v58 =	vld.idx.msk [tilespmem:v4+s5+$0xFFFFFFE0 ss:$0x1], $0xffff;
	v47 =	vand.u32 $0xFFFF0000, v61;
	v40 =	vand.u32 $0xFFFF0000, v59;
	v3 =	vadd.f32 v3, v6;
	[tilespmem:v4+s9+$0x4190 ss:$0x1] =	vst.idx.msk $0xffff, v0  }
0x441: {  	v12 =	vshll.u32 v2, $0x10;
	v1 =	vshll.u32 v1, $0x10;
	v2 =	vand.u32 $0xFFFF0000, v2;
	v26 =	vld.idx.msk [tilespmem:v4+s9+$0x5190 ss:$0x1], $0xffff  }
0x442: {  	v5 =	vshll.u32 v14, $0x10;
	v14 =	vand.u32 $0xFFFF0000, v14;
	v2 =	vadd.f32 v2, v10;
	[tilespmem:v4+s9+$0x41F0 ss:$0x1] =	vst.idx.msk $0xffff, v25;
	v15 =	vld.idx.msk [tilespmem:v4+s0+$0xFFFFFFE0 ss:$0x1], $0xffff  }
0x443: {  	v1 =	vadd.f32 v1, v7;
	v7 =	vshll.u32 v20, $0x10;
	v30 =	vadd.f32 v14, v8;
	v8 =	vld.idx.msk [tilespmem:v4+s9+$0x41D0 ss:$0x1], $0xffff;
	s1 =	spop (v2sf)  }
0x444: {  	v24 =	vadd.f32 v12, v24;
	[tilespmem:v4+s9+$0x51F0 ss:$0x1] =	vst.idx.msk $0xffff, v3;
	s0 =	sadd.s32 $0x400, s9;
	v31 =	vadd.f32 v7, v16;
	v16 =	vld.idx.msk [tilespmem:v4+s5+$0x0 ss:$0x1], $0xffff;
	s1 =	smul.f32 $9.765625000e-04, s1  }
0x445: {  	v42 =	vand.u32 $0xFFFF0000, v58;
	v10 =	vand.u32 $0xFFFF0000, v20;
	v21 =	vadd.f32 v5, v21;
	[tilespmem:v4+s9+$0x51A0 ss:$0x1] =	vst.idx.msk $0xffff, v28;
	v52 =	vld.idx.msk [tilespmem:v4+s0+$0x41F0 ss:$0x1], $0xffff  }
0x446: {  	v6 =	vmul.f32 v25, v25;
	v5 =	vmul.f32 v3, v3;
	[tilespmem:v4+s9+$0x5180 ss:$0x1] =	vst.idx.msk $0xffff, v2;
	v63 =	vld.idx.msk [tilespmem:v4+s0+$0x41C0 ss:$0x1], $0xffff;
	s7 =	smul.f32 s1, s1;
	s25 =	spop (v2sf)  }
0x447: {  	v54 =	vadd.f32 v10, v19;
	v23 =	vmul.f32 v0, v0;
	[tilespmem:v4+s9+$0x41C0 ss:$0x1] =	vst.idx.msk $0xffff, v21;
	v14 =	vimm.f32 $0.0e+00;
	v45 =	vld.idx.msk [tilespmem:v4+s0+$0x41A0 ss:$0x1], $0xffff;
	s2 =	smul.f32 $9.765625000e-04, s25  }
0x448: {  	v29 =	vmul.f32 v28, v28;
	[tilespmem:v4+s9+$0x4180 ss:$0x1] =	vst.idx.msk $0xffff, v24;
	v7 =	vadd.f32 v24, v14;
	v46 =	vld.idx.msk [tilespmem:v4+s0+$0x51C0 ss:$0x1], $0xffff  }
0x449: {  	v62 =	vmul.f32 v54, v54;
	[tilespmem:v4+s9+$0x41A0 ss:$0x1] =	vst.idx.msk $0xffff, v1;
	v53 =	vmul.f32 v1, v1;
	v38 =	vld.idx.msk [tilespmem:v4+s0+$0x4180 ss:$0x1], $0xffff;
	s2 =	ssub.f32 s2, s7  }
0x44a: {  	v24 =	vmul.f32 v24, v24;
	v36 =	vld.idx.msk [tilespmem:v4+s0+$0x41D0 ss:$0x1], $0xffff;
	[tilespmem:v4+s9+$0x51C0 ss:$0x1] =	vst.idx.msk $0xffff, v30;
	v0 =	vadd.f32 v0, v7  }
0x44b: {  	v55 =	vmul.f32 v30, v30;
	v20 =	vadd.f32 v9, v26;
	v26 =	vld.idx.msk [tilespmem:v4+s0+$0x51F0 ss:$0x1], $0xffff;
	v22 =	vshll.u32 v15, $0x10;
	s2 =	sadd.f32 $9.999999740e-06, s2  }
0x44c: {  	[tilespmem:v4+s9+$0x41B0 ss:$0x1] =	vst.idx.msk $0xffff, v31;
	v9 =	vld.idx.msk [tilespmem:v4+s0+$0x51E0 ss:$0x1], $0xffff;
	v12 =	vand.u32 $0xFFFF0000, v15;
	v15 =	vand.u32 $0xFFFF0000, v18;
	v0 =	vadd.f32 v1, v0  }
0x44d: {  	[tilespmem:v4+s9+$0x51B0 ss:$0x1] =	vst.idx.msk $0xffff, v54;
	v1 =	vmul.f32 v21, v21;
	v18 =	vshll.u32 v18, $0x10;
	v56 =	vadd.f32 v12, v11;
	s26 =	sshra.s32 s2, $0x1;
	s2 =	smul.f32 $5.000000000e-01, s2  }
0x44e: {  	v7 =	vld.idx.msk [tilespmem:v4+s0+$0x41E0 ss:$0x1], $0xffff;
	v19 =	vand.u32 $0xFFFF0000, v16;
	v10 =	vadd.f32 v15, v13;
	v22 =	vadd.f32 v22, v8;
	s7 =	ssub.s32 $0x5F3759DF, s26  }
0x44f: {  	[tilespmem:v4+s9+$0x5190 ss:$0x1] =	vst.idx.msk $0xffff, v20;
	v15 =	vand.u32 $0xFFFF0000, v27;
	v17 =	vadd.f32 v18, v17;
	v0 =	vadd.f32 v31, v0;
	s28 =	smul.f32 s7, s2  }
0x450: {  	v18 =	vld.idx.msk [tilespmem:v4+s0+$0x4190 ss:$0x1], $0xffff;
	v8 =	vadd.f32 v19, v26;
	v26 =	vadd.f32 v2, v14;
	v2 =	vmul.f32 v2, v2  }
0x451: {  	[tilespmem:v4+s9+$0x51D0 ss:$0x1] =	vst.idx.msk $0xffff, v56;
	v0 =	vadd.f32 v21, v0;
	v21 =	vshll.u32 v16, $0x10;
	v16 =	vadd.f32 v24, v14;
	s17 =	smul.f32 s7, s28  }
0x452: {  	v31 =	vmul.f32 v31, v31;
	[tilespmem:v4+s9+$0x51E0 ss:$0x1] =	vst.idx.msk $0xffff, v10;
	v24 =	vld.idx.msk [tilespmem:v4+s5+$0xFFFFFFB0 ss:$0x1], $0xffff;
	v2 =	vadd.f32 v2, v14  }
0x453: {  	v11 =	vld.idx.msk [tilespmem:v4+s0+$0x51D0 ss:$0x1], $0xffff;
	v60 =	vmul.f32 v56, v56;
	v0 =	vadd.f32 v22, v0;
	v14 =	vadd.f32 v23, v16;
	s17 =	ssub.f32 $1.500000000e+00, s17  }
0x454: {  	v12 =	vld.idx.msk [tilespmem:v4+s5+$0xFFFFFFF0 ss:$0x1], $0xffff;
	v44 =	vmul.f32 v22, v22;
	v27 =	vmul.f32 v17, v17;
	v23 =	vadd.f32 v20, v26  }
0x455: {  	v13 =	vld.idx.msk [tilespmem:v4+s0+$0x51B0 ss:$0x1], $0xffff;
	v20 =	vmul.f32 v20, v20;
	v0 =	vadd.f32 v17, v0;
	v33 =	vadd.f32 v53, v14;
	s7 =	smul.f32 s7, s17  }
0x456: {  	[tilespmem:v4+s9+$0x41D0 ss:$0x1] =	vst.idx.msk $0xffff, v22;
	v26 =	vld.idx.msk [tilespmem:v4+s0+$0x51A0 ss:$0x1], $0xffff;
	v14 =	vadd.f32 v21, v52;
	v23 =	vadd.f32 v28, v23  }
0x457: {  	[tilespmem:v4+s9+$0x41E0 ss:$0x1] =	vst.idx.msk $0xffff, v17;
	v28 =	vadd.f32 v57, v18;
	v2 =	vadd.f32 v20, v2;
	v18 =	vand.u32 $0xFFFF0000, v24;
	s2 =	smul.f32 s7, s2  }
0x458: {  	v17 =	vshll.u32 v24, $0x10;
	v24 =	vmul.f32 v8, v8;
	v31 =	vadd.f32 v31, v33;
	[tilespmem:v4+s0+$0x41F0 ss:$0x1] =	vst.idx.msk $0xffff, v14  }
0x459: {  	v22 =	vld.idx.msk [tilespmem:v4+s5+$0xFFFFFF90 ss:$0x1], $0xffff;
	[tilespmem:v4+s0+$0x4190 ss:$0x1] =	vst.idx.msk $0xffff, v28;
	v21 =	vmul.f32 v28, v28;
	v2 =	vadd.f32 v29, v2;
	s2 =	smul.f32 s2, s7  }
0x45a: {  	v19 =	vld.idx.msk [tilespmem:v4+s0+$0x41B0 ss:$0x1], $0xffff;
	v20 =	vmul.f32 v14, v14;
	v48 =	vadd.f32 v54, v23;
	v34 =	vadd.f32 v17, v45  }
0x45b: {  	v29 =	vshll.u32 v61, $0x10;
	v17 =	vadd.f32 v47, v46;
	v18 =	vadd.f32 v18, v26;
	v26 =	vld.idx.msk [tilespmem:v4+s0+$0x5180 ss:$0x1], $0xffff;
	s2 =	ssub.f32 $1.500000000e+00, s2  }
0x45c: {  	v16 =	vshll.u32 v58, $0x10;
	v43 =	vadd.f32 v25, v0;
	[tilespmem:v4+s0+$0x51F0 ss:$0x1] =	vst.idx.msk $0xffff, v8;
	v29 =	vadd.f32 v29, v63  }
0x45d: {  	s1 =	ssub.f32 $0.0e+00, s1;
	v35 =	vld.idx.msk [tilespmem:v4+s0+$0x5190 ss:$0x1], $0xffff;
	v1 =	vadd.f32 v1, v31;
	v2 =	vadd.f32 v62, v2;
	[tilespmem:v4+s0+$0x51A0 ss:$0x1] =	vst.idx.msk $0xffff, v18;
	s2 =	smul.f32 s2, s7  }
0x45e: {  	v33 =	vshll.u32 v22, $0x10;
	v31 =	vadd.f32 v30, v48;
	v30 =	vmul.f32 v34, v34;
	[tilespmem:v4+s0+$0x41C0 ss:$0x1] =	vst.idx.msk $0xffff, v29  }
0x45f: {  	s30 =	sadd.s32 $0x80, s4;
	v22 =	vand.u32 $0xFFFF0000, v22;
	v23 =	vmul.f32 v18, v18;
	v2 =	vadd.f32 v55, v2;
	[tilespmem:v4+s0+$0x41A0 ss:$0x1] =	vst.idx.msk $0xffff, v34;
	s1 =	smul.f32 s2, s1  }
0x460: {  	v41 =	vand.u32 $0xFFFF0000, v12;
	v37 =	vadd.f32 v56, v31;
	[tilespmem:v4+s0+$0x51C0 ss:$0x1] =	vst.idx.msk $0xffff, v17;
	v26 =	vadd.f32 v22, v26;
	[smem:s4] =	sst s2;
	s2 =	sor.u32 $0x3, s16;
	s4 =	sadd.s32 $0x400, s5  }
0x461: {  	v25 =	vmovc v10;
	v31 =	vadd.f32 v44, v1;
	v39 =	vadd.f32 v60, v2;
	v22 =	vmul.f32 v17, v17;
	s5 =	smov.u32 s0;
	[smem:s30] =	sst s1;
	s1 =	simm.s32 $0x8  }
.LBB2_22:
0x462: {  	v0 =	vld.idx.msk [tilespmem:v4+s4+$0xFFFFFFA0 ss:$0x1], $0xffff;
	s1 =	sadd.s32 $0x8, s1;
	[tilespmem:v4+s0+$0x5180 ss:$0x1] =	vst.idx.msk $0xffff, v26;
	v1 =	vadd.f32 v15, v35;
	v2 =	vadd.f32 v32, v19;
	s5 =	sadd.s32 $0x400, s5  }
0x463: {  	v33 =	vadd.f32 v33, v38;
	v38 =	vmul.f32 v29, v29;
	v32 =	vld.idx.msk [tilespmem:v4+s5+$0x51F0 ss:$0x1], $0xffff;
	p3 =	slt.u32 s1, $0x18;
	v15 =	vadd.f32 v27, v31  }
0x464: {  	v40 =	vadd.f32 v40, v13;
	v31 =	vadd.f32 v42, v11;
	v35 =	vld.idx.msk [tilespmem:v4+s5+$0x41F0 ss:$0x1], $0xffff;
	[tilespmem:v4+s0+$0x5190 ss:$0x1] =	vst.idx.msk $0xffff, v1  }
0x465: {  	v13 =	vadd.f32 v33, v43;
	v27 =	vld.idx.msk [tilespmem:v4+s4+$0x0 ss:$0x1], $0xffff;
	[tilespmem:v4+s0+$0x41B0 ss:$0x1] =	vst.idx.msk $0xffff, v2;
	v42 =	vadd.f32 v6, v15  }
0x466: {  	v6 =	vmul.f32 v25, v10;
	v25 =	vadd.f32 v41, v9;
	[tilespmem:v4+s0+$0x4180 ss:$0x1] =	vst.idx.msk $0xffff, v33;
	v9 =	vld.idx.msk [tilespmem:v4+s5+$0x51E0 ss:$0x1], $0xffff  }
0x467: {  	v19 =	vadd.f32 v10, v37;
	v13 =	vadd.f32 v28, v13;
	v11 =	vld.idx.msk [tilespmem:v4+s5+$0x51D0 ss:$0x1], $0xffff;
	[tilespmem:v4+s0+$0x51B0 ss:$0x1] =	vst.idx.msk $0xffff, v40  }
0x468: {  	v28 =	vshll.u32 v0, $0x10;
	v45 =	vadd.f32 v6, v39;
	v10 =	vmov v25;
	v37 =	vld.idx.msk [tilespmem:v4+s5+$0x41E0 ss:$0x1], $0xffff;
	[tilespmem:v4+s0+$0x51D0 ss:$0x1] =	vst.idx.msk $0xffff, v31  }
0x469: {  	v15 =	vand.u32 $0xFFFF0000, v0;
	v39 =	vadd.f32 v3, v19;
	v3 =	vmovc v8;
	v34 =	vadd.f32 v34, v13;
	v0 =	vld.idx.msk [tilespmem:v4+s4+$0xFFFFFFF0 ss:$0x1], $0xffff  }
0x46a: {  	v12 =	vshll.u32 v12, $0x10;
	v43 =	vmov v14;
	v41 =	vadd.f32 v5, v45;
	v13 =	vld.idx.msk [tilespmem:v4+s5+$0x51B0 ss:$0x1], $0xffff;
	[tilespmem:v4+s0+$0x51E0 ss:$0x1] =	vst.idx.msk $0xffff, v10  }
0x46b: {  	v16 =	vadd.f32 v16, v36;
	v6 =	vmovc v20;
	v45 =	vand.u32 $0xFFFF0000, v27;
	v14 =	vadd.f32 v2, v34;
	v44 =	vld.idx.msk [tilespmem:v4+s4+$0xFFFFFFE0 ss:$0x1], $0xffff  }
0x46c: {  	v5 =	vmovc v24;
	v20 =	vshll.u32 v27, $0x10;
	v27 =	vmul.f32 v33, v33;
	v8 =	vadd.f32 v45, v32;
	v19 =	vld.idx.msk [tilespmem:v4+s5+$0x41B0 ss:$0x1], $0xffff  }
0x46d: {  	v24 =	vadd.f32 v26, v39;
	v26 =	vmul.f32 v26, v26;
	v14 =	vadd.f32 v29, v14;
	v36 =	vld.idx.msk [tilespmem:v4+s4+$0xFFFFFFC0 ss:$0x1], $0xffff  }
0x46e: {  	v34 =	vadd.f32 v12, v7;
	v27 =	vadd.f32 v27, v42;
	v29 =	vld.idx.msk [tilespmem:v4+s5+$0x4190 ss:$0x1], $0xffff;
	[tilespmem:v4+s0+$0x41D0 ss:$0x1] =	vst.idx.msk $0xffff, v16  }
0x46f: {  	v26 =	vadd.f32 v26, v41;
	v45 =	vmul.f32 v31, v31;
	v14 =	vadd.f32 v16, v14;
	v39 =	vld.idx.msk [tilespmem:v4+s4+$0xFFFFFFB0 ss:$0x1], $0xffff  }
0x470: {  	v46 =	vmul.f32 v16, v16;
	v32 =	vadd.f32 v21, v27;
	v27 =	vmul.f32 v34, v34;
	v41 =	vld.idx.msk [tilespmem:v4+s4+$0xFFFFFF90 ss:$0x1], $0xffff  }
0x471: {  	v7 =	vmovc v37;
	v21 =	vadd.f32 v1, v24;
	v16 =	vshll.u32 v44, $0x10;
	v47 =	vadd.f32 v34, v14;
	v42 =	vld.idx.msk [tilespmem:v4+s5+$0x51A0 ss:$0x1], $0xffff  }
0x472: {  	v2 =	vmul.f32 v2, v2;
	v37 =	vmul.f32 v40, v40;
	v30 =	vadd.f32 v30, v32;
	v24 =	vld.idx.msk [tilespmem:v4+s4+$0xFFFFFFD0 ss:$0x1], $0xffff  }
0x473: {  	v1 =	vmul.f32 v1, v1;
	v12 =	vmovc v0;
	v14 =	vadd.f32 v20, v35;
	v48 =	vadd.f32 v18, v21  }
0x474: {  	v32 =	vshll.u32 v36, $0x10;
	v2 =	vadd.f32 v2, v30;
	v28 =	vadd.f32 v28, v29;
	v0 =	vld.idx.msk [tilespmem:v4+s5+$0x41C0 ss:$0x1], $0xffff  }
0x475: {  	v1 =	vadd.f32 v1, v26;
	v18 =	vand.u32 $0xFFFF0000, v39;
	v30 =	vld.idx.msk [tilespmem:v4+s5+$0x41A0 ss:$0x1], $0xffff;
	[tilespmem:v4+s5+$0x41F0 ss:$0x1] =	vst.idx.msk $0xffff, v14  }
0x476: {  	v33 =	vshll.u32 v41, $0x10;
	v21 =	vmul.f32 v28, v28;
	[tilespmem:v4+s5+$0x4190 ss:$0x1] =	vst.idx.msk $0xffff, v28;
	v26 =	vld.idx.msk [tilespmem:v4+s5+$0x51C0 ss:$0x1], $0xffff  }
0x477: {  	v20 =	vmul.f32 v14, v14;
	v1 =	vadd.f32 v23, v1;
	v18 =	vadd.f32 v18, v42;
	v35 =	vld.idx.msk [tilespmem:v4+s5+$0x5190 ss:$0x1], $0xffff  }
0x478: {  	v40 =	vadd.f32 v40, v48;
	v23 =	vshll.u32 v24, $0x10;
	v42 =	vand.u32 $0xFFFF0000, v24;
	v49 =	vld.idx.msk [tilespmem:v4+s5+$0x5180 ss:$0x1], $0xffff;
	[tilespmem:v4+s0+$0x41E0 ss:$0x1] =	vst.idx.msk $0xffff, v34;
	s0 =	smov.u32 s5  }
0x479: {  	v2 =	vadd.f32 v38, v2;
	v24 =	vmul.f32 v8, v8;
	v34 =	vshll.u32 v39, $0x10;
	[tilespmem:v4+s5+$0x51F0 ss:$0x1] =	vst.idx.msk $0xffff, v8  }
0x47a: {  	v39 =	vand.u32 $0xFFFF0000, v41;
	v29 =	vadd.f32 v23, v0;
	v0 =	vadd.f32 v37, v1;
	[tilespmem:v4+s5+$0x51A0 ss:$0x1] =	vst.idx.msk $0xffff, v18  }
.Ltmp11:
0x47b: {  	v23 =	vmul.f32 v18, v18;
	v1 =	vadd.f32 v17, v40;
	v34 =	vadd.f32 v34, v30;
	v38 =	vld.idx.msk [tilespmem:v4+s5+$0x4180 ss:$0x1], $0xffff;
	(pc) =	sbr.rel @p3 .LBB2_22-.Ltmp11, $4  }
0x47c: {  	v40 =	vand.u32 $0xFFFF0000, v36;
	v17 =	vadd.f32 v42, v26;
	v0 =	vadd.f32 v22, v0;
	[tilespmem:v4+s5+$0x41C0 ss:$0x1] =	vst.idx.msk $0xffff, v29  }
0x47d: {  	v42 =	vand.u32 $0xFFFF0000, v44;
	v37 =	vadd.f32 v31, v1;
	v30 =	vmul.f32 v34, v34;
	[tilespmem:v4+s5+$0x41A0 ss:$0x1] =	vst.idx.msk $0xffff, v34  }
0x47e: {  	v41 =	vand.u32 $0xFFFF0000, v12;
	v26 =	vadd.f32 v39, v49;
	v39 =	vadd.f32 v45, v0;
	[tilespmem:v4+s5+$0x51C0 ss:$0x1] =	vst.idx.msk $0xffff, v17  }
0x47f: {  	s4 =	sadd.s32 $0x400, s4;
	v43 =	vadd.f32 v43, v47;
	v31 =	vadd.f32 v46, v2;
	v22 =	vmul.f32 v17, v17;
	v36 =	vld.idx.msk [tilespmem:v4+s5+$0x41D0 ss:$0x1], $0xffff  }
0x480: {  	v0 =	vadd.f32 v15, v35;
	v1 =	vadd.f32 v32, v19  }
0x481: {  	v2 =	vadd.f32 v33, v38;
	v13 =	vadd.f32 v40, v13  }
0x482: {  	v11 =	vadd.f32 v42, v11;
	v25 =	vmul.f32 v25, v10;
	v49 =	vadd.f32 v10, v37  }
0x483: {  	v9 =	vadd.f32 v41, v9;
	v12 =	vshll.u32 v12, $0x10;
	v47 =	vadd.f32 v27, v31  }
0x484: {  	v7 =	vadd.f32 v12, v7;
	v51 =	vadd.f32 v25, v39  }
0x485: {  	v53 =	vmul.f32 v26, v26;
	v48 =	vadd.f32 v2, v43;
	v3 =	vadd.f32 v3, v49  }
0x486: {  	v52 =	vmul.f32 v2, v2;
	v6 =	vadd.f32 v6, v47;
	v5 =	vadd.f32 v5, v51  }
0x487: {  	v50 =	vadd.f32 v28, v48;
	v3 =	vadd.f32 v26, v3  }
0x488: {  	v55 =	vmul.f32 v0, v0;
	v6 =	vadd.f32 v52, v6;
	v5 =	vadd.f32 v53, v5  }
0x489: {  	v16 =	vadd.f32 v16, v36;
	v3 =	vadd.f32 v0, v3  }
0x48a: {  	v6 =	vadd.f32 v21, v6;
	v5 =	vadd.f32 v55, v5  }
0x48b: {  	v56 =	vmul.f32 v1, v1;
	v15 =	vadd.f32 v34, v50;
	v3 =	vadd.f32 v18, v3  }
0x48c: {  	v57 =	vmul.f32 v13, v13;
	v6 =	vadd.f32 v30, v6;
	v5 =	vadd.f32 v23, v5  }
0x48d: {  	v54 =	vadd.f32 v1, v15;
	v3 =	vadd.f32 v13, v3  }
0x48e: {  	v58 =	vmul.f32 v29, v29;
	v6 =	vadd.f32 v56, v6;
	v5 =	vadd.f32 v57, v5  }
0x48f: {  	v59 =	vmul.f32 v11, v11;
	v10 =	vadd.f32 v29, v54;
	v3 =	vadd.f32 v17, v3  }
0x490: {  	v60 =	vmul.f32 v16, v16;
	v6 =	vadd.f32 v58, v6;
	v5 =	vadd.f32 v22, v5  }
0x491: {  	v62 =	vmul.f32 v9, v9;
	v10 =	vadd.f32 v16, v10;
	v3 =	vadd.f32 v11, v3  }
0x492: {  	v61 =	vmul.f32 v7, v7;
	v6 =	vadd.f32 v60, v6;
	v5 =	vadd.f32 v59, v5  }
0x493: {  	v10 =	vadd.f32 v7, v10;
	v3 =	vadd.f32 v9, v3  }
0x494: {  	v6 =	vadd.f32 v61, v6;
	v5 =	vadd.f32 v62, v5  }
0x495: {  	v10 =	vadd.f32 v14, v10;
	v3 =	vadd.f32 v8, v3  }
0x496: {  	v6 =	vadd.f32 v20, v6;
	v5 =	vadd.f32 v24, v5  }
0x497: {  	v3 =	vadd.f32 v3, v10  }
0x498: {  	v5 =	vadd.f32 v5, v6  }
0x499: {  	(xrf2) =	vadd.scan.msk.f32 $0xffff, v3  }
0x49a: {  	(xrf2) =	vadd.scan.msk.f32 $0xffff, v5;
	_ =	sdelay $0x8  }
0x49b: {  	v3, _, _ =	vpop (xrf2)  }
0x49c: {  	(v2sf) =	vpush v3, $0xF;
	v63, _, _ =	vpop (xrf2)  }
0x49d: {  	(v2sf) =	vpush v63, $0xF;
	_ =	sdelay $0xd  }
0x49e: {  	s1 =	spop (v2sf)  }
0x49f: {  	s1 =	smul.f32 $9.765625000e-04, s1;
	s4 =	spop (v2sf)  }
0x4a0: {  	s4 =	smul.f32 $9.765625000e-04, s4  }
0x4a1: {  	s5 =	smul.f32 s1, s1;
	_ =	sdelay $0x1  }
0x4a2: {  	s4 =	ssub.f32 s4, s5;
	_ =	sdelay $0x1  }
0x4a3: {  	s4 =	sadd.f32 $9.999999740e-06, s4;
	_ =	sdelay $0x1  }
0x4a4: {  	s26 =	sshra.s32 s4, $0x1;
	s4 =	smul.f32 $5.000000000e-01, s4  }
0x4a5: {  	s5 =	ssub.s32 $0x5F3759DF, s26  }
0x4a6: {  	s7 =	smul.f32 s5, s4;
	_ =	sdelay $0x1  }
0x4a7: {  	s7 =	smul.f32 s5, s7;
	_ =	sdelay $0x1  }
0x4a8: {  	s7 =	ssub.f32 $1.500000000e+00, s7;
	_ =	sdelay $0x1  }
0x4a9: {  	s5 =	smul.f32 s5, s7;
	_ =	sdelay $0x1  }
0x4aa: {  	s4 =	smul.f32 s5, s4;
	_ =	sdelay $0x1  }
0x4ab: {  	s4 =	smul.f32 s4, s5  }
0x4ac: {  	[tilespmem:v4+s0+$0x5180 ss:$0x1] =	vst.idx.msk $0xffff, v26  }
0x4ad: {  	[tilespmem:v4+s0+$0x5190 ss:$0x1] =	vst.idx.msk $0xffff, v0;
	s4 =	ssub.f32 $1.500000000e+00, s4  }
0x4ae: {  	[tilespmem:v4+s0+$0x41B0 ss:$0x1] =	vst.idx.msk $0xffff, v1  }
0x4af: {  	p3 =	slt.u32 s16, $0xC;
	[tilespmem:v4+s0+$0x4180 ss:$0x1] =	vst.idx.msk $0xffff, v2;
	s4 =	smul.f32 s4, s5  }
.Ltmp12:
0x4b0: {  	[tilespmem:v4+s0+$0x51D0 ss:$0x1] =	vst.idx.msk $0xffff, v11;
	s1 =	ssub.f32 $0.0e+00, s1;
	(pc) =	sbr.rel @p3 .LBB2_15-.Ltmp12, $4  }
0x4b1: {  	s28 =	sadd.s32 $0x3, s16;
	[tilespmem:v4+s0+$0x51E0 ss:$0x1] =	vst.idx.msk $0xffff, v9  }
0x4b2: {  	s2 =	sadd.s32 $0x80, s2;
	s30 =	sadd.s32 $0x4, s16;
	[tilespmem:v4+s0+$0x51B0 ss:$0x1] =	vst.idx.msk $0xffff, v13;
	s1 =	smul.f32 s4, s1  }
0x4b3: {  	p2 =	por !p2, !p2;
	s3 =	sadd.s32 $0x4, s3;
	[tilespmem:v4+s0+$0x41E0 ss:$0x1] =	vst.idx.msk $0xffff, v7;
	[smem:s28] =	sst s4  }
0x4b4: {  	s31 =	sadd.s32 $0x2, s31;
	s16 =	smov.u32 s30;
	[tilespmem:v4+s0+$0x41D0 ss:$0x1] =	vst.idx.msk $0xffff, v16;
	[smem:s2] =	sst s1  }
0x4b5: {  	s1 =	simm.s32 @!p0 $0x4  }
0x4b6: {  	_ =	swait.ge @!p0 [sflag:s1], $0x4000  }
0x4b7: {  	s0 =	sor.u32 $0x10, s15;
	[sflag:s1] =	ssyncset.done @!p0 $0x0  }
0x4b8: {  	s3 =	simm.s32 $0x0;
	s0 =	smin.u32 s0, $0xBA8;
	[sflag:s1] =	ssyncadd.s32 @!p0 $0xFFFFC000  }
.LBB2_25:
0x4b9: {  	s2 =	sshll.u32 s3, $0x4  }
0x4ba: {  	v13 =	vld [tilespmem:s2+$0x15800]  }
0x4bb: {  	s9 =	sshll.u32 s3, $0x7;
	v31 =	vld [tilespmem:s2+$0x15C00]  }
0x4bc: {  	v0 =	vld [tilespmem:s9+$0x5800]  }
0x4bd: {  	v1 =	vld [tilespmem:s9+$0x5880]  }
0x4be: {  	v2 =	vld [tilespmem:s9+$0x5900]  }
0x4bf: {  	v3 =	vld [tilespmem:s9+$0x5980]  }
0x4c0: {  	v4 =	vld [tilespmem:s9+$0x5A00]  }
0x4c1: {  	v6 =	vld [tilespmem:s9+$0x5A80]  }
0x4c2: {  	v8 =	vld [tilespmem:s9+$0x5B00]  }
0x4c3: {  	v11 =	vld [tilespmem:s9+$0x5B80]  }
0x4c4: {  	v14 =	vld [tilespmem:s9+$0x7800]  }
0x4c5: {  	v15 =	vld [tilespmem:s9+$0x7880]  }
0x4c6: {  	v17 =	vld [tilespmem:s9+$0x7900]  }
0x4c7: {  	v42 =	vld [tilespmem:s9+$0x7980]  }
0x4c8: {  	s1 =	sld [smem:$0x0];
	v5 =	vld [tilespmem:s9+$0x7A00]  }
0x4c9: {  	s28 =	sld [smem:$0x1];
	v9 =	vld [tilespmem:s9+$0x7A80]  }
0x4ca: {  	s22 =	sld [smem:$0x2];
	v16 =	vld [tilespmem:s9+$0x5810]  }
0x4cb: {  	s25 =	sld [smem:$0x3];
	v18 =	vld [tilespmem:s9+$0x5890]  }
0x4cc: {  	s18 =	sld [smem:$0x4];
	v24 =	vld [tilespmem:s9+$0x5820]  }
0x4cd: {  	s31 =	sld [smem:$0x5];
	v25 =	vld [tilespmem:s9+$0x58A0]  }
0x4ce: {  	s20 =	sld [smem:$0x6];
	v26 =	vld [tilespmem:s9+$0x5830]  }
0x4cf: {  	s21 =	sld [smem:$0x7];
	v28 =	vld [tilespmem:s9+$0x58B0];
	v0 =	vmul.f32 s1, v0;
	v1 =	vmul.f32 s28, v1  }
0x4d0: {  	s5 =	sld [smem:$0x8];
	v29 =	vld [tilespmem:s9+$0x5840];
	v2 =	vmul.f32 s22, v2;
	v3 =	vmul.f32 s25, v3  }
0x4d1: {  	s23 =	sld [smem:$0x80];
	v32 =	vld [tilespmem:s9+$0x58C0];
	v4 =	vmul.f32 s18, v4;
	v6 =	vmul.f32 s31, v6  }
0x4d2: {  	s24 =	sld [smem:$0x81];
	v62 =	vld [tilespmem:s9+$0x5850];
	v8 =	vmul.f32 s20, v8;
	v47 =	vmul.f32 s21, v11  }
0x4d3: {  	s17 =	sld [smem:$0x82];
	v49 =	vld [tilespmem:s9+$0x5860];
	v48 =	vmul.f32 s5, v14;
	v50 =	vmul.f32 s1, v16  }
0x4d4: {  	s4 =	sld [smem:$0x83];
	v46 =	vld [tilespmem:s9+$0x58D0];
	v18 =	vmul.f32 s28, v18;
	v52 =	vmul.f32 s1, v24  }
0x4d5: {  	s16 =	sld [smem:$0x84];
	v51 =	vld [tilespmem:s9+$0x58E0];
	v25 =	vmul.f32 s28, v25;
	v53 =	vmul.f32 s1, v26  }
0x4d6: {  	s19 =	sld [smem:$0x85];
	v12 =	vld [tilespmem:s9+$0x7B00];
	v28 =	vmul.f32 s28, v28;
	v54 =	vmul.f32 s1, v29  }
0x4d7: {  	s7 =	sld [smem:$0x86];
	v36 =	vld [tilespmem:s9+$0x5940];
	v32 =	vmul.f32 s28, v32;
	v56 =	vmul.f32 s1, v62  }
0x4d8: {  	s30 =	sld [smem:$0x9];
	v22 =	vld [tilespmem:s9+$0x5990];
	v57 =	vmul.f32 s1, v49;
	v0 =	vadd.f32 s23, v0;
	v1 =	vadd.f32 s24, v1  }
0x4d9: {  	v37 =	vld [tilespmem:s9+$0x5A90];
	v38 =	vmul.f32 s28, v46;
	v2 =	vadd.f32 s17, v2;
	v3 =	vadd.f32 s4, v3  }
0x4da: {  	v55 =	vld [tilespmem:s9+$0x5950];
	v40 =	vmul.f32 s28, v51;
	v4 =	vadd.f32 s16, v4;
	v6 =	vadd.f32 s19, v6  }
0x4db: {  	v20 =	vld [tilespmem:s9+$0x5910];
	v15 =	vmul.f32 s30, v15;
	v8 =	vadd.f32 s7, v8;
	v26 =	vadd.f32 s23, v50  }
0x4dc: {  	v23 =	vld [tilespmem:s9+$0x5A10];
	v36 =	vmul.f32 s22, v36;
	v34 =	vadd.f32 s23, v52;
	v24 =	vadd.f32 s23, v53  }
0x4dd: {  	v27 =	vld [tilespmem:s9+$0x5920];
	v22 =	vmul.f32 s25, v22;
	v16 =	vadd.f32 s23, v54;
	v59 =	vadd.f32 s23, v57  }
0x4de: {  	v33 =	vld [tilespmem:s9+$0x5930];
	s1 =	sld [smem:$0x88];
	v37 =	vmul.f32 s31, v37;
	v46 =	vadd.f32 s24, v18;
	v39 =	vadd.f32 s24, v25  }
0x4df: {  	v58 =	vld [tilespmem:s9+$0x5960];
	s28 =	sld [smem:$0x89];
	v44 =	vmul.f32 s22, v55;
	v29 =	vadd.f32 s24, v28;
	v18 =	vadd.f32 s24, v32  }
0x4e0: {  	v45 =	vld [tilespmem:s9+$0x5B10];
	v49 =	vadd.f32 s4, v22;
	v37 =	vadd.f32 s19, v37;
	v0 =	vmul.f32 v0, v13  }
0x4e1: {  	v62 =	vld [tilespmem:s9+$0x59C0];
	v11 =	vadd.f32 s1, v48;
	v1 =	vmul.f32 v1, v13;
	v2 =	vmul.f32 v2, v13  }
0x4e2: {  	v41 =	vld [tilespmem:s9+$0x59E0];
	v15 =	vadd.f32 s28, v15;
	v60 =	vmul.f32 v3, v13;
	v61 =	vmul.f32 v4, v13  }
0x4e3: {  	v50 =	vld [tilespmem:s9+$0x5A20];
	v63 =	vmul.f32 v6, v13;
	v6 =	vmul.f32 v8, v13;
	v8 =	vadd.f32 s23, v56  }
0x4e4: {  	s26 =	sld [smem:$0x87];
	v53 =	vld [tilespmem:s9+$0x5AA0];
	[tilespmem:$0x1FF20] =	vst v59;
	v59 =	vmul.f32 v11, v13;
	v11 =	vadd.f32 s24, v38;
	v19 =	vadd.f32 v0, v31  }
0x4e5: {  	v54 =	vld [tilespmem:s9+$0x5A30];
	v15 =	vmul.f32 v15, v13;
	v10 =	vadd.f32 v1, v31;
	v35 =	vadd.f32 v2, v31  }
0x4e6: {  	v4 =	vld [tilespmem:s9+$0x5AE0];
	v14 =	vmul.f32 s25, v62;
	v30 =	vadd.f32 v60, v31;
	v21 =	vadd.f32 v61, v31  }
0x4e7: {  	s23 =	sld [smem:$0xA];
	v3 =	vld [tilespmem:s9+$0x7820];
	v2 =	vadd.f32 s26, v47;
	v0 =	vmul.f32 s22, v20;
	v20 =	vmul.f32 s22, v27  }
0x4e8: {  	v60 =	vld [tilespmem:s9+$0x59A0];
	v27 =	vmul.f32 s22, v33;
	v52 =	vadd.f32 v63, v31;
	v43 =	vadd.f32 v6, v31  }
0x4e9: {  	v61 =	vld [tilespmem:s9+$0x59B0];
	v47 =	vmul.f32 s22, v58;
	s22 =	sld [smem:$0x8A];
	v55 =	vadd.f32 v59, v31;
	v56 =	vadd.f32 v15, v31  }
0x4ea: {  	v58 =	vld [tilespmem:s9+$0x59D0];
	v57 =	vmul.f32 s23, v17;
	v22 =	vadd.f32 s4, v14;
	v14 =	vadd.f32 s17, v44  }
0x4eb: {  	v62 =	vld [tilespmem:s9+$0x5A40];
	v63 =	vmul.f32 v2, v13;
	v51 =	vadd.f32 s17, v0;
	v33 =	vadd.f32 s17, v27  }
0x4ec: {  	v1 =	vld [tilespmem:s9+$0x5BC0];
	v27 =	vmul.f32 s18, v54;
	v2 =	vadd.f32 s22, v57;
	v3 =	vmul.f32 s5, v3  }
0x4ed: {  	v0 =	vld [tilespmem:s9+$0x5A50];
	v7 =	vadd.f32 v63, v31;
	v63 =	vmul.f32 s18, v23;
	v23 =	vadd.f32 s17, v36  }
0x4ee: {  	v59 =	vld [tilespmem:s9+$0x5B30];
	v36 =	vadd.f32 s17, v47;
	v25 =	vmul.f32 s25, v60;
	v28 =	vmul.f32 s25, v61  }
0x4ef: {  	v57 =	vld [tilespmem:s9+$0x5AC0];
	v60 =	vadd.f32 s24, v40;
	s24 =	sld [smem:$0xB];
	v17 =	vmul.f32 s25, v58;
	v40 =	vmul.f32 s25, v41  }
0x4f0: {  	[tilespmem:s9+$0x11900] =	vst v35;
	v47 =	vld [tilespmem:s9+$0x5B40];
	v2 =	vmul.f32 v2, v13;
	v41 =	vadd.f32 s17, v20;
	v48 =	vadd.f32 s16, v63  }
0x4f1: {  	v61 =	vld [tilespmem:s9+$0x5AB0];
	v35 =	vmul.f32 s21, v1;
	[tilespmem:$0x1FF40] =	vst v36;
	v36 =	vadd.f32 s16, v27;
	v32 =	vadd.f32 s4, v28  }
0x4f2: {  	v20 =	vld [tilespmem:s9+$0x5AD0];
	v15 =	vadd.f32 s4, v17;
	v0 =	vmul.f32 s18, v0;
	v58 =	vmul.f32 s24, v42  }
0x4f3: {  	v42 =	vadd.f32 s4, v25;
	v25 =	vmul.f32 s18, v50;
	v50 =	vmul.f32 s31, v53;
	v53 =	vld [tilespmem:s9+$0x5A60]  }
0x4f4: {  	v54 =	vld [tilespmem:s9+$0x5B20];
	s25 =	sld [smem:$0x8B];
	[tilespmem:$0x1FF30] =	vst v60;
	v60 =	vmul.f32 s18, v62;
	v44 =	vadd.f32 s4, v40;
	v6 =	vadd.f32 v2, v31  }
0x4f5: {  	[tilespmem:s9+$0x11980] =	vst v30;
	v27 =	vld [tilespmem:s9+$0x5B60];
	v30 =	vadd.f32 s26, v35;
	v57 =	vmul.f32 s31, v57;
	s4 =	sld [smem:$0xD];
	v17 =	vadd.f32 s16, v0  }
0x4f6: {  	v40 =	vld [tilespmem:s9+$0x5B50];
	[tilespmem:$0x1FF50] =	vst v44;
	v63 =	vmul.f32 s20, v47;
	v38 =	vmul.f32 s31, v61;
	v44 =	vadd.f32 s16, v25  }
0x4f7: {  	v2 =	vld [tilespmem:s9+$0x7860];
	v20 =	vmul.f32 s31, v20;
	v61 =	vmul.f32 s31, v4;
	v58 =	vadd.f32 s25, v58  }
0x4f8: {  	s17 =	sld [smem:$0xC];
	v47 =	vld [tilespmem:s9+$0x5BB0];
	v25 =	vadd.f32 s16, v60;
	v0 =	vmul.f32 s4, v9;
	v53 =	vmul.f32 s18, v53  }
0x4f9: {  	v9 =	vmul.f32 s20, v45;
	v4 =	vmul.f32 v58, v13;
	v58 =	vadd.f32 s19, v50;
	v50 =	vld [tilespmem:s9+$0x5BD0]  }
0x4fa: {  	v45 =	vmul.f32 s20, v54;
	v54 =	vmul.f32 s20, v59;
	v59 =	vld [tilespmem:s9+$0x5BA0];
	v60 =	vadd.f32 s16, v53;
	s16 =	sld [smem:$0x8D]  }
0x4fb: {  	[tilespmem:s9+$0x11800] =	vst v19;
	v28 =	vmul.f32 s17, v5;
	v57 =	vadd.f32 s19, v57;
	v19 =	vadd.f32 s19, v20;
	v20 =	vld [tilespmem:s9+$0x7830]  }
0x4fc: {  	v27 =	vmul.f32 s20, v27;
	v63 =	vadd.f32 s7, v63;
	v38 =	vadd.f32 s19, v38;
	v53 =	vld [tilespmem:s9+$0x5B90]  }
0x4fd: {  	v40 =	vmul.f32 s20, v40;
	v61 =	vadd.f32 s19, v61;
	s18 =	sld [smem:$0x8C];
	[tilespmem:$0x1FF60] =	vst v60;
	v60 =	vld [tilespmem:s9+$0x7810];
	v0 =	vadd.f32 s16, v0  }
0x4fe: {  	[tilespmem:s9+$0x11880] =	vst v10;
	v2 =	vmul.f32 s5, v2;
	v9 =	vadd.f32 s7, v9;
	v1 =	vmul.f32 s21, v50;
	v50 =	vld [tilespmem:s9+$0x7850]  }
0x4ff: {  	[tilespmem:s9+$0x11A80] =	vst v52;
	v45 =	vadd.f32 s7, v45;
	v54 =	vadd.f32 s7, v54;
	v5 =	vmul.f32 v0, v13;
	v0 =	vld [tilespmem:s9+$0x5BE0]  }
0x500: {  	v52 =	vld [tilespmem:s2+$0x15810];
	v27 =	vadd.f32 s7, v27;
	v10 =	vmul.f32 s21, v47;
	v28 =	vadd.f32 s18, v28  }
0x501: {  	v62 =	vld [tilespmem:s9+$0x7B80];
	v47 =	vadd.f32 s7, v40;
	v4 =	vadd.f32 v4, v31;
	v59 =	vmul.f32 s21, v59  }
0x502: {  	s19 =	sld [smem:$0xE];
	v40 =	vld [tilespmem:s9+$0x7840];
	v10 =	vadd.f32 s26, v10;
	v20 =	vmul.f32 s5, v20;
	v28 =	vmul.f32 v28, v13  }
0x503: {  	s7 =	sld [smem:$0xF];
	v59 =	vadd.f32 s26, v59;
	v35 =	vmul.f32 s5, v60;
	v60 =	vmul.f32 s5, v50;
	v50 =	vld [tilespmem:s2+$0x15C10]  }
0x504: {  	[tilespmem:s9+$0x11A00] =	vst v21;
	v21 =	vadd.f32 s26, v1;
	v53 =	vmul.f32 s21, v53;
	v0 =	vmul.f32 s21, v0;
	s21 =	sld [smem:$0x8E]  }
0x505: {  	[tilespmem:s9+$0x11B00] =	vst v43;
	v12 =	vmul.f32 s19, v12;
	v43 =	vadd.f32 s1, v20;
	v28 =	vadd.f32 v28, v31  }
0x506: {  	v20 =	vmul.f32 v26, v52;
	v53 =	vadd.f32 s26, v53;
	v5 =	vadd.f32 v5, v31  }
0x507: {  	[tilespmem:s9+$0x13800] =	vst v55;
	v1 =	vmul.f32 s7, v62;
	v0 =	vadd.f32 s26, v0;
	s26 =	sld [smem:$0x8F];
	v62 =	vadd.f32 s21, v12  }
0x508: {  	[tilespmem:s9+$0x13980] =	vst v4;
	v4 =	vadd.f32 v20, v50;
	v20 =	vld [tilespmem:s9+$0x7B10];
	v12 =	vmul.f32 s5, v40;
	v40 =	vmul.f32 v46, v52  }
0x509: {  	[tilespmem:s9+$0x11B80] =	vst v7;
	v55 =	vadd.f32 s1, v35;
	v46 =	vmul.f32 v51, v52;
	v7 =	vmul.f32 v62, v13;
	v62 =	vld [tilespmem:s9+$0x7890]  }
0x50a: {  	[tilespmem:s9+$0x13880] =	vst v56;
	v26 =	vadd.f32 s1, v60;
	v51 =	vmul.f32 v49, v52;
	v1 =	vadd.f32 s26, v1  }
0x50b: {  	[tilespmem:s9+$0x13900] =	vst v6;
	v53 =	vmul.f32 v53, v52;
	v35 =	vadd.f32 s1, v12;
	v12 =	vld [tilespmem:s9+$0x7990];
	v60 =	vadd.f32 v46, v50  }
0x50c: {  	[tilespmem:s9+$0x13A00] =	vst v28;
	v46 =	vadd.f32 v51, v50;
	v1 =	vmul.f32 v1, v13;
	v28 =	vadd.f32 v7, v31;
	v7 =	vld [tilespmem:s9+$0x7910]  }
0x50d: {  	[tilespmem:s9+$0x13A80] =	vst v5;
	v13 =	vadd.f32 s1, v2;
	v2 =	vadd.f32 v40, v50;
	v40 =	vmul.f32 v37, v52;
	v37 =	vld [tilespmem:s9+$0x7A90]  }
0x50e: {  	v3 =	vadd.f32 s1, v3;
	v20 =	vmul.f32 s19, v20;
	[tilespmem:s9+$0x13B00] =	vst v28;
	v28 =	vld [tilespmem:s9+$0x7A10];
	v56 =	vmul.f32 s30, v62  }
0x50f: {  	[tilespmem:s9+$0x11990] =	vst v46;
	v46 =	vadd.f32 v53, v50;
	v62 =	vmul.f32 v48, v52;
	v48 =	vmul.f32 v9, v52  }
0x510: {  	[tilespmem:s9+$0x11810] =	vst v4;
	v1 =	vadd.f32 v1, v31;
	v12 =	vmul.f32 s24, v12;
	v49 =	vadd.f32 s28, v56  }
0x511: {  	[tilespmem:s9+$0x11910] =	vst v60;
	v51 =	vadd.f32 v62, v50;
	v56 =	vld [tilespmem:s9+$0x7B90];
	v60 =	vadd.f32 v48, v50;
	v7 =	vmul.f32 s23, v7  }
0x512: {  	[tilespmem:s9+$0x11890] =	vst v2;
	v31 =	vld [tilespmem:s9+$0x78B0];
	v62 =	vmul.f32 v55, v52;
	v12 =	vadd.f32 s25, v12;
	v9 =	vmul.f32 v49, v52  }
0x513: {  	v48 =	vmul.f32 s17, v28;
	v7 =	vadd.f32 s22, v7;
	v49 =	vmul.f32 s4, v37;
	v37 =	vld [tilespmem:s2+$0x15820]  }
0x514: {  	[tilespmem:s9+$0x11B90] =	vst v46;
	v2 =	vadd.f32 v62, v50;
	v55 =	vmul.f32 v12, v52;
	v62 =	vadd.f32 s21, v20;
	v12 =	vld [tilespmem:s9+$0x78C0]  }
0x515: {  	[tilespmem:s9+$0x13B80] =	vst v1;
	v20 =	vld [tilespmem:s9+$0x78D0];
	v6 =	vadd.f32 v9, v50;
	v9 =	vadd.f32 s18, v48;
	v53 =	vmul.f32 v7, v52  }
0x516: {  	v5 =	vadd.f32 v40, v50;
	[tilespmem:s9+$0x11A10] =	vst v51;
	v51 =	vmul.f32 s7, v56;
	v56 =	vadd.f32 s16, v49  }
0x517: {  	v40 =	vld [tilespmem:s2+$0x15C20];
	[tilespmem:s9+$0x11B10] =	vst v60;
	v31 =	vmul.f32 s30, v31;
	v60 =	vmul.f32 v9, v52;
	v49 =	vadd.f32 v53, v50  }
0x518: {  	[tilespmem:s9+$0x11A90] =	vst v5;
	v28 =	vld [tilespmem:s9+$0x78A0];
	v53 =	vmul.f32 v62, v52;
	v48 =	vadd.f32 s26, v51;
	v51 =	vmul.f32 v56, v52  }
0x519: {  	v46 =	vadd.f32 v55, v50;
	[tilespmem:s9+$0x13810] =	vst v2;
	v62 =	vld [tilespmem:s9+$0x78E0];
	v56 =	vmul.f32 v34, v37;
	v12 =	vmul.f32 s30, v12  }
0x51a: {  	[tilespmem:s9+$0x13890] =	vst v6;
	v20 =	vmul.f32 s30, v20;
	v1 =	vadd.f32 v60, v50;
	v60 =	vmul.f32 v39, v37  }
0x51b: {  	[tilespmem:s9+$0x13990] =	vst v46;
	v55 =	vmul.f32 v48, v52;
	v6 =	vadd.f32 v51, v50;
	v51 =	vmul.f32 v44, v37;
	v44 =	vld [tilespmem:s9+$0x7920]  }
0x51c: {  	[tilespmem:s9+$0x13910] =	vst v49;
	v2 =	vadd.f32 v53, v50;
	v49 =	vmul.f32 v42, v37;
	v48 =	vmul.f32 v41, v37;
	v41 =	vld [tilespmem:s2+$0x15830]  }
0x51d: {  	v52 =	vmul.f32 v58, v37;
	[tilespmem:s9+$0x13A10] =	vst v1;
	v50 =	vadd.f32 v55, v50;
	v55 =	vmul.f32 s30, v28;
	v28 =	vld [tilespmem:s9+$0x79A0]  }
0x51e: {  	v53 =	vadd.f32 v56, v40;
	v56 =	vadd.f32 v60, v40;
	[tilespmem:s9+$0x13B10] =	vst v2;
	v39 =	vmul.f32 s30, v62;
	v62 =	vld [tilespmem:s9+$0x7A20]  }
0x51f: {  	v3 =	vmul.f32 v3, v37;
	[tilespmem:s9+$0x13A90] =	vst v6;
	v58 =	vadd.f32 v48, v40;
	v48 =	vadd.f32 v51, v40;
	v51 =	vld [tilespmem:s9+$0x7AA0]  }
0x520: {  	v60 =	vadd.f32 v49, v40;
	v49 =	vadd.f32 v52, v40;
	[tilespmem:s9+$0x11820] =	vst v53;
	v52 =	vmul.f32 v59, v37;
	v53 =	vld [tilespmem:s9+$0x7B20]  }
0x521: {  	v3 =	vadd.f32 v3, v40;
	[tilespmem:s9+$0x13B90] =	vst v50;
	v50 =	vmul.f32 v45, v37;
	v7 =	vadd.f32 s28, v55  }
0x522: {  	v9 =	vadd.f32 s28, v12;
	[tilespmem:s9+$0x118A0] =	vst v56;
	v1 =	vadd.f32 v52, v40;
	v44 =	vmul.f32 s23, v44  }
0x523: {  	v56 =	vld [tilespmem:s9+$0x7BA0];
	[tilespmem:s9+$0x11920] =	vst v58;
	v42 =	vmul.f32 v29, v41;
	v55 =	vadd.f32 v50, v40;
	v58 =	vmul.f32 v7, v37  }
0x524: {  	[tilespmem:s9+$0x13820] =	vst v3;
	v28 =	vmul.f32 s24, v28;
	v59 =	vadd.f32 s22, v44;
	v62 =	vmul.f32 s17, v62  }
0x525: {  	[tilespmem:s9+$0x11A20] =	vst v48;
	v7 =	vld [tilespmem:s2+$0x15C30];
	v44 =	vmul.f32 s4, v51;
	v48 =	vmul.f32 s19, v53;
	v2 =	vadd.f32 v58, v40  }
0x526: {  	[tilespmem:s9+$0x119A0] =	vst v60;
	v10 =	vmul.f32 v10, v41;
	v60 =	vadd.f32 s25, v28;
	v46 =	vadd.f32 s18, v62  }
0x527: {  	[tilespmem:s9+$0x11AA0] =	vst v49;
	v34 =	vmul.f32 v59, v37;
	v49 =	vadd.f32 s16, v44;
	v53 =	vadd.f32 s21, v48  }
0x528: {  	[tilespmem:s9+$0x11BA0] =	vst v1;
	v50 =	vmul.f32 s7, v56;
	v28 =	vadd.f32 s28, v31;
	v31 =	vadd.f32 s28, v39  }
0x529: {  	[tilespmem:s9+$0x11B20] =	vst v55;
	v44 =	vmul.f32 v33, v41;
	v48 =	vmul.f32 v32, v41;
	v5 =	vadd.f32 v34, v40  }
0x52a: {  	v45 =	vld [tilespmem:s9+$0x7A30];
	v56 =	vadd.f32 s26, v50;
	[tilespmem:s9+$0x138A0] =	vst v2;
	v4 =	vmul.f32 v60, v37;
	v50 =	vadd.f32 v42, v7  }
0x52b: {  	v52 =	vmul.f32 v46, v37;
	v55 =	vmul.f32 v49, v37;
	v3 =	vadd.f32 v48, v7;
	[tilespmem:s9+$0x13920] =	vst v5  }
0x52c: {  	v58 =	vmul.f32 v53, v37;
	v34 =	vadd.f32 s28, v20;
	v51 =	vadd.f32 v4, v40;
	[tilespmem:s9+$0x118B0] =	vst v50  }
0x52d: {  	v39 =	vld [tilespmem:s9+$0x79B0];
	v49 =	vmul.f32 v36, v41;
	v42 =	vmul.f32 v43, v41;
	v4 =	vadd.f32 v52, v40;
	[tilespmem:s9+$0x119B0] =	vst v3  }
0x52e: {  	v32 =	vld [tilespmem:s2+$0x15840];
	v59 =	vmul.f32 v56, v37;
	v37 =	vmul.f32 v24, v41;
	v62 =	vadd.f32 v55, v40;
	[tilespmem:s9+$0x139A0] =	vst v51  }
0x52f: {  	v60 =	vld [tilespmem:s9+$0x7930];
	v56 =	vmul.f32 v54, v41;
	v24 =	vmul.f32 s17, v45;
	v2 =	vadd.f32 v58, v40;
	[tilespmem:s9+$0x13A20] =	vst v4  }
0x530: {  	v53 =	vld [tilespmem:s9+$0x7AB0];
	v45 =	vmul.f32 v28, v41;
	v55 =	vadd.f32 v49, v7;
	v48 =	vadd.f32 v42, v7;
	[tilespmem:s9+$0x13AA0] =	vst v62  }
0x531: {  	v52 =	vmul.f32 v38, v41;
	v40 =	vadd.f32 v59, v40;
	v46 =	vadd.f32 v37, v7;
	[tilespmem:s9+$0x13B20] =	vst v2  }
0x532: {  	v33 =	vld [tilespmem:s2+$0x15C40];
	v12 =	vmul.f32 s24, v39;
	v24 =	vadd.f32 s18, v24;
	v51 =	vadd.f32 v44, v7;
	[tilespmem:s9+$0x11A30] =	vst v55  }
0x533: {  	v58 =	vld [tilespmem:s9+$0x7B30];
	v9 =	vmul.f32 v9, v32;
	v59 =	vadd.f32 v52, v7;
	v62 =	vadd.f32 v56, v7;
	[tilespmem:s9+$0x13830] =	vst v48  }
0x534: {  	v36 =	vld [tilespmem:s9+$0x79D0];
	v44 =	vadd.f32 v10, v7;
	v48 =	vmul.f32 v23, v32;
	[tilespmem:s9+$0x13BA0] =	vst v40;
	v6 =	vmul.f32 s23, v60  }
0x535: {  	v39 =	vld [tilespmem:s9+$0x79E0];
	v12 =	vadd.f32 s25, v12;
	v52 =	vmul.f32 v24, v41;
	v53 =	vmul.f32 s4, v53;
	[tilespmem:s9+$0x11930] =	vst v51  }
0x536: {  	v43 =	vld [tilespmem:s9+$0x7950];
	v51 =	vadd.f32 v45, v7;
	[tilespmem:s9+$0x11BB0] =	vst v44;
	v44 =	vmul.f32 v16, v32;
	v45 =	vmul.f32 v18, v32  }
0x537: {  	[tilespmem:s9+$0x11830] =	vst v46;
	v60 =	vld [tilespmem:s9+$0x7BB0];
	v6 =	vadd.f32 s22, v6;
	v50 =	vmul.f32 v12, v41;
	v56 =	vadd.f32 s16, v53  }
0x538: {  	v40 =	vld [tilespmem:s9+$0x7940];
	[tilespmem:s9+$0x11AB0] =	vst v59;
	v55 =	vmul.f32 s19, v58;
	v37 =	vadd.f32 v52, v7;
	v53 =	vadd.f32 v48, v33  }
0x539: {  	v46 =	vld [tilespmem:s9+$0x7960];
	[tilespmem:s9+$0x138B0] =	vst v51;
	v51 =	vadd.f32 v44, v33;
	v49 =	vmul.f32 v6, v41;
	v3 =	vmul.f32 v56, v41  }
0x53a: {  	[tilespmem:s9+$0x11B30] =	vst v62;
	v62 =	vadd.f32 v50, v7;
	v6 =	vmul.f32 s24, v36;
	v50 =	vmul.f32 s24, v39  }
0x53b: {  	v59 =	vld [tilespmem:s9+$0x79C0];
	v52 =	vadd.f32 v45, v33;
	[tilespmem:s9+$0x13A30] =	vst v37;
	v56 =	vmul.f32 v25, v32;
	v25 =	vmul.f32 v63, v32  }
0x53c: {  	v29 =	vld [tilespmem:s9+$0x7BC0];
	v5 =	vadd.f32 s21, v55;
	[tilespmem:s9+$0x11940] =	vst v53;
	v36 =	vmul.f32 v35, v32;
	v20 =	vmul.f32 s7, v60  }
0x53d: {  	v58 =	vmul.f32 s23, v40;
	v60 =	vmul.f32 s23, v43;
	[tilespmem:s9+$0x11840] =	vst v51;
	v54 =	vadd.f32 v49, v7  }
0x53e: {  	v28 =	vmul.f32 s23, v46;
	[tilespmem:s9+$0x118C0] =	vst v52;
	v3 =	vadd.f32 v3, v7;
	v16 =	vadd.f32 s25, v50  }
0x53f: {  	v40 =	vmul.f32 v5, v41;
	[tilespmem:s9+$0x139B0] =	vst v62;
	v1 =	vadd.f32 v56, v33;
	v37 =	vadd.f32 v25, v33  }
0x540: {  	v55 =	vld [tilespmem:s9+$0x7A40];
	v49 =	vmul.f32 s24, v59;
	v39 =	vadd.f32 v36, v33;
	v38 =	vadd.f32 s26, v20;
	[tilespmem:s9+$0x13930] =	vst v54  }
0x541: {  	v50 =	vmul.f32 s7, v29;
	v5 =	vadd.f32 s22, v58;
	v12 =	vadd.f32 s22, v60;
	[tilespmem:s9+$0x13AB0] =	vst v3  }
0x542: {  	v62 =	vld [tilespmem:s9+$0x7B40];
	v24 =	vadd.f32 s22, v28;
	v60 =	vmul.f32 v57, v32;
	v28 =	vmul.f32 v30, v32;
	[tilespmem:s9+$0x11A40] =	vst v1  }
0x543: {  	v58 =	vld [tilespmem:s9+$0x7AC0];
	v43 =	vadd.f32 v40, v7;
	v54 =	vmul.f32 v22, v32;
	v40 =	vadd.f32 v9, v33;
	[tilespmem:s9+$0x11B40] =	vst v37  }
0x544: {  	[tilespmem:s9+$0x13840] =	vst v39;
	v42 =	vmul.f32 v38, v41;
	v30 =	vadd.f32 v60, v33;
	v38 =	vadd.f32 v28, v33  }
0x545: {  	v22 =	vld [tilespmem:s2+$0x15850];
	v10 =	vmul.f32 s17, v55;
	[tilespmem:s9+$0x13B30] =	vst v43;
	v59 =	vadd.f32 v54, v33;
	v54 =	vadd.f32 s26, v50  }
0x546: {  	[tilespmem:s9+$0x138C0] =	vst v40;
	v46 =	vadd.f32 v42, v7;
	v7 =	vadd.f32 s25, v49  }
0x547: {  	v43 =	vmul.f32 v5, v32;
	[tilespmem:s9+$0x11AC0] =	vst v30;
	v44 =	vadd.f32 s18, v10;
	v45 =	vmul.f32 s19, v62;
	v10 =	vld [tilespmem:s2+$0x15C50]  }
0x548: {  	v6 =	vadd.f32 s25, v6;
	[tilespmem:s9+$0x11BC0] =	vst v38;
	v41 =	vmul.f32 s4, v58;
	v48 =	vmul.f32 v7, v32  }
0x549: {  	[tilespmem:s9+$0x119C0] =	vst v59;
	v1 =	vadd.f32 v43, v33;
	v60 =	vmul.f32 v54, v32;
	v51 =	vmul.f32 v44, v32  }
0x54a: {  	v55 =	vld [tilespmem:s9+$0x7AD0];
	[tilespmem:s9+$0x13BB0] =	vst v46;
	v52 =	vadd.f32 s21, v45;
	v63 =	vmul.f32 v8, v22;
	v3 =	vadd.f32 v48, v33  }
0x54b: {  	v42 =	vld [tilespmem:s9+$0x7A50];
	v23 =	vmul.f32 v11, v22;
	v49 =	vadd.f32 s16, v41;
	[tilespmem:s9+$0x13940] =	vst v1;
	v56 =	vadd.f32 v51, v33  }
0x54c: {  	v28 =	vmul.f32 v14, v22;
	v29 =	vmul.f32 v15, v22;
	v25 =	vadd.f32 v63, v10;
	[tilespmem:s9+$0x139C0] =	vst v3  }
0x54d: {  	v38 =	vld [tilespmem:s9+$0x7BD0];
	v57 =	vmul.f32 v52, v32;
	v53 =	vmul.f32 v49, v32;
	v32 =	vadd.f32 v23, v10;
	[tilespmem:s9+$0x13A40] =	vst v56  }
0x54e: {  	v59 =	vld [tilespmem:s9+$0x7AE0];
	v37 =	vmul.f32 v17, v22;
	v39 =	vmul.f32 v19, v22;
	v35 =	vadd.f32 v28, v10;
	[tilespmem:s9+$0x11850] =	vst v25  }
0x54f: {  	v54 =	vld [tilespmem:s9+$0x58F0];
	v40 =	vmul.f32 v47, v22;
	v43 =	vmul.f32 v21, v22;
	v36 =	vadd.f32 v29, v10;
	[tilespmem:s9+$0x118D0] =	vst v32  }
0x550: {  	v46 =	vld [tilespmem:s9+$0x7A60];
	v9 =	vmul.f32 s4, v55;
	v58 =	vmul.f32 s17, v42;
	v42 =	vadd.f32 v37, v10;
	[tilespmem:s9+$0x11950] =	vst v35  }
0x551: {  	v44 =	vld [tilespmem:s9+$0x7BE0];
	v47 =	vmul.f32 v26, v22;
	v6 =	vmul.f32 v6, v22;
	v45 =	vadd.f32 v39, v10;
	[tilespmem:s9+$0x119D0] =	vst v36  }
0x552: {  	s5 =	sld [smem:$0x1];
	v12 =	vmul.f32 v12, v22;
	v14 =	vld [tilespmem:s2+$0x15860];
	v9 =	vadd.f32 s16, v9;
	v48 =	vadd.f32 v43, v10;
	[tilespmem:s9+$0x11A50] =	vst v42  }
0x553: {  	v49 =	vmul.f32 v34, v22;
	v50 =	vadd.f32 v47, v10;
	v55 =	vadd.f32 v6, v10;
	[tilespmem:s9+$0x11AD0] =	vst v45  }
0x554: {  	v62 =	vadd.f32 v57, v33;
	v30 =	vmul.f32 s4, v59;
	v56 =	vmul.f32 s7, v38;
	[tilespmem:s9+$0x11BD0] =	vst v48  }
0x555: {  	v3 =	vadd.f32 v60, v33;
	v19 =	vmul.f32 s5, v54;
	v20 =	vmul.f32 s17, v46;
	[tilespmem:s9+$0x13850] =	vst v50  }
0x556: {  	v41 =	vld [tilespmem:s9+$0x7B60];
	v4 =	vadd.f32 v53, v33;
	v5 =	vadd.f32 s18, v58;
	v18 =	vmul.f32 s7, v44;
	[tilespmem:s9+$0x139D0] =	vst v55  }
0x557: {  	v51 =	vld [tilespmem:s9+$0x5870];
	v46 =	vadd.f32 v40, v10;
	v58 =	vmul.f32 v9, v22;
	v36 =	vmul.f32 v61, v14;
	[tilespmem:s9+$0x13B40] =	vst v62  }
0x558: {  	v29 =	vld [tilespmem:s9+$0x5AF0];
	v52 =	vadd.f32 v49, v10;
	v39 =	vmul.f32 v27, v14;
	v0 =	vmul.f32 v0, v14;
	[tilespmem:s9+$0x13BC0] =	vst v3  }
0x559: {  	s22 =	sld [smem:$0x5];
	v44 =	vmul.f32 v13, v14;
	v6 =	vadd.f32 s26, v56;
	[tilespmem:s9+$0x13AC0] =	vst v4;
	v57 =	vmul.f32 v5, v22;
	v5 =	vld [tilespmem:s2+$0x15C60]  }
0x55a: {  	v37 =	vld [tilespmem:s9+$0x5B70];
	s4 =	sld [smem:$0x0];
	v53 =	vadd.f32 v12, v10;
	v45 =	vmul.f32 v31, v14;
	v48 =	vmul.f32 v24, v14;
	[tilespmem:s9+$0x11B50] =	vst v46  }
0x55b: {  	s25 =	sld [smem:$0x6];
	v59 =	vld [tilespmem:s9+$0x5970];
	v11 =	vadd.f32 s16, v30;
	[tilespmem:s9+$0x138D0] =	vst v52;
	v3 =	vadd.f32 v58, v10;
	v63 =	vmul.f32 v6, v22  }
0x55c: {  	v33 =	vld [tilespmem:s9+$0x7B50];
	s7 =	sld [smem:$0x80];
	v17 =	vmul.f32 s19, v41;
	v8 =	vadd.f32 s18, v20;
	[tilespmem:s9+$0x13950] =	vst v53;
	v2 =	vadd.f32 v57, v10  }
0x55d: {  	s16 =	sld [smem:$0x81];
	v9 =	vadd.f32 s26, v18;
	v60 =	vmul.f32 s4, v51;
	[tilespmem:s9+$0x13AD0] =	vst v3;
	v1 =	vadd.f32 v63, v10  }
0x55e: {  	v21 =	vld [tilespmem:$0x1FF20];
	s17 =	sld [smem:$0x2];
	v52 =	vmul.f32 v16, v14;
	v17 =	vadd.f32 s21, v17;
	[tilespmem:s9+$0x13A50] =	vst v2;
	v41 =	vadd.f32 v36, v5  }
0x55f: {  	s28 =	sld [smem:$0x86];
	v62 =	vld [tilespmem:s9+$0x59F0];
	v42 =	vmul.f32 s22, v29;
	v7 =	vadd.f32 s7, v60;
	[tilespmem:s9+$0x13BD0] =	vst v1;
	v43 =	vadd.f32 v39, v5  }
0x560: {  	s31 =	sld [smem:$0x8];
	v26 =	vld [tilespmem:$0x1FF40];
	v49 =	vmul.f32 s25, v37;
	v6 =	vadd.f32 s16, v19;
	v0 =	vadd.f32 v0, v5;
	[tilespmem:s9+$0x11AE0] =	vst v41  }
0x561: {  	v23 =	vld [tilespmem:s9+$0x5A70];
	s18 =	sld [smem:$0x3];
	v28 =	vmul.f32 s17, v59;
	v4 =	vmul.f32 s19, v33;
	v47 =	vadd.f32 v44, v5;
	[tilespmem:s9+$0x11B60] =	vst v43  }
0x562: {  	s20 =	sld [smem:$0x83];
	v46 =	vld [tilespmem:s9+$0x7870];
	v54 =	vmul.f32 v8, v14;
	v55 =	vadd.f32 s28, v49;
	v51 =	vadd.f32 v45, v5;
	[tilespmem:s9+$0x11BE0] =	vst v0  }
0x563: {  	v57 =	vmul.f32 v11, v14;
	v59 =	vld [tilespmem:s9+$0x7970];
	s19 =	sld [smem:$0x82];
	v4 =	vadd.f32 s21, v4;
	v53 =	vadd.f32 v48, v5;
	[tilespmem:s9+$0x13860] =	vst v47  }
0x564: {  	s30 =	sld [smem:$0x87];
	v16 =	vld [tilespmem:s2+$0x15870];
	v61 =	vmul.f32 v17, v14;
	v15 =	vmul.f32 s18, v62;
	v56 =	vadd.f32 v52, v5;
	[tilespmem:s9+$0x138E0] =	vst v51  }
0x565: {  	s18 =	sld [smem:$0xA];
	v60 =	vadd.f32 v54, v5;
	v1 =	vadd.f32 v57, v5;
	v4 =	vmul.f32 v4, v22;
	v22 =	vld [tilespmem:$0x1FF30];
	[tilespmem:s9+$0x13960] =	vst v53  }
0x566: {  	v40 =	vld [tilespmem:s9+$0x5BF0];
	v63 =	vmul.f32 v9, v14;
	s21 =	sld [smem:$0x4];
	v19 =	vadd.f32 v61, v5;
	v12 =	vadd.f32 s19, v28;
	[tilespmem:s9+$0x139E0] =	vst v56  }
0x567: {  	v34 =	vld [tilespmem:$0x1FF60];
	v15 =	vadd.f32 s20, v15;
	s20 =	sld [smem:$0x8A];
	[tilespmem:s9+$0x13A60] =	vst v60;
	v20 =	vadd.f32 v4, v10;
	v4 =	vmul.f32 v21, v14  }
0x568: {  	s26 =	sld [smem:$0x7];
	v13 =	vmul.f32 s31, v46;
	[tilespmem:s9+$0x13AE0] =	vst v1;
	v0 =	vadd.f32 v63, v5;
	v28 =	vmul.f32 s18, v59;
	v21 =	vld [tilespmem:s2+$0x15C70]  }
0x569: {  	s23 =	sld [smem:$0x84];
	v32 =	vld [tilespmem:$0x1FF50];
	[tilespmem:s9+$0x13B60] =	vst v19;
	v27 =	vmul.f32 v12, v16;
	v25 =	vadd.f32 v4, v5;
	v4 =	vmul.f32 v26, v14  }
0x56a: {  	s24 =	sld [smem:$0x85];
	v41 =	vld [tilespmem:s9+$0x7BF0];
	v10 =	vmul.f32 s21, v23;
	[tilespmem:s9+$0x13BE0] =	vst v0;
	v9 =	vadd.f32 s20, v28;
	v3 =	vmul.f32 v22, v14  }
0x56b: {  	v50 =	vld [tilespmem:s9+$0x78F0];
	s16 =	sld [smem:$0x88];
	[tilespmem:s9+$0x13B50] =	vst v20;
	v20 =	vmul.f32 s26, v40;
	v40 =	vmul.f32 v55, v16;
	v33 =	vadd.f32 v4, v5  }
0x56c: {  	s28 =	sld [smem:$0xF];
	v62 =	vld [tilespmem:s9+$0x79F0];
	v23 =	vmul.f32 v6, v16;
	v51 =	vmul.f32 v9, v16;
	[tilespmem:s9+$0x11860] =	vst v25;
	v30 =	vadd.f32 v3, v5  }
0x56d: {  	s7 =	sld [smem:$0x9];
	v10 =	vadd.f32 s23, v10;
	v4 =	vmul.f32 v34, v14;
	v45 =	vadd.f32 v40, v21;
	[tilespmem:s9+$0x11960] =	vst v33  }
0x56e: {  	s19 =	sld [smem:$0xB];
	v58 =	vadd.f32 s30, v20;
	v20 =	vmul.f32 v7, v16;
	v56 =	vadd.f32 v51, v21;
	[tilespmem:s9+$0x118E0] =	vst v30  }
0x56f: {  	v29 =	vld [tilespmem:s9+$0x7AF0];
	s31 =	sld [smem:$0x8F];
	v22 =	vadd.f32 s16, v13;
	v8 =	vmul.f32 s28, v41;
	v38 =	vadd.f32 v4, v5;
	[tilespmem:s9+$0x11B70] =	vst v45  }
0x570: {  	s17 =	sld [smem:$0x89];
	v34 =	vmul.f32 v10, v16;
	v3 =	vmul.f32 v32, v14;
	v26 =	vadd.f32 v20, v21;
	[tilespmem:s9+$0x13970] =	vst v56  }
0x571: {  	s23 =	sld [smem:$0xD];
	v14 =	vmul.f32 s7, v50;
	v32 =	vmul.f32 s19, v62;
	v33 =	vadd.f32 v27, v21;
	[tilespmem:s9+$0x11A60] =	vst v38  }
0x572: {  	s21 =	sld [smem:$0x8B];
	v25 =	vld [tilespmem:s9+$0x7A70];
	v39 =	vadd.f32 v34, v21;
	v43 =	vmul.f32 v58, v16;
	v58 =	vadd.f32 s31, v8;
	[tilespmem:s9+$0x11870] =	vst v26  }
0x573: {  	s25 =	sld [smem:$0x8D];
	v46 =	vmul.f32 v22, v16;
	v35 =	vadd.f32 v3, v5;
	v3 =	vadd.f32 s24, v42;
	v38 =	vld [tilespmem:s9+$0x7B70];
	[tilespmem:s9+$0x11970] =	vst v33  }
0x574: {  	s22 =	sld [smem:$0xC];
	v44 =	vmul.f32 s23, v29;
	v24 =	vadd.f32 s17, v14;
	v30 =	vadd.f32 v23, v21;
	[tilespmem:s9+$0x11A70] =	vst v39  }
0x575: {  	v31 =	vmul.f32 v15, v16;
	s26 =	sld [smem:$0xE];
	v37 =	vadd.f32 s21, v32;
	v50 =	vadd.f32 v46, v21;
	[tilespmem:s9+$0x119E0] =	vst v35  }
0x576: {  	s24 =	sld [smem:$0x8C];
	v49 =	vadd.f32 s25, v44;
	v47 =	vadd.f32 v43, v21;
	v62 =	vmul.f32 v58, v16;
	[tilespmem:s9+$0x118F0] =	vst v30  }
0x577: {  	s30 =	sld [smem:$0x8E];
	v35 =	vadd.f32 v31, v21;
	v36 =	vmul.f32 v3, v16;
	v6 =	vmul.f32 s22, v25;
	[tilespmem:s9+$0x13870] =	vst v50  }
0x578: {  	v48 =	vmul.f32 v24, v16;
	[tilespmem:s9+$0x11BF0] =	vst v47;
	v0 =	vadd.f32 v62, v21;
	v52 =	vmul.f32 s26, v38  }
0x579: {  	v54 =	vmul.f32 v37, v16;
	[tilespmem:s9+$0x119F0] =	vst v35;
	v42 =	vadd.f32 v36, v21;
	v6 =	vadd.f32 s24, v6  }
0x57a: {  	v60 =	vmul.f32 v49, v16;
	v53 =	vadd.f32 v48, v21;
	[tilespmem:s9+$0x13BF0] =	vst v0;
	v55 =	vadd.f32 s30, v52  }
0x57b: {  	p0 =	slt.u32 s3, $0x38;
	v59 =	vadd.f32 v54, v21;
	[tilespmem:s9+$0x11AF0] =	vst v42;
	v57 =	vmul.f32 v6, v16  }
.Ltmp13:
0x57c: {  	v1 =	vadd.f32 v60, v21;
	[tilespmem:s9+$0x138F0] =	vst v53;
	v3 =	vmul.f32 v55, v16;
	(pc) =	sbr.rel @p0 .LBB2_25-.Ltmp13, $4  }
0x57d: {  	[tilespmem:s9+$0x139F0] =	vst v59;
	v61 =	vadd.f32 v57, v21  }
0x57e: {  	[tilespmem:s9+$0x13AF0] =	vst v1;
	v63 =	vadd.f32 v3, v21  }
0x57f: {  	[tilespmem:s9+$0x13A70] =	vst v61  }
0x580: {  	s3 =	sadd.s32 $0x8, s3;
	[tilespmem:s9+$0x13B70] =	vst v63  }
.Ltmp14:
0x581: {  	s1 =	rddreg [dreg:$0x6];
	(pc) =	sbr.rel @p1 .LBB2_28-.Ltmp14, $4  }
0x582: {  	s0 =	sadd.s32 s1, s0  }
0x583: {  	s30 =	rddreg [dreg:$0x4];
	s0 =	sshll.u32 s0, $0x7  }
0x584: {  	s31 =	simm.s32 $0x11800;
	s0 =	sadd.s32 s30, s0  }
0x585: {  	[hbm4b:s0+s6] =	stream.linear.scatter [tilespmem:s31], [sflag:$0x4], $0x4000, $0x38;
	[tilespmem:$0x16000] =	vst v63  }
0x586: {  	s0 =	smin.u32 s15, $0xB78  }
0x587: {  	v0 =	vld [tilespmem:s0+$0x30];
	_ =	sdelay $0x2  }
0x588: {  	v2 =	vld [tilespmem:$0x1FFD0];
	_ =	sdelay $0x1  }
0x589: {  	v3 =	vld [tilespmem:$0x1FFE0];
	v1 =	vshll.u32 v0, $0x3  }
0x58a: {  	v0 =	vand.u32 $0x7, v0;
	v1 =	vand.u32 $0xFFFFFFC0, v1  }
0x58b: {  	v0 =	vor.u32 v0, v1  }
0x58c: {  	v1 =	vperm.xlane v0, v2;
	_ =	sdelay $0x1  }
0x58d: {  	v1 =	vadd.s32 v3, v1  }
0x58e: {  	v4 =	vld [tilespmem:$0x1FFF0];
	_ =	sdelay $0x2  }
0x58f: {  	s1 =	simm.s32 $0x5800  }
0x590: {  	[tilespmem:s1], [sflag:$0x2] =	stream.indirect_vreg.gather [hbm4b:s29+s6], $0x80, v1, vm0, $0xb8;
	[tilespmem:$0x16000] =	vst v63  }
0x591: {  	s19 =	simm.s32 $0x6000;
	v0 =	vperm.xlane v0, v4  }
0x592: {  	[tilespmem:s19], [sflag:$0x2] =	stream.indirect_vreg.gather [hbm4b:s11+s6], $0x80, v1, vm0, $0xb8;
	[tilespmem:$0x16000] =	vst v63  }
0x593: {  	s20 =	simm.s32 $0x6800;
	v0 =	vadd.s32 v3, v0  }
0x594: {  	[tilespmem:s20], [sflag:$0x2] =	stream.indirect_vreg.gather [hbm4b:s12+s6], $0x80, v1, vm0, $0xb8;
	[tilespmem:$0x16000] =	vst v63  }
0x595: {  	s21 =	simm.s32 $0x7000  }
0x596: {  	[tilespmem:s21], [sflag:$0x2] =	stream.indirect_vreg.gather [hbm4b:s13+s6], $0x80, v1, vm0, $0xb8;
	[tilespmem:$0x16000] =	vst v63  }
0x597: {  	s22 =	simm.s32 $0x7800  }
0x598: {  	[tilespmem:s22], [sflag:$0x2] =	stream.indirect_vreg.gather [hbm4b:s29+s6], $0x80, v0, vm0, $0xb8;
	[tilespmem:$0x16000] =	vst v63  }
0x599: {  	s23 =	simm.s32 $0x8000  }
0x59a: {  	[tilespmem:s23], [sflag:$0x2] =	stream.indirect_vreg.gather [hbm4b:s11+s6], $0x80, v0, vm0, $0xb8;
	[tilespmem:$0x16000] =	vst v63  }
0x59b: {  	s24 =	simm.s32 $0x8800  }
0x59c: {  	[tilespmem:s24], [sflag:$0x2] =	stream.indirect_vreg.gather [hbm4b:s12+s6], $0x80, v0, vm0, $0xb8;
	[tilespmem:$0x16000] =	vst v63  }
0x59d: {  	s25 =	simm.s32 $0x9000  }
0x59e: {  	[tilespmem:s25], [sflag:$0x2] =	stream.indirect_vreg.gather [hbm4b:s13+s6], $0x80, v0, vm0, $0xb8;
	[tilespmem:$0x16000] =	vst v63  }
0x59f: {  	v0 =	vld [tilespmem:s0+$0xC30];
	_ =	sdelay $0x4  }
0x5a0: {  	v63 =	vshll.u32 v0, $0x2  }
0x5a1: {  	v0 =	vand.u32 $0x7, v0;
	v1 =	vand.u32 $0xFFFFFFE0, v63  }
0x5a2: {  	v0 =	vor.u32 v0, v1  }
0x5a3: {  	v1 =	vperm.xlane v0, v2;
	_ =	sdelay $0x1  }
0x5a4: {  	v1 =	vadd.s32 v3, v1;
	_ =	sdelay $0x2  }
0x5a5: {  	v0 =	vperm.xlane v0, v4  }
0x5a6: {  	s26 =	simm.s32 $0xB800  }
0x5a7: {  	v0 =	vadd.s32 v3, v0;
	[tilespmem:s26], [sflag:$0x2] =	stream.indirect_vreg.gather [hbm4b:s8+s6], $0x80, v1, vm0, $0xb8;
	[tilespmem:$0x16000] =	vst v63  }
0x5a8: {  	s28 =	simm.s32 $0xC000  }
0x5a9: {  	[tilespmem:s28], [sflag:$0x2] =	stream.indirect_vreg.gather [hbm4b:s14+s6], $0x80, v1, vm0, $0xb8;
	[tilespmem:$0x16000] =	vst v63  }
.Ltmp15:
0x5aa: {  	_ = 	snop;
	(pc) =	sbr.rel .LBB2_2-.Ltmp15, $4  }
0x5ab: {  	s30 =	simm.s32 $0xC800  }
0x5ac: {  	[tilespmem:s30], [sflag:$0x2] =	stream.indirect_vreg.gather [hbm4b:s8+s6], $0x80, v0, vm0, $0xb8;
	[tilespmem:$0x16000] =	vst v63  }
0x5ad: {  	s31 =	simm.s32 $0xD000;
	s10 =	sadd.s32 $0x1, s10  }
0x5ae: {  	[tilespmem:s31], [sflag:$0x2] =	stream.indirect_vreg.gather [hbm4b:s14+s6], $0x80, v0, vm0, $0xb8;
	[tilespmem:$0x16000] =	vst v63  }
.LBB2_29:
0x5af: {  	_ =	sfence.sel $0x180000  }
0x5b0: {  	[bflag:$0x0] =	sbarrier.arrive $0xFFFF  }
0x5b1: {  	_ =	strace $0x90000047  }
0x5b2: {  	s0 =	stileid.u32;
	[bflag:$0x2] =	sbarrier.arrive $0xFFFF  }
0x5b3: {  	p0 =	sne.s32 s0, $0x0;
	s0 =	rddreg [dreg:$0x5]  }
0x5b4: {  	s0 =	sadd.s32 @!p0 $0x100000, s0  }
0x5b5: {  	[sflag:s0] =	ssyncadd.tile.s32 @!p0 $0x1;
	_ =	shalt  }
.Lfunc_end2:
_tile_overlayer_lowered:
.L_overlay_start_2:
0x5b6: {  	(tag) =	ssettag $0x2  }
0x5b7: {  	s0 =	rddreg [dreg:$0x0];
	s2 =	stileid.u32  }
0x5b8: {  	s1 =	rddreg [dreg:$0x1];
	p0 =	sne.s32 s2, $0x0  }
0x5b9: {  	s3 =	rddreg [dreg:$0x2];
	[bflag:$0x3] =	sbarrier.arrive $0xFFFF;
	s2 =	simm.s32 @!p0 $0x1C05  }
0x5ba: {  	[timem:s3], [sflag:s2] =	dma.local @!p0 [hbm:s0], s1  }
0x5bb: {  	s0 =	simm.s32 @!p0 $0x5  }
0x5bc: {  	_ =	swait.ge @!p0 [sflag:s0], s1  }
0x5bd: {  	s1 =	ssub.s32 @!p0 $0x0, s1;
	[sflag:s0] =	ssyncset.done @!p0 $0x0  }
0x5be: {  	[sflag:s0] =	ssyncadd.s32 @!p0 s1  }
0x5bf: {  	[bflag:$0x3] =	sbarrier.arrive $0xFFFF  }
0x5c0: {  	_ =	shalt  }

</sc_bundles>
